<compile_context>
chip_gen: v7x
topology: tpu7x:2x2x1
jax: 0.10.2.dev20260603
libtpu: 0.0.44.dev20260713+nightly
codegen_flags: <defaults>
</compile_context>

<pallas_src>
import functools

import jax
import jax.numpy as jnp
from jax import lax
from jax.experimental import pallas as pl
from jax.experimental.pallas import tpu as pltpu
from jax.experimental.pallas import tpu_sc as plsc

NC = 2
NS = 16
NW = NC * NS
LN = 16

_MESH = plsc.VectorSubcoreMesh(
    core_axis_name="c", subcore_axis_name="s", num_cores=NC, num_subcores=NS
)
_PARAMS = pltpu.CompilerParams(needs_layout_passes=False)


def _wid():
    return lax.axis_index("s") * NC + lax.axis_index("c")


def _make_edge_hist(n_nodes: int, n_edges: int, n_graphs: int):
    blk = 128
    nblk = n_edges // blk
    assert n_edges % blk == 0
    nb = nblk // NW
    rem = nblk % NW
    nchunks = 10
    cblk = nb // nchunks
    cw = cblk * blk
    unroll = 8
    assert nb % nchunks == 0 and (cw // LN) % unroll == 0
    hstride = n_graphs + 1
    hwords = (LN * hstride + 127) // 128 * 128

    @functools.partial(
        pl.kernel,
        out_type=jax.ShapeDtypeStruct((NW, n_graphs), jnp.int32),
        mesh=_MESH,
        compiler_params=_PARAMS,
        scratch_types=[
            pltpu.VMEM((n_nodes,), jnp.int32),
            pltpu.VMEM((2, cw), jnp.int32),
            pltpu.VMEM((2, cw), jnp.int32),
            pltpu.VMEM((hwords,), jnp.int32),
            pltpu.VMEM((n_graphs,), jnp.int32),
            pltpu.SemaphoreType.DMA,
            pltpu.SemaphoreType.DMA,
        ],
    )
    def edge_hist(batch_hbm, ei_hbm, out_hbm, batch_v, ebuf_a, ebuf_b,
                  hist_v, row_v, sem_a, sem_b):
        wid = _wid()
        zeros = jnp.zeros((LN,), jnp.int32)
        ones = jnp.ones((LN,), jnp.int32)
        lane = lax.iota(jnp.int32, LN)
        lane_g = lane * hstride

        @plsc.parallel_loop(0, hwords // LN, 1, unroll=8)
        def _(i):
            hist_v[pl.ds(i * LN, LN)] = zeros

        col0 = (wid * nb + jnp.minimum(wid, rem)) * blk

        def start(buf, sem, c):
            pltpu.async_copy(ei_hbm.at[:, pl.ds(col0 + c * cw, cw)], buf, sem)

        def wait(buf, sem):
            pltpu.make_async_copy(ei_hbm.at[:, pl.ds(col0, cw)], buf, sem).wait()

        def hist16(idx):
            vals = plsc.load_gather(batch_v, [idx])
            plsc.addupdate_scatter(hist_v, [lane_g + vals], ones)

        def process(buf):
            @plsc.parallel_loop(0, cw // LN, 1, unroll=unroll)
            def _(i):
                hist16(buf[1, pl.ds(i * LN, LN)])

        start(ebuf_a, sem_a, 0)
        pltpu.sync_copy(batch_hbm, batch_v)
        start(ebuf_b, sem_b, 1)

        def pair(p, _):
            wait(ebuf_a, sem_a)
            process(ebuf_a)
            start(ebuf_a, sem_a, 2 * p + 2)
            wait(ebuf_b, sem_b)
            process(ebuf_b)
            start(ebuf_b, sem_b, 2 * p + 3)
            return 0

        lax.fori_loop(0, nchunks // 2 - 1, pair, 0)
        wait(ebuf_a, sem_a)
        process(ebuf_a)
        wait(ebuf_b, sem_b)
        process(ebuf_b)

        @pl.when(wid < rem)
        def _():
            pltpu.sync_copy(
                ei_hbm.at[:, pl.ds(col0 + nb * blk, blk)],
                ebuf_a.at[:, pl.ds(0, blk)],
            )
            for u in range(blk // LN):
                hist16(ebuf_a[1, pl.ds(u * LN, LN)])

        def red_body(g, _):
            acc = zeros
            for l in range(LN):
                acc = acc + hist_v[pl.ds(l * hstride + g * LN, LN)]
            row_v[pl.ds(g * LN, LN)] = acc
            return 0

        lax.fori_loop(0, n_graphs // LN, red_body, 0)
        pltpu.sync_copy(row_v, out_hbm.at[wid])

    return edge_hist


def _make_node_phase(n_nodes: int, n_graphs: int, ptr_pad: int, n_attr: int):
    npt = (n_nodes // NW) // LN * LN
    tail = n_nodes - NW * npt
    assert npt % 8 == 0 and tail % LN == 0
    nbuf = npt + tail

    @functools.partial(
        pl.kernel,
        out_type=jax.ShapeDtypeStruct((n_nodes,), jnp.float32),
        mesh=_MESH,
        compiler_params=_PARAMS,
        scratch_types=[
            pltpu.VMEM((NW, n_graphs), jnp.int32),
            pltpu.VMEM((n_graphs,), jnp.int32),
            pltpu.VMEM((ptr_pad,), jnp.int32),
            pltpu.VMEM((64,), jnp.float32),
            pltpu.VMEM((nbuf,), jnp.int32),
            pltpu.VMEM((nbuf,), jnp.int32),
            pltpu.VMEM((nbuf,), jnp.float32),
            pltpu.VMEM((n_attr * nbuf,), jnp.float32),
            pltpu.VMEM((nbuf,), jnp.float32),
            pltpu.SemaphoreType.DMA,
        ],
    )
    def node_phase(
        part_hbm, ptr_hbm, coef_hbm, batch_hbm, level_hbm, energy_hbm,
        attrs_hbm, out_hbm, part_v, mask_v, ptr_v, coef_v, batch_v, level_v,
        energy_v, attrs_v, out_v, sem,
    ):
        wid = _wid()
        zeros = jnp.zeros((LN,), jnp.int32)
        fzeros = jnp.zeros((LN,), jnp.float32)

        pltpu.sync_copy(part_hbm, part_v)
        pltpu.sync_copy(ptr_hbm, ptr_v)
        pltpu.sync_copy(coef_hbm, coef_v)

        def mask_body(g, _):
            ne = zeros
            for r in range(NW):
                ne = ne + part_v[r, pl.ds(g * LN, LN)]
            nn = ptr_v[pl.ds(g * LN + 1, LN)] - ptr_v[pl.ds(g * LN, LN)]
            iso = ((nn == 1) & (ne == 0)).astype(jnp.int32)
            mask_v[pl.ds(g * LN, LN)] = iso
            return 0

        lax.fori_loop(0, n_graphs // LN, mask_body, 0)

        nbase = wid * npt
        pltpu.sync_copy(batch_hbm.at[pl.ds(nbase, npt)], batch_v.at[pl.ds(0, npt)])
        pltpu.sync_copy(level_hbm.at[pl.ds(nbase, npt)], level_v.at[pl.ds(0, npt)])
        pltpu.sync_copy(energy_hbm.at[pl.ds(nbase, npt)], energy_v.at[pl.ds(0, npt)])
        for z in range(n_attr):
            pltpu.sync_copy(
                attrs_hbm.at[pl.ds(z * n_nodes + nbase, npt)],
                attrs_v.at[pl.ds(z * nbuf, npt)],
            )

        tbase = NW * npt

        @pl.when(wid == NW - 1)
        def _():
            pltpu.sync_copy(
                batch_hbm.at[pl.ds(tbase, tail)], batch_v.at[pl.ds(npt, tail)]
            )
            pltpu.sync_copy(
                level_hbm.at[pl.ds(tbase, tail)], level_v.at[pl.ds(npt, tail)]
            )
            pltpu.sync_copy(
                energy_hbm.at[pl.ds(tbase, tail)], energy_v.at[pl.ds(npt, tail)]
            )
            for z in range(n_attr):
                pltpu.sync_copy(
                    attrs_hbm.at[pl.ds(z * n_nodes + tbase, tail)],
                    attrs_v.at[pl.ds(z * nbuf + npt, tail)],
                )

        def node_body(j):
            sl = pl.ds(j * LN, LN)
            iso = plsc.load_gather(mask_v, [batch_v[sl]])
            lvl16 = level_v[sl] * 16
            ns = fzeros
            nh = fzeros
            for z in range(n_attr):
                a = attrs_v[pl.ds(z * nbuf + j * LN, LN)]
                cs = plsc.load_gather(coef_v, [lvl16 + z])
                ch = plsc.load_gather(coef_v, [lvl16 + (32 + z)])
                ns = ns + a * cs
                nh = nh + a * ch
            res = energy_v[sl] * ns + nh
            out_v[sl] = jnp.where(iso == 1, fzeros, res)

        @plsc.parallel_loop(0, npt // LN, 1, unroll=3)
        def _(j):
            node_body(j)

        @pl.when(wid == NW - 1)
        def _():
            @plsc.parallel_loop(npt // LN, nbuf // LN, 1, unroll=2)
            def _(j):
                node_body(j)

        pltpu.sync_copy(out_v.at[pl.ds(0, npt)], out_hbm.at[pl.ds(nbase, npt)])

        @pl.when(wid == NW - 1)
        def _():
            pltpu.sync_copy(
                out_v.at[pl.ds(npt, tail)], out_hbm.at[pl.ds(tbase, tail)]
            )

    return node_phase


def kernel(node_energy, node_attrs, ptr, edge_index, batch, node_level, scale, shift):
    n_nodes = node_energy.shape[0]
    n_edges = edge_index.shape[1]
    n_graphs = ptr.shape[0] - 1
    n_attr = node_attrs.shape[1]

    ptr_pad = (ptr.shape[0] + 15) // 16 * 16
    ptr_p = jnp.pad(ptr, (0, ptr_pad - ptr.shape[0]))
    sc_p = jnp.pad(scale, ((0, 0), (0, 16 - n_attr))).reshape(-1)
    sh_p = jnp.pad(shift, ((0, 0), (0, 16 - n_attr))).reshape(-1)
    coef = jnp.concatenate([sc_p, sh_p])
    attrs_zmajor = node_attrs.T.reshape(-1)

    partials = _make_edge_hist(n_nodes, n_edges, n_graphs)(batch, edge_index)
    out = _make_node_phase(n_nodes, n_graphs, ptr_pad, n_attr)(
        partials, ptr_p, coef, batch, node_level, node_energy, attrs_zmajor
    )
    return out

# --- scband reference (transcript-rebuilt; emitter-appended) ---
"""Pipeline reference for scband-scale-shift-17600775979368 (READ-ONLY COPY).

The authoritative reference and input builder live on the scoring server;
editing this copy changes nothing except your own understanding.
"""

import jax, jax.numpy as jnp
import numpy as np

N = 100000
E = 1600000
G = 256
Z = 10
L = 2

SCALE = [[1.05, 0.98, 1.02, 0.97, 1.10, 0.95, 1.03, 0.99, 1.08, 0.92],
         [1.02, 1.01, 0.99, 1.04, 0.96, 1.07, 0.94, 1.00, 1.03, 0.97]]
SHIFT = [[-0.12, 0.34, -0.56, 0.21, 0.08, -0.33, 0.45, -0.07, 0.19, -0.25],
         [0.05, -0.15, 0.22, -0.38, 0.11, 0.29, -0.41, 0.17, -0.09, 0.31]]


def setup_inputs(seed: int = 0) -> dict:
    key = jax.random.key(seed)
    k1, k2, k3, k4, k5, k6 = jax.random.split(key, 6)
    node_energy = jax.random.normal(k1, (N,), dtype=jnp.float32)
    node_attrs = jax.random.uniform(k2, (N, Z), dtype=jnp.float32)
    ptr = jnp.sort(jax.random.randint(k3, (G + 1,), 0, N, dtype=jnp.int32))
    edge_index = jax.random.randint(k4, (2, E), 0, N, dtype=jnp.int32)
    batch = jnp.sort(jax.random.randint(k5, (N,), 0, G, dtype=jnp.int32))
    node_level = jax.random.randint(k6, (N,), 0, L, dtype=jnp.int32)
    scale = jnp.array(SCALE, dtype=jnp.float32)
    shift = jnp.array(SHIFT, dtype=jnp.float32)
    return {
        'node_energy': node_energy,
        'node_attrs': node_attrs,
        'ptr': ptr,
        'edge_index': edge_index,
        'batch': batch,
        'node_level': node_level,
        'scale': scale,
        'shift': shift,
    }


def reference(node_energy, node_attrs, ptr, edge_index, batch, node_level, scale, shift):
    num_graphs = ptr.shape[0] - 1
    num_nodes = ptr[1:] - ptr[:-1]
    # edge_batch = batch[edge_index[1]]; per-graph edge counts via bincount
    edge_batch = jnp.take(batch, edge_index[1])
    num_edges = jnp.bincount(edge_batch, length=num_graphs)
    isolated_mask = (num_nodes == 1) & (num_edges == 0)
    # torch.isin(batch, where(isolated_mask)[0]) == isolated_mask[batch] since batch in [0, num_graphs)
    isolated_nodes = jnp.take(isolated_mask, batch)
    # scale branch: embedding-style gather of per-level scale rows by node_level
    node_scale = (node_attrs * jnp.take(scale, node_level, axis=0)).sum(axis=-1)
    node_scale = jnp.where(isolated_nodes, 0.0, node_scale)
    node_energy = node_energy * node_scale
    # shift branch
    node_shift = (node_attrs * jnp.take(shift, node_level, axis=0)).sum(axis=-1)
    node_shift = jnp.where(isolated_nodes, 0.0, node_shift)
    node_energy = node_energy + node_shift
    return node_energy

if __name__ == "__main__":
    import jax
    _d = setup_inputs()
    print(jax.jit(kernel)(*tuple(_d.values())))

</pallas_src>

<mosaic_0001>
#map = affine_map<(d0, d1) -> (0)>
#map1 = affine_map<(d0, d1) -> (0, 0)>
module attributes {stable_mosaic.version = 14 : i64} {
  func.func @edge_hist(%arg0: i32, %arg1: i32, %arg2: memref<100000xi32, #tpu.memory_space<hbm>>, %arg3: memref<2x1600000xi32, #tpu.memory_space<hbm>>, %arg4: memref<32x256xi32, #tpu.memory_space<hbm>>, %arg5: memref<100000xi32, #tpu.memory_space<vmem>>, %arg6: memref<2x4992xi32, #tpu.memory_space<vmem>>, %arg7: memref<2x4992xi32, #tpu.memory_space<vmem>>, %arg8: memref<4224xi32, #tpu.memory_space<vmem>>, %arg9: memref<256xi32, #tpu.memory_space<vmem>>, %arg10: memref<!tpu.dma_semaphore, #tpu.memory_space<semaphore_mem>>, %arg11: memref<!tpu.dma_semaphore, #tpu.memory_space<semaphore_mem>>) attributes {dimension_semantics = [#tpu.dimension_semantics<core_parallel>, #tpu.dimension_semantics<subcore_parallel>], iteration_bounds = array<i64: 2, 16>, scalar_prefetch = 0 : i64, scratch_operands = 7 : i64, tpu.core_type = #tpu.core_type<sc_vector_subcore>, window_params = [{transform_indices = #map}, {transform_indices = #map1}, {transform_indices = #map1}]} {
    %mul3A = arith.constant 2 : i32
    %mul3A_0 = arith.muli %arg1, %mul3A : i32
    %add3A = arith.addi %mul3A_0, %arg0 : i32
    %broadcast_in_dim3A = arith.constant 0 : i32
    %broadcast_in_dim3A_1 = vector.broadcast %broadcast_in_dim3A : i32 to vector<16xi32>
    %broadcast_in_dim3A_2 = arith.constant 1 : i32
    %broadcast_in_dim3A_3 = vector.broadcast %broadcast_in_dim3A_2 : i32 to vector<16xi32>
    %iota3A = tpu.iota {dimensions = array<i32: 0>} : vector<16xi32>
    %mul3A_4 = arith.constant 257 : i32
    %mul3A_5 = vector.broadcast %mul3A_4 : i32 to vector<16xi32>
    %mul3A_6 = arith.muli %iota3A, %mul3A_5 : vector<16xi32>
    %parallel_loop3A = arith.constant 0 : i32
    %parallel_loop3A_7 = arith.constant 264 : i32
    %parallel_loop3A_8 = arith.constant 1 : i32
    scf.for %parallel_loop3A_54 = %parallel_loop3A to %parallel_loop3A_7 step %parallel_loop3A_8  : i32 {
      %parallel_loop3A_55 = arith.constant 16 : i32
      %parallel_loop3A_56 = arith.muli %parallel_loop3A_54, %parallel_loop3A_55 : i32
      %parallel_loop3A_57 = arith.index_cast %parallel_loop3A_56 : i32 to index
      %parallel_loop3A_58 = tpu.vector_load %arg8[%parallel_loop3A_57] {strides = array<i32>} : memref<4224xi32, #tpu.memory_space<vmem>>, vector<16xi32>,
      tpu.vector_store %arg8[%parallel_loop3A_57], %broadcast_in_dim3A_1 {strides = array<i32>} : memref<4224xi32, #tpu.memory_space<vmem>>, vector<16xi32>,
    } {sc.loop_unroll_factor = 8 : i64, sc.parallel_access}
    %mul3A_9 = arith.constant 390 : i32
    %mul3A_10 = arith.muli %add3A, %mul3A_9 : i32
    %min3A = arith.constant 20 : i32
    %min3A_11 = arith.minsi %add3A, %min3A : i32
    %add3A_12 = arith.addi %mul3A_10, %min3A_11 : i32
    %mul3A_13 = arith.constant 128 : i32
    %mul3A_14 = arith.muli %add3A_12, %mul3A_13 : i32
    %add3A_15 = arith.constant 0 : i32
    %add3A_16 = arith.addi %mul3A_14, %add3A_15 : i32
    %dma_start3A = arith.constant 0 : i32
    %dma_start3A_17 = tpu.memref_slice %arg3[%dma_start3A, %add3A_16] : memref<2x1600000xi32, #tpu.memory_space<hbm>> -> memref<2x4992xi32, #tpu.memory_space<hbm>>
    %dma_start3A_18 = arith.constant 0 : i32
    %dma_start3A_19 = tpu.memref_slice %arg3[%dma_start3A_18, %add3A_16] : memref<2x1600000xi32, #tpu.memory_space<hbm>> -> memref<2x4992xi32, #tpu.memory_space<hbm>>
    tpu.enqueue_dma source(%dma_start3A_19 : memref<2x4992xi32, #tpu.memory_space<hbm>>) target(%arg6 : memref<2x4992xi32, #tpu.memory_space<vmem>>) target_semaphore(%arg10 : memref<!tpu.dma_semaphore, #tpu.memory_space<semaphore_mem>>)
    "tpu.region"() ({
      %run_scoped3A = tpu.sem_alloc : memref<!tpu.dma_semaphore, #tpu.memory_space<semaphore_mem>>
      tpu.enqueue_dma source(%arg2 : memref<100000xi32, #tpu.memory_space<hbm>>) target(%arg5 : memref<100000xi32, #tpu.memory_space<vmem>>) target_semaphore(%run_scoped3A : memref<!tpu.dma_semaphore, #tpu.memory_space<semaphore_mem>>)
      tpu.wait_dma2 semaphore(%run_scoped3A : memref<!tpu.dma_semaphore, #tpu.memory_space<semaphore_mem>>) src(%arg2 : memref<100000xi32, #tpu.memory_space<hbm>>) dst(%arg5 : memref<100000xi32, #tpu.memory_space<vmem>>)
      tpu.yield
    }) : () -> ()
    %add3A_20 = arith.constant 4992 : i32
    %add3A_21 = arith.addi %mul3A_14, %add3A_20 : i32
    %dma_start3A_22 = arith.constant 0 : i32
    %dma_start3A_23 = tpu.memref_slice %arg3[%dma_start3A_22, %add3A_21] : memref<2x1600000xi32, #tpu.memory_space<hbm>> -> memref<2x4992xi32, #tpu.memory_space<hbm>>
    %dma_start3A_24 = arith.constant 0 : i32
    %dma_start3A_25 = tpu.memref_slice %arg3[%dma_start3A_24, %add3A_21] : memref<2x1600000xi32, #tpu.memory_space<hbm>> -> memref<2x4992xi32, #tpu.memory_space<hbm>>
    tpu.enqueue_dma source(%dma_start3A_25 : memref<2x4992xi32, #tpu.memory_space<hbm>>) target(%arg7 : memref<2x4992xi32, #tpu.memory_space<vmem>>) target_semaphore(%arg11 : memref<!tpu.dma_semaphore, #tpu.memory_space<semaphore_mem>>)
    %scan3A = arith.constant 0 : i32
    %scan3A_26 = arith.constant 0 : i32
    %scan3A_27 = arith.constant 4 : i32
    %scan3A_28 = arith.addi %scan3A_26, %scan3A_27 : i32
    %scan3A_29 = arith.constant 1 : i32
    %scan3A_30 = scf.for %scan3A_54 = %scan3A_26 to %scan3A_28 step %scan3A_29 iter_args(%scan3A_55 = %scan3A) -> (i32)  : i32 {
      %dma_wait3A_56 = arith.constant 0 : i32
      %dma_wait3A_57 = tpu.memref_slice %arg3[%dma_wait3A_56, %mul3A_14] : memref<2x1600000xi32, #tpu.memory_space<hbm>> -> memref<2x4992xi32, #tpu.memory_space<hbm>>
      %dma_wait3A_58 = arith.constant 0 : i32
      %dma_wait3A_59 = tpu.memref_slice %arg3[%dma_wait3A_58, %mul3A_14] : memref<2x1600000xi32, #tpu.memory_space<hbm>> -> memref<2x4992xi32, #tpu.memory_space<hbm>>
      tpu.wait_dma2 semaphore(%arg10 : memref<!tpu.dma_semaphore, #tpu.memory_space<semaphore_mem>>) src(%dma_wait3A_59 : memref<2x4992xi32, #tpu.memory_space<hbm>>) dst(%arg6 : memref<2x4992xi32, #tpu.memory_space<vmem>>)
      %parallel_loop3A_60 = arith.constant 0 : i32
      %parallel_loop3A_61 = arith.constant 312 : i32
      %parallel_loop3A_62 = arith.constant 1 : i32
      scf.for %parallel_loop3A_93 = %parallel_loop3A_60 to %parallel_loop3A_61 step %parallel_loop3A_62  : i32 {
        %parallel_loop3A_94 = arith.constant 16 : i32
        %parallel_loop3A_95 = arith.muli %parallel_loop3A_93, %parallel_loop3A_94 : i32
        %parallel_loop3A_96 = arith.constant 1 : i32
        %parallel_loop3A_97 = arith.index_cast %parallel_loop3A_96 : i32 to index
        %parallel_loop3A_98 = arith.index_cast %parallel_loop3A_95 : i32 to index
        %parallel_loop3A_99 = tpu.vector_load %arg6[%parallel_loop3A_97, %parallel_loop3A_98] {strides = array<i32>} : memref<2x4992xi32, #tpu.memory_space<vmem>>, vector<16xi32>,
        %parallel_loop3A_100 = tpu.vector_load_idx %arg5[%parallel_loop3A_99] : memref<100000xi32, #tpu.memory_space<vmem>>[vector<16xi32>], vector<16xi32>,
        %parallel_loop3A_101 = arith.addi %mul3A_6, %parallel_loop3A_100 : vector<16xi32>
        tpu.vector_store_idx %arg8[%parallel_loop3A_101], %broadcast_in_dim3A_3 {add = true} : memref<4224xi32, #tpu.memory_space<vmem>>[vector<16xi32>], vector<16xi32>,
      } {sc.loop_unroll_factor = 8 : i64, sc.parallel_access}
      %mul3A_63 = arith.constant 2 : i32
      %mul3A_64 = arith.muli %mul3A_63, %scan3A_54 : i32
      %add3A_65 = arith.constant 2 : i32
      %add3A_66 = arith.addi %mul3A_64, %add3A_65 : i32
      %mul3A_67 = arith.constant 4992 : i32
      %mul3A_68 = arith.muli %add3A_66, %mul3A_67 : i32
      %add3A_69 = arith.addi %mul3A_14, %mul3A_68 : i32
      %dma_start3A_70 = arith.constant 0 : i32
      %dma_start3A_71 = tpu.memref_slice %arg3[%dma_start3A_70, %add3A_69] : memref<2x1600000xi32, #tpu.memory_space<hbm>> -> memref<2x4992xi32, #tpu.memory_space<hbm>>
      %dma_start3A_72 = arith.constant 0 : i32
      %dma_start3A_73 = tpu.memref_slice %arg3[%dma_start3A_72, %add3A_69] : memref<2x1600000xi32, #tpu.memory_space<hbm>> -> memref<2x4992xi32, #tpu.memory_space<hbm>>
      tpu.enqueue_dma source(%dma_start3A_73 : memref<2x4992xi32, #tpu.memory_space<hbm>>) target(%arg6 : memref<2x4992xi32, #tpu.memory_space<vmem>>) target_semaphore(%arg10 : memref<!tpu.dma_semaphore, #tpu.memory_space<semaphore_mem>>)
      %dma_wait3A_74 = arith.constant 0 : i32
      %dma_wait3A_75 = tpu.memref_slice %arg3[%dma_wait3A_74, %mul3A_14] : memref<2x1600000xi32, #tpu.memory_space<hbm>> -> memref<2x4992xi32, #tpu.memory_space<hbm>>
      %dma_wait3A_76 = arith.constant 0 : i32
      %dma_wait3A_77 = tpu.memref_slice %arg3[%dma_wait3A_76, %mul3A_14] : memref<2x1600000xi32, #tpu.memory_space<hbm>> -> memref<2x4992xi32, #tpu.memory_space<hbm>>
      tpu.wait_dma2 semaphore(%arg11 : memref<!tpu.dma_semaphore, #tpu.memory_space<semaphore_mem>>) src(%dma_wait3A_77 : memref<2x4992xi32, #tpu.memory_space<hbm>>) dst(%arg7 : memref<2x4992xi32, #tpu.memory_space<vmem>>)
      %parallel_loop3A_78 = arith.constant 0 : i32
      %parallel_loop3A_79 = arith.constant 312 : i32
      %parallel_loop3A_80 = arith.constant 1 : i32
      scf.for %parallel_loop3A_93 = %parallel_loop3A_78 to %parallel_loop3A_79 step %parallel_loop3A_80  : i32 {
        %parallel_loop3A_94 = arith.constant 16 : i32
        %parallel_loop3A_95 = arith.muli %parallel_loop3A_93, %parallel_loop3A_94 : i32
        %parallel_loop3A_96 = arith.constant 1 : i32
        %parallel_loop3A_97 = arith.index_cast %parallel_loop3A_96 : i32 to index
        %parallel_loop3A_98 = arith.index_cast %parallel_loop3A_95 : i32 to index
        %parallel_loop3A_99 = tpu.vector_load %arg7[%parallel_loop3A_97, %parallel_loop3A_98] {strides = array<i32>} : memref<2x4992xi32, #tpu.memory_space<vmem>>, vector<16xi32>,
        %parallel_loop3A_100 = tpu.vector_load_idx %arg5[%parallel_loop3A_99] : memref<100000xi32, #tpu.memory_space<vmem>>[vector<16xi32>], vector<16xi32>,
        %parallel_loop3A_101 = arith.addi %mul3A_6, %parallel_loop3A_100 : vector<16xi32>
        tpu.vector_store_idx %arg8[%parallel_loop3A_101], %broadcast_in_dim3A_3 {add = true} : memref<4224xi32, #tpu.memory_space<vmem>>[vector<16xi32>], vector<16xi32>,
      } {sc.loop_unroll_factor = 8 : i64, sc.parallel_access}
      %mul3A_81 = arith.constant 2 : i32
      %mul3A_82 = arith.muli %mul3A_81, %scan3A_54 : i32
      %add3A_83 = arith.constant 3 : i32
      %add3A_84 = arith.addi %mul3A_82, %add3A_83 : i32
      %mul3A_85 = arith.constant 4992 : i32
      %mul3A_86 = arith.muli %add3A_84, %mul3A_85 : i32
      %add3A_87 = arith.addi %mul3A_14, %mul3A_86 : i32
      %dma_start3A_88 = arith.constant 0 : i32
      %dma_start3A_89 = tpu.memref_slice %arg3[%dma_start3A_88, %add3A_87] : memref<2x1600000xi32, #tpu.memory_space<hbm>> -> memref<2x4992xi32, #tpu.memory_space<hbm>>
      %dma_start3A_90 = arith.constant 0 : i32
      %dma_start3A_91 = tpu.memref_slice %arg3[%dma_start3A_90, %add3A_87] : memref<2x1600000xi32, #tpu.memory_space<hbm>> -> memref<2x4992xi32, #tpu.memory_space<hbm>>
      tpu.enqueue_dma source(%dma_start3A_91 : memref<2x4992xi32, #tpu.memory_space<hbm>>) target(%arg7 : memref<2x4992xi32, #tpu.memory_space<vmem>>) target_semaphore(%arg11 : memref<!tpu.dma_semaphore, #tpu.memory_space<semaphore_mem>>)
      %scan3A_92 = arith.constant 0 : i32
      scf.yield %scan3A_92 : i32
    }
    %scan3A_31 = arith.constant 4 : i32
    %dma_wait3A = arith.constant 0 : i32
    %dma_wait3A_32 = tpu.memref_slice %arg3[%dma_wait3A, %mul3A_14] : memref<2x1600000xi32, #tpu.memory_space<hbm>> -> memref<2x4992xi32, #tpu.memory_space<hbm>>
    %dma_wait3A_33 = arith.constant 0 : i32
    %dma_wait3A_34 = tpu.memref_slice %arg3[%dma_wait3A_33, %mul3A_14] : memref<2x1600000xi32, #tpu.memory_space<hbm>> -> memref<2x4992xi32, #tpu.memory_space<hbm>>
    tpu.wait_dma2 semaphore(%arg10 : memref<!tpu.dma_semaphore, #tpu.memory_space<semaphore_mem>>) src(%dma_wait3A_34 : memref<2x4992xi32, #tpu.memory_space<hbm>>) dst(%arg6 : memref<2x4992xi32, #tpu.memory_space<vmem>>)
    %parallel_loop3A_35 = arith.constant 0 : i32
    %parallel_loop3A_36 = arith.constant 312 : i32
    %parallel_loop3A_37 = arith.constant 1 : i32
    scf.for %parallel_loop3A_54 = %parallel_loop3A_35 to %parallel_loop3A_36 step %parallel_loop3A_37  : i32 {
      %parallel_loop3A_55 = arith.constant 16 : i32
      %parallel_loop3A_56 = arith.muli %parallel_loop3A_54, %parallel_loop3A_55 : i32
      %parallel_loop3A_57 = arith.constant 1 : i32
      %parallel_loop3A_58 = arith.index_cast %parallel_loop3A_57 : i32 to index
      %parallel_loop3A_59 = arith.index_cast %parallel_loop3A_56 : i32 to index
      %parallel_loop3A_60 = tpu.vector_load %arg6[%parallel_loop3A_58, %parallel_loop3A_59] {strides = array<i32>} : memref<2x4992xi32, #tpu.memory_space<vmem>>, vector<16xi32>,
      %parallel_loop3A_61 = tpu.vector_load_idx %arg5[%parallel_loop3A_60] : memref<100000xi32, #tpu.memory_space<vmem>>[vector<16xi32>], vector<16xi32>,
      %parallel_loop3A_62 = arith.addi %mul3A_6, %parallel_loop3A_61 : vector<16xi32>
      tpu.vector_store_idx %arg8[%parallel_loop3A_62], %broadcast_in_dim3A_3 {add = true} : memref<4224xi32, #tpu.memory_space<vmem>>[vector<16xi32>], vector<16xi32>,
    } {sc.loop_unroll_factor = 8 : i64, sc.parallel_access}
    %dma_wait3A_38 = arith.constant 0 : i32
    %dma_wait3A_39 = tpu.memref_slice %arg3[%dma_wait3A_38, %mul3A_14] : memref<2x1600000xi32, #tpu.memory_space<hbm>> -> memref<2x4992xi32, #tpu.memory_space<hbm>>
    %dma_wait3A_40 = arith.constant 0 : i32
    %dma_wait3A_41 = tpu.memref_slice %arg3[%dma_wait3A_40, %mul3A_14] : memref<2x1600000xi32, #tpu.memory_space<hbm>> -> memref<2x4992xi32, #tpu.memory_space<hbm>>
    tpu.wait_dma2 semaphore(%arg11 : memref<!tpu.dma_semaphore, #tpu.memory_space<semaphore_mem>>) src(%dma_wait3A_41 : memref<2x4992xi32, #tpu.memory_space<hbm>>) dst(%arg7 : memref<2x4992xi32, #tpu.memory_space<vmem>>)
    %parallel_loop3A_42 = arith.constant 0 : i32
    %parallel_loop3A_43 = arith.constant 312 : i32
    %parallel_loop3A_44 = arith.constant 1 : i32
    scf.for %parallel_loop3A_54 = %parallel_loop3A_42 to %parallel_loop3A_43 step %parallel_loop3A_44  : i32 {
      %parallel_loop3A_55 = arith.constant 16 : i32
      %parallel_loop3A_56 = arith.muli %parallel_loop3A_54, %parallel_loop3A_55 : i32
      %parallel_loop3A_57 = arith.constant 1 : i32
      %parallel_loop3A_58 = arith.index_cast %parallel_loop3A_57 : i32 to index
      %parallel_loop3A_59 = arith.index_cast %parallel_loop3A_56 : i32 to index
      %parallel_loop3A_60 = tpu.vector_load %arg7[%parallel_loop3A_58, %parallel_loop3A_59] {strides = array<i32>} : memref<2x4992xi32, #tpu.memory_space<vmem>>, vector<16xi32>,
      %parallel_loop3A_61 = tpu.vector_load_idx %arg5[%parallel_loop3A_60] : memref<100000xi32, #tpu.memory_space<vmem>>[vector<16xi32>], vector<16xi32>,
      %parallel_loop3A_62 = arith.addi %mul3A_6, %parallel_loop3A_61 : vector<16xi32>
      tpu.vector_store_idx %arg8[%parallel_loop3A_62], %broadcast_in_dim3A_3 {add = true} : memref<4224xi32, #tpu.memory_space<vmem>>[vector<16xi32>], vector<16xi32>,
    } {sc.loop_unroll_factor = 8 : i64, sc.parallel_access}
    %lt3A = arith.constant 20 : i32
    %lt3A_45 = arith.cmpi slt, %add3A, %lt3A : i32
    %convert_element_type3A = arith.extui %lt3A_45 : i1 to i32
    %cond3A = arith.constant 0 : i32
    %cond3A_46 = arith.cmpi ne, %convert_element_type3A, %cond3A : i32
    scf.if %cond3A_46 {
      %add3A_54 = arith.constant 49920 : i32
      %add3A_55 = arith.addi %mul3A_14, %add3A_54 : i32
      "tpu.region"() ({
        %run_scoped3A = tpu.sem_alloc : memref<!tpu.dma_semaphore, #tpu.memory_space<semaphore_mem>>
        %dma_start3A_102 = arith.constant 0 : i32
        %dma_start3A_103 = arith.constant 0 : i32
        %dma_start3A_104 = tpu.memref_slice %arg6[%dma_start3A_102, %dma_start3A_103] : memref<2x4992xi32, #tpu.memory_space<vmem>> -> memref<2x128xi32, #tpu.memory_space<vmem>>
        %dma_start3A_105 = arith.constant 0 : i32
        %dma_start3A_106 = tpu.memref_slice %arg3[%dma_start3A_105, %add3A_55] : memref<2x1600000xi32, #tpu.memory_space<hbm>> -> memref<2x128xi32, #tpu.memory_space<hbm>>
        %dma_start3A_107 = arith.constant 0 : i32
        %dma_start3A_108 = arith.constant 0 : i32
        %dma_start3A_109 = tpu.memref_slice %arg6[%dma_start3A_107, %dma_start3A_108] : memref<2x4992xi32, #tpu.memory_space<vmem>> -> memref<2x128xi32, #tpu.memory_space<vmem>>
        %dma_start3A_110 = arith.constant 0 : i32
        %dma_start3A_111 = tpu.memref_slice %arg3[%dma_start3A_110, %add3A_55] : memref<2x1600000xi32, #tpu.memory_space<hbm>> -> memref<2x128xi32, #tpu.memory_space<hbm>>
        tpu.enqueue_dma source(%dma_start3A_111 : memref<2x128xi32, #tpu.memory_space<hbm>>) target(%dma_start3A_109 : memref<2x128xi32, #tpu.memory_space<vmem>>) target_semaphore(%run_scoped3A : memref<!tpu.dma_semaphore, #tpu.memory_space<semaphore_mem>>)
        %dma_wait3A_112 = arith.constant 0 : i32
        %dma_wait3A_113 = arith.constant 0 : i32
        %dma_wait3A_114 = tpu.memref_slice %arg6[%dma_wait3A_112, %dma_wait3A_113] : memref<2x4992xi32, #tpu.memory_space<vmem>> -> memref<2x128xi32, #tpu.memory_space<vmem>>
        %dma_wait3A_115 = arith.constant 0 : i32
        %dma_wait3A_116 = tpu.memref_slice %arg3[%dma_wait3A_115, %add3A_55] : memref<2x1600000xi32, #tpu.memory_space<hbm>> -> memref<2x128xi32, #tpu.memory_space<hbm>>
        %dma_wait3A_117 = arith.constant 0 : i32
        %dma_wait3A_118 = arith.constant 0 : i32
        %dma_wait3A_119 = tpu.memref_slice %arg6[%dma_wait3A_117, %dma_wait3A_118] : memref<2x4992xi32, #tpu.memory_space<vmem>> -> memref<2x128xi32, #tpu.memory_space<vmem>>
        %dma_wait3A_120 = arith.constant 0 : i32
        %dma_wait3A_121 = tpu.memref_slice %arg3[%dma_wait3A_120, %add3A_55] : memref<2x1600000xi32, #tpu.memory_space<hbm>> -> memref<2x128xi32, #tpu.memory_space<hbm>>
        tpu.wait_dma2 semaphore(%run_scoped3A : memref<!tpu.dma_semaphore, #tpu.memory_space<semaphore_mem>>) src(%dma_wait3A_121 : memref<2x128xi32, #tpu.memory_space<hbm>>) dst(%dma_wait3A_119 : memref<2x128xi32, #tpu.memory_space<vmem>>)
        tpu.yield
      }) : () -> ()
      %get3A = arith.constant 1 : i32
      %get3A_56 = arith.index_cast %get3A : i32 to index
      %get3A_57 = arith.constant 0 : index
      %get3A_58 = tpu.vector_load %arg6[%get3A_56, %get3A_57] {strides = array<i32>} : memref<2x4992xi32, #tpu.memory_space<vmem>>, vector<16xi32>,
      %gather3A = tpu.vector_load_idx %arg5[%get3A_58] : memref<100000xi32, #tpu.memory_space<vmem>>[vector<16xi32>], vector<16xi32>,
      %add3A_59 = arith.addi %mul3A_6, %gather3A : vector<16xi32>
      tpu.vector_store_idx %arg8[%add3A_59], %broadcast_in_dim3A_3 {add = true} : memref<4224xi32, #tpu.memory_space<vmem>>[vector<16xi32>], vector<16xi32>,
      %get3A_60 = arith.constant 1 : i32
      %get3A_61 = arith.index_cast %get3A_60 : i32 to index
      %get3A_62 = arith.constant 16 : index
      %get3A_63 = tpu.vector_load %arg6[%get3A_61, %get3A_62] {strides = array<i32>} : memref<2x4992xi32, #tpu.memory_space<vmem>>, vector<16xi32>,
      %gather3A_64 = tpu.vector_load_idx %arg5[%get3A_63] : memref<100000xi32, #tpu.memory_space<vmem>>[vector<16xi32>], vector<16xi32>,
      %add3A_65 = arith.addi %mul3A_6, %gather3A_64 : vector<16xi32>
      tpu.vector_store_idx %arg8[%add3A_65], %broadcast_in_dim3A_3 {add = true} : memref<4224xi32, #tpu.memory_space<vmem>>[vector<16xi32>], vector<16xi32>,
      %get3A_66 = arith.constant 1 : i32
      %get3A_67 = arith.index_cast %get3A_66 : i32 to index
      %get3A_68 = arith.constant 32 : index
      %get3A_69 = tpu.vector_load %arg6[%get3A_67, %get3A_68] {strides = array<i32>} : memref<2x4992xi32, #tpu.memory_space<vmem>>, vector<16xi32>,
      %gather3A_70 = tpu.vector_load_idx %arg5[%get3A_69] : memref<100000xi32, #tpu.memory_space<vmem>>[vector<16xi32>], vector<16xi32>,
      %add3A_71 = arith.addi %mul3A_6, %gather3A_70 : vector<16xi32>
      tpu.vector_store_idx %arg8[%add3A_71], %broadcast_in_dim3A_3 {add = true} : memref<4224xi32, #tpu.memory_space<vmem>>[vector<16xi32>], vector<16xi32>,
      %get3A_72 = arith.constant 1 : i32
      %get3A_73 = arith.index_cast %get3A_72 : i32 to index
      %get3A_74 = arith.constant 48 : index
      %get3A_75 = tpu.vector_load %arg6[%get3A_73, %get3A_74] {strides = array<i32>} : memref<2x4992xi32, #tpu.memory_space<vmem>>, vector<16xi32>,
      %gather3A_76 = tpu.vector_load_idx %arg5[%get3A_75] : memref<100000xi32, #tpu.memory_space<vmem>>[vector<16xi32>], vector<16xi32>,
      %add3A_77 = arith.addi %mul3A_6, %gather3A_76 : vector<16xi32>
      tpu.vector_store_idx %arg8[%add3A_77], %broadcast_in_dim3A_3 {add = true} : memref<4224xi32, #tpu.memory_space<vmem>>[vector<16xi32>], vector<16xi32>,
      %get3A_78 = arith.constant 1 : i32
      %get3A_79 = arith.index_cast %get3A_78 : i32 to index
      %get3A_80 = arith.constant 64 : index
      %get3A_81 = tpu.vector_load %arg6[%get3A_79, %get3A_80] {strides = array<i32>} : memref<2x4992xi32, #tpu.memory_space<vmem>>, vector<16xi32>,
      %gather3A_82 = tpu.vector_load_idx %arg5[%get3A_81] : memref<100000xi32, #tpu.memory_space<vmem>>[vector<16xi32>], vector<16xi32>,
      %add3A_83 = arith.addi %mul3A_6, %gather3A_82 : vector<16xi32>
      tpu.vector_store_idx %arg8[%add3A_83], %broadcast_in_dim3A_3 {add = true} : memref<4224xi32, #tpu.memory_space<vmem>>[vector<16xi32>], vector<16xi32>,
      %get3A_84 = arith.constant 1 : i32
      %get3A_85 = arith.index_cast %get3A_84 : i32 to index
      %get3A_86 = arith.constant 80 : index
      %get3A_87 = tpu.vector_load %arg6[%get3A_85, %get3A_86] {strides = array<i32>} : memref<2x4992xi32, #tpu.memory_space<vmem>>, vector<16xi32>,
      %gather3A_88 = tpu.vector_load_idx %arg5[%get3A_87] : memref<100000xi32, #tpu.memory_space<vmem>>[vector<16xi32>], vector<16xi32>,
      %add3A_89 = arith.addi %mul3A_6, %gather3A_88 : vector<16xi32>
      tpu.vector_store_idx %arg8[%add3A_89], %broadcast_in_dim3A_3 {add = true} : memref<4224xi32, #tpu.memory_space<vmem>>[vector<16xi32>], vector<16xi32>,
      %get3A_90 = arith.constant 1 : i32
      %get3A_91 = arith.index_cast %get3A_90 : i32 to index
      %get3A_92 = arith.constant 96 : index
      %get3A_93 = tpu.vector_load %arg6[%get3A_91, %get3A_92] {strides = array<i32>} : memref<2x4992xi32, #tpu.memory_space<vmem>>, vector<16xi32>,
      %gather3A_94 = tpu.vector_load_idx %arg5[%get3A_93] : memref<100000xi32, #tpu.memory_space<vmem>>[vector<16xi32>], vector<16xi32>,
      %add3A_95 = arith.addi %mul3A_6, %gather3A_94 : vector<16xi32>
      tpu.vector_store_idx %arg8[%add3A_95], %broadcast_in_dim3A_3 {add = true} : memref<4224xi32, #tpu.memory_space<vmem>>[vector<16xi32>], vector<16xi32>,
      %get3A_96 = arith.constant 1 : i32
      %get3A_97 = arith.index_cast %get3A_96 : i32 to index
      %get3A_98 = arith.constant 112 : index
      %get3A_99 = tpu.vector_load %arg6[%get3A_97, %get3A_98] {strides = array<i32>} : memref<2x4992xi32, #tpu.memory_space<vmem>>, vector<16xi32>,
      %gather3A_100 = tpu.vector_load_idx %arg5[%get3A_99] : memref<100000xi32, #tpu.memory_space<vmem>>[vector<16xi32>], vector<16xi32>,
      %add3A_101 = arith.addi %mul3A_6, %gather3A_100 : vector<16xi32>
      tpu.vector_store_idx %arg8[%add3A_101], %broadcast_in_dim3A_3 {add = true} : memref<4224xi32, #tpu.memory_space<vmem>>[vector<16xi32>], vector<16xi32>,
    } else {
    }
    %scan3A_47 = arith.constant 0 : i32
    %scan3A_48 = arith.constant 0 : i32
    %scan3A_49 = arith.constant 16 : i32
    %scan3A_50 = arith.addi %scan3A_48, %scan3A_49 : i32
    %scan3A_51 = arith.constant 1 : i32
    %scan3A_52 = scf.for %scan3A_54 = %scan3A_48 to %scan3A_50 step %scan3A_51 iter_args(%scan3A_55 = %scan3A_47) -> (i32)  : i32 {
      %mul3A_56 = arith.constant 16 : i32
      %mul3A_57 = arith.muli %scan3A_54, %mul3A_56 : i32
      %add3A_58 = arith.constant 0 : i32
      %add3A_59 = arith.addi %add3A_58, %mul3A_57 : i32
      %get3A = arith.index_cast %add3A_59 : i32 to index
      %get3A_60 = tpu.vector_load %arg8[%get3A] {strides = array<i32>} : memref<4224xi32, #tpu.memory_space<vmem>>, vector<16xi32>,
      %add3A_61 = arith.addi %broadcast_in_dim3A_1, %get3A_60 : vector<16xi32>
      %mul3A_62 = arith.constant 16 : i32
      %mul3A_63 = arith.muli %scan3A_54, %mul3A_62 : i32
      %add3A_64 = arith.constant 257 : i32
      %add3A_65 = arith.addi %add3A_64, %mul3A_63 : i32
      %get3A_66 = arith.index_cast %add3A_65 : i32 to index
      %get3A_67 = tpu.vector_load %arg8[%get3A_66] {strides = array<i32>} : memref<4224xi32, #tpu.memory_space<vmem>>, vector<16xi32>,
      %add3A_68 = arith.addi %add3A_61, %get3A_67 : vector<16xi32>
      %mul3A_69 = arith.constant 16 : i32
      %mul3A_70 = arith.muli %scan3A_54, %mul3A_69 : i32
      %add3A_71 = arith.constant 514 : i32
      %add3A_72 = arith.addi %add3A_71, %mul3A_70 : i32
      %get3A_73 = arith.index_cast %add3A_72 : i32 to index
      %get3A_74 = tpu.vector_load %arg8[%get3A_73] {strides = array<i32>} : memref<4224xi32, #tpu.memory_space<vmem>>, vector<16xi32>,
      %add3A_75 = arith.addi %add3A_68, %get3A_74 : vector<16xi32>
      %mul3A_76 = arith.constant 16 : i32
      %mul3A_77 = arith.muli %scan3A_54, %mul3A_76 : i32
      %add3A_78 = arith.constant 771 : i32
      %add3A_79 = arith.addi %add3A_78, %mul3A_77 : i32
      %get3A_80 = arith.index_cast %add3A_79 : i32 to index
      %get3A_81 = tpu.vector_load %arg8[%get3A_80] {strides = array<i32>} : memref<4224xi32, #tpu.memory_space<vmem>>, vector<16xi32>,
      %add3A_82 = arith.addi %add3A_75, %get3A_81 : vector<16xi32>
      %mul3A_83 = arith.constant 16 : i32
      %mul3A_84 = arith.muli %scan3A_54, %mul3A_83 : i32
      %add3A_85 = arith.constant 1028 : i32
      %add3A_86 = arith.addi %add3A_85, %mul3A_84 : i32
      %get3A_87 = arith.index_cast %add3A_86 : i32 to index
      %get3A_88 = tpu.vector_load %arg8[%get3A_87] {strides = array<i32>} : memref<4224xi32, #tpu.memory_space<vmem>>, vector<16xi32>,
      %add3A_89 = arith.addi %add3A_82, %get3A_88 : vector<16xi32>
      %mul3A_90 = arith.constant 16 : i32
      %mul3A_91 = arith.muli %scan3A_54, %mul3A_90 : i32
      %add3A_92 = arith.constant 1285 : i32
      %add3A_93 = arith.addi %add3A_92, %mul3A_91 : i32
      %get3A_94 = arith.index_cast %add3A_93 : i32 to index
      %get3A_95 = tpu.vector_load %arg8[%get3A_94] {strides = array<i32>} : memref<4224xi32, #tpu.memory_space<vmem>>, vector<16xi32>,
      %add3A_96 = arith.addi %add3A_89, %get3A_95 : vector<16xi32>
      %mul3A_97 = arith.constant 16 : i32
      %mul3A_98 = arith.muli %scan3A_54, %mul3A_97 : i32
      %add3A_99 = arith.constant 1542 : i32
      %add3A_100 = arith.addi %add3A_99, %mul3A_98 : i32
      %get3A_101 = arith.index_cast %add3A_100 : i32 to index
      %get3A_102 = tpu.vector_load %arg8[%get3A_101] {strides = array<i32>} : memref<4224xi32, #tpu.memory_space<vmem>>, vector<16xi32>,
      %add3A_103 = arith.addi %add3A_96, %get3A_102 : vector<16xi32>
      %mul3A_104 = arith.constant 16 : i32
      %mul3A_105 = arith.muli %scan3A_54, %mul3A_104 : i32
      %add3A_106 = arith.constant 1799 : i32
      %add3A_107 = arith.addi %add3A_106, %mul3A_105 : i32
      %get3A_108 = arith.index_cast %add3A_107 : i32 to index
      %get3A_109 = tpu.vector_load %arg8[%get3A_108] {strides = array<i32>} : memref<4224xi32, #tpu.memory_space<vmem>>, vector<16xi32>,
      %add3A_110 = arith.addi %add3A_103, %get3A_109 : vector<16xi32>
      %mul3A_111 = arith.constant 16 : i32
      %mul3A_112 = arith.muli %scan3A_54, %mul3A_111 : i32
      %add3A_113 = arith.constant 2056 : i32
      %add3A_114 = arith.addi %add3A_113, %mul3A_112 : i32
      %get3A_115 = arith.index_cast %add3A_114 : i32 to index
      %get3A_116 = tpu.vector_load %arg8[%get3A_115] {strides = array<i32>} : memref<4224xi32, #tpu.memory_space<vmem>>, vector<16xi32>,
      %add3A_117 = arith.addi %add3A_110, %get3A_116 : vector<16xi32>
      %mul3A_118 = arith.constant 16 : i32
      %mul3A_119 = arith.muli %scan3A_54, %mul3A_118 : i32
      %add3A_120 = arith.constant 2313 : i32
      %add3A_121 = arith.addi %add3A_120, %mul3A_119 : i32
      %get3A_122 = arith.index_cast %add3A_121 : i32 to index
      %get3A_123 = tpu.vector_load %arg8[%get3A_122] {strides = array<i32>} : memref<4224xi32, #tpu.memory_space<vmem>>, vector<16xi32>,
      %add3A_124 = arith.addi %add3A_117, %get3A_123 : vector<16xi32>
      %mul3A_125 = arith.constant 16 : i32
      %mul3A_126 = arith.muli %scan3A_54, %mul3A_125 : i32
      %add3A_127 = arith.constant 2570 : i32
      %add3A_128 = arith.addi %add3A_127, %mul3A_126 : i32
      %get3A_129 = arith.index_cast %add3A_128 : i32 to index
      %get3A_130 = tpu.vector_load %arg8[%get3A_129] {strides = array<i32>} : memref<4224xi32, #tpu.memory_space<vmem>>, vector<16xi32>,
      %add3A_131 = arith.addi %add3A_124, %get3A_130 : vector<16xi32>
      %mul3A_132 = arith.constant 16 : i32
      %mul3A_133 = arith.muli %scan3A_54, %mul3A_132 : i32
      %add3A_134 = arith.constant 2827 : i32
      %add3A_135 = arith.addi %add3A_134, %mul3A_133 : i32
      %get3A_136 = arith.index_cast %add3A_135 : i32 to index
      %get3A_137 = tpu.vector_load %arg8[%get3A_136] {strides = array<i32>} : memref<4224xi32, #tpu.memory_space<vmem>>, vector<16xi32>,
      %add3A_138 = arith.addi %add3A_131, %get3A_137 : vector<16xi32>
      %mul3A_139 = arith.constant 16 : i32
      %mul3A_140 = arith.muli %scan3A_54, %mul3A_139 : i32
      %add3A_141 = arith.constant 3084 : i32
      %add3A_142 = arith.addi %add3A_141, %mul3A_140 : i32
      %get3A_143 = arith.index_cast %add3A_142 : i32 to index
      %get3A_144 = tpu.vector_load %arg8[%get3A_143] {strides = array<i32>} : memref<4224xi32, #tpu.memory_space<vmem>>, vector<16xi32>,
      %add3A_145 = arith.addi %add3A_138, %get3A_144 : vector<16xi32>
      %mul3A_146 = arith.constant 16 : i32
      %mul3A_147 = arith.muli %scan3A_54, %mul3A_146 : i32
      %add3A_148 = arith.constant 3341 : i32
      %add3A_149 = arith.addi %add3A_148, %mul3A_147 : i32
      %get3A_150 = arith.index_cast %add3A_149 : i32 to index
      %get3A_151 = tpu.vector_load %arg8[%get3A_150] {strides = array<i32>} : memref<4224xi32, #tpu.memory_space<vmem>>, vector<16xi32>,
      %add3A_152 = arith.addi %add3A_145, %get3A_151 : vector<16xi32>
      %mul3A_153 = arith.constant 16 : i32
      %mul3A_154 = arith.muli %scan3A_54, %mul3A_153 : i32
      %add3A_155 = arith.constant 3598 : i32
      %add3A_156 = arith.addi %add3A_155, %mul3A_154 : i32
      %get3A_157 = arith.index_cast %add3A_156 : i32 to index
      %get3A_158 = tpu.vector_load %arg8[%get3A_157] {strides = array<i32>} : memref<4224xi32, #tpu.memory_space<vmem>>, vector<16xi32>,
      %add3A_159 = arith.addi %add3A_152, %get3A_158 : vector<16xi32>
      %mul3A_160 = arith.constant 16 : i32
      %mul3A_161 = arith.muli %scan3A_54, %mul3A_160 : i32
      %add3A_162 = arith.constant 3855 : i32
      %add3A_163 = arith.addi %add3A_162, %mul3A_161 : i32
      %get3A_164 = arith.index_cast %add3A_163 : i32 to index
      %get3A_165 = tpu.vector_load %arg8[%get3A_164] {strides = array<i32>} : memref<4224xi32, #tpu.memory_space<vmem>>, vector<16xi32>,
      %add3A_166 = arith.addi %add3A_159, %get3A_165 : vector<16xi32>
      %mul3A_167 = arith.constant 16 : i32
      %mul3A_168 = arith.muli %scan3A_54, %mul3A_167 : i32
      %swap3A = arith.index_cast %mul3A_168 : i32 to index
      %swap3A_169 = tpu.vector_load %arg9[%swap3A] {strides = array<i32>} : memref<256xi32, #tpu.memory_space<vmem>>, vector<16xi32>,
      tpu.vector_store %arg9[%swap3A], %add3A_166 {strides = array<i32>} : memref<256xi32, #tpu.memory_space<vmem>>, vector<16xi32>,
      %scan3A_170 = arith.constant 0 : i32
      scf.yield %scan3A_170 : i32
    }
    %scan3A_53 = arith.constant 16 : i32
    "tpu.region"() ({
      %run_scoped3A = tpu.sem_alloc : memref<!tpu.dma_semaphore, #tpu.memory_space<semaphore_mem>>
      %dma_start3A_54 = arith.constant 0 : i32
      %dma_start3A_55 = tpu.memref_slice %arg4[%add3A, %dma_start3A_54] : memref<32x256xi32, #tpu.memory_space<hbm>> -> memref<1x256xi32, #tpu.memory_space<hbm>>
      %dma_start3A_56 = tpu.memref_squeeze %dma_start3A_55 : memref<1x256xi32, #tpu.memory_space<hbm>> -> memref<256xi32, #tpu.memory_space<hbm>>
      %dma_start3A_57 = arith.constant 0 : i32
      %dma_start3A_58 = tpu.memref_slice %arg4[%add3A, %dma_start3A_57] : memref<32x256xi32, #tpu.memory_space<hbm>> -> memref<1x256xi32, #tpu.memory_space<hbm>>
      %dma_start3A_59 = tpu.memref_squeeze %dma_start3A_58 : memref<1x256xi32, #tpu.memory_space<hbm>> -> memref<256xi32, #tpu.memory_space<hbm>>
      tpu.enqueue_dma source(%arg9 : memref<256xi32, #tpu.memory_space<vmem>>) target(%dma_start3A_59 : memref<256xi32, #tpu.memory_space<hbm>>) target_semaphore(%run_scoped3A : memref<!tpu.dma_semaphore, #tpu.memory_space<semaphore_mem>>)
      %dma_wait3A_60 = arith.constant 0 : i32
      %dma_wait3A_61 = tpu.memref_slice %arg4[%add3A, %dma_wait3A_60] : memref<32x256xi32, #tpu.memory_space<hbm>> -> memref<1x256xi32, #tpu.memory_space<hbm>>
      %dma_wait3A_62 = tpu.memref_squeeze %dma_wait3A_61 : memref<1x256xi32, #tpu.memory_space<hbm>> -> memref<256xi32, #tpu.memory_space<hbm>>
      %dma_wait3A_63 = arith.constant 0 : i32
      %dma_wait3A_64 = tpu.memref_slice %arg4[%add3A, %dma_wait3A_63] : memref<32x256xi32, #tpu.memory_space<hbm>> -> memref<1x256xi32, #tpu.memory_space<hbm>>
      %dma_wait3A_65 = tpu.memref_squeeze %dma_wait3A_64 : memref<1x256xi32, #tpu.memory_space<hbm>> -> memref<256xi32, #tpu.memory_space<hbm>>
      tpu.wait_dma2 semaphore(%run_scoped3A : memref<!tpu.dma_semaphore, #tpu.memory_space<semaphore_mem>>) src(%arg9 : memref<256xi32, #tpu.memory_space<vmem>>) dst(%dma_wait3A_65 : memref<256xi32, #tpu.memory_space<hbm>>)
      tpu.yield
    }) : () -> ()
    return
  }
}

#map = affine_map<(d0, d1) -> (0, 0)>
#map1 = affine_map<(d0, d1) -> (0)>
module attributes {stable_mosaic.version = 14 : i64} {
  func.func @node_phase(%arg0: i32, %arg1: i32, %arg2: memref<32x256xi32, #tpu.memory_space<hbm>>, %arg3: memref<272xi32, #tpu.memory_space<hbm>>, %arg4: memref<64xf32, #tpu.memory_space<hbm>>, %arg5: memref<100000xi32, #tpu.memory_space<hbm>>, %arg6: memref<100000xi32, #tpu.memory_space<hbm>>, %arg7: memref<100000xf32, #tpu.memory_space<hbm>>, %arg8: memref<1000000xf32, #tpu.memory_space<hbm>>, %arg9: memref<100000xf32, #tpu.memory_space<hbm>>, %arg10: memref<32x256xi32, #tpu.memory_space<vmem>>, %arg11: memref<256xi32, #tpu.memory_space<vmem>>, %arg12: memref<272xi32, #tpu.memory_space<vmem>>, %arg13: memref<64xf32, #tpu.memory_space<vmem>>, %arg14: memref<3280xi32, #tpu.memory_space<vmem>>, %arg15: memref<3280xi32, #tpu.memory_space<vmem>>, %arg16: memref<3280xf32, #tpu.memory_space<vmem>>, %arg17: memref<32800xf32, #tpu.memory_space<vmem>>, %arg18: memref<3280xf32, #tpu.memory_space<vmem>>, %arg19: memref<!tpu.dma_semaphore, #tpu.memory_space<semaphore_mem>>) attributes {dimension_semantics = [#tpu.dimension_semantics<core_parallel>, #tpu.dimension_semantics<subcore_parallel>], iteration_bounds = array<i64: 2, 16>, scalar_prefetch = 0 : i64, scratch_operands = 10 : i64, tpu.core_type = #tpu.core_type<sc_vector_subcore>, window_params = [{transform_indices = #map}, {transform_indices = #map1}, {transform_indices = #map1}, {transform_indices = #map1}, {transform_indices = #map1}, {transform_indices = #map1}, {transform_indices = #map1}, {transform_indices = #map1}]} {
    %mul3A = arith.constant 2 : i32
    %mul3A_0 = arith.muli %arg1, %mul3A : i32
    %add3A = arith.addi %mul3A_0, %arg0 : i32
    %broadcast_in_dim3A = arith.constant 0 : i32
    %broadcast_in_dim3A_1 = vector.broadcast %broadcast_in_dim3A : i32 to vector<16xi32>
    %broadcast_in_dim3A_2 = arith.constant 0.000000e+00 : f32
    %broadcast_in_dim3A_3 = vector.broadcast %broadcast_in_dim3A_2 : f32 to vector<16xf32>
    "tpu.region"() ({
      %run_scoped3A = tpu.sem_alloc : memref<!tpu.dma_semaphore, #tpu.memory_space<semaphore_mem>>
      tpu.enqueue_dma source(%arg2 : memref<32x256xi32, #tpu.memory_space<hbm>>) target(%arg10 : memref<32x256xi32, #tpu.memory_space<vmem>>) target_semaphore(%run_scoped3A : memref<!tpu.dma_semaphore, #tpu.memory_space<semaphore_mem>>)
      tpu.wait_dma2 semaphore(%run_scoped3A : memref<!tpu.dma_semaphore, #tpu.memory_space<semaphore_mem>>) src(%arg2 : memref<32x256xi32, #tpu.memory_space<hbm>>) dst(%arg10 : memref<32x256xi32, #tpu.memory_space<vmem>>)
      tpu.yield
    }) : () -> ()
    "tpu.region"() ({
      %run_scoped3A = tpu.sem_alloc : memref<!tpu.dma_semaphore, #tpu.memory_space<semaphore_mem>>
      tpu.enqueue_dma source(%arg3 : memref<272xi32, #tpu.memory_space<hbm>>) target(%arg12 : memref<272xi32, #tpu.memory_space<vmem>>) target_semaphore(%run_scoped3A : memref<!tpu.dma_semaphore, #tpu.memory_space<semaphore_mem>>)
      tpu.wait_dma2 semaphore(%run_scoped3A : memref<!tpu.dma_semaphore, #tpu.memory_space<semaphore_mem>>) src(%arg3 : memref<272xi32, #tpu.memory_space<hbm>>) dst(%arg12 : memref<272xi32, #tpu.memory_space<vmem>>)
      tpu.yield
    }) : () -> ()
    "tpu.region"() ({
      %run_scoped3A = tpu.sem_alloc : memref<!tpu.dma_semaphore, #tpu.memory_space<semaphore_mem>>
      tpu.enqueue_dma source(%arg4 : memref<64xf32, #tpu.memory_space<hbm>>) target(%arg13 : memref<64xf32, #tpu.memory_space<vmem>>) target_semaphore(%run_scoped3A : memref<!tpu.dma_semaphore, #tpu.memory_space<semaphore_mem>>)
      tpu.wait_dma2 semaphore(%run_scoped3A : memref<!tpu.dma_semaphore, #tpu.memory_space<semaphore_mem>>) src(%arg4 : memref<64xf32, #tpu.memory_space<hbm>>) dst(%arg13 : memref<64xf32, #tpu.memory_space<vmem>>)
      tpu.yield
    }) : () -> ()
    %scan3A = arith.constant 0 : i32
    %scan3A_4 = arith.constant 0 : i32
    %scan3A_5 = arith.constant 16 : i32
    %scan3A_6 = arith.addi %scan3A_4, %scan3A_5 : i32
    %scan3A_7 = arith.constant 1 : i32
    %scan3A_8 = scf.for %scan3A_46 = %scan3A_4 to %scan3A_6 step %scan3A_7 iter_args(%scan3A_47 = %scan3A) -> (i32)  : i32 {
      %mul3A_48 = arith.constant 16 : i32
      %mul3A_49 = arith.muli %scan3A_46, %mul3A_48 : i32
      %get3A = arith.constant 0 : i32
      %get3A_50 = arith.index_cast %get3A : i32 to index
      %get3A_51 = arith.index_cast %mul3A_49 : i32 to index
      %get3A_52 = tpu.vector_load %arg10[%get3A_50, %get3A_51] {strides = array<i32>} : memref<32x256xi32, #tpu.memory_space<vmem>>, vector<16xi32>,
      %add3A_53 = arith.addi %broadcast_in_dim3A_1, %get3A_52 : vector<16xi32>
      %mul3A_54 = arith.constant 16 : i32
      %mul3A_55 = arith.muli %scan3A_46, %mul3A_54 : i32
      %get3A_56 = arith.constant 1 : i32
      %get3A_57 = arith.index_cast %get3A_56 : i32 to index
      %get3A_58 = arith.index_cast %mul3A_55 : i32 to index
      %get3A_59 = tpu.vector_load %arg10[%get3A_57, %get3A_58] {strides = array<i32>} : memref<32x256xi32, #tpu.memory_space<vmem>>, vector<16xi32>,
      %add3A_60 = arith.addi %add3A_53, %get3A_59 : vector<16xi32>
      %mul3A_61 = arith.constant 16 : i32
      %mul3A_62 = arith.muli %scan3A_46, %mul3A_61 : i32
      %get3A_63 = arith.constant 2 : i32
      %get3A_64 = arith.index_cast %get3A_63 : i32 to index
      %get3A_65 = arith.index_cast %mul3A_62 : i32 to index
      %get3A_66 = tpu.vector_load %arg10[%get3A_64, %get3A_65] {strides = array<i32>} : memref<32x256xi32, #tpu.memory_space<vmem>>, vector<16xi32>,
      %add3A_67 = arith.addi %add3A_60, %get3A_66 : vector<16xi32>
      %mul3A_68 = arith.constant 16 : i32
      %mul3A_69 = arith.muli %scan3A_46, %mul3A_68 : i32
      %get3A_70 = arith.constant 3 : i32
      %get3A_71 = arith.index_cast %get3A_70 : i32 to index
      %get3A_72 = arith.index_cast %mul3A_69 : i32 to index
      %get3A_73 = tpu.vector_load %arg10[%get3A_71, %get3A_72] {strides = array<i32>} : memref<32x256xi32, #tpu.memory_space<vmem>>, vector<16xi32>,
      %add3A_74 = arith.addi %add3A_67, %get3A_73 : vector<16xi32>
      %mul3A_75 = arith.constant 16 : i32
      %mul3A_76 = arith.muli %scan3A_46, %mul3A_75 : i32
      %get3A_77 = arith.constant 4 : i32
      %get3A_78 = arith.index_cast %get3A_77 : i32 to index
      %get3A_79 = arith.index_cast %mul3A_76 : i32 to index
      %get3A_80 = tpu.vector_load %arg10[%get3A_78, %get3A_79] {strides = array<i32>} : memref<32x256xi32, #tpu.memory_space<vmem>>, vector<16xi32>,
      %add3A_81 = arith.addi %add3A_74, %get3A_80 : vector<16xi32>
      %mul3A_82 = arith.constant 16 : i32
      %mul3A_83 = arith.muli %scan3A_46, %mul3A_82 : i32
      %get3A_84 = arith.constant 5 : i32
      %get3A_85 = arith.index_cast %get3A_84 : i32 to index
      %get3A_86 = arith.index_cast %mul3A_83 : i32 to index
      %get3A_87 = tpu.vector_load %arg10[%get3A_85, %get3A_86] {strides = array<i32>} : memref<32x256xi32, #tpu.memory_space<vmem>>, vector<16xi32>,
      %add3A_88 = arith.addi %add3A_81, %get3A_87 : vector<16xi32>
      %mul3A_89 = arith.constant 16 : i32
      %mul3A_90 = arith.muli %scan3A_46, %mul3A_89 : i32
      %get3A_91 = arith.constant 6 : i32
      %get3A_92 = arith.index_cast %get3A_91 : i32 to index
      %get3A_93 = arith.index_cast %mul3A_90 : i32 to index
      %get3A_94 = tpu.vector_load %arg10[%get3A_92, %get3A_93] {strides = array<i32>} : memref<32x256xi32, #tpu.memory_space<vmem>>, vector<16xi32>,
      %add3A_95 = arith.addi %add3A_88, %get3A_94 : vector<16xi32>
      %mul3A_96 = arith.constant 16 : i32
      %mul3A_97 = arith.muli %scan3A_46, %mul3A_96 : i32
      %get3A_98 = arith.constant 7 : i32
      %get3A_99 = arith.index_cast %get3A_98 : i32 to index
      %get3A_100 = arith.index_cast %mul3A_97 : i32 to index
      %get3A_101 = tpu.vector_load %arg10[%get3A_99, %get3A_100] {strides = array<i32>} : memref<32x256xi32, #tpu.memory_space<vmem>>, vector<16xi32>,
      %add3A_102 = arith.addi %add3A_95, %get3A_101 : vector<16xi32>
      %mul3A_103 = arith.constant 16 : i32
      %mul3A_104 = arith.muli %scan3A_46, %mul3A_103 : i32
      %get3A_105 = arith.constant 8 : i32
      %get3A_106 = arith.index_cast %get3A_105 : i32 to index
      %get3A_107 = arith.index_cast %mul3A_104 : i32 to index
      %get3A_108 = tpu.vector_load %arg10[%get3A_106, %get3A_107] {strides = array<i32>} : memref<32x256xi32, #tpu.memory_space<vmem>>, vector<16xi32>,
      %add3A_109 = arith.addi %add3A_102, %get3A_108 : vector<16xi32>
      %mul3A_110 = arith.constant 16 : i32
      %mul3A_111 = arith.muli %scan3A_46, %mul3A_110 : i32
      %get3A_112 = arith.constant 9 : i32
      %get3A_113 = arith.index_cast %get3A_112 : i32 to index
      %get3A_114 = arith.index_cast %mul3A_111 : i32 to index
      %get3A_115 = tpu.vector_load %arg10[%get3A_113, %get3A_114] {strides = array<i32>} : memref<32x256xi32, #tpu.memory_space<vmem>>, vector<16xi32>,
      %add3A_116 = arith.addi %add3A_109, %get3A_115 : vector<16xi32>
      %mul3A_117 = arith.constant 16 : i32
      %mul3A_118 = arith.muli %scan3A_46, %mul3A_117 : i32
      %get3A_119 = arith.constant 10 : i32
      %get3A_120 = arith.index_cast %get3A_119 : i32 to index
      %get3A_121 = arith.index_cast %mul3A_118 : i32 to index
      %get3A_122 = tpu.vector_load %arg10[%get3A_120, %get3A_121] {strides = array<i32>} : memref<32x256xi32, #tpu.memory_space<vmem>>, vector<16xi32>,
      %add3A_123 = arith.addi %add3A_116, %get3A_122 : vector<16xi32>
      %mul3A_124 = arith.constant 16 : i32
      %mul3A_125 = arith.muli %scan3A_46, %mul3A_124 : i32
      %get3A_126 = arith.constant 11 : i32
      %get3A_127 = arith.index_cast %get3A_126 : i32 to index
      %get3A_128 = arith.index_cast %mul3A_125 : i32 to index
      %get3A_129 = tpu.vector_load %arg10[%get3A_127, %get3A_128] {strides = array<i32>} : memref<32x256xi32, #tpu.memory_space<vmem>>, vector<16xi32>,
      %add3A_130 = arith.addi %add3A_123, %get3A_129 : vector<16xi32>
      %mul3A_131 = arith.constant 16 : i32
      %mul3A_132 = arith.muli %scan3A_46, %mul3A_131 : i32
      %get3A_133 = arith.constant 12 : i32
      %get3A_134 = arith.index_cast %get3A_133 : i32 to index
      %get3A_135 = arith.index_cast %mul3A_132 : i32 to index
      %get3A_136 = tpu.vector_load %arg10[%get3A_134, %get3A_135] {strides = array<i32>} : memref<32x256xi32, #tpu.memory_space<vmem>>, vector<16xi32>,
      %add3A_137 = arith.addi %add3A_130, %get3A_136 : vector<16xi32>
      %mul3A_138 = arith.constant 16 : i32
      %mul3A_139 = arith.muli %scan3A_46, %mul3A_138 : i32
      %get3A_140 = arith.constant 13 : i32
      %get3A_141 = arith.index_cast %get3A_140 : i32 to index
      %get3A_142 = arith.index_cast %mul3A_139 : i32 to index
      %get3A_143 = tpu.vector_load %arg10[%get3A_141, %get3A_142] {strides = array<i32>} : memref<32x256xi32, #tpu.memory_space<vmem>>, vector<16xi32>,
      %add3A_144 = arith.addi %add3A_137, %get3A_143 : vector<16xi32>
      %mul3A_145 = arith.constant 16 : i32
      %mul3A_146 = arith.muli %scan3A_46, %mul3A_145 : i32
      %get3A_147 = arith.constant 14 : i32
      %get3A_148 = arith.index_cast %get3A_147 : i32 to index
      %get3A_149 = arith.index_cast %mul3A_146 : i32 to index
      %get3A_150 = tpu.vector_load %arg10[%get3A_148, %get3A_149] {strides = array<i32>} : memref<32x256xi32, #tpu.memory_space<vmem>>, vector<16xi32>,
      %add3A_151 = arith.addi %add3A_144, %get3A_150 : vector<16xi32>
      %mul3A_152 = arith.constant 16 : i32
      %mul3A_153 = arith.muli %scan3A_46, %mul3A_152 : i32
      %get3A_154 = arith.constant 15 : i32
      %get3A_155 = arith.index_cast %get3A_154 : i32 to index
      %get3A_156 = arith.index_cast %mul3A_153 : i32 to index
      %get3A_157 = tpu.vector_load %arg10[%get3A_155, %get3A_156] {strides = array<i32>} : memref<32x256xi32, #tpu.memory_space<vmem>>, vector<16xi32>,
      %add3A_158 = arith.addi %add3A_151, %get3A_157 : vector<16xi32>
      %mul3A_159 = arith.constant 16 : i32
      %mul3A_160 = arith.muli %scan3A_46, %mul3A_159 : i32
      %get3A_161 = arith.constant 16 : i32
      %get3A_162 = arith.index_cast %get3A_161 : i32 to index
      %get3A_163 = arith.index_cast %mul3A_160 : i32 to index
      %get3A_164 = tpu.vector_load %arg10[%get3A_162, %get3A_163] {strides = array<i32>} : memref<32x256xi32, #tpu.memory_space<vmem>>, vector<16xi32>,
      %add3A_165 = arith.addi %add3A_158, %get3A_164 : vector<16xi32>
      %mul3A_166 = arith.constant 16 : i32
      %mul3A_167 = arith.muli %scan3A_46, %mul3A_166 : i32
      %get3A_168 = arith.constant 17 : i32
      %get3A_169 = arith.index_cast %get3A_168 : i32 to index
      %get3A_170 = arith.index_cast %mul3A_167 : i32 to index
      %get3A_171 = tpu.vector_load %arg10[%get3A_169, %get3A_170] {strides = array<i32>} : memref<32x256xi32, #tpu.memory_space<vmem>>, vector<16xi32>,
      %add3A_172 = arith.addi %add3A_165, %get3A_171 : vector<16xi32>
      %mul3A_173 = arith.constant 16 : i32
      %mul3A_174 = arith.muli %scan3A_46, %mul3A_173 : i32
      %get3A_175 = arith.constant 18 : i32
      %get3A_176 = arith.index_cast %get3A_175 : i32 to index
      %get3A_177 = arith.index_cast %mul3A_174 : i32 to index
      %get3A_178 = tpu.vector_load %arg10[%get3A_176, %get3A_177] {strides = array<i32>} : memref<32x256xi32, #tpu.memory_space<vmem>>, vector<16xi32>,
      %add3A_179 = arith.addi %add3A_172, %get3A_178 : vector<16xi32>
      %mul3A_180 = arith.constant 16 : i32
      %mul3A_181 = arith.muli %scan3A_46, %mul3A_180 : i32
      %get3A_182 = arith.constant 19 : i32
      %get3A_183 = arith.index_cast %get3A_182 : i32 to index
      %get3A_184 = arith.index_cast %mul3A_181 : i32 to index
      %get3A_185 = tpu.vector_load %arg10[%get3A_183, %get3A_184] {strides = array<i32>} : memref<32x256xi32, #tpu.memory_space<vmem>>, vector<16xi32>,
      %add3A_186 = arith.addi %add3A_179, %get3A_185 : vector<16xi32>
      %mul3A_187 = arith.constant 16 : i32
      %mul3A_188 = arith.muli %scan3A_46, %mul3A_187 : i32
      %get3A_189 = arith.constant 20 : i32
      %get3A_190 = arith.index_cast %get3A_189 : i32 to index
      %get3A_191 = arith.index_cast %mul3A_188 : i32 to index
      %get3A_192 = tpu.vector_load %arg10[%get3A_190, %get3A_191] {strides = array<i32>} : memref<32x256xi32, #tpu.memory_space<vmem>>, vector<16xi32>,
      %add3A_193 = arith.addi %add3A_186, %get3A_192 : vector<16xi32>
      %mul3A_194 = arith.constant 16 : i32
      %mul3A_195 = arith.muli %scan3A_46, %mul3A_194 : i32
      %get3A_196 = arith.constant 21 : i32
      %get3A_197 = arith.index_cast %get3A_196 : i32 to index
      %get3A_198 = arith.index_cast %mul3A_195 : i32 to index
      %get3A_199 = tpu.vector_load %arg10[%get3A_197, %get3A_198] {strides = array<i32>} : memref<32x256xi32, #tpu.memory_space<vmem>>, vector<16xi32>,
      %add3A_200 = arith.addi %add3A_193, %get3A_199 : vector<16xi32>
      %mul3A_201 = arith.constant 16 : i32
      %mul3A_202 = arith.muli %scan3A_46, %mul3A_201 : i32
      %get3A_203 = arith.constant 22 : i32
      %get3A_204 = arith.index_cast %get3A_203 : i32 to index
      %get3A_205 = arith.index_cast %mul3A_202 : i32 to index
      %get3A_206 = tpu.vector_load %arg10[%get3A_204, %get3A_205] {strides = array<i32>} : memref<32x256xi32, #tpu.memory_space<vmem>>, vector<16xi32>,
      %add3A_207 = arith.addi %add3A_200, %get3A_206 : vector<16xi32>
      %mul3A_208 = arith.constant 16 : i32
      %mul3A_209 = arith.muli %scan3A_46, %mul3A_208 : i32
      %get3A_210 = arith.constant 23 : i32
      %get3A_211 = arith.index_cast %get3A_210 : i32 to index
      %get3A_212 = arith.index_cast %mul3A_209 : i32 to index
      %get3A_213 = tpu.vector_load %arg10[%get3A_211, %get3A_212] {strides = array<i32>} : memref<32x256xi32, #tpu.memory_space<vmem>>, vector<16xi32>,
      %add3A_214 = arith.addi %add3A_207, %get3A_213 : vector<16xi32>
      %mul3A_215 = arith.constant 16 : i32
      %mul3A_216 = arith.muli %scan3A_46, %mul3A_215 : i32
      %get3A_217 = arith.constant 24 : i32
      %get3A_218 = arith.index_cast %get3A_217 : i32 to index
      %get3A_219 = arith.index_cast %mul3A_216 : i32 to index
      %get3A_220 = tpu.vector_load %arg10[%get3A_218, %get3A_219] {strides = array<i32>} : memref<32x256xi32, #tpu.memory_space<vmem>>, vector<16xi32>,
      %add3A_221 = arith.addi %add3A_214, %get3A_220 : vector<16xi32>
      %mul3A_222 = arith.constant 16 : i32
      %mul3A_223 = arith.muli %scan3A_46, %mul3A_222 : i32
      %get3A_224 = arith.constant 25 : i32
      %get3A_225 = arith.index_cast %get3A_224 : i32 to index
      %get3A_226 = arith.index_cast %mul3A_223 : i32 to index
      %get3A_227 = tpu.vector_load %arg10[%get3A_225, %get3A_226] {strides = array<i32>} : memref<32x256xi32, #tpu.memory_space<vmem>>, vector<16xi32>,
      %add3A_228 = arith.addi %add3A_221, %get3A_227 : vector<16xi32>
      %mul3A_229 = arith.constant 16 : i32
      %mul3A_230 = arith.muli %scan3A_46, %mul3A_229 : i32
      %get3A_231 = arith.constant 26 : i32
      %get3A_232 = arith.index_cast %get3A_231 : i32 to index
      %get3A_233 = arith.index_cast %mul3A_230 : i32 to index
      %get3A_234 = tpu.vector_load %arg10[%get3A_232, %get3A_233] {strides = array<i32>} : memref<32x256xi32, #tpu.memory_space<vmem>>, vector<16xi32>,
      %add3A_235 = arith.addi %add3A_228, %get3A_234 : vector<16xi32>
      %mul3A_236 = arith.constant 16 : i32
      %mul3A_237 = arith.muli %scan3A_46, %mul3A_236 : i32
      %get3A_238 = arith.constant 27 : i32
      %get3A_239 = arith.index_cast %get3A_238 : i32 to index
      %get3A_240 = arith.index_cast %mul3A_237 : i32 to index
      %get3A_241 = tpu.vector_load %arg10[%get3A_239, %get3A_240] {strides = array<i32>} : memref<32x256xi32, #tpu.memory_space<vmem>>, vector<16xi32>,
      %add3A_242 = arith.addi %add3A_235, %get3A_241 : vector<16xi32>
      %mul3A_243 = arith.constant 16 : i32
      %mul3A_244 = arith.muli %scan3A_46, %mul3A_243 : i32
      %get3A_245 = arith.constant 28 : i32
      %get3A_246 = arith.index_cast %get3A_245 : i32 to index
      %get3A_247 = arith.index_cast %mul3A_244 : i32 to index
      %get3A_248 = tpu.vector_load %arg10[%get3A_246, %get3A_247] {strides = array<i32>} : memref<32x256xi32, #tpu.memory_space<vmem>>, vector<16xi32>,
      %add3A_249 = arith.addi %add3A_242, %get3A_248 : vector<16xi32>
      %mul3A_250 = arith.constant 16 : i32
      %mul3A_251 = arith.muli %scan3A_46, %mul3A_250 : i32
      %get3A_252 = arith.constant 29 : i32
      %get3A_253 = arith.index_cast %get3A_252 : i32 to index
      %get3A_254 = arith.index_cast %mul3A_251 : i32 to index
      %get3A_255 = tpu.vector_load %arg10[%get3A_253, %get3A_254] {strides = array<i32>} : memref<32x256xi32, #tpu.memory_space<vmem>>, vector<16xi32>,
      %add3A_256 = arith.addi %add3A_249, %get3A_255 : vector<16xi32>
      %mul3A_257 = arith.constant 16 : i32
      %mul3A_258 = arith.muli %scan3A_46, %mul3A_257 : i32
      %get3A_259 = arith.constant 30 : i32
      %get3A_260 = arith.index_cast %get3A_259 : i32 to index
      %get3A_261 = arith.index_cast %mul3A_258 : i32 to index
      %get3A_262 = tpu.vector_load %arg10[%get3A_260, %get3A_261] {strides = array<i32>} : memref<32x256xi32, #tpu.memory_space<vmem>>, vector<16xi32>,
      %add3A_263 = arith.addi %add3A_256, %get3A_262 : vector<16xi32>
      %mul3A_264 = arith.constant 16 : i32
      %mul3A_265 = arith.muli %scan3A_46, %mul3A_264 : i32
      %get3A_266 = arith.constant 31 : i32
      %get3A_267 = arith.index_cast %get3A_266 : i32 to index
      %get3A_268 = arith.index_cast %mul3A_265 : i32 to index
      %get3A_269 = tpu.vector_load %arg10[%get3A_267, %get3A_268] {strides = array<i32>} : memref<32x256xi32, #tpu.memory_space<vmem>>, vector<16xi32>,
      %add3A_270 = arith.addi %add3A_263, %get3A_269 : vector<16xi32>
      %mul3A_271 = arith.constant 16 : i32
      %mul3A_272 = arith.muli %scan3A_46, %mul3A_271 : i32
      %add3A_273 = arith.constant 1 : i32
      %add3A_274 = arith.addi %mul3A_272, %add3A_273 : i32
      %get3A_275 = arith.index_cast %add3A_274 : i32 to index
      %get3A_276 = tpu.vector_load %arg12[%get3A_275] {strides = array<i32>} : memref<272xi32, #tpu.memory_space<vmem>>, vector<16xi32>,
      %mul3A_277 = arith.constant 16 : i32
      %mul3A_278 = arith.muli %scan3A_46, %mul3A_277 : i32
      %get3A_279 = arith.index_cast %mul3A_278 : i32 to index
      %get3A_280 = tpu.vector_load %arg12[%get3A_279] {strides = array<i32>} : memref<272xi32, #tpu.memory_space<vmem>>, vector<16xi32>,
      %sub3A = arith.subi %get3A_276, %get3A_280 : vector<16xi32>
      %eq3A_281 = arith.constant 1 : i32
      %eq3A_282 = vector.broadcast %eq3A_281 : i32 to vector<16xi32>
      %eq3A_283 = arith.cmpi eq, %sub3A, %eq3A_282 : vector<16xi32>
      %eq3A_284 = arith.constant 0 : i32
      %eq3A_285 = vector.broadcast %eq3A_284 : i32 to vector<16xi32>
      %eq3A_286 = arith.cmpi eq, %add3A_270, %eq3A_285 : vector<16xi32>
      %and3A = arith.andi %eq3A_283, %eq3A_286 : vector<16xi1>
      %convert_element_type3A_287 = arith.extui %and3A : vector<16xi1> to vector<16xi32>
      %mul3A_288 = arith.constant 16 : i32
      %mul3A_289 = arith.muli %scan3A_46, %mul3A_288 : i32
      %swap3A = arith.index_cast %mul3A_289 : i32 to index
      %swap3A_290 = tpu.vector_load %arg11[%swap3A] {strides = array<i32>} : memref<256xi32, #tpu.memory_space<vmem>>, vector<16xi32>,
      tpu.vector_store %arg11[%swap3A], %convert_element_type3A_287 {strides = array<i32>} : memref<256xi32, #tpu.memory_space<vmem>>, vector<16xi32>,
      %scan3A_291 = arith.constant 0 : i32
      scf.yield %scan3A_291 : i32
    }
    %scan3A_9 = arith.constant 16 : i32
    %mul3A_10 = arith.constant 3120 : i32
    %mul3A_11 = arith.muli %add3A, %mul3A_10 : i32
    "tpu.region"() ({
      %run_scoped3A = tpu.sem_alloc : memref<!tpu.dma_semaphore, #tpu.memory_space<semaphore_mem>>
      %dma_start3A = arith.constant 0 : i32
      %dma_start3A_46 = tpu.memref_slice %arg14[%dma_start3A] : memref<3280xi32, #tpu.memory_space<vmem>> -> memref<3120xi32, #tpu.memory_space<vmem>>
      %dma_start3A_47 = tpu.memref_slice %arg5[%mul3A_11] : memref<100000xi32, #tpu.memory_space<hbm>> -> memref<3120xi32, #tpu.memory_space<hbm>>
      %dma_start3A_48 = arith.constant 0 : i32
      %dma_start3A_49 = tpu.memref_slice %arg14[%dma_start3A_48] : memref<3280xi32, #tpu.memory_space<vmem>> -> memref<3120xi32, #tpu.memory_space<vmem>>
      %dma_start3A_50 = tpu.memref_slice %arg5[%mul3A_11] : memref<100000xi32, #tpu.memory_space<hbm>> -> memref<3120xi32, #tpu.memory_space<hbm>>
      tpu.enqueue_dma source(%dma_start3A_50 : memref<3120xi32, #tpu.memory_space<hbm>>) target(%dma_start3A_49 : memref<3120xi32, #tpu.memory_space<vmem>>) target_semaphore(%run_scoped3A : memref<!tpu.dma_semaphore, #tpu.memory_space<semaphore_mem>>)
      %dma_wait3A = arith.constant 0 : i32
      %dma_wait3A_51 = tpu.memref_slice %arg14[%dma_wait3A] : memref<3280xi32, #tpu.memory_space<vmem>> -> memref<3120xi32, #tpu.memory_space<vmem>>
      %dma_wait3A_52 = tpu.memref_slice %arg5[%mul3A_11] : memref<100000xi32, #tpu.memory_space<hbm>> -> memref<3120xi32, #tpu.memory_space<hbm>>
      %dma_wait3A_53 = arith.constant 0 : i32
      %dma_wait3A_54 = tpu.memref_slice %arg14[%dma_wait3A_53] : memref<3280xi32, #tpu.memory_space<vmem>> -> memref<3120xi32, #tpu.memory_space<vmem>>
      %dma_wait3A_55 = tpu.memref_slice %arg5[%mul3A_11] : memref<100000xi32, #tpu.memory_space<hbm>> -> memref<3120xi32, #tpu.memory_space<hbm>>
      tpu.wait_dma2 semaphore(%run_scoped3A : memref<!tpu.dma_semaphore, #tpu.memory_space<semaphore_mem>>) src(%dma_wait3A_55 : memref<3120xi32, #tpu.memory_space<hbm>>) dst(%dma_wait3A_54 : memref<3120xi32, #tpu.memory_space<vmem>>)
      tpu.yield
    }) : () -> ()
    "tpu.region"() ({
      %run_scoped3A = tpu.sem_alloc : memref<!tpu.dma_semaphore, #tpu.memory_space<semaphore_mem>>
      %dma_start3A = arith.constant 0 : i32
      %dma_start3A_46 = tpu.memref_slice %arg15[%dma_start3A] : memref<3280xi32, #tpu.memory_space<vmem>> -> memref<3120xi32, #tpu.memory_space<vmem>>
      %dma_start3A_47 = tpu.memref_slice %arg6[%mul3A_11] : memref<100000xi32, #tpu.memory_space<hbm>> -> memref<3120xi32, #tpu.memory_space<hbm>>
      %dma_start3A_48 = arith.constant 0 : i32
      %dma_start3A_49 = tpu.memref_slice %arg15[%dma_start3A_48] : memref<3280xi32, #tpu.memory_space<vmem>> -> memref<3120xi32, #tpu.memory_space<vmem>>
      %dma_start3A_50 = tpu.memref_slice %arg6[%mul3A_11] : memref<100000xi32, #tpu.memory_space<hbm>> -> memref<3120xi32, #tpu.memory_space<hbm>>
      tpu.enqueue_dma source(%dma_start3A_50 : memref<3120xi32, #tpu.memory_space<hbm>>) target(%dma_start3A_49 : memref<3120xi32, #tpu.memory_space<vmem>>) target_semaphore(%run_scoped3A : memref<!tpu.dma_semaphore, #tpu.memory_space<semaphore_mem>>)
      %dma_wait3A = arith.constant 0 : i32
      %dma_wait3A_51 = tpu.memref_slice %arg15[%dma_wait3A] : memref<3280xi32, #tpu.memory_space<vmem>> -> memref<3120xi32, #tpu.memory_space<vmem>>
      %dma_wait3A_52 = tpu.memref_slice %arg6[%mul3A_11] : memref<100000xi32, #tpu.memory_space<hbm>> -> memref<3120xi32, #tpu.memory_space<hbm>>
      %dma_wait3A_53 = arith.constant 0 : i32
      %dma_wait3A_54 = tpu.memref_slice %arg15[%dma_wait3A_53] : memref<3280xi32, #tpu.memory_space<vmem>> -> memref<3120xi32, #tpu.memory_space<vmem>>
      %dma_wait3A_55 = tpu.memref_slice %arg6[%mul3A_11] : memref<100000xi32, #tpu.memory_space<hbm>> -> memref<3120xi32, #tpu.memory_space<hbm>>
      tpu.wait_dma2 semaphore(%run_scoped3A : memref<!tpu.dma_semaphore, #tpu.memory_space<semaphore_mem>>) src(%dma_wait3A_55 : memref<3120xi32, #tpu.memory_space<hbm>>) dst(%dma_wait3A_54 : memref<3120xi32, #tpu.memory_space<vmem>>)
      tpu.yield
    }) : () -> ()
    "tpu.region"() ({
      %run_scoped3A = tpu.sem_alloc : memref<!tpu.dma_semaphore, #tpu.memory_space<semaphore_mem>>
      %dma_start3A = arith.constant 0 : i32
      %dma_start3A_46 = tpu.memref_slice %arg16[%dma_start3A] : memref<3280xf32, #tpu.memory_space<vmem>> -> memref<3120xf32, #tpu.memory_space<vmem>>
      %dma_start3A_47 = tpu.memref_slice %arg7[%mul3A_11] : memref<100000xf32, #tpu.memory_space<hbm>> -> memref<3120xf32, #tpu.memory_space<hbm>>
      %dma_start3A_48 = arith.constant 0 : i32
      %dma_start3A_49 = tpu.memref_slice %arg16[%dma_start3A_48] : memref<3280xf32, #tpu.memory_space<vmem>> -> memref<3120xf32, #tpu.memory_space<vmem>>
      %dma_start3A_50 = tpu.memref_slice %arg7[%mul3A_11] : memref<100000xf32, #tpu.memory_space<hbm>> -> memref<3120xf32, #tpu.memory_space<hbm>>
      tpu.enqueue_dma source(%dma_start3A_50 : memref<3120xf32, #tpu.memory_space<hbm>>) target(%dma_start3A_49 : memref<3120xf32, #tpu.memory_space<vmem>>) target_semaphore(%run_scoped3A : memref<!tpu.dma_semaphore, #tpu.memory_space<semaphore_mem>>)
      %dma_wait3A = arith.constant 0 : i32
      %dma_wait3A_51 = tpu.memref_slice %arg16[%dma_wait3A] : memref<3280xf32, #tpu.memory_space<vmem>> -> memref<3120xf32, #tpu.memory_space<vmem>>
      %dma_wait3A_52 = tpu.memref_slice %arg7[%mul3A_11] : memref<100000xf32, #tpu.memory_space<hbm>> -> memref<3120xf32, #tpu.memory_space<hbm>>
      %dma_wait3A_53 = arith.constant 0 : i32
      %dma_wait3A_54 = tpu.memref_slice %arg16[%dma_wait3A_53] : memref<3280xf32, #tpu.memory_space<vmem>> -> memref<3120xf32, #tpu.memory_space<vmem>>
      %dma_wait3A_55 = tpu.memref_slice %arg7[%mul3A_11] : memref<100000xf32, #tpu.memory_space<hbm>> -> memref<3120xf32, #tpu.memory_space<hbm>>
      tpu.wait_dma2 semaphore(%run_scoped3A : memref<!tpu.dma_semaphore, #tpu.memory_space<semaphore_mem>>) src(%dma_wait3A_55 : memref<3120xf32, #tpu.memory_space<hbm>>) dst(%dma_wait3A_54 : memref<3120xf32, #tpu.memory_space<vmem>>)
      tpu.yield
    }) : () -> ()
    %add3A_12 = arith.constant 0 : i32
    %add3A_13 = arith.addi %add3A_12, %mul3A_11 : i32
    "tpu.region"() ({
      %run_scoped3A = tpu.sem_alloc : memref<!tpu.dma_semaphore, #tpu.memory_space<semaphore_mem>>
      %dma_start3A = arith.constant 0 : i32
      %dma_start3A_46 = tpu.memref_slice %arg17[%dma_start3A] : memref<32800xf32, #tpu.memory_space<vmem>> -> memref<3120xf32, #tpu.memory_space<vmem>>
      %dma_start3A_47 = tpu.memref_slice %arg8[%add3A_13] : memref<1000000xf32, #tpu.memory_space<hbm>> -> memref<3120xf32, #tpu.memory_space<hbm>>
      %dma_start3A_48 = arith.constant 0 : i32
      %dma_start3A_49 = tpu.memref_slice %arg17[%dma_start3A_48] : memref<32800xf32, #tpu.memory_space<vmem>> -> memref<3120xf32, #tpu.memory_space<vmem>>
      %dma_start3A_50 = tpu.memref_slice %arg8[%add3A_13] : memref<1000000xf32, #tpu.memory_space<hbm>> -> memref<3120xf32, #tpu.memory_space<hbm>>
      tpu.enqueue_dma source(%dma_start3A_50 : memref<3120xf32, #tpu.memory_space<hbm>>) target(%dma_start3A_49 : memref<3120xf32, #tpu.memory_space<vmem>>) target_semaphore(%run_scoped3A : memref<!tpu.dma_semaphore, #tpu.memory_space<semaphore_mem>>)
      %dma_wait3A = arith.constant 0 : i32
      %dma_wait3A_51 = tpu.memref_slice %arg17[%dma_wait3A] : memref<32800xf32, #tpu.memory_space<vmem>> -> memref<3120xf32, #tpu.memory_space<vmem>>
      %dma_wait3A_52 = tpu.memref_slice %arg8[%add3A_13] : memref<1000000xf32, #tpu.memory_space<hbm>> -> memref<3120xf32, #tpu.memory_space<hbm>>
      %dma_wait3A_53 = arith.constant 0 : i32
      %dma_wait3A_54 = tpu.memref_slice %arg17[%dma_wait3A_53] : memref<32800xf32, #tpu.memory_space<vmem>> -> memref<3120xf32, #tpu.memory_space<vmem>>
      %dma_wait3A_55 = tpu.memref_slice %arg8[%add3A_13] : memref<1000000xf32, #tpu.memory_space<hbm>> -> memref<3120xf32, #tpu.memory_space<hbm>>
      tpu.wait_dma2 semaphore(%run_scoped3A : memref<!tpu.dma_semaphore, #tpu.memory_space<semaphore_mem>>) src(%dma_wait3A_55 : memref<3120xf32, #tpu.memory_space<hbm>>) dst(%dma_wait3A_54 : memref<3120xf32, #tpu.memory_space<vmem>>)
      tpu.yield
    }) : () -> ()
    %add3A_14 = arith.constant 100000 : i32
    %add3A_15 = arith.addi %add3A_14, %mul3A_11 : i32
    "tpu.region"() ({
      %run_scoped3A = tpu.sem_alloc : memref<!tpu.dma_semaphore, #tpu.memory_space<semaphore_mem>>
      %dma_start3A = arith.constant 3280 : i32
      %dma_start3A_46 = tpu.memref_slice %arg17[%dma_start3A] : memref<32800xf32, #tpu.memory_space<vmem>> -> memref<3120xf32, #tpu.memory_space<vmem>>
      %dma_start3A_47 = tpu.memref_slice %arg8[%add3A_15] : memref<1000000xf32, #tpu.memory_space<hbm>> -> memref<3120xf32, #tpu.memory_space<hbm>>
      %dma_start3A_48 = arith.constant 3280 : i32
      %dma_start3A_49 = tpu.memref_slice %arg17[%dma_start3A_48] : memref<32800xf32, #tpu.memory_space<vmem>> -> memref<3120xf32, #tpu.memory_space<vmem>>
      %dma_start3A_50 = tpu.memref_slice %arg8[%add3A_15] : memref<1000000xf32, #tpu.memory_space<hbm>> -> memref<3120xf32, #tpu.memory_space<hbm>>
      tpu.enqueue_dma source(%dma_start3A_50 : memref<3120xf32, #tpu.memory_space<hbm>>) target(%dma_start3A_49 : memref<3120xf32, #tpu.memory_space<vmem>>) target_semaphore(%run_scoped3A : memref<!tpu.dma_semaphore, #tpu.memory_space<semaphore_mem>>)
      %dma_wait3A = arith.constant 3280 : i32
      %dma_wait3A_51 = tpu.memref_slice %arg17[%dma_wait3A] : memref<32800xf32, #tpu.memory_space<vmem>> -> memref<3120xf32, #tpu.memory_space<vmem>>
      %dma_wait3A_52 = tpu.memref_slice %arg8[%add3A_15] : memref<1000000xf32, #tpu.memory_space<hbm>> -> memref<3120xf32, #tpu.memory_space<hbm>>
      %dma_wait3A_53 = arith.constant 3280 : i32
      %dma_wait3A_54 = tpu.memref_slice %arg17[%dma_wait3A_53] : memref<32800xf32, #tpu.memory_space<vmem>> -> memref<3120xf32, #tpu.memory_space<vmem>>
      %dma_wait3A_55 = tpu.memref_slice %arg8[%add3A_15] : memref<1000000xf32, #tpu.memory_space<hbm>> -> memref<3120xf32, #tpu.memory_space<hbm>>
      tpu.wait_dma2 semaphore(%run_scoped3A : memref<!tpu.dma_semaphore, #tpu.memory_space<semaphore_mem>>) src(%dma_wait3A_55 : memref<3120xf32, #tpu.memory_space<hbm>>) dst(%dma_wait3A_54 : memref<3120xf32, #tpu.memory_space<vmem>>)
      tpu.yield
    }) : () -> ()
    %add3A_16 = arith.constant 200000 : i32
    %add3A_17 = arith.addi %add3A_16, %mul3A_11 : i32
    "tpu.region"() ({
      %run_scoped3A = tpu.sem_alloc : memref<!tpu.dma_semaphore, #tpu.memory_space<semaphore_mem>>
      %dma_start3A = arith.constant 6560 : i32
      %dma_start3A_46 = tpu.memref_slice %arg17[%dma_start3A] : memref<32800xf32, #tpu.memory_space<vmem>> -> memref<3120xf32, #tpu.memory_space<vmem>>
      %dma_start3A_47 = tpu.memref_slice %arg8[%add3A_17] : memref<1000000xf32, #tpu.memory_space<hbm>> -> memref<3120xf32, #tpu.memory_space<hbm>>
      %dma_start3A_48 = arith.constant 6560 : i32
      %dma_start3A_49 = tpu.memref_slice %arg17[%dma_start3A_48] : memref<32800xf32, #tpu.memory_space<vmem>> -> memref<3120xf32, #tpu.memory_space<vmem>>
      %dma_start3A_50 = tpu.memref_slice %arg8[%add3A_17] : memref<1000000xf32, #tpu.memory_space<hbm>> -> memref<3120xf32, #tpu.memory_space<hbm>>
      tpu.enqueue_dma source(%dma_start3A_50 : memref<3120xf32, #tpu.memory_space<hbm>>) target(%dma_start3A_49 : memref<3120xf32, #tpu.memory_space<vmem>>) target_semaphore(%run_scoped3A : memref<!tpu.dma_semaphore, #tpu.memory_space<semaphore_mem>>)
      %dma_wait3A = arith.constant 6560 : i32
      %dma_wait3A_51 = tpu.memref_slice %arg17[%dma_wait3A] : memref<32800xf32, #tpu.memory_space<vmem>> -> memref<3120xf32, #tpu.memory_space<vmem>>
      %dma_wait3A_52 = tpu.memref_slice %arg8[%add3A_17] : memref<1000000xf32, #tpu.memory_space<hbm>> -> memref<3120xf32, #tpu.memory_space<hbm>>
      %dma_wait3A_53 = arith.constant 6560 : i32
      %dma_wait3A_54 = tpu.memref_slice %arg17[%dma_wait3A_53] : memref<32800xf32, #tpu.memory_space<vmem>> -> memref<3120xf32, #tpu.memory_space<vmem>>
      %dma_wait3A_55 = tpu.memref_slice %arg8[%add3A_17] : memref<1000000xf32, #tpu.memory_space<hbm>> -> memref<3120xf32, #tpu.memory_space<hbm>>
      tpu.wait_dma2 semaphore(%run_scoped3A : memref<!tpu.dma_semaphore, #tpu.memory_space<semaphore_mem>>) src(%dma_wait3A_55 : memref<3120xf32, #tpu.memory_space<hbm>>) dst(%dma_wait3A_54 : memref<3120xf32, #tpu.memory_space<vmem>>)
      tpu.yield
    }) : () -> ()
    %add3A_18 = arith.constant 300000 : i32
    %add3A_19 = arith.addi %add3A_18, %mul3A_11 : i32
    "tpu.region"() ({
      %run_scoped3A = tpu.sem_alloc : memref<!tpu.dma_semaphore, #tpu.memory_space<semaphore_mem>>
      %dma_start3A = arith.constant 9840 : i32
      %dma_start3A_46 = tpu.memref_slice %arg17[%dma_start3A] : memref<32800xf32, #tpu.memory_space<vmem>> -> memref<3120xf32, #tpu.memory_space<vmem>>
      %dma_start3A_47 = tpu.memref_slice %arg8[%add3A_19] : memref<1000000xf32, #tpu.memory_space<hbm>> -> memref<3120xf32, #tpu.memory_space<hbm>>
      %dma_start3A_48 = arith.constant 9840 : i32
      %dma_start3A_49 = tpu.memref_slice %arg17[%dma_start3A_48] : memref<32800xf32, #tpu.memory_space<vmem>> -> memref<3120xf32, #tpu.memory_space<vmem>>
      %dma_start3A_50 = tpu.memref_slice %arg8[%add3A_19] : memref<1000000xf32, #tpu.memory_space<hbm>> -> memref<3120xf32, #tpu.memory_space<hbm>>
      tpu.enqueue_dma source(%dma_start3A_50 : memref<3120xf32, #tpu.memory_space<hbm>>) target(%dma_start3A_49 : memref<3120xf32, #tpu.memory_space<vmem>>) target_semaphore(%run_scoped3A : memref<!tpu.dma_semaphore, #tpu.memory_space<semaphore_mem>>)
      %dma_wait3A = arith.constant 9840 : i32
      %dma_wait3A_51 = tpu.memref_slice %arg17[%dma_wait3A] : memref<32800xf32, #tpu.memory_space<vmem>> -> memref<3120xf32, #tpu.memory_space<vmem>>
      %dma_wait3A_52 = tpu.memref_slice %arg8[%add3A_19] : memref<1000000xf32, #tpu.memory_space<hbm>> -> memref<3120xf32, #tpu.memory_space<hbm>>
      %dma_wait3A_53 = arith.constant 9840 : i32
      %dma_wait3A_54 = tpu.memref_slice %arg17[%dma_wait3A_53] : memref<32800xf32, #tpu.memory_space<vmem>> -> memref<3120xf32, #tpu.memory_space<vmem>>
      %dma_wait3A_55 = tpu.memref_slice %arg8[%add3A_19] : memref<1000000xf32, #tpu.memory_space<hbm>> -> memref<3120xf32, #tpu.memory_space<hbm>>
      tpu.wait_dma2 semaphore(%run_scoped3A : memref<!tpu.dma_semaphore, #tpu.memory_space<semaphore_mem>>) src(%dma_wait3A_55 : memref<3120xf32, #tpu.memory_space<hbm>>) dst(%dma_wait3A_54 : memref<3120xf32, #tpu.memory_space<vmem>>)
      tpu.yield
    }) : () -> ()
    %add3A_20 = arith.constant 400000 : i32
    %add3A_21 = arith.addi %add3A_20, %mul3A_11 : i32
    "tpu.region"() ({
      %run_scoped3A = tpu.sem_alloc : memref<!tpu.dma_semaphore, #tpu.memory_space<semaphore_mem>>
      %dma_start3A = arith.constant 13120 : i32
      %dma_start3A_46 = tpu.memref_slice %arg17[%dma_start3A] : memref<32800xf32, #tpu.memory_space<vmem>> -> memref<3120xf32, #tpu.memory_space<vmem>>
      %dma_start3A_47 = tpu.memref_slice %arg8[%add3A_21] : memref<1000000xf32, #tpu.memory_space<hbm>> -> memref<3120xf32, #tpu.memory_space<hbm>>
      %dma_start3A_48 = arith.constant 13120 : i32
      %dma_start3A_49 = tpu.memref_slice %arg17[%dma_start3A_48] : memref<32800xf32, #tpu.memory_space<vmem>> -> memref<3120xf32, #tpu.memory_space<vmem>>
      %dma_start3A_50 = tpu.memref_slice %arg8[%add3A_21] : memref<1000000xf32, #tpu.memory_space<hbm>> -> memref<3120xf32, #tpu.memory_space<hbm>>
      tpu.enqueue_dma source(%dma_start3A_50 : memref<3120xf32, #tpu.memory_space<hbm>>) target(%dma_start3A_49 : memref<3120xf32, #tpu.memory_space<vmem>>) target_semaphore(%run_scoped3A : memref<!tpu.dma_semaphore, #tpu.memory_space<semaphore_mem>>)
      %dma_wait3A = arith.constant 13120 : i32
      %dma_wait3A_51 = tpu.memref_slice %arg17[%dma_wait3A] : memref<32800xf32, #tpu.memory_space<vmem>> -> memref<3120xf32, #tpu.memory_space<vmem>>
      %dma_wait3A_52 = tpu.memref_slice %arg8[%add3A_21] : memref<1000000xf32, #tpu.memory_space<hbm>> -> memref<3120xf32, #tpu.memory_space<hbm>>
      %dma_wait3A_53 = arith.constant 13120 : i32
      %dma_wait3A_54 = tpu.memref_slice %arg17[%dma_wait3A_53] : memref<32800xf32, #tpu.memory_space<vmem>> -> memref<3120xf32, #tpu.memory_space<vmem>>
      %dma_wait3A_55 = tpu.memref_slice %arg8[%add3A_21] : memref<1000000xf32, #tpu.memory_space<hbm>> -> memref<3120xf32, #tpu.memory_space<hbm>>
      tpu.wait_dma2 semaphore(%run_scoped3A : memref<!tpu.dma_semaphore, #tpu.memory_space<semaphore_mem>>) src(%dma_wait3A_55 : memref<3120xf32, #tpu.memory_space<hbm>>) dst(%dma_wait3A_54 : memref<3120xf32, #tpu.memory_space<vmem>>)
      tpu.yield
    }) : () -> ()
    %add3A_22 = arith.constant 500000 : i32
    %add3A_23 = arith.addi %add3A_22, %mul3A_11 : i32
    "tpu.region"() ({
      %run_scoped3A = tpu.sem_alloc : memref<!tpu.dma_semaphore, #tpu.memory_space<semaphore_mem>>
      %dma_start3A = arith.constant 16400 : i32
      %dma_start3A_46 = tpu.memref_slice %arg17[%dma_start3A] : memref<32800xf32, #tpu.memory_space<vmem>> -> memref<3120xf32, #tpu.memory_space<vmem>>
      %dma_start3A_47 = tpu.memref_slice %arg8[%add3A_23] : memref<1000000xf32, #tpu.memory_space<hbm>> -> memref<3120xf32, #tpu.memory_space<hbm>>
      %dma_start3A_48 = arith.constant 16400 : i32
      %dma_start3A_49 = tpu.memref_slice %arg17[%dma_start3A_48] : memref<32800xf32, #tpu.memory_space<vmem>> -> memref<3120xf32, #tpu.memory_space<vmem>>
      %dma_start3A_50 = tpu.memref_slice %arg8[%add3A_23] : memref<1000000xf32, #tpu.memory_space<hbm>> -> memref<3120xf32, #tpu.memory_space<hbm>>
      tpu.enqueue_dma source(%dma_start3A_50 : memref<3120xf32, #tpu.memory_space<hbm>>) target(%dma_start3A_49 : memref<3120xf32, #tpu.memory_space<vmem>>) target_semaphore(%run_scoped3A : memref<!tpu.dma_semaphore, #tpu.memory_space<semaphore_mem>>)
      %dma_wait3A = arith.constant 16400 : i32
      %dma_wait3A_51 = tpu.memref_slice %arg17[%dma_wait3A] : memref<32800xf32, #tpu.memory_space<vmem>> -> memref<3120xf32, #tpu.memory_space<vmem>>
      %dma_wait3A_52 = tpu.memref_slice %arg8[%add3A_23] : memref<1000000xf32, #tpu.memory_space<hbm>> -> memref<3120xf32, #tpu.memory_space<hbm>>
      %dma_wait3A_53 = arith.constant 16400 : i32
      %dma_wait3A_54 = tpu.memref_slice %arg17[%dma_wait3A_53] : memref<32800xf32, #tpu.memory_space<vmem>> -> memref<3120xf32, #tpu.memory_space<vmem>>
      %dma_wait3A_55 = tpu.memref_slice %arg8[%add3A_23] : memref<1000000xf32, #tpu.memory_space<hbm>> -> memref<3120xf32, #tpu.memory_space<hbm>>
      tpu.wait_dma2 semaphore(%run_scoped3A : memref<!tpu.dma_semaphore, #tpu.memory_space<semaphore_mem>>) src(%dma_wait3A_55 : memref<3120xf32, #tpu.memory_space<hbm>>) dst(%dma_wait3A_54 : memref<3120xf32, #tpu.memory_space<vmem>>)
      tpu.yield
    }) : () -> ()
    %add3A_24 = arith.constant 600000 : i32
    %add3A_25 = arith.addi %add3A_24, %mul3A_11 : i32
    "tpu.region"() ({
      %run_scoped3A = tpu.sem_alloc : memref<!tpu.dma_semaphore, #tpu.memory_space<semaphore_mem>>
      %dma_start3A = arith.constant 19680 : i32
      %dma_start3A_46 = tpu.memref_slice %arg17[%dma_start3A] : memref<32800xf32, #tpu.memory_space<vmem>> -> memref<3120xf32, #tpu.memory_space<vmem>>
      %dma_start3A_47 = tpu.memref_slice %arg8[%add3A_25] : memref<1000000xf32, #tpu.memory_space<hbm>> -> memref<3120xf32, #tpu.memory_space<hbm>>
      %dma_start3A_48 = arith.constant 19680 : i32
      %dma_start3A_49 = tpu.memref_slice %arg17[%dma_start3A_48] : memref<32800xf32, #tpu.memory_space<vmem>> -> memref<3120xf32, #tpu.memory_space<vmem>>
      %dma_start3A_50 = tpu.memref_slice %arg8[%add3A_25] : memref<1000000xf32, #tpu.memory_space<hbm>> -> memref<3120xf32, #tpu.memory_space<hbm>>
      tpu.enqueue_dma source(%dma_start3A_50 : memref<3120xf32, #tpu.memory_space<hbm>>) target(%dma_start3A_49 : memref<3120xf32, #tpu.memory_space<vmem>>) target_semaphore(%run_scoped3A : memref<!tpu.dma_semaphore, #tpu.memory_space<semaphore_mem>>)
      %dma_wait3A = arith.constant 19680 : i32
      %dma_wait3A_51 = tpu.memref_slice %arg17[%dma_wait3A] : memref<32800xf32, #tpu.memory_space<vmem>> -> memref<3120xf32, #tpu.memory_space<vmem>>
      %dma_wait3A_52 = tpu.memref_slice %arg8[%add3A_25] : memref<1000000xf32, #tpu.memory_space<hbm>> -> memref<3120xf32, #tpu.memory_space<hbm>>
      %dma_wait3A_53 = arith.constant 19680 : i32
      %dma_wait3A_54 = tpu.memref_slice %arg17[%dma_wait3A_53] : memref<32800xf32, #tpu.memory_space<vmem>> -> memref<3120xf32, #tpu.memory_space<vmem>>
      %dma_wait3A_55 = tpu.memref_slice %arg8[%add3A_25] : memref<1000000xf32, #tpu.memory_space<hbm>> -> memref<3120xf32, #tpu.memory_space<hbm>>
      tpu.wait_dma2 semaphore(%run_scoped3A : memref<!tpu.dma_semaphore, #tpu.memory_space<semaphore_mem>>) src(%dma_wait3A_55 : memref<3120xf32, #tpu.memory_space<hbm>>) dst(%dma_wait3A_54 : memref<3120xf32, #tpu.memory_space<vmem>>)
      tpu.yield
    }) : () -> ()
    %add3A_26 = arith.constant 700000 : i32
    %add3A_27 = arith.addi %add3A_26, %mul3A_11 : i32
    "tpu.region"() ({
      %run_scoped3A = tpu.sem_alloc : memref<!tpu.dma_semaphore, #tpu.memory_space<semaphore_mem>>
      %dma_start3A = arith.constant 22960 : i32
      %dma_start3A_46 = tpu.memref_slice %arg17[%dma_start3A] : memref<32800xf32, #tpu.memory_space<vmem>> -> memref<3120xf32, #tpu.memory_space<vmem>>
      %dma_start3A_47 = tpu.memref_slice %arg8[%add3A_27] : memref<1000000xf32, #tpu.memory_space<hbm>> -> memref<3120xf32, #tpu.memory_space<hbm>>
      %dma_start3A_48 = arith.constant 22960 : i32
      %dma_start3A_49 = tpu.memref_slice %arg17[%dma_start3A_48] : memref<32800xf32, #tpu.memory_space<vmem>> -> memref<3120xf32, #tpu.memory_space<vmem>>
      %dma_start3A_50 = tpu.memref_slice %arg8[%add3A_27] : memref<1000000xf32, #tpu.memory_space<hbm>> -> memref<3120xf32, #tpu.memory_space<hbm>>
      tpu.enqueue_dma source(%dma_start3A_50 : memref<3120xf32, #tpu.memory_space<hbm>>) target(%dma_start3A_49 : memref<3120xf32, #tpu.memory_space<vmem>>) target_semaphore(%run_scoped3A : memref<!tpu.dma_semaphore, #tpu.memory_space<semaphore_mem>>)
      %dma_wait3A = arith.constant 22960 : i32
      %dma_wait3A_51 = tpu.memref_slice %arg17[%dma_wait3A] : memref<32800xf32, #tpu.memory_space<vmem>> -> memref<3120xf32, #tpu.memory_space<vmem>>
      %dma_wait3A_52 = tpu.memref_slice %arg8[%add3A_27] : memref<1000000xf32, #tpu.memory_space<hbm>> -> memref<3120xf32, #tpu.memory_space<hbm>>
      %dma_wait3A_53 = arith.constant 22960 : i32
      %dma_wait3A_54 = tpu.memref_slice %arg17[%dma_wait3A_53] : memref<32800xf32, #tpu.memory_space<vmem>> -> memref<3120xf32, #tpu.memory_space<vmem>>
      %dma_wait3A_55 = tpu.memref_slice %arg8[%add3A_27] : memref<1000000xf32, #tpu.memory_space<hbm>> -> memref<3120xf32, #tpu.memory_space<hbm>>
      tpu.wait_dma2 semaphore(%run_scoped3A : memref<!tpu.dma_semaphore, #tpu.memory_space<semaphore_mem>>) src(%dma_wait3A_55 : memref<3120xf32, #tpu.memory_space<hbm>>) dst(%dma_wait3A_54 : memref<3120xf32, #tpu.memory_space<vmem>>)
      tpu.yield
    }) : () -> ()
    %add3A_28 = arith.constant 800000 : i32
    %add3A_29 = arith.addi %add3A_28, %mul3A_11 : i32
    "tpu.region"() ({
      %run_scoped3A = tpu.sem_alloc : memref<!tpu.dma_semaphore, #tpu.memory_space<semaphore_mem>>
      %dma_start3A = arith.constant 26240 : i32
      %dma_start3A_46 = tpu.memref_slice %arg17[%dma_start3A] : memref<32800xf32, #tpu.memory_space<vmem>> -> memref<3120xf32, #tpu.memory_space<vmem>>
      %dma_start3A_47 = tpu.memref_slice %arg8[%add3A_29] : memref<1000000xf32, #tpu.memory_space<hbm>> -> memref<3120xf32, #tpu.memory_space<hbm>>
      %dma_start3A_48 = arith.constant 26240 : i32
      %dma_start3A_49 = tpu.memref_slice %arg17[%dma_start3A_48] : memref<32800xf32, #tpu.memory_space<vmem>> -> memref<3120xf32, #tpu.memory_space<vmem>>
      %dma_start3A_50 = tpu.memref_slice %arg8[%add3A_29] : memref<1000000xf32, #tpu.memory_space<hbm>> -> memref<3120xf32, #tpu.memory_space<hbm>>
      tpu.enqueue_dma source(%dma_start3A_50 : memref<3120xf32, #tpu.memory_space<hbm>>) target(%dma_start3A_49 : memref<3120xf32, #tpu.memory_space<vmem>>) target_semaphore(%run_scoped3A : memref<!tpu.dma_semaphore, #tpu.memory_space<semaphore_mem>>)
      %dma_wait3A = arith.constant 26240 : i32
      %dma_wait3A_51 = tpu.memref_slice %arg17[%dma_wait3A] : memref<32800xf32, #tpu.memory_space<vmem>> -> memref<3120xf32, #tpu.memory_space<vmem>>
      %dma_wait3A_52 = tpu.memref_slice %arg8[%add3A_29] : memref<1000000xf32, #tpu.memory_space<hbm>> -> memref<3120xf32, #tpu.memory_space<hbm>>
      %dma_wait3A_53 = arith.constant 26240 : i32
      %dma_wait3A_54 = tpu.memref_slice %arg17[%dma_wait3A_53] : memref<32800xf32, #tpu.memory_space<vmem>> -> memref<3120xf32, #tpu.memory_space<vmem>>
      %dma_wait3A_55 = tpu.memref_slice %arg8[%add3A_29] : memref<1000000xf32, #tpu.memory_space<hbm>> -> memref<3120xf32, #tpu.memory_space<hbm>>
      tpu.wait_dma2 semaphore(%run_scoped3A : memref<!tpu.dma_semaphore, #tpu.memory_space<semaphore_mem>>) src(%dma_wait3A_55 : memref<3120xf32, #tpu.memory_space<hbm>>) dst(%dma_wait3A_54 : memref<3120xf32, #tpu.memory_space<vmem>>)
      tpu.yield
    }) : () -> ()
    %add3A_30 = arith.constant 900000 : i32
    %add3A_31 = arith.addi %add3A_30, %mul3A_11 : i32
    "tpu.region"() ({
      %run_scoped3A = tpu.sem_alloc : memref<!tpu.dma_semaphore, #tpu.memory_space<semaphore_mem>>
      %dma_start3A = arith.constant 29520 : i32
      %dma_start3A_46 = tpu.memref_slice %arg17[%dma_start3A] : memref<32800xf32, #tpu.memory_space<vmem>> -> memref<3120xf32, #tpu.memory_space<vmem>>
      %dma_start3A_47 = tpu.memref_slice %arg8[%add3A_31] : memref<1000000xf32, #tpu.memory_space<hbm>> -> memref<3120xf32, #tpu.memory_space<hbm>>
      %dma_start3A_48 = arith.constant 29520 : i32
      %dma_start3A_49 = tpu.memref_slice %arg17[%dma_start3A_48] : memref<32800xf32, #tpu.memory_space<vmem>> -> memref<3120xf32, #tpu.memory_space<vmem>>
      %dma_start3A_50 = tpu.memref_slice %arg8[%add3A_31] : memref<1000000xf32, #tpu.memory_space<hbm>> -> memref<3120xf32, #tpu.memory_space<hbm>>
      tpu.enqueue_dma source(%dma_start3A_50 : memref<3120xf32, #tpu.memory_space<hbm>>) target(%dma_start3A_49 : memref<3120xf32, #tpu.memory_space<vmem>>) target_semaphore(%run_scoped3A : memref<!tpu.dma_semaphore, #tpu.memory_space<semaphore_mem>>)
      %dma_wait3A = arith.constant 29520 : i32
      %dma_wait3A_51 = tpu.memref_slice %arg17[%dma_wait3A] : memref<32800xf32, #tpu.memory_space<vmem>> -> memref<3120xf32, #tpu.memory_space<vmem>>
      %dma_wait3A_52 = tpu.memref_slice %arg8[%add3A_31] : memref<1000000xf32, #tpu.memory_space<hbm>> -> memref<3120xf32, #tpu.memory_space<hbm>>
      %dma_wait3A_53 = arith.constant 29520 : i32
      %dma_wait3A_54 = tpu.memref_slice %arg17[%dma_wait3A_53] : memref<32800xf32, #tpu.memory_space<vmem>> -> memref<3120xf32, #tpu.memory_space<vmem>>
      %dma_wait3A_55 = tpu.memref_slice %arg8[%add3A_31] : memref<1000000xf32, #tpu.memory_space<hbm>> -> memref<3120xf32, #tpu.memory_space<hbm>>
      tpu.wait_dma2 semaphore(%run_scoped3A : memref<!tpu.dma_semaphore, #tpu.memory_space<semaphore_mem>>) src(%dma_wait3A_55 : memref<3120xf32, #tpu.memory_space<hbm>>) dst(%dma_wait3A_54 : memref<3120xf32, #tpu.memory_space<vmem>>)
      tpu.yield
    }) : () -> ()
    %eq3A = arith.constant 31 : i32
    %eq3A_32 = arith.cmpi eq, %add3A, %eq3A : i32
    %convert_element_type3A = arith.extui %eq3A_32 : i1 to i32
    %cond3A = arith.constant 0 : i32
    %cond3A_33 = arith.cmpi ne, %convert_element_type3A, %cond3A : i32
    scf.if %cond3A_33 {
      "tpu.region"() ({
        %run_scoped3A = tpu.sem_alloc : memref<!tpu.dma_semaphore, #tpu.memory_space<semaphore_mem>>
        %dma_start3A = arith.constant 3120 : i32
        %dma_start3A_46 = tpu.memref_slice %arg14[%dma_start3A] : memref<3280xi32, #tpu.memory_space<vmem>> -> memref<160xi32, #tpu.memory_space<vmem>>
        %dma_start3A_47 = arith.constant 99840 : i32
        %dma_start3A_48 = tpu.memref_slice %arg5[%dma_start3A_47] : memref<100000xi32, #tpu.memory_space<hbm>> -> memref<160xi32, #tpu.memory_space<hbm>>
        %dma_start3A_49 = arith.constant 3120 : i32
        %dma_start3A_50 = tpu.memref_slice %arg14[%dma_start3A_49] : memref<3280xi32, #tpu.memory_space<vmem>> -> memref<160xi32, #tpu.memory_space<vmem>>
        %dma_start3A_51 = arith.constant 99840 : i32
        %dma_start3A_52 = tpu.memref_slice %arg5[%dma_start3A_51] : memref<100000xi32, #tpu.memory_space<hbm>> -> memref<160xi32, #tpu.memory_space<hbm>>
        tpu.enqueue_dma source(%dma_start3A_52 : memref<160xi32, #tpu.memory_space<hbm>>) target(%dma_start3A_50 : memref<160xi32, #tpu.memory_space<vmem>>) target_semaphore(%run_scoped3A : memref<!tpu.dma_semaphore, #tpu.memory_space<semaphore_mem>>)
        %dma_wait3A = arith.constant 3120 : i32
        %dma_wait3A_53 = tpu.memref_slice %arg14[%dma_wait3A] : memref<3280xi32, #tpu.memory_space<vmem>> -> memref<160xi32, #tpu.memory_space<vmem>>
        %dma_wait3A_54 = arith.constant 99840 : i32
        %dma_wait3A_55 = tpu.memref_slice %arg5[%dma_wait3A_54] : memref<100000xi32, #tpu.memory_space<hbm>> -> memref<160xi32, #tpu.memory_space<hbm>>
        %dma_wait3A_56 = arith.constant 3120 : i32
        %dma_wait3A_57 = tpu.memref_slice %arg14[%dma_wait3A_56] : memref<3280xi32, #tpu.memory_space<vmem>> -> memref<160xi32, #tpu.memory_space<vmem>>
        %dma_wait3A_58 = arith.constant 99840 : i32
        %dma_wait3A_59 = tpu.memref_slice %arg5[%dma_wait3A_58] : memref<100000xi32, #tpu.memory_space<hbm>> -> memref<160xi32, #tpu.memory_space<hbm>>
        tpu.wait_dma2 semaphore(%run_scoped3A : memref<!tpu.dma_semaphore, #tpu.memory_space<semaphore_mem>>) src(%dma_wait3A_59 : memref<160xi32, #tpu.memory_space<hbm>>) dst(%dma_wait3A_57 : memref<160xi32, #tpu.memory_space<vmem>>)
        tpu.yield
      }) : () -> ()
      "tpu.region"() ({
        %run_scoped3A = tpu.sem_alloc : memref<!tpu.dma_semaphore, #tpu.memory_space<semaphore_mem>>
        %dma_start3A = arith.constant 3120 : i32
        %dma_start3A_46 = tpu.memref_slice %arg15[%dma_start3A] : memref<3280xi32, #tpu.memory_space<vmem>> -> memref<160xi32, #tpu.memory_space<vmem>>
        %dma_start3A_47 = arith.constant 99840 : i32
        %dma_start3A_48 = tpu.memref_slice %arg6[%dma_start3A_47] : memref<100000xi32, #tpu.memory_space<hbm>> -> memref<160xi32, #tpu.memory_space<hbm>>
        %dma_start3A_49 = arith.constant 3120 : i32
        %dma_start3A_50 = tpu.memref_slice %arg15[%dma_start3A_49] : memref<3280xi32, #tpu.memory_space<vmem>> -> memref<160xi32, #tpu.memory_space<vmem>>
        %dma_start3A_51 = arith.constant 99840 : i32
        %dma_start3A_52 = tpu.memref_slice %arg6[%dma_start3A_51] : memref<100000xi32, #tpu.memory_space<hbm>> -> memref<160xi32, #tpu.memory_space<hbm>>
        tpu.enqueue_dma source(%dma_start3A_52 : memref<160xi32, #tpu.memory_space<hbm>>) target(%dma_start3A_50 : memref<160xi32, #tpu.memory_space<vmem>>) target_semaphore(%run_scoped3A : memref<!tpu.dma_semaphore, #tpu.memory_space<semaphore_mem>>)
        %dma_wait3A = arith.constant 3120 : i32
        %dma_wait3A_53 = tpu.memref_slice %arg15[%dma_wait3A] : memref<3280xi32, #tpu.memory_space<vmem>> -> memref<160xi32, #tpu.memory_space<vmem>>
        %dma_wait3A_54 = arith.constant 99840 : i32
        %dma_wait3A_55 = tpu.memref_slice %arg6[%dma_wait3A_54] : memref<100000xi32, #tpu.memory_space<hbm>> -> memref<160xi32, #tpu.memory_space<hbm>>
        %dma_wait3A_56 = arith.constant 3120 : i32
        %dma_wait3A_57 = tpu.memref_slice %arg15[%dma_wait3A_56] : memref<3280xi32, #tpu.memory_space<vmem>> -> memref<160xi32, #tpu.memory_space<vmem>>
        %dma_wait3A_58 = arith.constant 99840 : i32
        %dma_wait3A_59 = tpu.memref_slice %arg6[%dma_wait3A_58] : memref<100000xi32, #tpu.memory_space<hbm>> -> memref<160xi32, #tpu.memory_space<hbm>>
        tpu.wait_dma2 semaphore(%run_scoped3A : memref<!tpu.dma_semaphore, #tpu.memory_space<semaphore_mem>>) src(%dma_wait3A_59 : memref<160xi32, #tpu.memory_space<hbm>>) dst(%dma_wait3A_57 : memref<160xi32, #tpu.memory_space<vmem>>)
        tpu.yield
      }) : () -> ()
      "tpu.region"() ({
        %run_scoped3A = tpu.sem_alloc : memref<!tpu.dma_semaphore, #tpu.memory_space<semaphore_mem>>
        %dma_start3A = arith.constant 3120 : i32
        %dma_start3A_46 = tpu.memref_slice %arg16[%dma_start3A] : memref<3280xf32, #tpu.memory_space<vmem>> -> memref<160xf32, #tpu.memory_space<vmem>>
        %dma_start3A_47 = arith.constant 99840 : i32
        %dma_start3A_48 = tpu.memref_slice %arg7[%dma_start3A_47] : memref<100000xf32, #tpu.memory_space<hbm>> -> memref<160xf32, #tpu.memory_space<hbm>>
        %dma_start3A_49 = arith.constant 3120 : i32
        %dma_start3A_50 = tpu.memref_slice %arg16[%dma_start3A_49] : memref<3280xf32, #tpu.memory_space<vmem>> -> memref<160xf32, #tpu.memory_space<vmem>>
        %dma_start3A_51 = arith.constant 99840 : i32
        %dma_start3A_52 = tpu.memref_slice %arg7[%dma_start3A_51] : memref<100000xf32, #tpu.memory_space<hbm>> -> memref<160xf32, #tpu.memory_space<hbm>>
        tpu.enqueue_dma source(%dma_start3A_52 : memref<160xf32, #tpu.memory_space<hbm>>) target(%dma_start3A_50 : memref<160xf32, #tpu.memory_space<vmem>>) target_semaphore(%run_scoped3A : memref<!tpu.dma_semaphore, #tpu.memory_space<semaphore_mem>>)
        %dma_wait3A = arith.constant 3120 : i32
        %dma_wait3A_53 = tpu.memref_slice %arg16[%dma_wait3A] : memref<3280xf32, #tpu.memory_space<vmem>> -> memref<160xf32, #tpu.memory_space<vmem>>
        %dma_wait3A_54 = arith.constant 99840 : i32
        %dma_wait3A_55 = tpu.memref_slice %arg7[%dma_wait3A_54] : memref<100000xf32, #tpu.memory_space<hbm>> -> memref<160xf32, #tpu.memory_space<hbm>>
        %dma_wait3A_56 = arith.constant 3120 : i32
        %dma_wait3A_57 = tpu.memref_slice %arg16[%dma_wait3A_56] : memref<3280xf32, #tpu.memory_space<vmem>> -> memref<160xf32, #tpu.memory_space<vmem>>
        %dma_wait3A_58 = arith.constant 99840 : i32
        %dma_wait3A_59 = tpu.memref_slice %arg7[%dma_wait3A_58] : memref<100000xf32, #tpu.memory_space<hbm>> -> memref<160xf32, #tpu.memory_space<hbm>>
        tpu.wait_dma2 semaphore(%run_scoped3A : memref<!tpu.dma_semaphore, #tpu.memory_space<semaphore_mem>>) src(%dma_wait3A_59 : memref<160xf32, #tpu.memory_space<hbm>>) dst(%dma_wait3A_57 : memref<160xf32, #tpu.memory_space<vmem>>)
        tpu.yield
      }) : () -> ()
      "tpu.region"() ({
        %run_scoped3A = tpu.sem_alloc : memref<!tpu.dma_semaphore, #tpu.memory_space<semaphore_mem>>
        %dma_start3A = arith.constant 3120 : i32
        %dma_start3A_46 = tpu.memref_slice %arg17[%dma_start3A] : memref<32800xf32, #tpu.memory_space<vmem>> -> memref<160xf32, #tpu.memory_space<vmem>>
        %dma_start3A_47 = arith.constant 99840 : i32
        %dma_start3A_48 = tpu.memref_slice %arg8[%dma_start3A_47] : memref<1000000xf32, #tpu.memory_space<hbm>> -> memref<160xf32, #tpu.memory_space<hbm>>
        %dma_start3A_49 = arith.constant 3120 : i32
        %dma_start3A_50 = tpu.memref_slice %arg17[%dma_start3A_49] : memref<32800xf32, #tpu.memory_space<vmem>> -> memref<160xf32, #tpu.memory_space<vmem>>
        %dma_start3A_51 = arith.constant 99840 : i32
        %dma_start3A_52 = tpu.memref_slice %arg8[%dma_start3A_51] : memref<1000000xf32, #tpu.memory_space<hbm>> -> memref<160xf32, #tpu.memory_space<hbm>>
        tpu.enqueue_dma source(%dma_start3A_52 : memref<160xf32, #tpu.memory_space<hbm>>) target(%dma_start3A_50 : memref<160xf32, #tpu.memory_space<vmem>>) target_semaphore(%run_scoped3A : memref<!tpu.dma_semaphore, #tpu.memory_space<semaphore_mem>>)
        %dma_wait3A = arith.constant 3120 : i32
        %dma_wait3A_53 = tpu.memref_slice %arg17[%dma_wait3A] : memref<32800xf32, #tpu.memory_space<vmem>> -> memref<160xf32, #tpu.memory_space<vmem>>
        %dma_wait3A_54 = arith.constant 99840 : i32
        %dma_wait3A_55 = tpu.memref_slice %arg8[%dma_wait3A_54] : memref<1000000xf32, #tpu.memory_space<hbm>> -> memref<160xf32, #tpu.memory_space<hbm>>
        %dma_wait3A_56 = arith.constant 3120 : i32
        %dma_wait3A_57 = tpu.memref_slice %arg17[%dma_wait3A_56] : memref<32800xf32, #tpu.memory_space<vmem>> -> memref<160xf32, #tpu.memory_space<vmem>>
        %dma_wait3A_58 = arith.constant 99840 : i32
        %dma_wait3A_59 = tpu.memref_slice %arg8[%dma_wait3A_58] : memref<1000000xf32, #tpu.memory_space<hbm>> -> memref<160xf32, #tpu.memory_space<hbm>>
        tpu.wait_dma2 semaphore(%run_scoped3A : memref<!tpu.dma_semaphore, #tpu.memory_space<semaphore_mem>>) src(%dma_wait3A_59 : memref<160xf32, #tpu.memory_space<hbm>>) dst(%dma_wait3A_57 : memref<160xf32, #tpu.memory_space<vmem>>)
        tpu.yield
      }) : () -> ()
      "tpu.region"() ({
        %run_scoped3A = tpu.sem_alloc : memref<!tpu.dma_semaphore, #tpu.memory_space<semaphore_mem>>
        %dma_start3A = arith.constant 6400 : i32
        %dma_start3A_46 = tpu.memref_slice %arg17[%dma_start3A] : memref<32800xf32, #tpu.memory_space<vmem>> -> memref<160xf32, #tpu.memory_space<vmem>>
        %dma_start3A_47 = arith.constant 199840 : i32
        %dma_start3A_48 = tpu.memref_slice %arg8[%dma_start3A_47] : memref<1000000xf32, #tpu.memory_space<hbm>> -> memref<160xf32, #tpu.memory_space<hbm>>
        %dma_start3A_49 = arith.constant 6400 : i32
        %dma_start3A_50 = tpu.memref_slice %arg17[%dma_start3A_49] : memref<32800xf32, #tpu.memory_space<vmem>> -> memref<160xf32, #tpu.memory_space<vmem>>
        %dma_start3A_51 = arith.constant 199840 : i32
        %dma_start3A_52 = tpu.memref_slice %arg8[%dma_start3A_51] : memref<1000000xf32, #tpu.memory_space<hbm>> -> memref<160xf32, #tpu.memory_space<hbm>>
        tpu.enqueue_dma source(%dma_start3A_52 : memref<160xf32, #tpu.memory_space<hbm>>) target(%dma_start3A_50 : memref<160xf32, #tpu.memory_space<vmem>>) target_semaphore(%run_scoped3A : memref<!tpu.dma_semaphore, #tpu.memory_space<semaphore_mem>>)
        %dma_wait3A = arith.constant 6400 : i32
        %dma_wait3A_53 = tpu.memref_slice %arg17[%dma_wait3A] : memref<32800xf32, #tpu.memory_space<vmem>> -> memref<160xf32, #tpu.memory_space<vmem>>
        %dma_wait3A_54 = arith.constant 199840 : i32
        %dma_wait3A_55 = tpu.memref_slice %arg8[%dma_wait3A_54] : memref<1000000xf32, #tpu.memory_space<hbm>> -> memref<160xf32, #tpu.memory_space<hbm>>
        %dma_wait3A_56 = arith.constant 6400 : i32
        %dma_wait3A_57 = tpu.memref_slice %arg17[%dma_wait3A_56] : memref<32800xf32, #tpu.memory_space<vmem>> -> memref<160xf32, #tpu.memory_space<vmem>>
        %dma_wait3A_58 = arith.constant 199840 : i32
        %dma_wait3A_59 = tpu.memref_slice %arg8[%dma_wait3A_58] : memref<1000000xf32, #tpu.memory_space<hbm>> -> memref<160xf32, #tpu.memory_space<hbm>>
        tpu.wait_dma2 semaphore(%run_scoped3A : memref<!tpu.dma_semaphore, #tpu.memory_space<semaphore_mem>>) src(%dma_wait3A_59 : memref<160xf32, #tpu.memory_space<hbm>>) dst(%dma_wait3A_57 : memref<160xf32, #tpu.memory_space<vmem>>)
        tpu.yield
      }) : () -> ()
      "tpu.region"() ({
        %run_scoped3A = tpu.sem_alloc : memref<!tpu.dma_semaphore, #tpu.memory_space<semaphore_mem>>
        %dma_start3A = arith.constant 9680 : i32
        %dma_start3A_46 = tpu.memref_slice %arg17[%dma_start3A] : memref<32800xf32, #tpu.memory_space<vmem>> -> memref<160xf32, #tpu.memory_space<vmem>>
        %dma_start3A_47 = arith.constant 299840 : i32
        %dma_start3A_48 = tpu.memref_slice %arg8[%dma_start3A_47] : memref<1000000xf32, #tpu.memory_space<hbm>> -> memref<160xf32, #tpu.memory_space<hbm>>
        %dma_start3A_49 = arith.constant 9680 : i32
        %dma_start3A_50 = tpu.memref_slice %arg17[%dma_start3A_49] : memref<32800xf32, #tpu.memory_space<vmem>> -> memref<160xf32, #tpu.memory_space<vmem>>
        %dma_start3A_51 = arith.constant 299840 : i32
        %dma_start3A_52 = tpu.memref_slice %arg8[%dma_start3A_51] : memref<1000000xf32, #tpu.memory_space<hbm>> -> memref<160xf32, #tpu.memory_space<hbm>>
        tpu.enqueue_dma source(%dma_start3A_52 : memref<160xf32, #tpu.memory_space<hbm>>) target(%dma_start3A_50 : memref<160xf32, #tpu.memory_space<vmem>>) target_semaphore(%run_scoped3A : memref<!tpu.dma_semaphore, #tpu.memory_space<semaphore_mem>>)
        %dma_wait3A = arith.constant 9680 : i32
        %dma_wait3A_53 = tpu.memref_slice %arg17[%dma_wait3A] : memref<32800xf32, #tpu.memory_space<vmem>> -> memref<160xf32, #tpu.memory_space<vmem>>
        %dma_wait3A_54 = arith.constant 299840 : i32
        %dma_wait3A_55 = tpu.memref_slice %arg8[%dma_wait3A_54] : memref<1000000xf32, #tpu.memory_space<hbm>> -> memref<160xf32, #tpu.memory_space<hbm>>
        %dma_wait3A_56 = arith.constant 9680 : i32
        %dma_wait3A_57 = tpu.memref_slice %arg17[%dma_wait3A_56] : memref<32800xf32, #tpu.memory_space<vmem>> -> memref<160xf32, #tpu.memory_space<vmem>>
        %dma_wait3A_58 = arith.constant 299840 : i32
        %dma_wait3A_59 = tpu.memref_slice %arg8[%dma_wait3A_58] : memref<1000000xf32, #tpu.memory_space<hbm>> -> memref<160xf32, #tpu.memory_space<hbm>>
        tpu.wait_dma2 semaphore(%run_scoped3A : memref<!tpu.dma_semaphore, #tpu.memory_space<semaphore_mem>>) src(%dma_wait3A_59 : memref<160xf32, #tpu.memory_space<hbm>>) dst(%dma_wait3A_57 : memref<160xf32, #tpu.memory_space<vmem>>)
        tpu.yield
      }) : () -> ()
      "tpu.region"() ({
        %run_scoped3A = tpu.sem_alloc : memref<!tpu.dma_semaphore, #tpu.memory_space<semaphore_mem>>
        %dma_start3A = arith.constant 12960 : i32
        %dma_start3A_46 = tpu.memref_slice %arg17[%dma_start3A] : memref<32800xf32, #tpu.memory_space<vmem>> -> memref<160xf32, #tpu.memory_space<vmem>>
        %dma_start3A_47 = arith.constant 399840 : i32
        %dma_start3A_48 = tpu.memref_slice %arg8[%dma_start3A_47] : memref<1000000xf32, #tpu.memory_space<hbm>> -> memref<160xf32, #tpu.memory_space<hbm>>
        %dma_start3A_49 = arith.constant 12960 : i32
        %dma_start3A_50 = tpu.memref_slice %arg17[%dma_start3A_49] : memref<32800xf32, #tpu.memory_space<vmem>> -> memref<160xf32, #tpu.memory_space<vmem>>
        %dma_start3A_51 = arith.constant 399840 : i32
        %dma_start3A_52 = tpu.memref_slice %arg8[%dma_start3A_51] : memref<1000000xf32, #tpu.memory_space<hbm>> -> memref<160xf32, #tpu.memory_space<hbm>>
        tpu.enqueue_dma source(%dma_start3A_52 : memref<160xf32, #tpu.memory_space<hbm>>) target(%dma_start3A_50 : memref<160xf32, #tpu.memory_space<vmem>>) target_semaphore(%run_scoped3A : memref<!tpu.dma_semaphore, #tpu.memory_space<semaphore_mem>>)
        %dma_wait3A = arith.constant 12960 : i32
        %dma_wait3A_53 = tpu.memref_slice %arg17[%dma_wait3A] : memref<32800xf32, #tpu.memory_space<vmem>> -> memref<160xf32, #tpu.memory_space<vmem>>
        %dma_wait3A_54 = arith.constant 399840 : i32
        %dma_wait3A_55 = tpu.memref_slice %arg8[%dma_wait3A_54] : memref<1000000xf32, #tpu.memory_space<hbm>> -> memref<160xf32, #tpu.memory_space<hbm>>
        %dma_wait3A_56 = arith.constant 12960 : i32
        %dma_wait3A_57 = tpu.memref_slice %arg17[%dma_wait3A_56] : memref<32800xf32, #tpu.memory_space<vmem>> -> memref<160xf32, #tpu.memory_space<vmem>>
        %dma_wait3A_58 = arith.constant 399840 : i32
        %dma_wait3A_59 = tpu.memref_slice %arg8[%dma_wait3A_58] : memref<1000000xf32, #tpu.memory_space<hbm>> -> memref<160xf32, #tpu.memory_space<hbm>>
        tpu.wait_dma2 semaphore(%run_scoped3A : memref<!tpu.dma_semaphore, #tpu.memory_space<semaphore_mem>>) src(%dma_wait3A_59 : memref<160xf32, #tpu.memory_space<hbm>>) dst(%dma_wait3A_57 : memref<160xf32, #tpu.memory_space<vmem>>)
        tpu.yield
      }) : () -> ()
      "tpu.region"() ({
        %run_scoped3A = tpu.sem_alloc : memref<!tpu.dma_semaphore, #tpu.memory_space<semaphore_mem>>
        %dma_start3A = arith.constant 16240 : i32
        %dma_start3A_46 = tpu.memref_slice %arg17[%dma_start3A] : memref<32800xf32, #tpu.memory_space<vmem>> -> memref<160xf32, #tpu.memory_space<vmem>>
        %dma_start3A_47 = arith.constant 499840 : i32
        %dma_start3A_48 = tpu.memref_slice %arg8[%dma_start3A_47] : memref<1000000xf32, #tpu.memory_space<hbm>> -> memref<160xf32, #tpu.memory_space<hbm>>
        %dma_start3A_49 = arith.constant 16240 : i32
        %dma_start3A_50 = tpu.memref_slice %arg17[%dma_start3A_49] : memref<32800xf32, #tpu.memory_space<vmem>> -> memref<160xf32, #tpu.memory_space<vmem>>
        %dma_start3A_51 = arith.constant 499840 : i32
        %dma_start3A_52 = tpu.memref_slice %arg8[%dma_start3A_51] : memref<1000000xf32, #tpu.memory_space<hbm>> -> memref<160xf32, #tpu.memory_space<hbm>>
        tpu.enqueue_dma source(%dma_start3A_52 : memref<160xf32, #tpu.memory_space<hbm>>) target(%dma_start3A_50 : memref<160xf32, #tpu.memory_space<vmem>>) target_semaphore(%run_scoped3A : memref<!tpu.dma_semaphore, #tpu.memory_space<semaphore_mem>>)
        %dma_wait3A = arith.constant 16240 : i32
        %dma_wait3A_53 = tpu.memref_slice %arg17[%dma_wait3A] : memref<32800xf32, #tpu.memory_space<vmem>> -> memref<160xf32, #tpu.memory_space<vmem>>
        %dma_wait3A_54 = arith.constant 499840 : i32
        %dma_wait3A_55 = tpu.memref_slice %arg8[%dma_wait3A_54] : memref<1000000xf32, #tpu.memory_space<hbm>> -> memref<160xf32, #tpu.memory_space<hbm>>
        %dma_wait3A_56 = arith.constant 16240 : i32
        %dma_wait3A_57 = tpu.memref_slice %arg17[%dma_wait3A_56] : memref<32800xf32, #tpu.memory_space<vmem>> -> memref<160xf32, #tpu.memory_space<vmem>>
        %dma_wait3A_58 = arith.constant 499840 : i32
        %dma_wait3A_59 = tpu.memref_slice %arg8[%dma_wait3A_58] : memref<1000000xf32, #tpu.memory_space<hbm>> -> memref<160xf32, #tpu.memory_space<hbm>>
        tpu.wait_dma2 semaphore(%run_scoped3A : memref<!tpu.dma_semaphore, #tpu.memory_space<semaphore_mem>>) src(%dma_wait3A_59 : memref<160xf32, #tpu.memory_space<hbm>>) dst(%dma_wait3A_57 : memref<160xf32, #tpu.memory_space<vmem>>)
        tpu.yield
      }) : () -> ()
      "tpu.region"() ({
        %run_scoped3A = tpu.sem_alloc : memref<!tpu.dma_semaphore, #tpu.memory_space<semaphore_mem>>
        %dma_start3A = arith.constant 19520 : i32
        %dma_start3A_46 = tpu.memref_slice %arg17[%dma_start3A] : memref<32800xf32, #tpu.memory_space<vmem>> -> memref<160xf32, #tpu.memory_space<vmem>>
        %dma_start3A_47 = arith.constant 599840 : i32
        %dma_start3A_48 = tpu.memref_slice %arg8[%dma_start3A_47] : memref<1000000xf32, #tpu.memory_space<hbm>> -> memref<160xf32, #tpu.memory_space<hbm>>
        %dma_start3A_49 = arith.constant 19520 : i32
        %dma_start3A_50 = tpu.memref_slice %arg17[%dma_start3A_49] : memref<32800xf32, #tpu.memory_space<vmem>> -> memref<160xf32, #tpu.memory_space<vmem>>
        %dma_start3A_51 = arith.constant 599840 : i32
        %dma_start3A_52 = tpu.memref_slice %arg8[%dma_start3A_51] : memref<1000000xf32, #tpu.memory_space<hbm>> -> memref<160xf32, #tpu.memory_space<hbm>>
        tpu.enqueue_dma source(%dma_start3A_52 : memref<160xf32, #tpu.memory_space<hbm>>) target(%dma_start3A_50 : memref<160xf32, #tpu.memory_space<vmem>>) target_semaphore(%run_scoped3A : memref<!tpu.dma_semaphore, #tpu.memory_space<semaphore_mem>>)
        %dma_wait3A = arith.constant 19520 : i32
        %dma_wait3A_53 = tpu.memref_slice %arg17[%dma_wait3A] : memref<32800xf32, #tpu.memory_space<vmem>> -> memref<160xf32, #tpu.memory_space<vmem>>
        %dma_wait3A_54 = arith.constant 599840 : i32
        %dma_wait3A_55 = tpu.memref_slice %arg8[%dma_wait3A_54] : memref<1000000xf32, #tpu.memory_space<hbm>> -> memref<160xf32, #tpu.memory_space<hbm>>
        %dma_wait3A_56 = arith.constant 19520 : i32
        %dma_wait3A_57 = tpu.memref_slice %arg17[%dma_wait3A_56] : memref<32800xf32, #tpu.memory_space<vmem>> -> memref<160xf32, #tpu.memory_space<vmem>>
        %dma_wait3A_58 = arith.constant 599840 : i32
        %dma_wait3A_59 = tpu.memref_slice %arg8[%dma_wait3A_58] : memref<1000000xf32, #tpu.memory_space<hbm>> -> memref<160xf32, #tpu.memory_space<hbm>>
        tpu.wait_dma2 semaphore(%run_scoped3A : memref<!tpu.dma_semaphore, #tpu.memory_space<semaphore_mem>>) src(%dma_wait3A_59 : memref<160xf32, #tpu.memory_space<hbm>>) dst(%dma_wait3A_57 : memref<160xf32, #tpu.memory_space<vmem>>)
        tpu.yield
      }) : () -> ()
      "tpu.region"() ({
        %run_scoped3A = tpu.sem_alloc : memref<!tpu.dma_semaphore, #tpu.memory_space<semaphore_mem>>
        %dma_start3A = arith.constant 22800 : i32
        %dma_start3A_46 = tpu.memref_slice %arg17[%dma_start3A] : memref<32800xf32, #tpu.memory_space<vmem>> -> memref<160xf32, #tpu.memory_space<vmem>>
        %dma_start3A_47 = arith.constant 699840 : i32
        %dma_start3A_48 = tpu.memref_slice %arg8[%dma_start3A_47] : memref<1000000xf32, #tpu.memory_space<hbm>> -> memref<160xf32, #tpu.memory_space<hbm>>
        %dma_start3A_49 = arith.constant 22800 : i32
        %dma_start3A_50 = tpu.memref_slice %arg17[%dma_start3A_49] : memref<32800xf32, #tpu.memory_space<vmem>> -> memref<160xf32, #tpu.memory_space<vmem>>
        %dma_start3A_51 = arith.constant 699840 : i32
        %dma_start3A_52 = tpu.memref_slice %arg8[%dma_start3A_51] : memref<1000000xf32, #tpu.memory_space<hbm>> -> memref<160xf32, #tpu.memory_space<hbm>>
        tpu.enqueue_dma source(%dma_start3A_52 : memref<160xf32, #tpu.memory_space<hbm>>) target(%dma_start3A_50 : memref<160xf32, #tpu.memory_space<vmem>>) target_semaphore(%run_scoped3A : memref<!tpu.dma_semaphore, #tpu.memory_space<semaphore_mem>>)
        %dma_wait3A = arith.constant 22800 : i32
        %dma_wait3A_53 = tpu.memref_slice %arg17[%dma_wait3A] : memref<32800xf32, #tpu.memory_space<vmem>> -> memref<160xf32, #tpu.memory_space<vmem>>
        %dma_wait3A_54 = arith.constant 699840 : i32
        %dma_wait3A_55 = tpu.memref_slice %arg8[%dma_wait3A_54] : memref<1000000xf32, #tpu.memory_space<hbm>> -> memref<160xf32, #tpu.memory_space<hbm>>
        %dma_wait3A_56 = arith.constant 22800 : i32
        %dma_wait3A_57 = tpu.memref_slice %arg17[%dma_wait3A_56] : memref<32800xf32, #tpu.memory_space<vmem>> -> memref<160xf32, #tpu.memory_space<vmem>>
        %dma_wait3A_58 = arith.constant 699840 : i32
        %dma_wait3A_59 = tpu.memref_slice %arg8[%dma_wait3A_58] : memref<1000000xf32, #tpu.memory_space<hbm>> -> memref<160xf32, #tpu.memory_space<hbm>>
        tpu.wait_dma2 semaphore(%run_scoped3A : memref<!tpu.dma_semaphore, #tpu.memory_space<semaphore_mem>>) src(%dma_wait3A_59 : memref<160xf32, #tpu.memory_space<hbm>>) dst(%dma_wait3A_57 : memref<160xf32, #tpu.memory_space<vmem>>)
        tpu.yield
      }) : () -> ()
      "tpu.region"() ({
        %run_scoped3A = tpu.sem_alloc : memref<!tpu.dma_semaphore, #tpu.memory_space<semaphore_mem>>
        %dma_start3A = arith.constant 26080 : i32
        %dma_start3A_46 = tpu.memref_slice %arg17[%dma_start3A] : memref<32800xf32, #tpu.memory_space<vmem>> -> memref<160xf32, #tpu.memory_space<vmem>>
        %dma_start3A_47 = arith.constant 799840 : i32
        %dma_start3A_48 = tpu.memref_slice %arg8[%dma_start3A_47] : memref<1000000xf32, #tpu.memory_space<hbm>> -> memref<160xf32, #tpu.memory_space<hbm>>
        %dma_start3A_49 = arith.constant 26080 : i32
        %dma_start3A_50 = tpu.memref_slice %arg17[%dma_start3A_49] : memref<32800xf32, #tpu.memory_space<vmem>> -> memref<160xf32, #tpu.memory_space<vmem>>
        %dma_start3A_51 = arith.constant 799840 : i32
        %dma_start3A_52 = tpu.memref_slice %arg8[%dma_start3A_51] : memref<1000000xf32, #tpu.memory_space<hbm>> -> memref<160xf32, #tpu.memory_space<hbm>>
        tpu.enqueue_dma source(%dma_start3A_52 : memref<160xf32, #tpu.memory_space<hbm>>) target(%dma_start3A_50 : memref<160xf32, #tpu.memory_space<vmem>>) target_semaphore(%run_scoped3A : memref<!tpu.dma_semaphore, #tpu.memory_space<semaphore_mem>>)
        %dma_wait3A = arith.constant 26080 : i32
        %dma_wait3A_53 = tpu.memref_slice %arg17[%dma_wait3A] : memref<32800xf32, #tpu.memory_space<vmem>> -> memref<160xf32, #tpu.memory_space<vmem>>
        %dma_wait3A_54 = arith.constant 799840 : i32
        %dma_wait3A_55 = tpu.memref_slice %arg8[%dma_wait3A_54] : memref<1000000xf32, #tpu.memory_space<hbm>> -> memref<160xf32, #tpu.memory_space<hbm>>
        %dma_wait3A_56 = arith.constant 26080 : i32
        %dma_wait3A_57 = tpu.memref_slice %arg17[%dma_wait3A_56] : memref<32800xf32, #tpu.memory_space<vmem>> -> memref<160xf32, #tpu.memory_space<vmem>>
        %dma_wait3A_58 = arith.constant 799840 : i32
        %dma_wait3A_59 = tpu.memref_slice %arg8[%dma_wait3A_58] : memref<1000000xf32, #tpu.memory_space<hbm>> -> memref<160xf32, #tpu.memory_space<hbm>>
        tpu.wait_dma2 semaphore(%run_scoped3A : memref<!tpu.dma_semaphore, #tpu.memory_space<semaphore_mem>>) src(%dma_wait3A_59 : memref<160xf32, #tpu.memory_space<hbm>>) dst(%dma_wait3A_57 : memref<160xf32, #tpu.memory_space<vmem>>)
        tpu.yield
      }) : () -> ()
      "tpu.region"() ({
        %run_scoped3A = tpu.sem_alloc : memref<!tpu.dma_semaphore, #tpu.memory_space<semaphore_mem>>
        %dma_start3A = arith.constant 29360 : i32
        %dma_start3A_46 = tpu.memref_slice %arg17[%dma_start3A] : memref<32800xf32, #tpu.memory_space<vmem>> -> memref<160xf32, #tpu.memory_space<vmem>>
        %dma_start3A_47 = arith.constant 899840 : i32
        %dma_start3A_48 = tpu.memref_slice %arg8[%dma_start3A_47] : memref<1000000xf32, #tpu.memory_space<hbm>> -> memref<160xf32, #tpu.memory_space<hbm>>
        %dma_start3A_49 = arith.constant 29360 : i32
        %dma_start3A_50 = tpu.memref_slice %arg17[%dma_start3A_49] : memref<32800xf32, #tpu.memory_space<vmem>> -> memref<160xf32, #tpu.memory_space<vmem>>
        %dma_start3A_51 = arith.constant 899840 : i32
        %dma_start3A_52 = tpu.memref_slice %arg8[%dma_start3A_51] : memref<1000000xf32, #tpu.memory_space<hbm>> -> memref<160xf32, #tpu.memory_space<hbm>>
        tpu.enqueue_dma source(%dma_start3A_52 : memref<160xf32, #tpu.memory_space<hbm>>) target(%dma_start3A_50 : memref<160xf32, #tpu.memory_space<vmem>>) target_semaphore(%run_scoped3A : memref<!tpu.dma_semaphore, #tpu.memory_space<semaphore_mem>>)
        %dma_wait3A = arith.constant 29360 : i32
        %dma_wait3A_53 = tpu.memref_slice %arg17[%dma_wait3A] : memref<32800xf32, #tpu.memory_space<vmem>> -> memref<160xf32, #tpu.memory_space<vmem>>
        %dma_wait3A_54 = arith.constant 899840 : i32
        %dma_wait3A_55 = tpu.memref_slice %arg8[%dma_wait3A_54] : memref<1000000xf32, #tpu.memory_space<hbm>> -> memref<160xf32, #tpu.memory_space<hbm>>
        %dma_wait3A_56 = arith.constant 29360 : i32
        %dma_wait3A_57 = tpu.memref_slice %arg17[%dma_wait3A_56] : memref<32800xf32, #tpu.memory_space<vmem>> -> memref<160xf32, #tpu.memory_space<vmem>>
        %dma_wait3A_58 = arith.constant 899840 : i32
        %dma_wait3A_59 = tpu.memref_slice %arg8[%dma_wait3A_58] : memref<1000000xf32, #tpu.memory_space<hbm>> -> memref<160xf32, #tpu.memory_space<hbm>>
        tpu.wait_dma2 semaphore(%run_scoped3A : memref<!tpu.dma_semaphore, #tpu.memory_space<semaphore_mem>>) src(%dma_wait3A_59 : memref<160xf32, #tpu.memory_space<hbm>>) dst(%dma_wait3A_57 : memref<160xf32, #tpu.memory_space<vmem>>)
        tpu.yield
      }) : () -> ()
      "tpu.region"() ({
        %run_scoped3A = tpu.sem_alloc : memref<!tpu.dma_semaphore, #tpu.memory_space<semaphore_mem>>
        %dma_start3A = arith.constant 32640 : i32
        %dma_start3A_46 = tpu.memref_slice %arg17[%dma_start3A] : memref<32800xf32, #tpu.memory_space<vmem>> -> memref<160xf32, #tpu.memory_space<vmem>>
        %dma_start3A_47 = arith.constant 999840 : i32
        %dma_start3A_48 = tpu.memref_slice %arg8[%dma_start3A_47] : memref<1000000xf32, #tpu.memory_space<hbm>> -> memref<160xf32, #tpu.memory_space<hbm>>
        %dma_start3A_49 = arith.constant 32640 : i32
        %dma_start3A_50 = tpu.memref_slice %arg17[%dma_start3A_49] : memref<32800xf32, #tpu.memory_space<vmem>> -> memref<160xf32, #tpu.memory_space<vmem>>
        %dma_start3A_51 = arith.constant 999840 : i32
        %dma_start3A_52 = tpu.memref_slice %arg8[%dma_start3A_51] : memref<1000000xf32, #tpu.memory_space<hbm>> -> memref<160xf32, #tpu.memory_space<hbm>>
        tpu.enqueue_dma source(%dma_start3A_52 : memref<160xf32, #tpu.memory_space<hbm>>) target(%dma_start3A_50 : memref<160xf32, #tpu.memory_space<vmem>>) target_semaphore(%run_scoped3A : memref<!tpu.dma_semaphore, #tpu.memory_space<semaphore_mem>>)
        %dma_wait3A = arith.constant 32640 : i32
        %dma_wait3A_53 = tpu.memref_slice %arg17[%dma_wait3A] : memref<32800xf32, #tpu.memory_space<vmem>> -> memref<160xf32, #tpu.memory_space<vmem>>
        %dma_wait3A_54 = arith.constant 999840 : i32
        %dma_wait3A_55 = tpu.memref_slice %arg8[%dma_wait3A_54] : memref<1000000xf32, #tpu.memory_space<hbm>> -> memref<160xf32, #tpu.memory_space<hbm>>
        %dma_wait3A_56 = arith.constant 32640 : i32
        %dma_wait3A_57 = tpu.memref_slice %arg17[%dma_wait3A_56] : memref<32800xf32, #tpu.memory_space<vmem>> -> memref<160xf32, #tpu.memory_space<vmem>>
        %dma_wait3A_58 = arith.constant 999840 : i32
        %dma_wait3A_59 = tpu.memref_slice %arg8[%dma_wait3A_58] : memref<1000000xf32, #tpu.memory_space<hbm>> -> memref<160xf32, #tpu.memory_space<hbm>>
        tpu.wait_dma2 semaphore(%run_scoped3A : memref<!tpu.dma_semaphore, #tpu.memory_space<semaphore_mem>>) src(%dma_wait3A_59 : memref<160xf32, #tpu.memory_space<hbm>>) dst(%dma_wait3A_57 : memref<160xf32, #tpu.memory_space<vmem>>)
        tpu.yield
      }) : () -> ()
    } else {
    }
    %parallel_loop3A = arith.constant 0 : i32
    %parallel_loop3A_34 = arith.constant 195 : i32
    %parallel_loop3A_35 = arith.constant 1 : i32
    scf.for %parallel_loop3A_46 = %parallel_loop3A to %parallel_loop3A_34 step %parallel_loop3A_35  : i32 {
      %parallel_loop3A_47 = arith.constant 16 : i32
      %parallel_loop3A_48 = arith.muli %parallel_loop3A_46, %parallel_loop3A_47 : i32
      %parallel_loop3A_49 = arith.index_cast %parallel_loop3A_48 : i32 to index
      %parallel_loop3A_50 = tpu.vector_load %arg14[%parallel_loop3A_49] {strides = array<i32>} : memref<3280xi32, #tpu.memory_space<vmem>>, vector<16xi32>,
      %parallel_loop3A_51 = tpu.vector_load_idx %arg11[%parallel_loop3A_50] : memref<256xi32, #tpu.memory_space<vmem>>[vector<16xi32>], vector<16xi32>,
      %parallel_loop3A_52 = arith.index_cast %parallel_loop3A_48 : i32 to index
      %parallel_loop3A_53 = tpu.vector_load %arg15[%parallel_loop3A_52] {strides = array<i32>} : memref<3280xi32, #tpu.memory_space<vmem>>, vector<16xi32>,
      %parallel_loop3A_54 = arith.constant 16 : i32
      %parallel_loop3A_55 = vector.broadcast %parallel_loop3A_54 : i32 to vector<16xi32>
      %parallel_loop3A_56 = arith.muli %parallel_loop3A_53, %parallel_loop3A_55 : vector<16xi32>
      %parallel_loop3A_57 = arith.constant 16 : i32
      %parallel_loop3A_58 = arith.muli %parallel_loop3A_46, %parallel_loop3A_57 : i32
      %parallel_loop3A_59 = arith.constant 0 : i32
      %parallel_loop3A_60 = arith.addi %parallel_loop3A_59, %parallel_loop3A_58 : i32
      %parallel_loop3A_61 = arith.index_cast %parallel_loop3A_60 : i32 to index
      %parallel_loop3A_62 = tpu.vector_load %arg17[%parallel_loop3A_61] {strides = array<i32>} : memref<32800xf32, #tpu.memory_space<vmem>>, vector<16xf32>,
      %parallel_loop3A_63 = arith.constant 0 : i32
      %parallel_loop3A_64 = vector.broadcast %parallel_loop3A_63 : i32 to vector<16xi32>
      %parallel_loop3A_65 = arith.addi %parallel_loop3A_56, %parallel_loop3A_64 : vector<16xi32>
      %parallel_loop3A_66 = tpu.vector_load_idx %arg13[%parallel_loop3A_65] : memref<64xf32, #tpu.memory_space<vmem>>[vector<16xi32>], vector<16xf32>,
      %parallel_loop3A_67 = arith.constant 32 : i32
      %parallel_loop3A_68 = vector.broadcast %parallel_loop3A_67 : i32 to vector<16xi32>
      %parallel_loop3A_69 = arith.addi %parallel_loop3A_56, %parallel_loop3A_68 : vector<16xi32>
      %parallel_loop3A_70 = tpu.vector_load_idx %arg13[%parallel_loop3A_69] : memref<64xf32, #tpu.memory_space<vmem>>[vector<16xi32>], vector<16xf32>,
      %parallel_loop3A_71 = arith.mulf %parallel_loop3A_62, %parallel_loop3A_66 : vector<16xf32>
      %parallel_loop3A_72 = arith.addf %broadcast_in_dim3A_3, %parallel_loop3A_71 : vector<16xf32>
      %parallel_loop3A_73 = arith.mulf %parallel_loop3A_62, %parallel_loop3A_70 : vector<16xf32>
      %parallel_loop3A_74 = arith.addf %broadcast_in_dim3A_3, %parallel_loop3A_73 : vector<16xf32>
      %parallel_loop3A_75 = arith.constant 16 : i32
      %parallel_loop3A_76 = arith.muli %parallel_loop3A_46, %parallel_loop3A_75 : i32
      %parallel_loop3A_77 = arith.constant 3280 : i32
      %parallel_loop3A_78 = arith.addi %parallel_loop3A_77, %parallel_loop3A_76 : i32
      %parallel_loop3A_79 = arith.index_cast %parallel_loop3A_78 : i32 to index
      %parallel_loop3A_80 = tpu.vector_load %arg17[%parallel_loop3A_79] {strides = array<i32>} : memref<32800xf32, #tpu.memory_space<vmem>>, vector<16xf32>,
      %parallel_loop3A_81 = arith.constant 1 : i32
      %parallel_loop3A_82 = vector.broadcast %parallel_loop3A_81 : i32 to vector<16xi32>
      %parallel_loop3A_83 = arith.addi %parallel_loop3A_56, %parallel_loop3A_82 : vector<16xi32>
      %parallel_loop3A_84 = tpu.vector_load_idx %arg13[%parallel_loop3A_83] : memref<64xf32, #tpu.memory_space<vmem>>[vector<16xi32>], vector<16xf32>,
      %parallel_loop3A_85 = arith.constant 33 : i32
      %parallel_loop3A_86 = vector.broadcast %parallel_loop3A_85 : i32 to vector<16xi32>
      %parallel_loop3A_87 = arith.addi %parallel_loop3A_56, %parallel_loop3A_86 : vector<16xi32>
      %parallel_loop3A_88 = tpu.vector_load_idx %arg13[%parallel_loop3A_87] : memref<64xf32, #tpu.memory_space<vmem>>[vector<16xi32>], vector<16xf32>,
      %parallel_loop3A_89 = arith.mulf %parallel_loop3A_80, %parallel_loop3A_84 : vector<16xf32>
      %parallel_loop3A_90 = arith.addf %parallel_loop3A_72, %parallel_loop3A_89 : vector<16xf32>
      %parallel_loop3A_91 = arith.mulf %parallel_loop3A_80, %parallel_loop3A_88 : vector<16xf32>
      %parallel_loop3A_92 = arith.addf %parallel_loop3A_74, %parallel_loop3A_91 : vector<16xf32>
      %parallel_loop3A_93 = arith.constant 16 : i32
      %parallel_loop3A_94 = arith.muli %parallel_loop3A_46, %parallel_loop3A_93 : i32
      %parallel_loop3A_95 = arith.constant 6560 : i32
      %parallel_loop3A_96 = arith.addi %parallel_loop3A_95, %parallel_loop3A_94 : i32
      %parallel_loop3A_97 = arith.index_cast %parallel_loop3A_96 : i32 to index
      %parallel_loop3A_98 = tpu.vector_load %arg17[%parallel_loop3A_97] {strides = array<i32>} : memref<32800xf32, #tpu.memory_space<vmem>>, vector<16xf32>,
      %parallel_loop3A_99 = arith.constant 2 : i32
      %parallel_loop3A_100 = vector.broadcast %parallel_loop3A_99 : i32 to vector<16xi32>
      %parallel_loop3A_101 = arith.addi %parallel_loop3A_56, %parallel_loop3A_100 : vector<16xi32>
      %parallel_loop3A_102 = tpu.vector_load_idx %arg13[%parallel_loop3A_101] : memref<64xf32, #tpu.memory_space<vmem>>[vector<16xi32>], vector<16xf32>,
      %parallel_loop3A_103 = arith.constant 34 : i32
      %parallel_loop3A_104 = vector.broadcast %parallel_loop3A_103 : i32 to vector<16xi32>
      %parallel_loop3A_105 = arith.addi %parallel_loop3A_56, %parallel_loop3A_104 : vector<16xi32>
      %parallel_loop3A_106 = tpu.vector_load_idx %arg13[%parallel_loop3A_105] : memref<64xf32, #tpu.memory_space<vmem>>[vector<16xi32>], vector<16xf32>,
      %parallel_loop3A_107 = arith.mulf %parallel_loop3A_98, %parallel_loop3A_102 : vector<16xf32>
      %parallel_loop3A_108 = arith.addf %parallel_loop3A_90, %parallel_loop3A_107 : vector<16xf32>
      %parallel_loop3A_109 = arith.mulf %parallel_loop3A_98, %parallel_loop3A_106 : vector<16xf32>
      %parallel_loop3A_110 = arith.addf %parallel_loop3A_92, %parallel_loop3A_109 : vector<16xf32>
      %parallel_loop3A_111 = arith.constant 16 : i32
      %parallel_loop3A_112 = arith.muli %parallel_loop3A_46, %parallel_loop3A_111 : i32
      %parallel_loop3A_113 = arith.constant 9840 : i32
      %parallel_loop3A_114 = arith.addi %parallel_loop3A_113, %parallel_loop3A_112 : i32
      %parallel_loop3A_115 = arith.index_cast %parallel_loop3A_114 : i32 to index
      %parallel_loop3A_116 = tpu.vector_load %arg17[%parallel_loop3A_115] {strides = array<i32>} : memref<32800xf32, #tpu.memory_space<vmem>>, vector<16xf32>,
      %parallel_loop3A_117 = arith.constant 3 : i32
      %parallel_loop3A_118 = vector.broadcast %parallel_loop3A_117 : i32 to vector<16xi32>
      %parallel_loop3A_119 = arith.addi %parallel_loop3A_56, %parallel_loop3A_118 : vector<16xi32>
      %parallel_loop3A_120 = tpu.vector_load_idx %arg13[%parallel_loop3A_119] : memref<64xf32, #tpu.memory_space<vmem>>[vector<16xi32>], vector<16xf32>,
      %parallel_loop3A_121 = arith.constant 35 : i32
      %parallel_loop3A_122 = vector.broadcast %parallel_loop3A_121 : i32 to vector<16xi32>
      %parallel_loop3A_123 = arith.addi %parallel_loop3A_56, %parallel_loop3A_122 : vector<16xi32>
      %parallel_loop3A_124 = tpu.vector_load_idx %arg13[%parallel_loop3A_123] : memref<64xf32, #tpu.memory_space<vmem>>[vector<16xi32>], vector<16xf32>,
      %parallel_loop3A_125 = arith.mulf %parallel_loop3A_116, %parallel_loop3A_120 : vector<16xf32>
      %parallel_loop3A_126 = arith.addf %parallel_loop3A_108, %parallel_loop3A_125 : vector<16xf32>
      %parallel_loop3A_127 = arith.mulf %parallel_loop3A_116, %parallel_loop3A_124 : vector<16xf32>
      %parallel_loop3A_128 = arith.addf %parallel_loop3A_110, %parallel_loop3A_127 : vector<16xf32>
      %parallel_loop3A_129 = arith.constant 16 : i32
      %parallel_loop3A_130 = arith.muli %parallel_loop3A_46, %parallel_loop3A_129 : i32
      %parallel_loop3A_131 = arith.constant 13120 : i32
      %parallel_loop3A_132 = arith.addi %parallel_loop3A_131, %parallel_loop3A_130 : i32
      %parallel_loop3A_133 = arith.index_cast %parallel_loop3A_132 : i32 to index
      %parallel_loop3A_134 = tpu.vector_load %arg17[%parallel_loop3A_133] {strides = array<i32>} : memref<32800xf32, #tpu.memory_space<vmem>>, vector<16xf32>,
      %parallel_loop3A_135 = arith.constant 4 : i32
      %parallel_loop3A_136 = vector.broadcast %parallel_loop3A_135 : i32 to vector<16xi32>
      %parallel_loop3A_137 = arith.addi %parallel_loop3A_56, %parallel_loop3A_136 : vector<16xi32>
      %parallel_loop3A_138 = tpu.vector_load_idx %arg13[%parallel_loop3A_137] : memref<64xf32, #tpu.memory_space<vmem>>[vector<16xi32>], vector<16xf32>,
      %parallel_loop3A_139 = arith.constant 36 : i32
      %parallel_loop3A_140 = vector.broadcast %parallel_loop3A_139 : i32 to vector<16xi32>
      %parallel_loop3A_141 = arith.addi %parallel_loop3A_56, %parallel_loop3A_140 : vector<16xi32>
      %parallel_loop3A_142 = tpu.vector_load_idx %arg13[%parallel_loop3A_141] : memref<64xf32, #tpu.memory_space<vmem>>[vector<16xi32>], vector<16xf32>,
      %parallel_loop3A_143 = arith.mulf %parallel_loop3A_134, %parallel_loop3A_138 : vector<16xf32>
      %parallel_loop3A_144 = arith.addf %parallel_loop3A_126, %parallel_loop3A_143 : vector<16xf32>
      %parallel_loop3A_145 = arith.mulf %parallel_loop3A_134, %parallel_loop3A_142 : vector<16xf32>
      %parallel_loop3A_146 = arith.addf %parallel_loop3A_128, %parallel_loop3A_145 : vector<16xf32>
      %parallel_loop3A_147 = arith.constant 16 : i32
      %parallel_loop3A_148 = arith.muli %parallel_loop3A_46, %parallel_loop3A_147 : i32
      %parallel_loop3A_149 = arith.constant 16400 : i32
      %parallel_loop3A_150 = arith.addi %parallel_loop3A_149, %parallel_loop3A_148 : i32
      %parallel_loop3A_151 = arith.index_cast %parallel_loop3A_150 : i32 to index
      %parallel_loop3A_152 = tpu.vector_load %arg17[%parallel_loop3A_151] {strides = array<i32>} : memref<32800xf32, #tpu.memory_space<vmem>>, vector<16xf32>,
      %parallel_loop3A_153 = arith.constant 5 : i32
      %parallel_loop3A_154 = vector.broadcast %parallel_loop3A_153 : i32 to vector<16xi32>
      %parallel_loop3A_155 = arith.addi %parallel_loop3A_56, %parallel_loop3A_154 : vector<16xi32>
      %parallel_loop3A_156 = tpu.vector_load_idx %arg13[%parallel_loop3A_155] : memref<64xf32, #tpu.memory_space<vmem>>[vector<16xi32>], vector<16xf32>,
      %parallel_loop3A_157 = arith.constant 37 : i32
      %parallel_loop3A_158 = vector.broadcast %parallel_loop3A_157 : i32 to vector<16xi32>
      %parallel_loop3A_159 = arith.addi %parallel_loop3A_56, %parallel_loop3A_158 : vector<16xi32>
      %parallel_loop3A_160 = tpu.vector_load_idx %arg13[%parallel_loop3A_159] : memref<64xf32, #tpu.memory_space<vmem>>[vector<16xi32>], vector<16xf32>,
      %parallel_loop3A_161 = arith.mulf %parallel_loop3A_152, %parallel_loop3A_156 : vector<16xf32>
      %parallel_loop3A_162 = arith.addf %parallel_loop3A_144, %parallel_loop3A_161 : vector<16xf32>
      %parallel_loop3A_163 = arith.mulf %parallel_loop3A_152, %parallel_loop3A_160 : vector<16xf32>
      %parallel_loop3A_164 = arith.addf %parallel_loop3A_146, %parallel_loop3A_163 : vector<16xf32>
      %parallel_loop3A_165 = arith.constant 16 : i32
      %parallel_loop3A_166 = arith.muli %parallel_loop3A_46, %parallel_loop3A_165 : i32
      %parallel_loop3A_167 = arith.constant 19680 : i32
      %parallel_loop3A_168 = arith.addi %parallel_loop3A_167, %parallel_loop3A_166 : i32
      %parallel_loop3A_169 = arith.index_cast %parallel_loop3A_168 : i32 to index
      %parallel_loop3A_170 = tpu.vector_load %arg17[%parallel_loop3A_169] {strides = array<i32>} : memref<32800xf32, #tpu.memory_space<vmem>>, vector<16xf32>,
      %parallel_loop3A_171 = arith.constant 6 : i32
      %parallel_loop3A_172 = vector.broadcast %parallel_loop3A_171 : i32 to vector<16xi32>
      %parallel_loop3A_173 = arith.addi %parallel_loop3A_56, %parallel_loop3A_172 : vector<16xi32>
      %parallel_loop3A_174 = tpu.vector_load_idx %arg13[%parallel_loop3A_173] : memref<64xf32, #tpu.memory_space<vmem>>[vector<16xi32>], vector<16xf32>,
      %parallel_loop3A_175 = arith.constant 38 : i32
      %parallel_loop3A_176 = vector.broadcast %parallel_loop3A_175 : i32 to vector<16xi32>
      %parallel_loop3A_177 = arith.addi %parallel_loop3A_56, %parallel_loop3A_176 : vector<16xi32>
      %parallel_loop3A_178 = tpu.vector_load_idx %arg13[%parallel_loop3A_177] : memref<64xf32, #tpu.memory_space<vmem>>[vector<16xi32>], vector<16xf32>,
      %parallel_loop3A_179 = arith.mulf %parallel_loop3A_170, %parallel_loop3A_174 : vector<16xf32>
      %parallel_loop3A_180 = arith.addf %parallel_loop3A_162, %parallel_loop3A_179 : vector<16xf32>
      %parallel_loop3A_181 = arith.mulf %parallel_loop3A_170, %parallel_loop3A_178 : vector<16xf32>
      %parallel_loop3A_182 = arith.addf %parallel_loop3A_164, %parallel_loop3A_181 : vector<16xf32>
      %parallel_loop3A_183 = arith.constant 16 : i32
      %parallel_loop3A_184 = arith.muli %parallel_loop3A_46, %parallel_loop3A_183 : i32
      %parallel_loop3A_185 = arith.constant 22960 : i32
      %parallel_loop3A_186 = arith.addi %parallel_loop3A_185, %parallel_loop3A_184 : i32
      %parallel_loop3A_187 = arith.index_cast %parallel_loop3A_186 : i32 to index
      %parallel_loop3A_188 = tpu.vector_load %arg17[%parallel_loop3A_187] {strides = array<i32>} : memref<32800xf32, #tpu.memory_space<vmem>>, vector<16xf32>,
      %parallel_loop3A_189 = arith.constant 7 : i32
      %parallel_loop3A_190 = vector.broadcast %parallel_loop3A_189 : i32 to vector<16xi32>
      %parallel_loop3A_191 = arith.addi %parallel_loop3A_56, %parallel_loop3A_190 : vector<16xi32>
      %parallel_loop3A_192 = tpu.vector_load_idx %arg13[%parallel_loop3A_191] : memref<64xf32, #tpu.memory_space<vmem>>[vector<16xi32>], vector<16xf32>,
      %parallel_loop3A_193 = arith.constant 39 : i32
      %parallel_loop3A_194 = vector.broadcast %parallel_loop3A_193 : i32 to vector<16xi32>
      %parallel_loop3A_195 = arith.addi %parallel_loop3A_56, %parallel_loop3A_194 : vector<16xi32>
      %parallel_loop3A_196 = tpu.vector_load_idx %arg13[%parallel_loop3A_195] : memref<64xf32, #tpu.memory_space<vmem>>[vector<16xi32>], vector<16xf32>,
      %parallel_loop3A_197 = arith.mulf %parallel_loop3A_188, %parallel_loop3A_192 : vector<16xf32>
      %parallel_loop3A_198 = arith.addf %parallel_loop3A_180, %parallel_loop3A_197 : vector<16xf32>
      %parallel_loop3A_199 = arith.mulf %parallel_loop3A_188, %parallel_loop3A_196 : vector<16xf32>
      %parallel_loop3A_200 = arith.addf %parallel_loop3A_182, %parallel_loop3A_199 : vector<16xf32>
      %parallel_loop3A_201 = arith.constant 16 : i32
      %parallel_loop3A_202 = arith.muli %parallel_loop3A_46, %parallel_loop3A_201 : i32
      %parallel_loop3A_203 = arith.constant 26240 : i32
      %parallel_loop3A_204 = arith.addi %parallel_loop3A_203, %parallel_loop3A_202 : i32
      %parallel_loop3A_205 = arith.index_cast %parallel_loop3A_204 : i32 to index
      %parallel_loop3A_206 = tpu.vector_load %arg17[%parallel_loop3A_205] {strides = array<i32>} : memref<32800xf32, #tpu.memory_space<vmem>>, vector<16xf32>,
      %parallel_loop3A_207 = arith.constant 8 : i32
      %parallel_loop3A_208 = vector.broadcast %parallel_loop3A_207 : i32 to vector<16xi32>
      %parallel_loop3A_209 = arith.addi %parallel_loop3A_56, %parallel_loop3A_208 : vector<16xi32>
      %parallel_loop3A_210 = tpu.vector_load_idx %arg13[%parallel_loop3A_209] : memref<64xf32, #tpu.memory_space<vmem>>[vector<16xi32>], vector<16xf32>,
      %parallel_loop3A_211 = arith.constant 40 : i32
      %parallel_loop3A_212 = vector.broadcast %parallel_loop3A_211 : i32 to vector<16xi32>
      %parallel_loop3A_213 = arith.addi %parallel_loop3A_56, %parallel_loop3A_212 : vector<16xi32>
      %parallel_loop3A_214 = tpu.vector_load_idx %arg13[%parallel_loop3A_213] : memref<64xf32, #tpu.memory_space<vmem>>[vector<16xi32>], vector<16xf32>,
      %parallel_loop3A_215 = arith.mulf %parallel_loop3A_206, %parallel_loop3A_210 : vector<16xf32>
      %parallel_loop3A_216 = arith.addf %parallel_loop3A_198, %parallel_loop3A_215 : vector<16xf32>
      %parallel_loop3A_217 = arith.mulf %parallel_loop3A_206, %parallel_loop3A_214 : vector<16xf32>
      %parallel_loop3A_218 = arith.addf %parallel_loop3A_200, %parallel_loop3A_217 : vector<16xf32>
      %parallel_loop3A_219 = arith.constant 16 : i32
      %parallel_loop3A_220 = arith.muli %parallel_loop3A_46, %parallel_loop3A_219 : i32
      %parallel_loop3A_221 = arith.constant 29520 : i32
      %parallel_loop3A_222 = arith.addi %parallel_loop3A_221, %parallel_loop3A_220 : i32
      %parallel_loop3A_223 = arith.index_cast %parallel_loop3A_222 : i32 to index
      %parallel_loop3A_224 = tpu.vector_load %arg17[%parallel_loop3A_223] {strides = array<i32>} : memref<32800xf32, #tpu.memory_space<vmem>>, vector<16xf32>,
      %parallel_loop3A_225 = arith.constant 9 : i32
      %parallel_loop3A_226 = vector.broadcast %parallel_loop3A_225 : i32 to vector<16xi32>
      %parallel_loop3A_227 = arith.addi %parallel_loop3A_56, %parallel_loop3A_226 : vector<16xi32>
      %parallel_loop3A_228 = tpu.vector_load_idx %arg13[%parallel_loop3A_227] : memref<64xf32, #tpu.memory_space<vmem>>[vector<16xi32>], vector<16xf32>,
      %parallel_loop3A_229 = arith.constant 41 : i32
      %parallel_loop3A_230 = vector.broadcast %parallel_loop3A_229 : i32 to vector<16xi32>
      %parallel_loop3A_231 = arith.addi %parallel_loop3A_56, %parallel_loop3A_230 : vector<16xi32>
      %parallel_loop3A_232 = tpu.vector_load_idx %arg13[%parallel_loop3A_231] : memref<64xf32, #tpu.memory_space<vmem>>[vector<16xi32>], vector<16xf32>,
      %parallel_loop3A_233 = arith.mulf %parallel_loop3A_224, %parallel_loop3A_228 : vector<16xf32>
      %parallel_loop3A_234 = arith.addf %parallel_loop3A_216, %parallel_loop3A_233 : vector<16xf32>
      %parallel_loop3A_235 = arith.mulf %parallel_loop3A_224, %parallel_loop3A_232 : vector<16xf32>
      %parallel_loop3A_236 = arith.addf %parallel_loop3A_218, %parallel_loop3A_235 : vector<16xf32>
      %parallel_loop3A_237 = arith.index_cast %parallel_loop3A_48 : i32 to index
      %parallel_loop3A_238 = tpu.vector_load %arg16[%parallel_loop3A_237] {strides = array<i32>} : memref<3280xf32, #tpu.memory_space<vmem>>, vector<16xf32>,
      %parallel_loop3A_239 = arith.mulf %parallel_loop3A_238, %parallel_loop3A_234 : vector<16xf32>
      %parallel_loop3A_240 = arith.addf %parallel_loop3A_239, %parallel_loop3A_236 : vector<16xf32>
      %parallel_loop3A_241 = arith.constant 1 : i32
      %parallel_loop3A_242 = vector.broadcast %parallel_loop3A_241 : i32 to vector<16xi32>
      %parallel_loop3A_243 = arith.cmpi eq, %parallel_loop3A_51, %parallel_loop3A_242 : vector<16xi32>
      %parallel_loop3A_244 = arith.select %parallel_loop3A_243, %broadcast_in_dim3A_3, %parallel_loop3A_240 : vector<16xi1>, vector<16xf32>
      %parallel_loop3A_245 = arith.index_cast %parallel_loop3A_48 : i32 to index
      %parallel_loop3A_246 = tpu.vector_load %arg18[%parallel_loop3A_245] {strides = array<i32>} : memref<3280xf32, #tpu.memory_space<vmem>>, vector<16xf32>,
      tpu.vector_store %arg18[%parallel_loop3A_245], %parallel_loop3A_244 {strides = array<i32>} : memref<3280xf32, #tpu.memory_space<vmem>>, vector<16xf32>,
    } {sc.loop_unroll_factor = 3 : i64, sc.parallel_access}
    %eq3A_36 = arith.constant 31 : i32
    %eq3A_37 = arith.cmpi eq, %add3A, %eq3A_36 : i32
    %convert_element_type3A_38 = arith.extui %eq3A_37 : i1 to i32
    %cond3A_39 = arith.constant 0 : i32
    %cond3A_40 = arith.cmpi ne, %convert_element_type3A_38, %cond3A_39 : i32
    scf.if %cond3A_40 {
      %parallel_loop3A_46 = arith.constant 195 : i32
      %parallel_loop3A_47 = arith.constant 205 : i32
      %parallel_loop3A_48 = arith.constant 1 : i32
      scf.for %parallel_loop3A_49 = %parallel_loop3A_46 to %parallel_loop3A_47 step %parallel_loop3A_48  : i32 {
        %parallel_loop3A_50 = arith.constant 16 : i32
        %parallel_loop3A_51 = arith.muli %parallel_loop3A_49, %parallel_loop3A_50 : i32
        %parallel_loop3A_52 = arith.index_cast %parallel_loop3A_51 : i32 to index
        %parallel_loop3A_53 = tpu.vector_load %arg14[%parallel_loop3A_52] {strides = array<i32>} : memref<3280xi32, #tpu.memory_space<vmem>>, vector<16xi32>,
        %parallel_loop3A_54 = tpu.vector_load_idx %arg11[%parallel_loop3A_53] : memref<256xi32, #tpu.memory_space<vmem>>[vector<16xi32>], vector<16xi32>,
        %parallel_loop3A_55 = arith.index_cast %parallel_loop3A_51 : i32 to index
        %parallel_loop3A_56 = tpu.vector_load %arg15[%parallel_loop3A_55] {strides = array<i32>} : memref<3280xi32, #tpu.memory_space<vmem>>, vector<16xi32>,
        %parallel_loop3A_57 = arith.constant 16 : i32
        %parallel_loop3A_58 = vector.broadcast %parallel_loop3A_57 : i32 to vector<16xi32>
        %parallel_loop3A_59 = arith.muli %parallel_loop3A_56, %parallel_loop3A_58 : vector<16xi32>
        %parallel_loop3A_60 = arith.constant 16 : i32
        %parallel_loop3A_61 = arith.muli %parallel_loop3A_49, %parallel_loop3A_60 : i32
        %parallel_loop3A_62 = arith.constant 0 : i32
        %parallel_loop3A_63 = arith.addi %parallel_loop3A_62, %parallel_loop3A_61 : i32
        %parallel_loop3A_64 = arith.index_cast %parallel_loop3A_63 : i32 to index
        %parallel_loop3A_65 = tpu.vector_load %arg17[%parallel_loop3A_64] {strides = array<i32>} : memref<32800xf32, #tpu.memory_space<vmem>>, vector<16xf32>,
        %parallel_loop3A_66 = arith.constant 0 : i32
        %parallel_loop3A_67 = vector.broadcast %parallel_loop3A_66 : i32 to vector<16xi32>
        %parallel_loop3A_68 = arith.addi %parallel_loop3A_59, %parallel_loop3A_67 : vector<16xi32>
        %parallel_loop3A_69 = tpu.vector_load_idx %arg13[%parallel_loop3A_68] : memref<64xf32, #tpu.memory_space<vmem>>[vector<16xi32>], vector<16xf32>,
        %parallel_loop3A_70 = arith.constant 32 : i32
        %parallel_loop3A_71 = vector.broadcast %parallel_loop3A_70 : i32 to vector<16xi32>
        %parallel_loop3A_72 = arith.addi %parallel_loop3A_59, %parallel_loop3A_71 : vector<16xi32>
        %parallel_loop3A_73 = tpu.vector_load_idx %arg13[%parallel_loop3A_72] : memref<64xf32, #tpu.memory_space<vmem>>[vector<16xi32>], vector<16xf32>,
        %parallel_loop3A_74 = arith.mulf %parallel_loop3A_65, %parallel_loop3A_69 : vector<16xf32>
        %parallel_loop3A_75 = arith.addf %broadcast_in_dim3A_3, %parallel_loop3A_74 : vector<16xf32>
        %parallel_loop3A_76 = arith.mulf %parallel_loop3A_65, %parallel_loop3A_73 : vector<16xf32>
        %parallel_loop3A_77 = arith.addf %broadcast_in_dim3A_3, %parallel_loop3A_76 : vector<16xf32>
        %parallel_loop3A_78 = arith.constant 16 : i32
        %parallel_loop3A_79 = arith.muli %parallel_loop3A_49, %parallel_loop3A_78 : i32
        %parallel_loop3A_80 = arith.constant 3280 : i32
        %parallel_loop3A_81 = arith.addi %parallel_loop3A_80, %parallel_loop3A_79 : i32
        %parallel_loop3A_82 = arith.index_cast %parallel_loop3A_81 : i32 to index
        %parallel_loop3A_83 = tpu.vector_load %arg17[%parallel_loop3A_82] {strides = array<i32>} : memref<32800xf32, #tpu.memory_space<vmem>>, vector<16xf32>,
        %parallel_loop3A_84 = arith.constant 1 : i32
        %parallel_loop3A_85 = vector.broadcast %parallel_loop3A_84 : i32 to vector<16xi32>
        %parallel_loop3A_86 = arith.addi %parallel_loop3A_59, %parallel_loop3A_85 : vector<16xi32>
        %parallel_loop3A_87 = tpu.vector_load_idx %arg13[%parallel_loop3A_86] : memref<64xf32, #tpu.memory_space<vmem>>[vector<16xi32>], vector<16xf32>,
        %parallel_loop3A_88 = arith.constant 33 : i32
        %parallel_loop3A_89 = vector.broadcast %parallel_loop3A_88 : i32 to vector<16xi32>
        %parallel_loop3A_90 = arith.addi %parallel_loop3A_59, %parallel_loop3A_89 : vector<16xi32>
        %parallel_loop3A_91 = tpu.vector_load_idx %arg13[%parallel_loop3A_90] : memref<64xf32, #tpu.memory_space<vmem>>[vector<16xi32>], vector<16xf32>,
        %parallel_loop3A_92 = arith.mulf %parallel_loop3A_83, %parallel_loop3A_87 : vector<16xf32>
        %parallel_loop3A_93 = arith.addf %parallel_loop3A_75, %parallel_loop3A_92 : vector<16xf32>
        %parallel_loop3A_94 = arith.mulf %parallel_loop3A_83, %parallel_loop3A_91 : vector<16xf32>
        %parallel_loop3A_95 = arith.addf %parallel_loop3A_77, %parallel_loop3A_94 : vector<16xf32>
        %parallel_loop3A_96 = arith.constant 16 : i32
        %parallel_loop3A_97 = arith.muli %parallel_loop3A_49, %parallel_loop3A_96 : i32
        %parallel_loop3A_98 = arith.constant 6560 : i32
        %parallel_loop3A_99 = arith.addi %parallel_loop3A_98, %parallel_loop3A_97 : i32
        %parallel_loop3A_100 = arith.index_cast %parallel_loop3A_99 : i32 to index
        %parallel_loop3A_101 = tpu.vector_load %arg17[%parallel_loop3A_100] {strides = array<i32>} : memref<32800xf32, #tpu.memory_space<vmem>>, vector<16xf32>,
        %parallel_loop3A_102 = arith.constant 2 : i32
        %parallel_loop3A_103 = vector.broadcast %parallel_loop3A_102 : i32 to vector<16xi32>
        %parallel_loop3A_104 = arith.addi %parallel_loop3A_59, %parallel_loop3A_103 : vector<16xi32>
        %parallel_loop3A_105 = tpu.vector_load_idx %arg13[%parallel_loop3A_104] : memref<64xf32, #tpu.memory_space<vmem>>[vector<16xi32>], vector<16xf32>,
        %parallel_loop3A_106 = arith.constant 34 : i32
        %parallel_loop3A_107 = vector.broadcast %parallel_loop3A_106 : i32 to vector<16xi32>
        %parallel_loop3A_108 = arith.addi %parallel_loop3A_59, %parallel_loop3A_107 : vector<16xi32>
        %parallel_loop3A_109 = tpu.vector_load_idx %arg13[%parallel_loop3A_108] : memref<64xf32, #tpu.memory_space<vmem>>[vector<16xi32>], vector<16xf32>,
        %parallel_loop3A_110 = arith.mulf %parallel_loop3A_101, %parallel_loop3A_105 : vector<16xf32>
        %parallel_loop3A_111 = arith.addf %parallel_loop3A_93, %parallel_loop3A_110 : vector<16xf32>
        %parallel_loop3A_112 = arith.mulf %parallel_loop3A_101, %parallel_loop3A_109 : vector<16xf32>
        %parallel_loop3A_113 = arith.addf %parallel_loop3A_95, %parallel_loop3A_112 : vector<16xf32>
        %parallel_loop3A_114 = arith.constant 16 : i32
        %parallel_loop3A_115 = arith.muli %parallel_loop3A_49, %parallel_loop3A_114 : i32
        %parallel_loop3A_116 = arith.constant 9840 : i32
        %parallel_loop3A_117 = arith.addi %parallel_loop3A_116, %parallel_loop3A_115 : i32
        %parallel_loop3A_118 = arith.index_cast %parallel_loop3A_117 : i32 to index
        %parallel_loop3A_119 = tpu.vector_load %arg17[%parallel_loop3A_118] {strides = array<i32>} : memref<32800xf32, #tpu.memory_space<vmem>>, vector<16xf32>,
        %parallel_loop3A_120 = arith.constant 3 : i32
        %parallel_loop3A_121 = vector.broadcast %parallel_loop3A_120 : i32 to vector<16xi32>
        %parallel_loop3A_122 = arith.addi %parallel_loop3A_59, %parallel_loop3A_121 : vector<16xi32>
        %parallel_loop3A_123 = tpu.vector_load_idx %arg13[%parallel_loop3A_122] : memref<64xf32, #tpu.memory_space<vmem>>[vector<16xi32>], vector<16xf32>,
        %parallel_loop3A_124 = arith.constant 35 : i32
        %parallel_loop3A_125 = vector.broadcast %parallel_loop3A_124 : i32 to vector<16xi32>
        %parallel_loop3A_126 = arith.addi %parallel_loop3A_59, %parallel_loop3A_125 : vector<16xi32>
        %parallel_loop3A_127 = tpu.vector_load_idx %arg13[%parallel_loop3A_126] : memref<64xf32, #tpu.memory_space<vmem>>[vector<16xi32>], vector<16xf32>,
        %parallel_loop3A_128 = arith.mulf %parallel_loop3A_119, %parallel_loop3A_123 : vector<16xf32>
        %parallel_loop3A_129 = arith.addf %parallel_loop3A_111, %parallel_loop3A_128 : vector<16xf32>
        %parallel_loop3A_130 = arith.mulf %parallel_loop3A_119, %parallel_loop3A_127 : vector<16xf32>
        %parallel_loop3A_131 = arith.addf %parallel_loop3A_113, %parallel_loop3A_130 : vector<16xf32>
        %parallel_loop3A_132 = arith.constant 16 : i32
        %parallel_loop3A_133 = arith.muli %parallel_loop3A_49, %parallel_loop3A_132 : i32
        %parallel_loop3A_134 = arith.constant 13120 : i32
        %parallel_loop3A_135 = arith.addi %parallel_loop3A_134, %parallel_loop3A_133 : i32
        %parallel_loop3A_136 = arith.index_cast %parallel_loop3A_135 : i32 to index
        %parallel_loop3A_137 = tpu.vector_load %arg17[%parallel_loop3A_136] {strides = array<i32>} : memref<32800xf32, #tpu.memory_space<vmem>>, vector<16xf32>,
        %parallel_loop3A_138 = arith.constant 4 : i32
        %parallel_loop3A_139 = vector.broadcast %parallel_loop3A_138 : i32 to vector<16xi32>
        %parallel_loop3A_140 = arith.addi %parallel_loop3A_59, %parallel_loop3A_139 : vector<16xi32>
        %parallel_loop3A_141 = tpu.vector_load_idx %arg13[%parallel_loop3A_140] : memref<64xf32, #tpu.memory_space<vmem>>[vector<16xi32>], vector<16xf32>,
        %parallel_loop3A_142 = arith.constant 36 : i32
        %parallel_loop3A_143 = vector.broadcast %parallel_loop3A_142 : i32 to vector<16xi32>
        %parallel_loop3A_144 = arith.addi %parallel_loop3A_59, %parallel_loop3A_143 : vector<16xi32>
        %parallel_loop3A_145 = tpu.vector_load_idx %arg13[%parallel_loop3A_144] : memref<64xf32, #tpu.memory_space<vmem>>[vector<16xi32>], vector<16xf32>,
        %parallel_loop3A_146 = arith.mulf %parallel_loop3A_137, %parallel_loop3A_141 : vector<16xf32>
        %parallel_loop3A_147 = arith.addf %parallel_loop3A_129, %parallel_loop3A_146 : vector<16xf32>
        %parallel_loop3A_148 = arith.mulf %parallel_loop3A_137, %parallel_loop3A_145 : vector<16xf32>
        %parallel_loop3A_149 = arith.addf %parallel_loop3A_131, %parallel_loop3A_148 : vector<16xf32>
        %parallel_loop3A_150 = arith.constant 16 : i32
        %parallel_loop3A_151 = arith.muli %parallel_loop3A_49, %parallel_loop3A_150 : i32
        %parallel_loop3A_152 = arith.constant 16400 : i32
        %parallel_loop3A_153 = arith.addi %parallel_loop3A_152, %parallel_loop3A_151 : i32
        %parallel_loop3A_154 = arith.index_cast %parallel_loop3A_153 : i32 to index
        %parallel_loop3A_155 = tpu.vector_load %arg17[%parallel_loop3A_154] {strides = array<i32>} : memref<32800xf32, #tpu.memory_space<vmem>>, vector<16xf32>,
        %parallel_loop3A_156 = arith.constant 5 : i32
        %parallel_loop3A_157 = vector.broadcast %parallel_loop3A_156 : i32 to vector<16xi32>
        %parallel_loop3A_158 = arith.addi %parallel_loop3A_59, %parallel_loop3A_157 : vector<16xi32>
        %parallel_loop3A_159 = tpu.vector_load_idx %arg13[%parallel_loop3A_158] : memref<64xf32, #tpu.memory_space<vmem>>[vector<16xi32>], vector<16xf32>,
        %parallel_loop3A_160 = arith.constant 37 : i32
        %parallel_loop3A_161 = vector.broadcast %parallel_loop3A_160 : i32 to vector<16xi32>
        %parallel_loop3A_162 = arith.addi %parallel_loop3A_59, %parallel_loop3A_161 : vector<16xi32>
        %parallel_loop3A_163 = tpu.vector_load_idx %arg13[%parallel_loop3A_162] : memref<64xf32, #tpu.memory_space<vmem>>[vector<16xi32>], vector<16xf32>,
        %parallel_loop3A_164 = arith.mulf %parallel_loop3A_155, %parallel_loop3A_159 : vector<16xf32>
        %parallel_loop3A_165 = arith.addf %parallel_loop3A_147, %parallel_loop3A_164 : vector<16xf32>
        %parallel_loop3A_166 = arith.mulf %parallel_loop3A_155, %parallel_loop3A_163 : vector<16xf32>
        %parallel_loop3A_167 = arith.addf %parallel_loop3A_149, %parallel_loop3A_166 : vector<16xf32>
        %parallel_loop3A_168 = arith.constant 16 : i32
        %parallel_loop3A_169 = arith.muli %parallel_loop3A_49, %parallel_loop3A_168 : i32
        %parallel_loop3A_170 = arith.constant 19680 : i32
        %parallel_loop3A_171 = arith.addi %parallel_loop3A_170, %parallel_loop3A_169 : i32
        %parallel_loop3A_172 = arith.index_cast %parallel_loop3A_171 : i32 to index
        %parallel_loop3A_173 = tpu.vector_load %arg17[%parallel_loop3A_172] {strides = array<i32>} : memref<32800xf32, #tpu.memory_space<vmem>>, vector<16xf32>,
        %parallel_loop3A_174 = arith.constant 6 : i32
        %parallel_loop3A_175 = vector.broadcast %parallel_loop3A_174 : i32 to vector<16xi32>
        %parallel_loop3A_176 = arith.addi %parallel_loop3A_59, %parallel_loop3A_175 : vector<16xi32>
        %parallel_loop3A_177 = tpu.vector_load_idx %arg13[%parallel_loop3A_176] : memref<64xf32, #tpu.memory_space<vmem>>[vector<16xi32>], vector<16xf32>,
        %parallel_loop3A_178 = arith.constant 38 : i32
        %parallel_loop3A_179 = vector.broadcast %parallel_loop3A_178 : i32 to vector<16xi32>
        %parallel_loop3A_180 = arith.addi %parallel_loop3A_59, %parallel_loop3A_179 : vector<16xi32>
        %parallel_loop3A_181 = tpu.vector_load_idx %arg13[%parallel_loop3A_180] : memref<64xf32, #tpu.memory_space<vmem>>[vector<16xi32>], vector<16xf32>,
        %parallel_loop3A_182 = arith.mulf %parallel_loop3A_173, %parallel_loop3A_177 : vector<16xf32>
        %parallel_loop3A_183 = arith.addf %parallel_loop3A_165, %parallel_loop3A_182 : vector<16xf32>
        %parallel_loop3A_184 = arith.mulf %parallel_loop3A_173, %parallel_loop3A_181 : vector<16xf32>
        %parallel_loop3A_185 = arith.addf %parallel_loop3A_167, %parallel_loop3A_184 : vector<16xf32>
        %parallel_loop3A_186 = arith.constant 16 : i32
        %parallel_loop3A_187 = arith.muli %parallel_loop3A_49, %parallel_loop3A_186 : i32
        %parallel_loop3A_188 = arith.constant 22960 : i32
        %parallel_loop3A_189 = arith.addi %parallel_loop3A_188, %parallel_loop3A_187 : i32
        %parallel_loop3A_190 = arith.index_cast %parallel_loop3A_189 : i32 to index
        %parallel_loop3A_191 = tpu.vector_load %arg17[%parallel_loop3A_190] {strides = array<i32>} : memref<32800xf32, #tpu.memory_space<vmem>>, vector<16xf32>,
        %parallel_loop3A_192 = arith.constant 7 : i32
        %parallel_loop3A_193 = vector.broadcast %parallel_loop3A_192 : i32 to vector<16xi32>
        %parallel_loop3A_194 = arith.addi %parallel_loop3A_59, %parallel_loop3A_193 : vector<16xi32>
        %parallel_loop3A_195 = tpu.vector_load_idx %arg13[%parallel_loop3A_194] : memref<64xf32, #tpu.memory_space<vmem>>[vector<16xi32>], vector<16xf32>,
        %parallel_loop3A_196 = arith.constant 39 : i32
        %parallel_loop3A_197 = vector.broadcast %parallel_loop3A_196 : i32 to vector<16xi32>
        %parallel_loop3A_198 = arith.addi %parallel_loop3A_59, %parallel_loop3A_197 : vector<16xi32>
        %parallel_loop3A_199 = tpu.vector_load_idx %arg13[%parallel_loop3A_198] : memref<64xf32, #tpu.memory_space<vmem>>[vector<16xi32>], vector<16xf32>,
        %parallel_loop3A_200 = arith.mulf %parallel_loop3A_191, %parallel_loop3A_195 : vector<16xf32>
        %parallel_loop3A_201 = arith.addf %parallel_loop3A_183, %parallel_loop3A_200 : vector<16xf32>
        %parallel_loop3A_202 = arith.mulf %parallel_loop3A_191, %parallel_loop3A_199 : vector<16xf32>
        %parallel_loop3A_203 = arith.addf %parallel_loop3A_185, %parallel_loop3A_202 : vector<16xf32>
        %parallel_loop3A_204 = arith.constant 16 : i32
        %parallel_loop3A_205 = arith.muli %parallel_loop3A_49, %parallel_loop3A_204 : i32
        %parallel_loop3A_206 = arith.constant 26240 : i32
        %parallel_loop3A_207 = arith.addi %parallel_loop3A_206, %parallel_loop3A_205 : i32
        %parallel_loop3A_208 = arith.index_cast %parallel_loop3A_207 : i32 to index
        %parallel_loop3A_209 = tpu.vector_load %arg17[%parallel_loop3A_208] {strides = array<i32>} : memref<32800xf32, #tpu.memory_space<vmem>>, vector<16xf32>,
        %parallel_loop3A_210 = arith.constant 8 : i32
        %parallel_loop3A_211 = vector.broadcast %parallel_loop3A_210 : i32 to vector<16xi32>
        %parallel_loop3A_212 = arith.addi %parallel_loop3A_59, %parallel_loop3A_211 : vector<16xi32>
        %parallel_loop3A_213 = tpu.vector_load_idx %arg13[%parallel_loop3A_212] : memref<64xf32, #tpu.memory_space<vmem>>[vector<16xi32>], vector<16xf32>,
        %parallel_loop3A_214 = arith.constant 40 : i32
        %parallel_loop3A_215 = vector.broadcast %parallel_loop3A_214 : i32 to vector<16xi32>
        %parallel_loop3A_216 = arith.addi %parallel_loop3A_59, %parallel_loop3A_215 : vector<16xi32>
        %parallel_loop3A_217 = tpu.vector_load_idx %arg13[%parallel_loop3A_216] : memref<64xf32, #tpu.memory_space<vmem>>[vector<16xi32>], vector<16xf32>,
        %parallel_loop3A_218 = arith.mulf %parallel_loop3A_209, %parallel_loop3A_213 : vector<16xf32>
        %parallel_loop3A_219 = arith.addf %parallel_loop3A_201, %parallel_loop3A_218 : vector<16xf32>
        %parallel_loop3A_220 = arith.mulf %parallel_loop3A_209, %parallel_loop3A_217 : vector<16xf32>
        %parallel_loop3A_221 = arith.addf %parallel_loop3A_203, %parallel_loop3A_220 : vector<16xf32>
        %parallel_loop3A_222 = arith.constant 16 : i32
        %parallel_loop3A_223 = arith.muli %parallel_loop3A_49, %parallel_loop3A_222 : i32
        %parallel_loop3A_224 = arith.constant 29520 : i32
        %parallel_loop3A_225 = arith.addi %parallel_loop3A_224, %parallel_loop3A_223 : i32
        %parallel_loop3A_226 = arith.index_cast %parallel_loop3A_225 : i32 to index
        %parallel_loop3A_227 = tpu.vector_load %arg17[%parallel_loop3A_226] {strides = array<i32>} : memref<32800xf32, #tpu.memory_space<vmem>>, vector<16xf32>,
        %parallel_loop3A_228 = arith.constant 9 : i32
        %parallel_loop3A_229 = vector.broadcast %parallel_loop3A_228 : i32 to vector<16xi32>
        %parallel_loop3A_230 = arith.addi %parallel_loop3A_59, %parallel_loop3A_229 : vector<16xi32>
        %parallel_loop3A_231 = tpu.vector_load_idx %arg13[%parallel_loop3A_230] : memref<64xf32, #tpu.memory_space<vmem>>[vector<16xi32>], vector<16xf32>,
        %parallel_loop3A_232 = arith.constant 41 : i32
        %parallel_loop3A_233 = vector.broadcast %parallel_loop3A_232 : i32 to vector<16xi32>
        %parallel_loop3A_234 = arith.addi %parallel_loop3A_59, %parallel_loop3A_233 : vector<16xi32>
        %parallel_loop3A_235 = tpu.vector_load_idx %arg13[%parallel_loop3A_234] : memref<64xf32, #tpu.memory_space<vmem>>[vector<16xi32>], vector<16xf32>,
        %parallel_loop3A_236 = arith.mulf %parallel_loop3A_227, %parallel_loop3A_231 : vector<16xf32>
        %parallel_loop3A_237 = arith.addf %parallel_loop3A_219, %parallel_loop3A_236 : vector<16xf32>
        %parallel_loop3A_238 = arith.mulf %parallel_loop3A_227, %parallel_loop3A_235 : vector<16xf32>
        %parallel_loop3A_239 = arith.addf %parallel_loop3A_221, %parallel_loop3A_238 : vector<16xf32>
        %parallel_loop3A_240 = arith.index_cast %parallel_loop3A_51 : i32 to index
        %parallel_loop3A_241 = tpu.vector_load %arg16[%parallel_loop3A_240] {strides = array<i32>} : memref<3280xf32, #tpu.memory_space<vmem>>, vector<16xf32>,
        %parallel_loop3A_242 = arith.mulf %parallel_loop3A_241, %parallel_loop3A_237 : vector<16xf32>
        %parallel_loop3A_243 = arith.addf %parallel_loop3A_242, %parallel_loop3A_239 : vector<16xf32>
        %parallel_loop3A_244 = arith.constant 1 : i32
        %parallel_loop3A_245 = vector.broadcast %parallel_loop3A_244 : i32 to vector<16xi32>
        %parallel_loop3A_246 = arith.cmpi eq, %parallel_loop3A_54, %parallel_loop3A_245 : vector<16xi32>
        %parallel_loop3A_247 = arith.select %parallel_loop3A_246, %broadcast_in_dim3A_3, %parallel_loop3A_243 : vector<16xi1>, vector<16xf32>
        %parallel_loop3A_248 = arith.index_cast %parallel_loop3A_51 : i32 to index
        %parallel_loop3A_249 = tpu.vector_load %arg18[%parallel_loop3A_248] {strides = array<i32>} : memref<3280xf32, #tpu.memory_space<vmem>>, vector<16xf32>,
        tpu.vector_store %arg18[%parallel_loop3A_248], %parallel_loop3A_247 {strides = array<i32>} : memref<3280xf32, #tpu.memory_space<vmem>>, vector<16xf32>,
      } {sc.loop_unroll_factor = 2 : i64, sc.parallel_access}
    } else {
    }
    "tpu.region"() ({
      %run_scoped3A = tpu.sem_alloc : memref<!tpu.dma_semaphore, #tpu.memory_space<semaphore_mem>>
      %dma_start3A = arith.constant 0 : i32
      %dma_start3A_46 = tpu.memref_slice %arg18[%dma_start3A] : memref<3280xf32, #tpu.memory_space<vmem>> -> memref<3120xf32, #tpu.memory_space<vmem>>
      %dma_start3A_47 = tpu.memref_slice %arg9[%mul3A_11] : memref<100000xf32, #tpu.memory_space<hbm>> -> memref<3120xf32, #tpu.memory_space<hbm>>
      %dma_start3A_48 = tpu.memref_slice %arg9[%mul3A_11] : memref<100000xf32, #tpu.memory_space<hbm>> -> memref<3120xf32, #tpu.memory_space<hbm>>
      %dma_start3A_49 = arith.constant 0 : i32
      %dma_start3A_50 = tpu.memref_slice %arg18[%dma_start3A_49] : memref<3280xf32, #tpu.memory_space<vmem>> -> memref<3120xf32, #tpu.memory_space<vmem>>
      tpu.enqueue_dma source(%dma_start3A_50 : memref<3120xf32, #tpu.memory_space<vmem>>) target(%dma_start3A_48 : memref<3120xf32, #tpu.memory_space<hbm>>) target_semaphore(%run_scoped3A : memref<!tpu.dma_semaphore, #tpu.memory_space<semaphore_mem>>)
      %dma_wait3A = arith.constant 0 : i32
      %dma_wait3A_51 = tpu.memref_slice %arg18[%dma_wait3A] : memref<3280xf32, #tpu.memory_space<vmem>> -> memref<3120xf32, #tpu.memory_space<vmem>>
      %dma_wait3A_52 = tpu.memref_slice %arg9[%mul3A_11] : memref<100000xf32, #tpu.memory_space<hbm>> -> memref<3120xf32, #tpu.memory_space<hbm>>
      %dma_wait3A_53 = tpu.memref_slice %arg9[%mul3A_11] : memref<100000xf32, #tpu.memory_space<hbm>> -> memref<3120xf32, #tpu.memory_space<hbm>>
      %dma_wait3A_54 = arith.constant 0 : i32
      %dma_wait3A_55 = tpu.memref_slice %arg18[%dma_wait3A_54] : memref<3280xf32, #tpu.memory_space<vmem>> -> memref<3120xf32, #tpu.memory_space<vmem>>
      tpu.wait_dma2 semaphore(%run_scoped3A : memref<!tpu.dma_semaphore, #tpu.memory_space<semaphore_mem>>) src(%dma_wait3A_55 : memref<3120xf32, #tpu.memory_space<vmem>>) dst(%dma_wait3A_53 : memref<3120xf32, #tpu.memory_space<hbm>>)
      tpu.yield
    }) : () -> ()
    %eq3A_41 = arith.constant 31 : i32
    %eq3A_42 = arith.cmpi eq, %add3A, %eq3A_41 : i32
    %convert_element_type3A_43 = arith.extui %eq3A_42 : i1 to i32
    %cond3A_44 = arith.constant 0 : i32
    %cond3A_45 = arith.cmpi ne, %convert_element_type3A_43, %cond3A_44 : i32
    scf.if %cond3A_45 {
      "tpu.region"() ({
        %run_scoped3A = tpu.sem_alloc : memref<!tpu.dma_semaphore, #tpu.memory_space<semaphore_mem>>
        %dma_start3A = arith.constant 3120 : i32
        %dma_start3A_46 = tpu.memref_slice %arg18[%dma_start3A] : memref<3280xf32, #tpu.memory_space<vmem>> -> memref<160xf32, #tpu.memory_space<vmem>>
        %dma_start3A_47 = arith.constant 99840 : i32
        %dma_start3A_48 = tpu.memref_slice %arg9[%dma_start3A_47] : memref<100000xf32, #tpu.memory_space<hbm>> -> memref<160xf32, #tpu.memory_space<hbm>>
        %dma_start3A_49 = arith.constant 99840 : i32
        %dma_start3A_50 = tpu.memref_slice %arg9[%dma_start3A_49] : memref<100000xf32, #tpu.memory_space<hbm>> -> memref<160xf32, #tpu.memory_space<hbm>>
        %dma_start3A_51 = arith.constant 3120 : i32
        %dma_start3A_52 = tpu.memref_slice %arg18[%dma_start3A_51] : memref<3280xf32, #tpu.memory_space<vmem>> -> memref<160xf32, #tpu.memory_space<vmem>>
        tpu.enqueue_dma source(%dma_start3A_52 : memref<160xf32, #tpu.memory_space<vmem>>) target(%dma_start3A_50 : memref<160xf32, #tpu.memory_space<hbm>>) target_semaphore(%run_scoped3A : memref<!tpu.dma_semaphore, #tpu.memory_space<semaphore_mem>>)
        %dma_wait3A = arith.constant 3120 : i32
        %dma_wait3A_53 = tpu.memref_slice %arg18[%dma_wait3A] : memref<3280xf32, #tpu.memory_space<vmem>> -> memref<160xf32, #tpu.memory_space<vmem>>
        %dma_wait3A_54 = arith.constant 99840 : i32
        %dma_wait3A_55 = tpu.memref_slice %arg9[%dma_wait3A_54] : memref<100000xf32, #tpu.memory_space<hbm>> -> memref<160xf32, #tpu.memory_space<hbm>>
        %dma_wait3A_56 = arith.constant 99840 : i32
        %dma_wait3A_57 = tpu.memref_slice %arg9[%dma_wait3A_56] : memref<100000xf32, #tpu.memory_space<hbm>> -> memref<160xf32, #tpu.memory_space<hbm>>
        %dma_wait3A_58 = arith.constant 3120 : i32
        %dma_wait3A_59 = tpu.memref_slice %arg18[%dma_wait3A_58] : memref<3280xf32, #tpu.memory_space<vmem>> -> memref<160xf32, #tpu.memory_space<vmem>>
        tpu.wait_dma2 semaphore(%run_scoped3A : memref<!tpu.dma_semaphore, #tpu.memory_space<semaphore_mem>>) src(%dma_wait3A_59 : memref<160xf32, #tpu.memory_space<vmem>>) dst(%dma_wait3A_57 : memref<160xf32, #tpu.memory_space<hbm>>)
        tpu.yield
      }) : () -> ()
    } else {
    }
    return
  }
}

</mosaic_0001>

<sc_bundles>
// kernel: kernel.4.cloned.1.call-start
scs
__scs_entry_jumppad:
0x0: {  	(pc) =	sbr.rel $0x88, $3  }
0x1: {  	(tag) =	ssettag $0x0;
	lr =	simm.s32 $0x1  }
0x2: {  	[smem:$0x3F99] =	sst lr;
	_ =	strace $0xD0000000  }
0x3: {  	_ = 	snop  }
0x4: {  	_ = 	snop  }
0x5: {  	_ = 	snop  }
0x6: {  	_ = 	snop  }
0x7: {  	_ = 	snop  }
__scs_overlays_trampoline_lowered:
0x8: {  	[smem:$0x3FA8] =	sst s0  }
0x9: {  	[smem:$0x3FA9] =	sst s1  }
0xa: {  	[smem:$0x3FAA] =	sst s2  }
0xb: {  	[smem:$0x3FAB] =	sst s3  }
0xc: {  	[smem:$0x3FAC] =	sst s4  }
0xd: {  	[smem:$0x3FAD] =	sst s5  }
0xe: {  	[smem:$0x3FAE] =	sst s6  }
0xf: {  	[smem:$0x3FAF] =	sst s7  }
0x10: {  	[smem:$0x3FB0] =	sst s8  }
0x11: {  	[smem:$0x3FB1] =	sst s9;
	s0 =	simm.s32 @!p0 $0x0  }
0x12: {  	s1 =	sld [smem:$0x3F97];
	s0 =	simm.s32 @p0 $0x1  }
0x13: {  	[smem:$0x3FB2] =	sst s0;
	s0 =	simm.s32 @!p1 $0x0  }
0x14: {  	s2 =	sld [smem:$0x3F96];
	s0 =	simm.s32 @p1 $0x1  }
0x15: {  	[smem:$0x3FB3] =	sst s0;
	s0 =	simm.s32 @!p2 $0x0  }
0x16: {  	s3 =	sld [smem:$0x3FDB];
	s0 =	simm.s32 @p2 $0x1  }
0x17: {  	s4 =	simm.s32 $0x1BF5;
	[smem:$0x3FB5] =	sst s0  }
0x18: {  	s0 =	sld [smem:$0x3F98];
	_ =	swait.ge [sflag:s4], $0x0  }
0x19: {  	s7 =	sld [smem:$0x3F99]  }
0x1a: {  	s8 =	sadd.s32 $0xFFFFE003, lr  }
0x1b: {  	s9 =	sadd.s32 $0xFFFFFEF7, lr;
	s5 =	simm.s32 $0xFFFFFFFF;
	p2 =	slt.u32 s8, $0xFFFFF086  }
0x1c: {  	p1 =	slt.u32 s9, $0xF7A;
	s5 =	simm.s32 @!p2 $0x0  }
0x1d: {  	s5 =	simm.s32 @p1 $0x1;
	p0 =	seq.s32 s7, s2  }
0x1e: {  	s7 =	smul.u32 @!p0 $0xF7A, s2;
	p2 =	seq.s32 @!p0 s5, $0x0  }
0x1f: {  	s9 =	smul.u32 $0xF7A, s1;
	s8 =	simm.s32 @!p0 $0x1BF5;
	p2 =	por !p2, p0  }
0x20: {  	[sflag:s8] =	ssyncset.s32 @!p0 $0xFFFFF086;
	s6 =	sadd.s32 @!p0 s3, s7;
	s7 =	simm.s32 @!p0 $0x108  }
0x21: {  	s3 =	sadd.s32 s3, s9;
	s6 =	sadd.s32 @!p0 $0x88, s6;
	s7 =	simm.s32 @p2 $0x1082  }
0x22: {  	[simem:s7], [sflag:s8] =	dma.local @!p0 [hbm:s6], $0xF7A  }
0x23: {  	s9 =	sor.u32 $0xD0000000, s2;
	s6 =	simm.s32 $0x108;
	_ =	swait.ge @!p0 [sflag:s8], $0x0  }
0x24: {  	s3 =	sadd.s32 $0x88, s3;
	s6 =	simm.s32 @!p1 $0x1082;
	[sflag:s4] =	ssyncset.s32 $0xFFFFF086  }
0x25: {  	[simem:s6], [sflag:s4] =	dma.local [hbm:s3], $0xF7A  }
0x26: {  	[smem:$0x3F99] =	sst s1;
	(tag) =	ssettag s2;
	_ =	strace s9  }
0x27: {  	s1 =	sld [smem:$0x3FA9]  }
0x28: {  	s2 =	sld [smem:$0x3FAA]  }
0x29: {  	s4 =	sld [smem:$0x3FAC]  }
0x2a: {  	p0 =	seq.s32 s5, $0x0;
	s5 =	sld [smem:$0x3FAD]  }
0x2b: {  	s6 =	sld [smem:$0x3FAE]  }
0x2c: {  	s7 =	sld [smem:$0x3FAF]  }
0x2d: {  	s3 =	simm.s32 $0x108;
	s8 =	sld [smem:$0x3FB0]  }
0x2e: {  	s3 =	simm.s32 @!p0 $0x1082;
	s9 =	sld [smem:$0x3FB1]  }
0x2f: {  	lr =	sadd.s32 s0, s3;
	s0 =	sld [smem:$0x3FA8]  }
0x30: {  	s3 =	sld [smem:$0x3FAB]  }
0x31: {  	[smem:$0x3FB4] =	sst s10  }
0x32: {  	s10 =	sld [smem:$0x3FB2];
	_ =	sdelay $0x3  }
0x33: {  	p0 =	seq.s32 s10, $0x1;
	s10 =	sld [smem:$0x3FB4];
	_ =	sdelay $0x3  }
0x34: {  	[smem:$0x3FB4] =	sst s10  }
0x35: {  	s10 =	sld [smem:$0x3FB3];
	_ =	sdelay $0x3  }
0x36: {  	p1 =	seq.s32 s10, $0x1;
	s10 =	sld [smem:$0x3FB4];
	_ =	sdelay $0x3  }
0x37: {  	[smem:$0x3FB4] =	sst s10  }
0x38: {  	s10 =	sld [smem:$0x3FB5]  }
0x39: {  	_ = 	snop;
	(pc) =	sbr.ind lr, $3  }
0x3a: {  	_ = 	snop  }
0x3b: {  	_ = 	snop  }
0x3c: {  	p2 =	seq.s32 s10, $0x1;
	s10 =	sld [smem:$0x3FB4]  }
0x3d: {  	_ =	shalt  }
0x3e: {  	_ =	shalt  }
0x3f: {  	_ =	shalt  }
0x40: {  	_ =	shalt  }
0x41: {  	_ =	shalt  }
0x42: {  	_ =	shalt  }
0x43: {  	_ =	shalt  }
0x44: {  	_ =	shalt  }
0x45: {  	_ =	shalt  }
0x46: {  	_ =	shalt  }
0x47: {  	_ =	shalt  }
0x48: {  	_ =	shalt  }
0x49: {  	_ =	shalt  }
0x4a: {  	_ =	shalt  }
0x4b: {  	_ =	shalt  }
0x4c: {  	_ =	shalt  }
0x4d: {  	_ =	shalt  }
0x4e: {  	_ =	shalt  }
0x4f: {  	_ =	shalt  }
0x50: {  	_ =	shalt  }
0x51: {  	_ =	shalt  }
0x52: {  	_ =	shalt  }
0x53: {  	_ =	shalt  }
0x54: {  	_ =	shalt  }
0x55: {  	_ =	shalt  }
0x56: {  	_ =	shalt  }
0x57: {  	_ =	shalt  }
0x58: {  	_ =	shalt  }
0x59: {  	_ =	shalt  }
0x5a: {  	_ =	shalt  }
0x5b: {  	_ =	shalt  }
0x5c: {  	_ =	shalt  }
0x5d: {  	_ =	shalt  }
0x5e: {  	_ =	shalt  }
0x5f: {  	_ =	shalt  }
0x60: {  	_ =	shalt  }
0x61: {  	_ =	shalt  }
0x62: {  	_ =	shalt  }
0x63: {  	_ =	shalt  }
0x64: {  	_ =	shalt  }
0x65: {  	_ =	shalt  }
0x66: {  	_ =	shalt  }
0x67: {  	_ =	shalt  }
0x68: {  	_ =	shalt  }
0x69: {  	_ =	shalt  }
0x6a: {  	_ =	shalt  }
0x6b: {  	_ =	shalt  }
0x6c: {  	_ =	shalt  }
0x6d: {  	_ =	shalt  }
0x6e: {  	_ =	shalt  }
0x6f: {  	_ =	shalt  }
0x70: {  	_ =	shalt  }
0x71: {  	_ =	shalt  }
0x72: {  	_ =	shalt  }
0x73: {  	_ =	shalt  }
0x74: {  	_ =	shalt  }
0x75: {  	_ =	shalt  }
0x76: {  	_ =	shalt  }
0x77: {  	_ =	shalt  }
0x78: {  	_ =	shalt  }
0x79: {  	_ =	shalt  }
0x7a: {  	_ =	shalt  }
0x7b: {  	_ =	shalt  }
0x7c: {  	_ =	shalt  }
0x7d: {  	_ =	shalt  }
0x7e: {  	_ =	shalt  }
0x7f: {  	_ =	shalt  }
0x80: {  	_ =	shalt  }
0x81: {  	_ =	shalt  }
0x82: {  	_ =	shalt  }
0x83: {  	_ =	shalt  }
0x84: {  	_ =	shalt  }
0x85: {  	_ =	shalt  }
0x86: {  	_ =	shalt  }
0x87: {  	_ =	shalt  }
.Lfunc_end0:
.L_simem_size_0:
called_computation_lowered:
.L_overlay_start_0:
0x88: {  	s2 =	sld [smem:$0x3FD9]  }
0x89: {  	s3 =	sld [smem:$0x3FFE];
	_ =	sdelay $0x1  }
0x8a: {  	s1 =	srdreg.scid  }
0x8b: {  	s0 =	sand.u32 $0x1, s1  }
0x8c: {  	s17 =	sshll.u32 s0, $0xA;
	s2 =	sadd.s32 s3, s2  }
0x8d: {  	s2 =	sadd.s32 s2, s17  }
0x8e: {  	[smem:$0x3FC0] =	sst s2  }
0x8f: {  	_ = 	snop  }
0x90: {  	s2 =	sld [smem:$0x3FC6]  }
0x91: {  	s18 =	sld [smem:$0x3FC5];
	(tm) =	ssettm $0x1  }
0x92: {  	s4 =	sld [smem:$0x3FFB];
	_ =	sdelay $0x3  }
0x93: {  	_ =	strace s4  }
0x94: {  	s4 =	sld [smem:$0x3FFC];
	_ =	sdelay $0x3  }
0x95: {  	_ =	strace s4  }
0x96: {  	s4 =	sld [smem:$0x3FFD];
	_ =	sdelay $0x3  }
0x97: {  	_ =	strace s4  }
0x98: {  	_ =	strace $0x8FFFFFFF  }
0x99: {  	s19 =	sld [smem:$0x3FDB];
	_ =	sdelay $0x1  }
0x9a: {  	s5 =	simm.s32 $_scs_section_size  }
0x9b: {  	s6 =	simm.s32 $_size__tile_overlayer_lowered;
	s7 =	simm.s32 $_tile_overlayer_lowered  }
0x9c: {  	s22 =	simm.s32 $0x1BFF;
	s21 =	sshll.u32 s7, $0x1;
	s4 =	sadd.s32 s5, s19  }
0x9d: {  	s8 =	simm.s32 $0x0;
	s20 =	sshll.u32 s6, $0x1;
	s6 =	sadd.s32 s21, s4  }
0x9e: {  	[timem:s8], [sflag:s22] =	dma.local [hbm:s6], s20  }
0x9f: {  	_ =	swait.ge [sflag:s22], s20  }
0xa0: {  	s5 =	ssub.s32 $0x0, s20;
	[sflag:s22] =	ssyncset.done $0x0  }
0xa1: {  	[sflag:s22] =	ssyncadd.s32 s5;
	_ =	sdelay $0x1  }
0xa2: {  	s23 =	simm.s32 $0x1B8B  }
0xa3: {  	_ =	swait.ge [sflag:s23], $0x1  }
0xa4: {  	[sflag:s23] =	ssyncset.done $0x0  }
0xa5: {  	s25 =	simm.s32 $0x1B8E;
	s24 =	sld [smem:$0x3FFE];
	[sflag:s23] =	ssyncadd.s32 $0xFFFFFFFF  }
0xa6: {  	s26 =	simm.s32 $execute0_lowered;
	[smem:$0x3FD2] =	sst s25  }
0xa7: {  	s6 =	sshll.u32 s26, $0x1;
	_ =	strace $0x80000046;
	[dreg:$0x1] =	wrdreg $0xFFFFFFFF  }
0xa8: {  	s28 =	simm.s32 $_size_execute0_lowered;
	s4 =	sadd.s32 s4, s6;
	[dreg:$0x0] =	wrdreg $0x0  }
0xa9: {  	s6 =	sshll.u32 s28, $0x1;
	[dreg:$0x2] =	wrdreg s4  }
0xaa: {  	[dreg:$0x3] =	wrdreg s6  }
0xab: {  	[dreg:$0x4] =	wrdreg $0xC0  }
0xac: {  	_ =	task [dreg:s8], $0x5FFFF  }
0xad: {  	[dreg:$0x1] =	wrdreg $0xFFFFFFFF  }
0xae: {  	[dreg:$0x0] =	wrdreg $0x60  }
0xaf: {  	[dreg:$0x2] =	wrdreg s18  }
0xb0: {  	[dreg:$0x3] =	wrdreg s2  }
0xb1: {  	[dreg:$0x4] =	wrdreg s24  }
0xb2: {  	[dreg:$0x5] =	wrdreg $0x9  }
0xb3: {  	_ =	task.clear_ibuf [dreg:s8], $0x6FFFF;
	_ =	strace $0x90000046  }
0xb4: {  	s29 =	simm.s32 $0x9;
	_ =	strace $0x80000048  }
0xb5: {  	_ =	swait.ge [sflag:s29], $0x1  }
0xb6: {  	[sflag:s29] =	ssyncadd.s32 $0xFFFFFFFF  }
0xb7: {  	_ =	strace $0x90000048  }
0xb8: {  	_ =	sfence  }
0xb9: {  	s30 =	sld [smem:$0x0];
	_ =	sdelay $0x2  }
0xba: {  	s31 =	sshll.u32 s1, $0xD;
	s1 =	sshrl.u32 s1, $0x2  }
0xbb: {  	s3 =	sand.u32 $0x4000, s31;
	s1 =	sadd.s32 s1, s30  }
0xbc: {  	s0 =	sor.u32 s3, s0;
	s1 =	sshll.u32 s1, $0x11  }
0xbd: {  	s0 =	sor.u32 s1, s0  }
0xbe: {  	s0 =	sadd.s32 $0x8F2B, s0  }
0xbf: {  	[sflag:s0] =	ssyncadd.remote.s32 $0x1  }
0xc0: {  	_ =	sfence.sel $0xFFFF  }
0xc1: {  	[dreg:$0x0] =	wrdreg $0xFFFFFFFF;
	(pc) =	sbr.abs _section_cstart, $3  }
0xc2: {  	[dreg:$0x1] =	wrdreg $0xFFFFFFFF  }
0xc3: {  	_ =	task.clear_ibuf [dreg:s8], $0x2FFFF;
	_ =	strace $0x9FFFFFFF  }
0xc4: {  	(tm) =	ssettm $0x7FFFFFFF  }
0xc5: {  	_ =	shalt  }
tec
execute0_lowered:
.L_overlay_start_1:
0x0: {  	(tag) =	ssettag $0x1  }
0x1: {  	s2 =	rddreg [dreg:$0x0]  }
0x2: {  	s3 =	rddreg [dreg:$0x1]  }
0x3: {  	s5 =	rddreg [dreg:$0x2]  }
0x4: {  	s0 =	rddreg [dreg:$0x3];
	s1 =	stileid.u32  }
0x5: {  	s6 =	srdreg.scid;
	s4 =	simm.s32 $0x0;
	s12 =	simm.s32 $0x18700  }
0x6: {  	s13 =	simm.s32 $0x3;
	s14 =	simm.s32 $0x1AE00;
	s15 =	simm.s32 $0x1  }
0x7: {  	s16 =	simm.s32 $0x1D500;
	s17 =	simm.s32 $0x2;
	s18 =	simm.s32 $0x80  }
0x8: {  	s19 =	simm.s32 $0x400;
	s20 =	simm.s32 $0x1E580;
	s21 =	simm.s32 $0x0  }
0x9: {  	s6 =	sand.u32 $0x1, s6;
	s7 =	sshll.u32 s1, $0x1;
	[smem:$0x7FF] =	sst s4  }
0xa: {  	s8 =	sshll.u32 s1, $0x6;
	p0 =	sgt.u32 s1, $0x9;
	s7 =	sor.u32 s6, s7  }
0xb: {  	_ =	strace $0x80000047;
	s8 =	sand.u32 $0x300, s8;
	s6 =	ssub.s32 $0x2, s6  }
0xc: {  	s9 =	smul.u32 $0x186, s7;
	s10 =	smin.u32 s7, $0x14;
	s30 =	sshll.u32 s7, $0x4  }
0xd: {  	s8 =	sadd.s32 s8, s5;
	s28 =	sshrl.u32 s6, $0x1;
	s31 =	sand.u32 $0x70, s30  }
0xe: {  	s11 =	ssub.s32 s6, s28;
	s9 =	sadd.s32 s10, s9;
	s10 =	sadd.s32 s31, s8  }
0xf: {  	s11 =	smax.u32 s11, $0x1;
	s29 =	sshll.u32 s9, $0x5;
	s9 =	sshll.u32 s9, $0x7  }
0x10: {  	v1 =	vlaneseq.u32;
	s10 =	sadd.s32 $0x1000, s10;
	s5 =	sadd.s32 s3, s29;
	s7 =	sadd.s32 $0x2700, s9  }
0x11: {  	v0 =	vimm.s32 $0x0;
	v2 =	vimm.s32 $0x1;
	v1 =	vmul.u32 $0x101, v1;
	s8 =	sadd.s32 $0x3A80, s9;
	s6 =	sadd.s32 $0x4E0, s5;
	s9 =	sadd.s32 $0x30C0, s5  }
.LBB2_1:
0x12: {  	s22 =	simm.s32 $0x1D540  }
0x13: {  	[tilespmem:s22+$0xFFFFFFC0] =	vst v0  }
0x14: {  	[tilespmem:s22+$0x30] =	vst v0  }
0x15: {  	[tilespmem:s22+$0x20] =	vst v0  }
0x16: {  	[tilespmem:s22+$0x10] =	vst v0  }
0x17: {  	[tilespmem:s22+$0x0] =	vst v0  }
0x18: {  	[tilespmem:s22+$0xFFFFFFF0] =	vst v0  }
0x19: {  	s23 =	simm.s32 $0x0;
	[tilespmem:s22+$0xFFFFFFE0] =	vst v0  }
.LBB2_2:
0x1a: {  	s23 =	sadd.s32 $0x8, s23;
	[tilespmem:s22+$0xFFFFFFD0] =	vst v0;
	s22 =	sadd.s32 $0x80, s22  }
0x1b: {  	[tilespmem:s22+$0xFFFFFFC0] =	vst v0;
	p1 =	slt.u32 s23, $0x100  }
0x1c: {  	[tilespmem:s22+$0x30] =	vst v0  }
.Ltmp0:
0x1d: {  	[tilespmem:s22+$0x20] =	vst v0;
	(pc) =	sbr.rel @p1 .LBB2_2-.Ltmp0, $4  }
0x1e: {  	[tilespmem:s22+$0x10] =	vst v0  }
0x1f: {  	[tilespmem:s22+$0x0] =	vst v0  }
0x20: {  	[tilespmem:s22+$0xFFFFFFF0] =	vst v0  }
0x21: {  	[tilespmem:s22+$0xFFFFFFE0] =	vst v0  }
0x22: {  	[tilespmem:s22+$0xFFFFFFD0] =	vst v0;
	s22 =	simm.s32 $0x0  }
0x23: {  	[tilespmem:s12], [sflag:$0x1] =	stream.linear.gather [hbm4b:s5+s22], $0x2700, $0x38;
	[tilespmem:$0x1E680] =	vst v63  }
0x24: {  	_ = 	snop  }
0x25: {  	[tilespmem:s22], [sflag:$0x3] =	stream.linear.gather [hbm4b:s2+s22], $0x18700, $0x38;
	[tilespmem:$0x1E680] =	vst v63  }
0x26: {  	_ =	swait.ge [sflag:s13], $0x18700  }
0x27: {  	[sflag:s13] =	ssyncset.done $0x0  }
0x28: {  	[sflag:s13] =	ssyncadd.s32 $0xFFFE7900  }
0x29: {  	[tilespmem:s14], [sflag:$0x2] =	stream.linear.gather [hbm4b:s6+s22], $0x2700, $0x38;
	[tilespmem:$0x1E680] =	vst v63  }
.LBB2_4:
0x2a: {  	_ =	swait.ge [sflag:s15], $0x2700  }
0x2b: {  	[sflag:s15] =	ssyncset.done $0x0  }
0x2c: {  	s23 =	simm.s32 $0x187F0;
	[sflag:s15] =	ssyncadd.s32 $0xFFFFD900  }
0x2d: {  	v3 =	vld [tilespmem:s23+$0x0]  }
0x2e: {  	v4 =	vld [tilespmem:s23+$0xFFFFFFA0]  }
0x2f: {  	v5 =	vld [tilespmem:s23+$0xFFFFFFB0]  }
0x30: {  	v6 =	vld [tilespmem:s23+$0xFFFFFFC0]  }
0x31: {  	v7 =	vld [tilespmem:s23+$0xFFFFFFD0]  }
0x32: {  	v8 =	vld [tilespmem:s23+$0xFFFFFFE0]  }
0x33: {  	v9 =	vld [tilespmem:s23+$0xFFFFFFF0]  }
0x34: {  	v10 =	vld [tilespmem:s23+$0xFFFFFF90]  }
0x35: {  	v3 =	vld.idx.msk [tilespmem:v3+s4+$0x0], $0xffff  }
0x36: {  	v4 =	vld.idx.msk [tilespmem:v4+s4+$0x0], $0xffff  }
0x37: {  	v5 =	vld.idx.msk [tilespmem:v5+s4+$0x0], $0xffff  }
0x38: {  	v6 =	vld.idx.msk [tilespmem:v6+s4+$0x0], $0xffff  }
0x39: {  	v7 =	vld.idx.msk [tilespmem:v7+s4+$0x0], $0xffff  }
0x3a: {  	v3 =	vadd.s32 v1, v3  }
0x3b: {  	v4 =	vadd.s32 v1, v4  }
0x3c: {  	v8 =	vld.idx.msk [tilespmem:v8+s4+$0x0], $0xffff;
	v5 =	vadd.s32 v1, v5  }
0x3d: {  	v9 =	vld.idx.msk [tilespmem:v9+s4+$0x0], $0xffff;
	v6 =	vadd.s32 v1, v6  }
0x3e: {  	v10 =	vld.idx.msk [tilespmem:v10+s4+$0x0], $0xffff;
	v7 =	vadd.s32 v1, v7  }
0x3f: {  	[tilespmem:v3+s16+$0x0] =	vst.idx.add.s32.msk $0xffff, v2  }
0x40: {  	[tilespmem:v4+s16+$0x0] =	vst.idx.add.s32.msk $0xffff, v2  }
0x41: {  	[tilespmem:v5+s16+$0x0] =	vst.idx.add.s32.msk $0xffff, v2  }
0x42: {  	v3 =	vadd.s32 v1, v8;
	[tilespmem:v6+s16+$0x0] =	vst.idx.add.s32.msk $0xffff, v2  }
0x43: {  	s24 =	simm.s32 $0x188F0;
	s23 =	simm.s32 $0x0;
	v4 =	vadd.s32 v1, v9;
	v5 =	vadd.s32 v1, v10;
	[tilespmem:v7+s16+$0x0] =	vst.idx.add.s32.msk $0xffff, v2  }
.LBB2_5:
0x44: {  	v6 =	vld [tilespmem:s24+$0x0];
	s23 =	sadd.s32 $0x8, s23  }
0x45: {  	v7 =	vld [tilespmem:s24+$0xFFFFFFA0];
	p1 =	slt.u32 s23, $0x130  }
0x46: {  	v8 =	vld [tilespmem:s24+$0xFFFFFFB0]  }
0x47: {  	v9 =	vld [tilespmem:s24+$0xFFFFFFC0]  }
0x48: {  	v10 =	vld [tilespmem:s24+$0xFFFFFFD0]  }
0x49: {  	v11 =	vld [tilespmem:s24+$0xFFFFFFE0]  }
0x4a: {  	v12 =	vld [tilespmem:s24+$0xFFFFFFF0]  }
0x4b: {  	v13 =	vld [tilespmem:s24+$0xFFFFFF90]  }
0x4c: {  	v6 =	vld.idx.msk [tilespmem:v6+s4+$0x0], $0xffff  }
0x4d: {  	v7 =	vld.idx.msk [tilespmem:v7+s4+$0x0], $0xffff  }
0x4e: {  	v8 =	vld.idx.msk [tilespmem:v8+s4+$0x0], $0xffff  }
0x4f: {  	v9 =	vld.idx.msk [tilespmem:v9+s4+$0x0], $0xffff  }
0x50: {  	v10 =	vld.idx.msk [tilespmem:v10+s4+$0x0], $0xffff  }
0x51: {  	v11 =	vld.idx.msk [tilespmem:v11+s4+$0x0], $0xffff  }
0x52: {  	v6 =	vadd.s32 v1, v6;
	v12 =	vld.idx.msk [tilespmem:v12+s4+$0x0], $0xffff  }
0x53: {  	v7 =	vadd.s32 v1, v7;
	v13 =	vld.idx.msk [tilespmem:v13+s4+$0x0], $0xffff  }
0x54: {  	v8 =	vadd.s32 v1, v8;
	[tilespmem:v5+s16+$0x0] =	vst.idx.add.s32.msk $0xffff, v2  }
0x55: {  	v9 =	vadd.s32 v1, v9;
	[tilespmem:v3+s16+$0x0] =	vst.idx.add.s32.msk $0xffff, v2  }
0x56: {  	v10 =	vadd.s32 v1, v10;
	[tilespmem:v4+s16+$0x0] =	vst.idx.add.s32.msk $0xffff, v2  }
.Ltmp1:
0x57: {  	v3 =	vadd.s32 v1, v11;
	[tilespmem:v6+s16+$0x0] =	vst.idx.add.s32.msk $0xffff, v2;
	(pc) =	sbr.rel @p1 .LBB2_5-.Ltmp1, $4  }
0x58: {  	v4 =	vadd.s32 v1, v12;
	[tilespmem:v7+s16+$0x0] =	vst.idx.add.s32.msk $0xffff, v2  }
0x59: {  	v5 =	vadd.s32 v1, v13;
	[tilespmem:v8+s16+$0x0] =	vst.idx.add.s32.msk $0xffff, v2  }
0x5a: {  	[tilespmem:v9+s16+$0x0] =	vst.idx.add.s32.msk $0xffff, v2  }
0x5b: {  	s24 =	sadd.s32 $0x100, s24;
	[tilespmem:v10+s16+$0x0] =	vst.idx.add.s32.msk $0xffff, v2  }
0x5c: {  	_ =	sdelay $0x1  }
0x5d: {  	s23 =	smul.u32 $0x2700, s22;
	_ =	sdelay $0x1  }
0x5e: {  	[tilespmem:v5+s16+$0x0] =	vst.idx.add.s32.msk $0xffff, v2;
	s24 =	sadd.s32 s23, s7  }
0x5f: {  	[tilespmem:v3+s16+$0x0] =	vst.idx.add.s32.msk $0xffff, v2;
	s24 =	sshrl.u32 s24, $0x2  }
0x60: {  	[tilespmem:v4+s16+$0x0] =	vst.idx.add.s32.msk $0xffff, v2;
	s24 =	sadd.s32 s3, s24  }
0x61: {  	[tilespmem:s12], [sflag:$0x1] =	stream.linear.gather [hbm4b:s24+s4], $0x2700, $0x38;
	[tilespmem:$0x1E680] =	vst v63  }
0x62: {  	_ =	swait.ge [sflag:s17], $0x2700  }
0x63: {  	[sflag:s17] =	ssyncset.done $0x0  }
0x64: {  	s31 =	simm.s32 $0x1AEF0;
	[sflag:s17] =	ssyncadd.s32 $0xFFFFD900  }
0x65: {  	v3 =	vld [tilespmem:s31+$0x0]  }
0x66: {  	v4 =	vld [tilespmem:s31+$0xFFFFFFA0]  }
0x67: {  	v5 =	vld [tilespmem:s31+$0xFFFFFFB0]  }
0x68: {  	v6 =	vld [tilespmem:s31+$0xFFFFFFC0]  }
0x69: {  	v7 =	vld [tilespmem:s31+$0xFFFFFFD0]  }
0x6a: {  	v8 =	vld [tilespmem:s31+$0xFFFFFFE0]  }
0x6b: {  	v9 =	vld [tilespmem:s31+$0xFFFFFFF0]  }
0x6c: {  	v10 =	vld [tilespmem:s31+$0xFFFFFF90]  }
0x6d: {  	v3 =	vld.idx.msk [tilespmem:v3+s4+$0x0], $0xffff  }
0x6e: {  	v4 =	vld.idx.msk [tilespmem:v4+s4+$0x0], $0xffff  }
0x6f: {  	v5 =	vld.idx.msk [tilespmem:v5+s4+$0x0], $0xffff  }
0x70: {  	v6 =	vld.idx.msk [tilespmem:v6+s4+$0x0], $0xffff  }
0x71: {  	v7 =	vld.idx.msk [tilespmem:v7+s4+$0x0], $0xffff  }
0x72: {  	v3 =	vadd.s32 v1, v3  }
0x73: {  	v4 =	vadd.s32 v1, v4  }
0x74: {  	v8 =	vld.idx.msk [tilespmem:v8+s4+$0x0], $0xffff;
	v5 =	vadd.s32 v1, v5  }
0x75: {  	v9 =	vld.idx.msk [tilespmem:v9+s4+$0x0], $0xffff;
	v6 =	vadd.s32 v1, v6  }
0x76: {  	v10 =	vld.idx.msk [tilespmem:v10+s4+$0x0], $0xffff;
	v7 =	vadd.s32 v1, v7  }
0x77: {  	[tilespmem:v3+s16+$0x0] =	vst.idx.add.s32.msk $0xffff, v2  }
0x78: {  	[tilespmem:v4+s16+$0x0] =	vst.idx.add.s32.msk $0xffff, v2  }
0x79: {  	[tilespmem:v5+s16+$0x0] =	vst.idx.add.s32.msk $0xffff, v2  }
0x7a: {  	v3 =	vadd.s32 v1, v8;
	[tilespmem:v6+s16+$0x0] =	vst.idx.add.s32.msk $0xffff, v2  }
0x7b: {  	s25 =	simm.s32 $0x1AFF0;
	s24 =	simm.s32 $0x0;
	v4 =	vadd.s32 v1, v9;
	v5 =	vadd.s32 v1, v10;
	[tilespmem:v7+s16+$0x0] =	vst.idx.add.s32.msk $0xffff, v2  }
.LBB2_7:
0x7c: {  	v6 =	vld [tilespmem:s25+$0x0];
	s24 =	sadd.s32 $0x8, s24  }
0x7d: {  	v7 =	vld [tilespmem:s25+$0xFFFFFFA0];
	p1 =	slt.u32 s24, $0x130  }
0x7e: {  	v8 =	vld [tilespmem:s25+$0xFFFFFFB0]  }
0x7f: {  	v9 =	vld [tilespmem:s25+$0xFFFFFFC0]  }
0x80: {  	v10 =	vld [tilespmem:s25+$0xFFFFFFD0]  }
0x81: {  	v11 =	vld [tilespmem:s25+$0xFFFFFFE0]  }
0x82: {  	v12 =	vld [tilespmem:s25+$0xFFFFFFF0]  }
0x83: {  	v13 =	vld [tilespmem:s25+$0xFFFFFF90]  }
0x84: {  	v6 =	vld.idx.msk [tilespmem:v6+s4+$0x0], $0xffff  }
0x85: {  	v7 =	vld.idx.msk [tilespmem:v7+s4+$0x0], $0xffff  }
0x86: {  	v8 =	vld.idx.msk [tilespmem:v8+s4+$0x0], $0xffff  }
0x87: {  	v9 =	vld.idx.msk [tilespmem:v9+s4+$0x0], $0xffff  }
0x88: {  	v10 =	vld.idx.msk [tilespmem:v10+s4+$0x0], $0xffff  }
0x89: {  	v11 =	vld.idx.msk [tilespmem:v11+s4+$0x0], $0xffff  }
0x8a: {  	v6 =	vadd.s32 v1, v6;
	v12 =	vld.idx.msk [tilespmem:v12+s4+$0x0], $0xffff  }
0x8b: {  	v7 =	vadd.s32 v1, v7;
	v13 =	vld.idx.msk [tilespmem:v13+s4+$0x0], $0xffff  }
0x8c: {  	v8 =	vadd.s32 v1, v8;
	[tilespmem:v5+s16+$0x0] =	vst.idx.add.s32.msk $0xffff, v2  }
0x8d: {  	v9 =	vadd.s32 v1, v9;
	[tilespmem:v3+s16+$0x0] =	vst.idx.add.s32.msk $0xffff, v2  }
0x8e: {  	v10 =	vadd.s32 v1, v10;
	[tilespmem:v4+s16+$0x0] =	vst.idx.add.s32.msk $0xffff, v2  }
.Ltmp2:
0x8f: {  	v3 =	vadd.s32 v1, v11;
	[tilespmem:v6+s16+$0x0] =	vst.idx.add.s32.msk $0xffff, v2;
	(pc) =	sbr.rel @p1 .LBB2_7-.Ltmp2, $4  }
0x90: {  	v4 =	vadd.s32 v1, v12;
	[tilespmem:v7+s16+$0x0] =	vst.idx.add.s32.msk $0xffff, v2  }
0x91: {  	v5 =	vadd.s32 v1, v13;
	[tilespmem:v8+s16+$0x0] =	vst.idx.add.s32.msk $0xffff, v2  }
0x92: {  	[tilespmem:v9+s16+$0x0] =	vst.idx.add.s32.msk $0xffff, v2  }
0x93: {  	s25 =	sadd.s32 $0x100, s25;
	[tilespmem:v10+s16+$0x0] =	vst.idx.add.s32.msk $0xffff, v2  }
0x94: {  	_ = 	snop  }
0x95: {  	s22 =	sadd.s32 $0x1, s22  }
0x96: {  	p1 =	sne.s32 s22, $0x4  }
.Ltmp3:
0x97: {  	_ = 	snop;
	(pc) =	sbr.rel @p1 .LBB2_4-.Ltmp3, $4  }
0x98: {  	[tilespmem:v5+s16+$0x0] =	vst.idx.add.s32.msk $0xffff, v2;
	s23 =	sadd.s32 s23, s8  }
0x99: {  	[tilespmem:v3+s16+$0x0] =	vst.idx.add.s32.msk $0xffff, v2;
	s23 =	sshrl.u32 s23, $0x2  }
0x9a: {  	[tilespmem:v4+s16+$0x0] =	vst.idx.add.s32.msk $0xffff, v2;
	s23 =	sadd.s32 s3, s23  }
0x9b: {  	[tilespmem:s14], [sflag:$0x2] =	stream.linear.gather [hbm4b:s23+s4], $0x2700, $0x38;
	[tilespmem:$0x1E680] =	vst v63  }
0x9c: {  	_ =	swait.ge [sflag:s15], $0x2700  }
0x9d: {  	[sflag:s15] =	ssyncset.done $0x0  }
0x9e: {  	s22 =	simm.s32 $0x187F0;
	[sflag:s15] =	ssyncadd.s32 $0xFFFFD900  }
0x9f: {  	v3 =	vld [tilespmem:s22+$0x0]  }
0xa0: {  	v4 =	vld [tilespmem:s22+$0xFFFFFFA0]  }
0xa1: {  	v5 =	vld [tilespmem:s22+$0xFFFFFFB0]  }
0xa2: {  	v6 =	vld [tilespmem:s22+$0xFFFFFFC0]  }
0xa3: {  	v7 =	vld [tilespmem:s22+$0xFFFFFFD0]  }
0xa4: {  	v8 =	vld [tilespmem:s22+$0xFFFFFFE0]  }
0xa5: {  	v9 =	vld [tilespmem:s22+$0xFFFFFFF0]  }
0xa6: {  	v10 =	vld [tilespmem:s22+$0xFFFFFF90]  }
0xa7: {  	v3 =	vld.idx.msk [tilespmem:v3+s4+$0x0], $0xffff  }
0xa8: {  	v4 =	vld.idx.msk [tilespmem:v4+s4+$0x0], $0xffff  }
0xa9: {  	v5 =	vld.idx.msk [tilespmem:v5+s4+$0x0], $0xffff  }
0xaa: {  	v6 =	vld.idx.msk [tilespmem:v6+s4+$0x0], $0xffff  }
0xab: {  	v7 =	vld.idx.msk [tilespmem:v7+s4+$0x0], $0xffff  }
0xac: {  	v3 =	vadd.s32 v1, v3  }
0xad: {  	v4 =	vadd.s32 v1, v4  }
0xae: {  	v8 =	vld.idx.msk [tilespmem:v8+s4+$0x0], $0xffff;
	v5 =	vadd.s32 v1, v5  }
0xaf: {  	v9 =	vld.idx.msk [tilespmem:v9+s4+$0x0], $0xffff;
	v6 =	vadd.s32 v1, v6  }
0xb0: {  	v10 =	vld.idx.msk [tilespmem:v10+s4+$0x0], $0xffff;
	v7 =	vadd.s32 v1, v7  }
0xb1: {  	[tilespmem:v3+s16+$0x0] =	vst.idx.add.s32.msk $0xffff, v2  }
0xb2: {  	[tilespmem:v4+s16+$0x0] =	vst.idx.add.s32.msk $0xffff, v2  }
0xb3: {  	[tilespmem:v5+s16+$0x0] =	vst.idx.add.s32.msk $0xffff, v2  }
0xb4: {  	v3 =	vadd.s32 v1, v8;
	[tilespmem:v6+s16+$0x0] =	vst.idx.add.s32.msk $0xffff, v2  }
0xb5: {  	s23 =	simm.s32 $0x188F0;
	s22 =	simm.s32 $0x0;
	v4 =	vadd.s32 v1, v9;
	v5 =	vadd.s32 v1, v10;
	[tilespmem:v7+s16+$0x0] =	vst.idx.add.s32.msk $0xffff, v2  }
.LBB2_10:
0xb6: {  	v6 =	vld [tilespmem:s23+$0x0];
	s22 =	sadd.s32 $0x8, s22  }
0xb7: {  	v7 =	vld [tilespmem:s23+$0xFFFFFFA0];
	p1 =	slt.u32 s22, $0x130  }
0xb8: {  	v8 =	vld [tilespmem:s23+$0xFFFFFFB0]  }
0xb9: {  	v9 =	vld [tilespmem:s23+$0xFFFFFFC0]  }
0xba: {  	v10 =	vld [tilespmem:s23+$0xFFFFFFD0]  }
0xbb: {  	v11 =	vld [tilespmem:s23+$0xFFFFFFE0]  }
0xbc: {  	v12 =	vld [tilespmem:s23+$0xFFFFFFF0]  }
0xbd: {  	v13 =	vld [tilespmem:s23+$0xFFFFFF90]  }
0xbe: {  	v6 =	vld.idx.msk [tilespmem:v6+s4+$0x0], $0xffff  }
0xbf: {  	v7 =	vld.idx.msk [tilespmem:v7+s4+$0x0], $0xffff  }
0xc0: {  	v8 =	vld.idx.msk [tilespmem:v8+s4+$0x0], $0xffff  }
0xc1: {  	v9 =	vld.idx.msk [tilespmem:v9+s4+$0x0], $0xffff  }
0xc2: {  	v10 =	vld.idx.msk [tilespmem:v10+s4+$0x0], $0xffff  }
0xc3: {  	v11 =	vld.idx.msk [tilespmem:v11+s4+$0x0], $0xffff  }
0xc4: {  	v6 =	vadd.s32 v1, v6;
	v12 =	vld.idx.msk [tilespmem:v12+s4+$0x0], $0xffff  }
0xc5: {  	v7 =	vadd.s32 v1, v7;
	v13 =	vld.idx.msk [tilespmem:v13+s4+$0x0], $0xffff  }
0xc6: {  	v8 =	vadd.s32 v1, v8;
	[tilespmem:v5+s16+$0x0] =	vst.idx.add.s32.msk $0xffff, v2  }
0xc7: {  	v9 =	vadd.s32 v1, v9;
	[tilespmem:v3+s16+$0x0] =	vst.idx.add.s32.msk $0xffff, v2  }
0xc8: {  	v10 =	vadd.s32 v1, v10;
	[tilespmem:v4+s16+$0x0] =	vst.idx.add.s32.msk $0xffff, v2  }
.Ltmp4:
0xc9: {  	v3 =	vadd.s32 v1, v11;
	[tilespmem:v6+s16+$0x0] =	vst.idx.add.s32.msk $0xffff, v2;
	(pc) =	sbr.rel @p1 .LBB2_10-.Ltmp4, $4  }
0xca: {  	v4 =	vadd.s32 v1, v12;
	[tilespmem:v7+s16+$0x0] =	vst.idx.add.s32.msk $0xffff, v2  }
0xcb: {  	v5 =	vadd.s32 v1, v13;
	[tilespmem:v8+s16+$0x0] =	vst.idx.add.s32.msk $0xffff, v2  }
0xcc: {  	[tilespmem:v9+s16+$0x0] =	vst.idx.add.s32.msk $0xffff, v2  }
0xcd: {  	s23 =	sadd.s32 $0x100, s23;
	[tilespmem:v10+s16+$0x0] =	vst.idx.add.s32.msk $0xffff, v2  }
0xce: {  	_ =	sdelay $0x3  }
0xcf: {  	[tilespmem:v5+s16+$0x0] =	vst.idx.add.s32.msk $0xffff, v2  }
0xd0: {  	[tilespmem:v3+s16+$0x0] =	vst.idx.add.s32.msk $0xffff, v2  }
0xd1: {  	[tilespmem:v4+s16+$0x0] =	vst.idx.add.s32.msk $0xffff, v2  }
0xd2: {  	_ =	swait.ge [sflag:s17], $0x2700  }
0xd3: {  	[sflag:s17] =	ssyncset.done $0x0  }
0xd4: {  	s22 =	simm.s32 $0x1AEF0;
	[sflag:s17] =	ssyncadd.s32 $0xFFFFD900  }
0xd5: {  	v3 =	vld [tilespmem:s22+$0x0]  }
0xd6: {  	v4 =	vld [tilespmem:s22+$0xFFFFFFA0]  }
0xd7: {  	v5 =	vld [tilespmem:s22+$0xFFFFFFB0]  }
0xd8: {  	v6 =	vld [tilespmem:s22+$0xFFFFFFC0]  }
0xd9: {  	v7 =	vld [tilespmem:s22+$0xFFFFFFD0]  }
0xda: {  	v8 =	vld [tilespmem:s22+$0xFFFFFFE0]  }
0xdb: {  	v9 =	vld [tilespmem:s22+$0xFFFFFFF0]  }
0xdc: {  	v10 =	vld [tilespmem:s22+$0xFFFFFF90]  }
0xdd: {  	v3 =	vld.idx.msk [tilespmem:v3+s4+$0x0], $0xffff  }
0xde: {  	v4 =	vld.idx.msk [tilespmem:v4+s4+$0x0], $0xffff  }
0xdf: {  	v5 =	vld.idx.msk [tilespmem:v5+s4+$0x0], $0xffff  }
0xe0: {  	v6 =	vld.idx.msk [tilespmem:v6+s4+$0x0], $0xffff  }
0xe1: {  	v7 =	vld.idx.msk [tilespmem:v7+s4+$0x0], $0xffff  }
0xe2: {  	v3 =	vadd.s32 v1, v3  }
0xe3: {  	v4 =	vadd.s32 v1, v4  }
0xe4: {  	v8 =	vld.idx.msk [tilespmem:v8+s4+$0x0], $0xffff;
	v5 =	vadd.s32 v1, v5  }
0xe5: {  	v9 =	vld.idx.msk [tilespmem:v9+s4+$0x0], $0xffff;
	v6 =	vadd.s32 v1, v6  }
0xe6: {  	v10 =	vld.idx.msk [tilespmem:v10+s4+$0x0], $0xffff;
	v7 =	vadd.s32 v1, v7  }
0xe7: {  	[tilespmem:v3+s16+$0x0] =	vst.idx.add.s32.msk $0xffff, v2  }
0xe8: {  	[tilespmem:v4+s16+$0x0] =	vst.idx.add.s32.msk $0xffff, v2  }
0xe9: {  	[tilespmem:v5+s16+$0x0] =	vst.idx.add.s32.msk $0xffff, v2  }
0xea: {  	v3 =	vadd.s32 v1, v8;
	[tilespmem:v6+s16+$0x0] =	vst.idx.add.s32.msk $0xffff, v2  }
0xeb: {  	s23 =	simm.s32 $0x1AFF0;
	s22 =	simm.s32 $0x0;
	v4 =	vadd.s32 v1, v9;
	v5 =	vadd.s32 v1, v10;
	[tilespmem:v7+s16+$0x0] =	vst.idx.add.s32.msk $0xffff, v2  }
.LBB2_12:
0xec: {  	v6 =	vld [tilespmem:s23+$0x0];
	s22 =	sadd.s32 $0x8, s22  }
0xed: {  	v7 =	vld [tilespmem:s23+$0xFFFFFFA0];
	p1 =	slt.u32 s22, $0x130  }
0xee: {  	v8 =	vld [tilespmem:s23+$0xFFFFFFB0]  }
0xef: {  	v9 =	vld [tilespmem:s23+$0xFFFFFFC0]  }
0xf0: {  	v10 =	vld [tilespmem:s23+$0xFFFFFFD0]  }
0xf1: {  	v11 =	vld [tilespmem:s23+$0xFFFFFFE0]  }
0xf2: {  	v12 =	vld [tilespmem:s23+$0xFFFFFFF0]  }
0xf3: {  	v13 =	vld [tilespmem:s23+$0xFFFFFF90]  }
0xf4: {  	v6 =	vld.idx.msk [tilespmem:v6+s4+$0x0], $0xffff  }
0xf5: {  	v7 =	vld.idx.msk [tilespmem:v7+s4+$0x0], $0xffff  }
0xf6: {  	v8 =	vld.idx.msk [tilespmem:v8+s4+$0x0], $0xffff  }
0xf7: {  	v9 =	vld.idx.msk [tilespmem:v9+s4+$0x0], $0xffff  }
0xf8: {  	v10 =	vld.idx.msk [tilespmem:v10+s4+$0x0], $0xffff  }
0xf9: {  	v11 =	vld.idx.msk [tilespmem:v11+s4+$0x0], $0xffff  }
0xfa: {  	v6 =	vadd.s32 v1, v6;
	v12 =	vld.idx.msk [tilespmem:v12+s4+$0x0], $0xffff  }
0xfb: {  	v7 =	vadd.s32 v1, v7;
	v13 =	vld.idx.msk [tilespmem:v13+s4+$0x0], $0xffff  }
0xfc: {  	v8 =	vadd.s32 v1, v8;
	[tilespmem:v5+s16+$0x0] =	vst.idx.add.s32.msk $0xffff, v2  }
0xfd: {  	v9 =	vadd.s32 v1, v9;
	[tilespmem:v3+s16+$0x0] =	vst.idx.add.s32.msk $0xffff, v2  }
0xfe: {  	v10 =	vadd.s32 v1, v10;
	[tilespmem:v4+s16+$0x0] =	vst.idx.add.s32.msk $0xffff, v2  }
.Ltmp5:
0xff: {  	v3 =	vadd.s32 v1, v11;
	[tilespmem:v6+s16+$0x0] =	vst.idx.add.s32.msk $0xffff, v2;
	(pc) =	sbr.rel @p1 .LBB2_12-.Ltmp5, $4  }
0x100: {  	v4 =	vadd.s32 v1, v12;
	[tilespmem:v7+s16+$0x0] =	vst.idx.add.s32.msk $0xffff, v2  }
0x101: {  	v5 =	vadd.s32 v1, v13;
	[tilespmem:v8+s16+$0x0] =	vst.idx.add.s32.msk $0xffff, v2  }
0x102: {  	[tilespmem:v9+s16+$0x0] =	vst.idx.add.s32.msk $0xffff, v2  }
0x103: {  	s23 =	sadd.s32 $0x100, s23;
	[tilespmem:v10+s16+$0x0] =	vst.idx.add.s32.msk $0xffff, v2  }
0x104: {  	_ =	sdelay $0x3  }
0x105: {  	[tilespmem:v5+s16+$0x0] =	vst.idx.add.s32.msk $0xffff, v2  }
0x106: {  	[tilespmem:v3+s16+$0x0] =	vst.idx.add.s32.msk $0xffff, v2  }
0x107: {  	[tilespmem:v4+s16+$0x0] =	vst.idx.add.s32.msk $0xffff, v2;
	s22 =	simm.s32 @!p0 $0x0;
	s23 =	simm.s32 @!p0 $0x18700  }
0x108: {  	[tilespmem:s23], [sflag:$0x3] =	stream.linear.gather @!p0 [hbm4b:s9+s22], $0x100, $0x38;
	[tilespmem:$0x1E680] =	vst v63  }
0x109: {  	s23 =	simm.s32 @!p0 $0x3  }
0x10a: {  	_ =	swait.ge @!p0 [sflag:s23], $0x100  }
0x10b: {  	[sflag:s23] =	ssyncset.done @!p0 $0x0  }
0x10c: {  	[sflag:s23] =	ssyncadd.s32 @!p0 $0xFFFFFF00  }
0x10d: {  	v3 =	vld @!p0 [tilespmem:$0x18780];
	_ =	sdelay $0x7  }
0x10e: {  	v3 =	vld.idx.msk @!p0 [tilespmem:v3+s22+$0x0], $0xffff;
	_ =	sdelay $0x1  }
0x10f: {  	v4 =	vlaneseq.u32 @!p0  }
0x110: {  	v4 =	vmul.u32 @!p0 $0x101, v4;
	_ =	sdelay $0x1  }
0x111: {  	v3 =	vadd.s32 @!p0 v4, v3;
	_ =	sdelay $0x3  }
0x112: {  	v5 =	vimm.s32 @!p0 $0x1;
	s23 =	simm.s32 @!p0 $0x1D500  }
0x113: {  	[tilespmem:v3+s23+$0x0] =	vst.idx.add.s32.msk @!p0 $0xffff, v5  }
0x114: {  	v3 =	vld @!p0 [tilespmem:$0x18790];
	_ =	sdelay $0x7  }
0x115: {  	v3 =	vld.idx.msk @!p0 [tilespmem:v3+s22+$0x0], $0xffff;
	_ =	sdelay $0x4  }
0x116: {  	v3 =	vadd.s32 @!p0 v4, v3;
	_ =	sdelay $0x4  }
0x117: {  	[tilespmem:v3+s23+$0x0] =	vst.idx.add.s32.msk @!p0 $0xffff, v5  }
0x118: {  	v3 =	vld @!p0 [tilespmem:$0x187A0];
	_ =	sdelay $0x7  }
0x119: {  	v3 =	vld.idx.msk @!p0 [tilespmem:v3+s22+$0x0], $0xffff;
	_ =	sdelay $0x4  }
0x11a: {  	v3 =	vadd.s32 @!p0 v4, v3;
	_ =	sdelay $0x4  }
0x11b: {  	[tilespmem:v3+s23+$0x0] =	vst.idx.add.s32.msk @!p0 $0xffff, v5  }
0x11c: {  	v3 =	vld @!p0 [tilespmem:$0x187B0];
	_ =	sdelay $0x7  }
0x11d: {  	v3 =	vld.idx.msk @!p0 [tilespmem:v3+s22+$0x0], $0xffff;
	_ =	sdelay $0x4  }
0x11e: {  	v3 =	vadd.s32 @!p0 v4, v3;
	_ =	sdelay $0x4  }
0x11f: {  	[tilespmem:v3+s23+$0x0] =	vst.idx.add.s32.msk @!p0 $0xffff, v5  }
0x120: {  	v3 =	vld @!p0 [tilespmem:$0x187C0];
	_ =	sdelay $0x7  }
0x121: {  	v3 =	vld.idx.msk @!p0 [tilespmem:v3+s22+$0x0], $0xffff;
	_ =	sdelay $0x4  }
0x122: {  	v3 =	vadd.s32 @!p0 v4, v3;
	_ =	sdelay $0x4  }
0x123: {  	[tilespmem:v3+s23+$0x0] =	vst.idx.add.s32.msk @!p0 $0xffff, v5  }
0x124: {  	v3 =	vld @!p0 [tilespmem:$0x187D0];
	_ =	sdelay $0x7  }
0x125: {  	v3 =	vld.idx.msk @!p0 [tilespmem:v3+s22+$0x0], $0xffff;
	_ =	sdelay $0x4  }
0x126: {  	v3 =	vadd.s32 @!p0 v4, v3;
	_ =	sdelay $0x4  }
0x127: {  	[tilespmem:v3+s23+$0x0] =	vst.idx.add.s32.msk @!p0 $0xffff, v5  }
0x128: {  	v3 =	vld @!p0 [tilespmem:$0x187E0];
	_ =	sdelay $0x7  }
0x129: {  	v3 =	vld.idx.msk @!p0 [tilespmem:v3+s22+$0x0], $0xffff;
	_ =	sdelay $0x4  }
0x12a: {  	v3 =	vadd.s32 @!p0 v4, v3;
	_ =	sdelay $0x4  }
0x12b: {  	[tilespmem:v3+s23+$0x0] =	vst.idx.add.s32.msk @!p0 $0xffff, v5  }
0x12c: {  	v3 =	vld @!p0 [tilespmem:$0x187F0];
	_ =	sdelay $0x7  }
0x12d: {  	v3 =	vld.idx.msk @!p0 [tilespmem:v3+s22+$0x0], $0xffff;
	_ =	sdelay $0x4  }
0x12e: {  	v3 =	vadd.s32 @!p0 v4, v3;
	_ =	sdelay $0x4  }
0x12f: {  	s22 =	simm.s32 $0x0;
	[tilespmem:v3+s23+$0x0] =	vst.idx.add.s32.msk @!p0 $0xffff, v5  }
0x130: {  	v3 =	vld [tilespmem:s22+$0x1D500]  }
0x131: {  	v4 =	vld [tilespmem:s22+$0x1D601]  }
0x132: {  	v5 =	vld [tilespmem:s22+$0x1D702]  }
0x133: {  	v6 =	vld [tilespmem:s22+$0x1D803]  }
0x134: {  	v7 =	vld [tilespmem:s22+$0x1D904]  }
0x135: {  	v8 =	vld [tilespmem:s22+$0x1DA05]  }
0x136: {  	v3 =	vadd.s32 v3, v4;
	v4 =	vld [tilespmem:s22+$0x1DB06]  }
0x137: {  	v3 =	vadd.s32 v5, v3;
	v5 =	vld [tilespmem:s22+$0x1DC07]  }
0x138: {  	v3 =	vadd.s32 v6, v3;
	v6 =	vld [tilespmem:s22+$0x1DD08]  }
0x139: {  	v3 =	vadd.s32 v7, v3;
	v7 =	vld [tilespmem:s22+$0x1DE09]  }
0x13a: {  	v3 =	vadd.s32 v8, v3;
	v8 =	vld [tilespmem:s22+$0x1DF0A]  }
0x13b: {  	v9 =	vld [tilespmem:s22+$0x1E00B];
	v3 =	vadd.s32 v4, v3  }
0x13c: {  	v4 =	vld [tilespmem:s22+$0x1E10C];
	v3 =	vadd.s32 v5, v3  }
0x13d: {  	v5 =	vld [tilespmem:s22+$0x1E20D];
	v3 =	vadd.s32 v6, v3  }
0x13e: {  	v6 =	vld [tilespmem:s22+$0x1E30E];
	v3 =	vadd.s32 v7, v3  }
0x13f: {  	s23 =	simm.s32 $0x10;
	v7 =	vld [tilespmem:s22+$0x1E40F];
	v8 =	vadd.s32 v8, v3  }
0x140: {  	s24 =	simm.s32 $0x80;
	v3 =	vld [tilespmem:s23+$0x1D500];
	v8 =	vadd.s32 v9, v8  }
.LBB2_14:
0x141: {  	p1 =	sne.s32 s24, $0x3C0;
	v9 =	vld [tilespmem:s23+$0x1D601];
	v4 =	vadd.s32 v4, v8  }
0x142: {  	v8 =	vld [tilespmem:s23+$0x1D702];
	v4 =	vadd.s32 v5, v4  }
0x143: {  	v5 =	vld [tilespmem:s23+$0x1D803];
	v4 =	vadd.s32 v6, v4  }
0x144: {  	v6 =	vld [tilespmem:s23+$0x1D904];
	v4 =	vadd.s32 v7, v4  }
0x145: {  	v7 =	vld [tilespmem:s23+$0x1DA05];
	[tilespmem:s22+$0x1E580] =	vst v4;
	s22 =	smov.u32 s23  }
0x146: {  	v3 =	vadd.s32 v3, v9;
	v4 =	vld [tilespmem:s22+$0x1DB06]  }
0x147: {  	v3 =	vadd.s32 v8, v3;
	v8 =	vld [tilespmem:s22+$0x1DC07]  }
0x148: {  	v3 =	vadd.s32 v5, v3;
	v5 =	vld [tilespmem:s22+$0x1DD08]  }
0x149: {  	v3 =	vadd.s32 v6, v3;
	v6 =	vld [tilespmem:s22+$0x1DE09]  }
0x14a: {  	v3 =	vadd.s32 v7, v3;
	v7 =	vld [tilespmem:s22+$0x1DF0A]  }
0x14b: {  	v3 =	vadd.s32 v4, v3;
	v9 =	vld [tilespmem:s22+$0x1E00B]  }
.Ltmp6:
0x14c: {  	v3 =	vadd.s32 v8, v3;
	v4 =	vld [tilespmem:s22+$0x1E10C];
	(pc) =	sbr.rel @p1 .LBB2_14-.Ltmp6, $4  }
0x14d: {  	v3 =	vadd.s32 v5, v3;
	v5 =	vld [tilespmem:s22+$0x1E20D]  }
0x14e: {  	v3 =	vadd.s32 v6, v3;
	v6 =	vld [tilespmem:s22+$0x1E30E]  }
0x14f: {  	s23 =	sshra.s32 s24, $0x2;
	v8 =	vadd.s32 v7, v3;
	v7 =	vld [tilespmem:s22+$0x1E40F]  }
0x150: {  	s24 =	sadd.s32 $0x40, s24;
	v3 =	vld [tilespmem:s23+$0x1D500];
	v8 =	vadd.s32 v9, v8  }
0x151: {  	v9 =	vld [tilespmem:s23+$0x1D601];
	v4 =	vadd.s32 v4, v8  }
0x152: {  	v51 =	vld [tilespmem:s23+$0x1D702];
	v4 =	vadd.s32 v5, v4  }
0x153: {  	v52 =	vld [tilespmem:s23+$0x1D803];
	v4 =	vadd.s32 v6, v4  }
0x154: {  	v53 =	vld [tilespmem:s23+$0x1D904];
	v4 =	vadd.s32 v7, v4  }
0x155: {  	v54 =	vld [tilespmem:s23+$0x1DA05];
	[tilespmem:s22+$0x1E580] =	vst v4  }
0x156: {  	v3 =	vadd.s32 v3, v9;
	v4 =	vld [tilespmem:s23+$0x1DB06]  }
0x157: {  	v55 =	vld [tilespmem:s23+$0x1DC07];
	v3 =	vadd.s32 v51, v3  }
0x158: {  	v56 =	vld [tilespmem:s23+$0x1DD08];
	v3 =	vadd.s32 v52, v3  }
0x159: {  	v57 =	vld [tilespmem:s23+$0x1DE09];
	v3 =	vadd.s32 v53, v3  }
0x15a: {  	v58 =	vld [tilespmem:s23+$0x1DF0A];
	v3 =	vadd.s32 v54, v3  }
0x15b: {  	v59 =	vld [tilespmem:s23+$0x1E00B];
	v3 =	vadd.s32 v4, v3  }
0x15c: {  	v60 =	vld [tilespmem:s23+$0x1E10C];
	v3 =	vadd.s32 v55, v3  }
0x15d: {  	v61 =	vld [tilespmem:s23+$0x1E20D];
	v3 =	vadd.s32 v56, v3  }
0x15e: {  	v62 =	vld [tilespmem:s23+$0x1E30E];
	v3 =	vadd.s32 v57, v3  }
0x15f: {  	v63 =	vld [tilespmem:s23+$0x1E40F];
	v3 =	vadd.s32 v58, v3  }
0x160: {  	v3 =	vadd.s32 v59, v3  }
0x161: {  	v3 =	vadd.s32 v60, v3  }
0x162: {  	v3 =	vadd.s32 v61, v3  }
0x163: {  	s21 =	sadd.s32 $0x1, s21;
	v3 =	vadd.s32 v62, v3  }
0x164: {  	p1 =	sne.s32 s21, s11;
	v3 =	vadd.s32 v63, v3  }
.Ltmp7:
0x165: {  	[tilespmem:s23+$0x1E580] =	vst v3;
	(pc) =	sbr.rel @p1 .LBB2_1-.Ltmp7, $4  }
0x166: {  	[hbm4b:s10+s18] =	stream.strided.scatter [tilespmem:s20], [sflag:$0x3], $0x100, s19, s18, $0x38;
	[tilespmem:$0x1E680] =	vst v63  }
0x167: {  	_ =	swait.ge [sflag:s13], $0x100  }
0x168: {  	[sflag:s13] =	ssyncset.done $0x0  }
0x169: {  	[sflag:s13] =	ssyncadd.s32 $0xFFFFFF00  }
0x16a: {  	_ =	sfence.sel $0x180000  }
0x16b: {  	[bflag:$0x0] =	sbarrier.arrive $0xFFFF  }
0x16c: {  	p0 =	sne.s32 s1, $0x0;
	_ =	strace $0x90000047  }
0x16d: {  	s0 =	sadd.s32 @!p0 $0x100000, s0;
	[bflag:$0x2] =	sbarrier.arrive $0xFFFF  }
0x16e: {  	[sflag:s0] =	ssyncadd.tile.s32 @!p0 $0x1;
	_ =	shalt  }
.Lfunc_end2:
_tile_overlayer_lowered:
.L_overlay_start_2:
0x16f: {  	(tag) =	ssettag $0x2  }
0x170: {  	s0 =	rddreg [dreg:$0x0];
	s2 =	stileid.u32  }
0x171: {  	s1 =	rddreg [dreg:$0x1];
	p0 =	sne.s32 s2, $0x0  }
0x172: {  	s3 =	rddreg [dreg:$0x2];
	[bflag:$0x3] =	sbarrier.arrive $0xFFFF;
	s2 =	simm.s32 @!p0 $0x1C03  }
0x173: {  	[timem:s3], [sflag:s2] =	dma.local @!p0 [hbm:s0], s1  }
0x174: {  	s0 =	simm.s32 @!p0 $0x3  }
0x175: {  	_ =	swait.ge @!p0 [sflag:s0], s1  }
0x176: {  	s1 =	ssub.s32 @!p0 $0x0, s1;
	[sflag:s0] =	ssyncset.done @!p0 $0x0  }
0x177: {  	[sflag:s0] =	ssyncadd.s32 @!p0 s1  }
0x178: {  	[bflag:$0x3] =	sbarrier.arrive $0xFFFF  }
0x179: {  	_ =	shalt  }

// kernel: kernel.7.cloned.1.call-start
scs
__scs_entry_jumppad:
0x0: {  	(pc) =	sbr.rel $0x88, $3  }
0x1: {  	(tag) =	ssettag $0x0;
	lr =	simm.s32 $0x1  }
0x2: {  	[smem:$0x3F99] =	sst lr;
	_ =	strace $0xD0000000  }
0x3: {  	_ = 	snop  }
0x4: {  	_ = 	snop  }
0x5: {  	_ = 	snop  }
0x6: {  	_ = 	snop  }
0x7: {  	_ = 	snop  }
__scs_overlays_trampoline_lowered:
0x8: {  	[smem:$0x3FA8] =	sst s0  }
0x9: {  	[smem:$0x3FA9] =	sst s1  }
0xa: {  	[smem:$0x3FAA] =	sst s2  }
0xb: {  	[smem:$0x3FAB] =	sst s3  }
0xc: {  	[smem:$0x3FAC] =	sst s4  }
0xd: {  	[smem:$0x3FAD] =	sst s5  }
0xe: {  	[smem:$0x3FAE] =	sst s6  }
0xf: {  	[smem:$0x3FAF] =	sst s7  }
0x10: {  	[smem:$0x3FB0] =	sst s8  }
0x11: {  	[smem:$0x3FB1] =	sst s9;
	s0 =	simm.s32 @!p0 $0x0  }
0x12: {  	s1 =	sld [smem:$0x3F97];
	s0 =	simm.s32 @p0 $0x1  }
0x13: {  	[smem:$0x3FB2] =	sst s0;
	s0 =	simm.s32 @!p1 $0x0  }
0x14: {  	s2 =	sld [smem:$0x3F96];
	s0 =	simm.s32 @p1 $0x1  }
0x15: {  	[smem:$0x3FB3] =	sst s0;
	s0 =	simm.s32 @!p2 $0x0  }
0x16: {  	s3 =	sld [smem:$0x3FDB];
	s0 =	simm.s32 @p2 $0x1  }
0x17: {  	s4 =	simm.s32 $0x1BF5;
	[smem:$0x3FB5] =	sst s0  }
0x18: {  	s0 =	sld [smem:$0x3F98];
	_ =	swait.ge [sflag:s4], $0x0  }
0x19: {  	s7 =	sld [smem:$0x3F99]  }
0x1a: {  	s8 =	sadd.s32 $0xFFFFE003, lr  }
0x1b: {  	s9 =	sadd.s32 $0xFFFFFEF7, lr;
	s5 =	simm.s32 $0xFFFFFFFF;
	p2 =	slt.u32 s8, $0xFFFFF086  }
0x1c: {  	p1 =	slt.u32 s9, $0xF7A;
	s5 =	simm.s32 @!p2 $0x0  }
0x1d: {  	s5 =	simm.s32 @p1 $0x1;
	p0 =	seq.s32 s7, s2  }
0x1e: {  	s7 =	smul.u32 @!p0 $0xF7A, s2;
	p2 =	seq.s32 @!p0 s5, $0x0  }
0x1f: {  	s9 =	smul.u32 $0xF7A, s1;
	s8 =	simm.s32 @!p0 $0x1BF5;
	p2 =	por !p2, p0  }
0x20: {  	[sflag:s8] =	ssyncset.s32 @!p0 $0xFFFFF086;
	s6 =	sadd.s32 @!p0 s3, s7;
	s7 =	simm.s32 @!p0 $0x108  }
0x21: {  	s3 =	sadd.s32 s3, s9;
	s6 =	sadd.s32 @!p0 $0x88, s6;
	s7 =	simm.s32 @p2 $0x1082  }
0x22: {  	[simem:s7], [sflag:s8] =	dma.local @!p0 [hbm:s6], $0xF7A  }
0x23: {  	s9 =	sor.u32 $0xD0000000, s2;
	s6 =	simm.s32 $0x108;
	_ =	swait.ge @!p0 [sflag:s8], $0x0  }
0x24: {  	s3 =	sadd.s32 $0x88, s3;
	s6 =	simm.s32 @!p1 $0x1082;
	[sflag:s4] =	ssyncset.s32 $0xFFFFF086  }
0x25: {  	[simem:s6], [sflag:s4] =	dma.local [hbm:s3], $0xF7A  }
0x26: {  	[smem:$0x3F99] =	sst s1;
	(tag) =	ssettag s2;
	_ =	strace s9  }
0x27: {  	s1 =	sld [smem:$0x3FA9]  }
0x28: {  	s2 =	sld [smem:$0x3FAA]  }
0x29: {  	s4 =	sld [smem:$0x3FAC]  }
0x2a: {  	p0 =	seq.s32 s5, $0x0;
	s5 =	sld [smem:$0x3FAD]  }
0x2b: {  	s6 =	sld [smem:$0x3FAE]  }
0x2c: {  	s7 =	sld [smem:$0x3FAF]  }
0x2d: {  	s3 =	simm.s32 $0x108;
	s8 =	sld [smem:$0x3FB0]  }
0x2e: {  	s3 =	simm.s32 @!p0 $0x1082;
	s9 =	sld [smem:$0x3FB1]  }
0x2f: {  	lr =	sadd.s32 s0, s3;
	s0 =	sld [smem:$0x3FA8]  }
0x30: {  	s3 =	sld [smem:$0x3FAB]  }
0x31: {  	[smem:$0x3FB4] =	sst s10  }
0x32: {  	s10 =	sld [smem:$0x3FB2];
	_ =	sdelay $0x3  }
0x33: {  	p0 =	seq.s32 s10, $0x1;
	s10 =	sld [smem:$0x3FB4];
	_ =	sdelay $0x3  }
0x34: {  	[smem:$0x3FB4] =	sst s10  }
0x35: {  	s10 =	sld [smem:$0x3FB3];
	_ =	sdelay $0x3  }
0x36: {  	p1 =	seq.s32 s10, $0x1;
	s10 =	sld [smem:$0x3FB4];
	_ =	sdelay $0x3  }
0x37: {  	[smem:$0x3FB4] =	sst s10  }
0x38: {  	s10 =	sld [smem:$0x3FB5]  }
0x39: {  	_ = 	snop;
	(pc) =	sbr.ind lr, $3  }
0x3a: {  	_ = 	snop  }
0x3b: {  	_ = 	snop  }
0x3c: {  	p2 =	seq.s32 s10, $0x1;
	s10 =	sld [smem:$0x3FB4]  }
0x3d: {  	_ =	shalt  }
0x3e: {  	_ =	shalt  }
0x3f: {  	_ =	shalt  }
0x40: {  	_ =	shalt  }
0x41: {  	_ =	shalt  }
0x42: {  	_ =	shalt  }
0x43: {  	_ =	shalt  }
0x44: {  	_ =	shalt  }
0x45: {  	_ =	shalt  }
0x46: {  	_ =	shalt  }
0x47: {  	_ =	shalt  }
0x48: {  	_ =	shalt  }
0x49: {  	_ =	shalt  }
0x4a: {  	_ =	shalt  }
0x4b: {  	_ =	shalt  }
0x4c: {  	_ =	shalt  }
0x4d: {  	_ =	shalt  }
0x4e: {  	_ =	shalt  }
0x4f: {  	_ =	shalt  }
0x50: {  	_ =	shalt  }
0x51: {  	_ =	shalt  }
0x52: {  	_ =	shalt  }
0x53: {  	_ =	shalt  }
0x54: {  	_ =	shalt  }
0x55: {  	_ =	shalt  }
0x56: {  	_ =	shalt  }
0x57: {  	_ =	shalt  }
0x58: {  	_ =	shalt  }
0x59: {  	_ =	shalt  }
0x5a: {  	_ =	shalt  }
0x5b: {  	_ =	shalt  }
0x5c: {  	_ =	shalt  }
0x5d: {  	_ =	shalt  }
0x5e: {  	_ =	shalt  }
0x5f: {  	_ =	shalt  }
0x60: {  	_ =	shalt  }
0x61: {  	_ =	shalt  }
0x62: {  	_ =	shalt  }
0x63: {  	_ =	shalt  }
0x64: {  	_ =	shalt  }
0x65: {  	_ =	shalt  }
0x66: {  	_ =	shalt  }
0x67: {  	_ =	shalt  }
0x68: {  	_ =	shalt  }
0x69: {  	_ =	shalt  }
0x6a: {  	_ =	shalt  }
0x6b: {  	_ =	shalt  }
0x6c: {  	_ =	shalt  }
0x6d: {  	_ =	shalt  }
0x6e: {  	_ =	shalt  }
0x6f: {  	_ =	shalt  }
0x70: {  	_ =	shalt  }
0x71: {  	_ =	shalt  }
0x72: {  	_ =	shalt  }
0x73: {  	_ =	shalt  }
0x74: {  	_ =	shalt  }
0x75: {  	_ =	shalt  }
0x76: {  	_ =	shalt  }
0x77: {  	_ =	shalt  }
0x78: {  	_ =	shalt  }
0x79: {  	_ =	shalt  }
0x7a: {  	_ =	shalt  }
0x7b: {  	_ =	shalt  }
0x7c: {  	_ =	shalt  }
0x7d: {  	_ =	shalt  }
0x7e: {  	_ =	shalt  }
0x7f: {  	_ =	shalt  }
0x80: {  	_ =	shalt  }
0x81: {  	_ =	shalt  }
0x82: {  	_ =	shalt  }
0x83: {  	_ =	shalt  }
0x84: {  	_ =	shalt  }
0x85: {  	_ =	shalt  }
0x86: {  	_ =	shalt  }
0x87: {  	_ =	shalt  }
.Lfunc_end0:
.L_simem_size_0:
called_computation.1_lowered:
.L_overlay_start_0:
0x88: {  	s2 =	sld [smem:$0x3FD9]  }
0x89: {  	s3 =	sld [smem:$0x3FFE];
	_ =	sdelay $0x1  }
0x8a: {  	s1 =	srdreg.scid  }
0x8b: {  	s0 =	sand.u32 $0x1, s1  }
0x8c: {  	s17 =	sshll.u32 s0, $0xA;
	s2 =	sadd.s32 s3, s2  }
0x8d: {  	s2 =	sadd.s32 s2, s17  }
0x8e: {  	[smem:$0x3FC0] =	sst s2  }
0x8f: {  	_ = 	snop  }
0x90: {  	s2 =	sld [smem:$0x3FC9]  }
0x91: {  	s18 =	sld [smem:$0x3FC5]  }
0x92: {  	s4 =	sld [smem:$0x3FC4]  }
0x93: {  	s5 =	sld [smem:$0x3FD0];
	(tm) =	ssettm $0x1  }
0x94: {  	s6 =	sld [smem:$0x3FFB];
	_ =	sdelay $0x3  }
0x95: {  	_ =	strace s6  }
0x96: {  	s6 =	sld [smem:$0x3FFC];
	_ =	sdelay $0x3  }
0x97: {  	_ =	strace s6  }
0x98: {  	s6 =	sld [smem:$0x3FFD];
	_ =	sdelay $0x3  }
0x99: {  	_ =	strace s6  }
0x9a: {  	_ =	strace $0x8FFFFFFF  }
0x9b: {  	s19 =	sld [smem:$0x3FDB];
	_ =	sdelay $0x1  }
0x9c: {  	s7 =	simm.s32 $_scs_section_size  }
0x9d: {  	s8 =	simm.s32 $_size__tile_overlayer_lowered;
	s9 =	simm.s32 $_tile_overlayer_lowered  }
0x9e: {  	s22 =	simm.s32 $0x1BFF;
	s21 =	sshll.u32 s9, $0x1;
	s6 =	sadd.s32 s7, s19  }
0x9f: {  	s10 =	simm.s32 $0x0;
	s20 =	sshll.u32 s8, $0x1;
	s8 =	sadd.s32 s21, s6  }
0xa0: {  	[timem:s10], [sflag:s22] =	dma.local [hbm:s8], s20  }
0xa1: {  	_ =	swait.ge [sflag:s22], s20  }
0xa2: {  	s7 =	ssub.s32 $0x0, s20;
	[sflag:s22] =	ssyncset.done $0x0  }
0xa3: {  	[sflag:s22] =	ssyncadd.s32 s7;
	_ =	sdelay $0x1  }
0xa4: {  	s23 =	simm.s32 $0x1B8B  }
0xa5: {  	_ =	swait.ge [sflag:s23], $0x1  }
0xa6: {  	[sflag:s23] =	ssyncset.done $0x0  }
0xa7: {  	s25 =	simm.s32 $0x1B8E;
	s24 =	sld [smem:$0x3FFE];
	[sflag:s23] =	ssyncadd.s32 $0xFFFFFFFF  }
0xa8: {  	s26 =	simm.s32 $execute0_lowered;
	[smem:$0x3FD2] =	sst s25  }
0xa9: {  	s8 =	sshll.u32 s26, $0x1;
	_ =	strace $0x80000049;
	[dreg:$0x1] =	wrdreg $0xFFFFFFFF  }
0xaa: {  	s28 =	simm.s32 $_size_execute0_lowered;
	s6 =	sadd.s32 s6, s8;
	[dreg:$0x0] =	wrdreg $0x0  }
0xab: {  	s8 =	sshll.u32 s28, $0x1;
	[dreg:$0x2] =	wrdreg s6  }
0xac: {  	[dreg:$0x3] =	wrdreg s8  }
0xad: {  	[dreg:$0x4] =	wrdreg $0xC0  }
0xae: {  	_ =	task [dreg:s10], $0x5FFFF  }
0xaf: {  	[dreg:$0x1] =	wrdreg $0xFFFFFFFF  }
0xb0: {  	[dreg:$0x0] =	wrdreg $0x60  }
0xb1: {  	[dreg:$0x2] =	wrdreg s24  }
0xb2: {  	[dreg:$0x3] =	wrdreg s18  }
0xb3: {  	[dreg:$0x4] =	wrdreg s4  }
0xb4: {  	[dreg:$0x5] =	wrdreg s2  }
0xb5: {  	[dreg:$0x6] =	wrdreg s5  }
0xb6: {  	[dreg:$0x7] =	wrdreg $0x9  }
0xb7: {  	_ =	task.clear_ibuf [dreg:s10], $0x8FFFF;
	_ =	strace $0x90000049  }
0xb8: {  	s29 =	simm.s32 $0x9;
	_ =	strace $0x8000004B  }
0xb9: {  	_ =	swait.ge [sflag:s29], $0x1  }
0xba: {  	[sflag:s29] =	ssyncadd.s32 $0xFFFFFFFF  }
0xbb: {  	_ =	strace $0x9000004B  }
0xbc: {  	_ =	sfence  }
0xbd: {  	s30 =	sld [smem:$0x0];
	_ =	sdelay $0x2  }
0xbe: {  	s31 =	sshll.u32 s1, $0xD;
	s1 =	sshrl.u32 s1, $0x2  }
0xbf: {  	s3 =	sand.u32 $0x4000, s31;
	s1 =	sadd.s32 s1, s30  }
0xc0: {  	s0 =	sor.u32 s3, s0;
	s1 =	sshll.u32 s1, $0x11  }
0xc1: {  	s0 =	sor.u32 s1, s0  }
0xc2: {  	s0 =	sadd.s32 $0x8F2B, s0  }
0xc3: {  	[sflag:s0] =	ssyncadd.remote.s32 $0x1  }
0xc4: {  	_ =	sfence.sel $0xFFFF  }
0xc5: {  	[dreg:$0x0] =	wrdreg $0xFFFFFFFF;
	(pc) =	sbr.abs _section_cstart, $3  }
0xc6: {  	[dreg:$0x1] =	wrdreg $0xFFFFFFFF  }
0xc7: {  	_ =	task.clear_ibuf [dreg:s10], $0x2FFFF;
	_ =	strace $0x9FFFFFFF  }
0xc8: {  	(tm) =	ssettm $0x7FFFFFFF  }
0xc9: {  	_ =	shalt  }
tec
execute0_lowered:
.L_overlay_start_1:
0x0: {  	(tag) =	ssettag $0x1  }
0x1: {  	s0 =	rddreg [dreg:$0x0]  }
0x2: {  	s1 =	rddreg [dreg:$0x1]  }
0x3: {  	s19 =	rddreg [dreg:$0x2]  }
0x4: {  	s20 =	rddreg [dreg:$0x3];
	s2 =	srdreg.scid  }
0x5: {  	s3 =	stileid.u32;
	s21 =	rddreg [dreg:$0x4]  }
0x6: {  	s4 =	sand.u32 $0x1, s2;
	s3 =	sshll.u32 s3, $0x1;
	s2 =	simm.s32 $0x0  }
0x7: {  	s30 =	sadd.s32 $0x30C0, s19;
	s31 =	sadd.s32 $0x30C0, s20;
	[smem:$0x7FF] =	sst s2  }
0x8: {  	s24 =	sadd.s32 $0xA668, s0;
	_ =	strace $0x8000004A;
	[dreg:$0x7] =	wrdreg s30  }
0x9: {  	s25 =	sadd.s32 $0xD73C, s0;
	s26 =	sadd.s32 $0x10810, s0;
	[dreg:$0x8] =	wrdreg s31  }
0xa: {  	s28 =	sadd.s32 $0x138E4, s0;
	s29 =	sadd.s32 $0x169B8, s0;
	[dreg:$0xb] =	wrdreg s24  }
0xb: {  	s17 =	sor.u32 s4, s3;
	s3 =	sadd.s32 $0x1000, s0;
	[dreg:$0xc] =	wrdreg s25  }
0xc: {  	s6 =	ssub.s32 $0x2, s4;
	s4 =	sadd.s32 $0x1FE00, s0;
	[dreg:$0xd] =	wrdreg s26  }
0xd: {  	s5 =	smul.u32 $0xC30, s17;
	s7 =	sshrl.u32 s6, $0x1;
	[dreg:$0xe] =	wrdreg s28  }
0xe: {  	p0 =	sne.s32 s17, $0x1F;
	[dreg:$0xf] =	wrdreg s29;
	s30 =	sadd.s32 $0x19A8C, s0  }
0xf: {  	s31 =	sadd.s32 $0x1CB60, s0;
	s24 =	simm.s32 $0x0;
	[dreg:$0x10] =	wrdreg s30  }
0x10: {  	s23 =	ssub.s32 s6, s7;
	[dreg:$0x11] =	wrdreg s31;
	s22 =	sshrl.u32 s5, $0x3  }
0x11: {  	s5 =	sadd.s32 $0x20000, s0;
	s18 =	sadd.s32 s22, s0;
	s6 =	sadd.s32 s1, s22  }
0x12: {  	s7 =	sadd.s32 s19, s22;
	s8 =	sadd.s32 s20, s22;
	s1 =	sadd.s32 $0x30C0, s1  }
0x13: {  	s19 =	sadd.s32 $0x44C0, s0;
	s20 =	sadd.s32 $0x7594, s0;
	s0 =	sadd.s32 $0x1FC34, s0  }
0x14: {  	s9 =	sadd.s32 $0x1400, s18;
	s10 =	sadd.s32 $0x44D4, s18;
	s11 =	sadd.s32 $0x75A8, s18  }
0x15: {  	s12 =	sadd.s32 $0xA67C, s18;
	s13 =	sadd.s32 $0xD750, s18;
	[dreg:$0x6] =	wrdreg s1  }
.Ltmp0:
0x16: {  	s14 =	sadd.s32 $0x10824, s18;
	[dreg:$0x9] =	wrdreg s19;
	(pc) =	sbr.rel .LBB2_1-.Ltmp0, $4  }
0x17: {  	s15 =	sadd.s32 $0x138F8, s18;
	s16 =	sadd.s32 $0x169CC, s18;
	[dreg:$0xa] =	wrdreg s20  }
0x18: {  	s17 =	sadd.s32 $0x19AA0, s18;
	s18 =	sadd.s32 $0x1CB74, s18;
	[dreg:$0x12] =	wrdreg s0  }
0x19: {  	s0 =	sadd.s32 s21, s22;
	s19 =	sadd.s32 $0x30C0, s21;
	s20 =	smax.u32 s23, $0x1  }
0x1a: {  	v30 =	vimm.s32 $0x0;
	s21 =	simm.s32 $0x1;
	s22 =	simm.s32 $0x2280;
	s23 =	simm.s32 $0x2000  }
.LBB2_11:
0x1b: {  	s1 =	simm.s32 $0xCA80  }
0x1c: {  	[hbm4b:s0+s2] =	stream.linear.scatter [tilespmem:s1], [sflag:$0x1], $0xC30, $0x38;
	[tilespmem:$0xD780] =	vst v63  }
0x1d: {  	_ =	swait.ge [sflag:s21], $0xC30  }
0x1e: {  	[sflag:s21] =	ssyncset.done $0x0  }
0x1f: {  	[sflag:s21] =	ssyncadd.s32 $0xFFFFF3D0  }
.LBB2_12:
0x20: {  	s24 =	sadd.s32 $0x1, s24  }
0x21: {  	p1 =	sne.s32 s24, s20  }
.Ltmp1:
0x22: {  	_ = 	snop;
	(pc) =	sbr.rel @!p1 .LBB2_13-.Ltmp1, $1  }
0x23: {  	_ =	sdelay $0x3  }
.LBB2_1:
0x24: {  	[tilespmem:s2], [sflag:$0x1] =	stream.linear.gather [hbm4b:s3+s2], $0x2000, $0x38;
	[tilespmem:$0xD780] =	vst v63  }
0x25: {  	_ =	swait.ge [sflag:s21], $0x2000  }
0x26: {  	[sflag:s21] =	ssyncset.done $0x0  }
0x27: {  	s1 =	simm.s32 $0x2100;
	[sflag:s21] =	ssyncadd.s32 $0xFFFFE000  }
0x28: {  	[tilespmem:s1], [sflag:$0x1] =	stream.linear.gather [hbm4b:s4+s2], $0x180, $0x38;
	[tilespmem:$0xD780] =	vst v63  }
0x29: {  	_ =	swait.ge [sflag:s21], $0x180  }
0x2a: {  	[sflag:s21] =	ssyncset.done $0x0  }
0x2b: {  	[sflag:s21] =	ssyncadd.s32 $0xFFFFFE80  }
0x2c: {  	[tilespmem:s22], [sflag:$0x1] =	stream.linear.gather [hbm4b:s5+s2], $0x80, $0x38;
	[tilespmem:$0xD780] =	vst v63  }
0x2d: {  	_ =	swait.ge [sflag:s21], $0x80  }
0x2e: {  	[sflag:s21] =	ssyncset.done $0x0  }
0x2f: {  	s25 =	simm.s32 $0x2101;
	[sflag:s21] =	ssyncadd.s32 $0xFFFFFF80  }
0x30: {  	s26 =	sand.u32 $0x70, s2;
	s28 =	sand.u32 $0x400, s2;
	v1 =	vld [tilespmem:s25+$0x0]  }
0x31: {  	s26 =	sor.u32 s26, s28;
	v2 =	vld [tilespmem:s25+$0xFFFFFFFF]  }
0x32: {  	v3 =	vld [tilespmem:s26+$0x1B00]  }
0x33: {  	v4 =	vld [tilespmem:s26+$0x80]  }
0x34: {  	v5 =	vld [tilespmem:s26+$0x0]  }
0x35: {  	v6 =	vld [tilespmem:s26+$0x100]  }
0x36: {  	v7 =	vld [tilespmem:s26+$0x180]  }
0x37: {  	v8 =	vld [tilespmem:s26+$0x200]  }
0x38: {  	v9 =	vld [tilespmem:s26+$0x280]  }
0x39: {  	v4 =	vadd.s32 v5, v4;
	v5 =	vld [tilespmem:s26+$0x300]  }
0x3a: {  	v44 =	vld [tilespmem:s26+$0x380];
	v4 =	vadd.s32 v6, v4  }
0x3b: {  	v45 =	vld [tilespmem:s26+$0x800];
	v4 =	vadd.s32 v7, v4  }
0x3c: {  	v46 =	vld [tilespmem:s26+$0x880];
	v4 =	vadd.s32 v8, v4  }
0x3d: {  	v47 =	vld [tilespmem:s26+$0x900];
	v4 =	vadd.s32 v9, v4  }
0x3e: {  	v4 =	vadd.s32 v5, v4;
	v5 =	vld [tilespmem:s26+$0x980]  }
0x3f: {  	v48 =	vld [tilespmem:s26+$0xA00];
	v4 =	vadd.s32 v44, v4  }
0x40: {  	v49 =	vld [tilespmem:s26+$0xA80];
	v4 =	vadd.s32 v45, v4  }
0x41: {  	v50 =	vld [tilespmem:s26+$0xB00];
	v4 =	vadd.s32 v46, v4  }
0x42: {  	v51 =	vld [tilespmem:s26+$0xB80];
	v4 =	vadd.s32 v47, v4  }
0x43: {  	v4 =	vadd.s32 v5, v4;
	v5 =	vld [tilespmem:s26+$0x1000]  }
0x44: {  	v52 =	vld [tilespmem:s26+$0x1080];
	v4 =	vadd.s32 v48, v4  }
0x45: {  	v53 =	vld [tilespmem:s26+$0x1100];
	v4 =	vadd.s32 v49, v4  }
0x46: {  	v54 =	vld [tilespmem:s26+$0x1180];
	v4 =	vadd.s32 v50, v4  }
0x47: {  	v55 =	vld [tilespmem:s26+$0x1200];
	v4 =	vadd.s32 v51, v4  }
0x48: {  	v4 =	vadd.s32 v5, v4;
	v5 =	vld [tilespmem:s26+$0x1280]  }
0x49: {  	v56 =	vld [tilespmem:s26+$0x1300];
	v4 =	vadd.s32 v52, v4  }
0x4a: {  	v57 =	vld [tilespmem:s26+$0x1380];
	v4 =	vadd.s32 v53, v4  }
0x4b: {  	v58 =	vld [tilespmem:s26+$0x1800];
	v4 =	vadd.s32 v54, v4  }
0x4c: {  	v59 =	vld [tilespmem:s26+$0x1880];
	v4 =	vadd.s32 v55, v4  }
0x4d: {  	v4 =	vadd.s32 v5, v4;
	v5 =	vld [tilespmem:s26+$0x1900]  }
0x4e: {  	v60 =	vld [tilespmem:s26+$0x1980];
	v4 =	vadd.s32 v56, v4  }
0x4f: {  	v61 =	vld [tilespmem:s26+$0x1A00];
	v4 =	vadd.s32 v57, v4  }
0x50: {  	v62 =	vld [tilespmem:s26+$0x1A80];
	v4 =	vadd.s32 v58, v4  }
0x51: {  	v63 =	vld [tilespmem:s26+$0x1B80];
	v4 =	vadd.s32 v59, v4  }
0x52: {  	v4 =	vadd.s32 v5, v4  }
0x53: {  	v4 =	vadd.s32 v60, v4  }
0x54: {  	v4 =	vadd.s32 v61, v4  }
0x55: {  	v4 =	vadd.s32 v62, v4  }
0x56: {  	v1 =	vsub.s32 v1, v2;
	v2 =	vsub.s32 $0x0, v63;
	v3 =	vadd.s32 v3, v4  }
0x57: {  	vm0 =	veq.s32 v1, $0x1;
	vm1 =	veq.s32 v3, v2  }
0x58: {  	vm0 =	vmand vm1, vm0  }
0x59: {  	v1 =	vsel vm0, $0x1, v30  }
0x5a: {  	s29 =	simm.s32 $0x2111;
	s28 =	simm.s32 $0x80;
	s26 =	simm.s32 $0x10;
	[tilespmem:s23+$0x0] =	vst v1  }
0x5b: {  	s31 =	sand.u32 $0x400, s28;
	s25 =	sand.u32 $0x70, s26;
	v1 =	vld [tilespmem:s29+$0x0]  }
0x5c: {  	s26 =	sor.u32 s25, s31;
	v2 =	vld [tilespmem:s29+$0xFFFFFFFF]  }
0x5d: {  	s30 =	simm.s32 $0x20;
	s25 =	simm.s32 $0x2000;
	v3 =	vld [tilespmem:s26+$0x1B00]  }
.LBB2_2:
0x5e: {  	p1 =	sne.s32 s30, $0xF0;
	v4 =	vld [tilespmem:s26+$0x80]  }
0x5f: {  	v5 =	vld [tilespmem:s26+$0x0]  }
0x60: {  	v6 =	vld [tilespmem:s26+$0x100]  }
0x61: {  	v7 =	vld [tilespmem:s26+$0x180]  }
0x62: {  	v8 =	vld [tilespmem:s26+$0x200]  }
0x63: {  	v9 =	vld [tilespmem:s26+$0x280]  }
0x64: {  	v4 =	vadd.s32 v5, v4;
	v5 =	vld [tilespmem:s26+$0x300]  }
0x65: {  	v4 =	vadd.s32 v6, v4;
	v6 =	vld [tilespmem:s26+$0x380]  }
0x66: {  	v4 =	vadd.s32 v7, v4;
	v7 =	vld [tilespmem:s26+$0x800]  }
0x67: {  	v4 =	vadd.s32 v8, v4;
	v8 =	vld [tilespmem:s26+$0x880]  }
0x68: {  	v4 =	vadd.s32 v9, v4;
	v9 =	vld [tilespmem:s26+$0x900]  }
0x69: {  	v4 =	vadd.s32 v5, v4;
	v5 =	vld [tilespmem:s26+$0x980]  }
0x6a: {  	v4 =	vadd.s32 v6, v4;
	v6 =	vld [tilespmem:s26+$0xA00]  }
0x6b: {  	v4 =	vadd.s32 v7, v4;
	v7 =	vld [tilespmem:s26+$0xA80]  }
0x6c: {  	v4 =	vadd.s32 v8, v4;
	v8 =	vld [tilespmem:s26+$0xB00]  }
0x6d: {  	v4 =	vadd.s32 v9, v4;
	v9 =	vld [tilespmem:s26+$0xB80]  }
0x6e: {  	v4 =	vadd.s32 v5, v4;
	v5 =	vld [tilespmem:s26+$0x1000]  }
0x6f: {  	v4 =	vadd.s32 v6, v4;
	v6 =	vld [tilespmem:s26+$0x1080]  }
0x70: {  	v4 =	vadd.s32 v7, v4;
	v7 =	vld [tilespmem:s26+$0x1100]  }
0x71: {  	v4 =	vadd.s32 v8, v4;
	v8 =	vld [tilespmem:s26+$0x1180]  }
0x72: {  	v4 =	vadd.s32 v9, v4;
	v9 =	vld [tilespmem:s26+$0x1200]  }
0x73: {  	v4 =	vadd.s32 v5, v4;
	v5 =	vld [tilespmem:s26+$0x1280]  }
0x74: {  	v4 =	vadd.s32 v6, v4;
	v6 =	vld [tilespmem:s26+$0x1300]  }
0x75: {  	v4 =	vadd.s32 v7, v4;
	v7 =	vld [tilespmem:s26+$0x1380]  }
0x76: {  	v4 =	vadd.s32 v8, v4;
	v8 =	vld [tilespmem:s26+$0x1800]  }
0x77: {  	v4 =	vadd.s32 v9, v4;
	v9 =	vld [tilespmem:s26+$0x1880]  }
0x78: {  	v4 =	vadd.s32 v5, v4;
	v5 =	vld [tilespmem:s26+$0x1900]  }
0x79: {  	v4 =	vadd.s32 v6, v4;
	v6 =	vld [tilespmem:s26+$0x1980]  }
0x7a: {  	v4 =	vadd.s32 v7, v4;
	v7 =	vld [tilespmem:s26+$0x1A00]  }
0x7b: {  	v4 =	vadd.s32 v8, v4;
	v8 =	vld [tilespmem:s26+$0x1A80]  }
0x7c: {  	v4 =	vadd.s32 v9, v4;
	v9 =	vld [tilespmem:s26+$0x1B80]  }
0x7d: {  	v4 =	vadd.s32 v5, v4  }
0x7e: {  	v4 =	vadd.s32 v6, v4  }
0x7f: {  	v4 =	vadd.s32 v7, v4  }
0x80: {  	v4 =	vadd.s32 v8, v4  }
0x81: {  	v1 =	vsub.s32 v1, v2;
	v3 =	vadd.s32 v3, v4;
	v2 =	vsub.s32 $0x0, v9  }
0x82: {  	vm0 =	veq.s32 v1, $0x1;
	vm1 =	veq.s32 v3, v2  }
0x83: {  	vm0 =	vmand vm1, vm0  }
.Ltmp2:
0x84: {  	s25 =	sadd.s32 $0x10, s25;
	v1 =	vsel vm0, $0x1, v30;
	(pc) =	sbr.rel @p1 .LBB2_2-.Ltmp2, $4  }
0x85: {  	s28 =	sadd.s32 $0x80, s28;
	s29 =	sadd.s32 $0x10, s29;
	[tilespmem:s25+$0x0] =	vst v1  }
0x86: {  	s31 =	sand.u32 $0x400, s28;
	s26 =	sand.u32 $0x70, s30;
	v1 =	vld [tilespmem:s29+$0x0]  }
0x87: {  	s26 =	sor.u32 s26, s31;
	v2 =	vld [tilespmem:s29+$0xFFFFFFFF]  }
0x88: {  	s30 =	sadd.s32 $0x10, s30;
	v3 =	vld [tilespmem:s26+$0x1B00]  }
0x89: {  	v4 =	vld [tilespmem:s26+$0x80]  }
0x8a: {  	v5 =	vld [tilespmem:s26+$0x0]  }
0x8b: {  	v6 =	vld [tilespmem:s26+$0x100]  }
0x8c: {  	v7 =	vld [tilespmem:s26+$0x180]  }
0x8d: {  	v8 =	vld [tilespmem:s26+$0x200]  }
0x8e: {  	v9 =	vld [tilespmem:s26+$0x280]  }
0x8f: {  	v38 =	vld [tilespmem:s26+$0x300];
	v4 =	vadd.s32 v5, v4  }
0x90: {  	v39 =	vld [tilespmem:s26+$0x380];
	v4 =	vadd.s32 v6, v4  }
0x91: {  	v40 =	vld [tilespmem:s26+$0x800];
	v4 =	vadd.s32 v7, v4  }
0x92: {  	v41 =	vld [tilespmem:s26+$0x880];
	v4 =	vadd.s32 v8, v4  }
0x93: {  	v42 =	vld [tilespmem:s26+$0x900];
	v4 =	vadd.s32 v9, v4  }
0x94: {  	v43 =	vld [tilespmem:s26+$0x980];
	v4 =	vadd.s32 v38, v4  }
0x95: {  	v44 =	vld [tilespmem:s26+$0xA00];
	v4 =	vadd.s32 v39, v4  }
0x96: {  	v45 =	vld [tilespmem:s26+$0xA80];
	v4 =	vadd.s32 v40, v4  }
0x97: {  	v46 =	vld [tilespmem:s26+$0xB00];
	v4 =	vadd.s32 v41, v4  }
0x98: {  	v47 =	vld [tilespmem:s26+$0xB80];
	v4 =	vadd.s32 v42, v4  }
0x99: {  	v48 =	vld [tilespmem:s26+$0x1000];
	v4 =	vadd.s32 v43, v4  }
0x9a: {  	v49 =	vld [tilespmem:s26+$0x1080];
	v4 =	vadd.s32 v44, v4  }
0x9b: {  	v50 =	vld [tilespmem:s26+$0x1100];
	v4 =	vadd.s32 v45, v4  }
0x9c: {  	v51 =	vld [tilespmem:s26+$0x1180];
	v4 =	vadd.s32 v46, v4  }
0x9d: {  	v52 =	vld [tilespmem:s26+$0x1200];
	v4 =	vadd.s32 v47, v4  }
0x9e: {  	v53 =	vld [tilespmem:s26+$0x1280];
	v4 =	vadd.s32 v48, v4  }
0x9f: {  	v54 =	vld [tilespmem:s26+$0x1300];
	v4 =	vadd.s32 v49, v4  }
0xa0: {  	v55 =	vld [tilespmem:s26+$0x1380];
	v4 =	vadd.s32 v50, v4  }
0xa1: {  	v56 =	vld [tilespmem:s26+$0x1800];
	v4 =	vadd.s32 v51, v4  }
0xa2: {  	v57 =	vld [tilespmem:s26+$0x1880];
	v4 =	vadd.s32 v52, v4  }
0xa3: {  	v58 =	vld [tilespmem:s26+$0x1900];
	v4 =	vadd.s32 v53, v4  }
0xa4: {  	v59 =	vld [tilespmem:s26+$0x1980];
	v4 =	vadd.s32 v54, v4  }
0xa5: {  	v60 =	vld [tilespmem:s26+$0x1A00];
	v4 =	vadd.s32 v55, v4  }
0xa6: {  	v61 =	vld [tilespmem:s26+$0x1A80];
	v4 =	vadd.s32 v56, v4  }
0xa7: {  	v10 =	vld [tilespmem:s26+$0x1B80];
	v4 =	vadd.s32 v57, v4  }
0xa8: {  	v4 =	vadd.s32 v58, v4  }
0xa9: {  	v4 =	vadd.s32 v59, v4  }
0xaa: {  	v4 =	vadd.s32 v60, v4  }
0xab: {  	v4 =	vadd.s32 v61, v4  }
0xac: {  	v1 =	vsub.s32 v1, v2;
	v62 =	vsub.s32 $0x0, v10;
	v3 =	vadd.s32 v3, v4  }
0xad: {  	vm0 =	veq.s32 v1, $0x1;
	vm1 =	veq.s32 v3, v62  }
0xae: {  	vm0 =	vmand vm1, vm0  }
0xaf: {  	s25 =	sadd.s32 $0x10, s25;
	v63 =	vsel vm0, $0x1, v30  }
0xb0: {  	s1 =	simm.s32 $0x2300;
	[tilespmem:s25+$0x0] =	vst v63  }
0xb1: {  	[tilespmem:s1], [sflag:$0x1] =	stream.linear.gather [hbm4b:s6+s2], $0xC30, $0x38;
	[tilespmem:$0xD780] =	vst v63  }
0xb2: {  	_ =	swait.ge [sflag:s21], $0xC30  }
0xb3: {  	[sflag:s21] =	ssyncset.done $0x0  }
0xb4: {  	s25 =	simm.s32 $0x3000;
	[sflag:s21] =	ssyncadd.s32 $0xFFFFF3D0  }
0xb5: {  	[tilespmem:s25], [sflag:$0x1] =	stream.linear.gather [hbm4b:s7+s2], $0xC30, $0x38;
	[tilespmem:$0xD780] =	vst v63  }
0xb6: {  	_ =	swait.ge [sflag:s21], $0xC30  }
0xb7: {  	[sflag:s21] =	ssyncset.done $0x0  }
0xb8: {  	s26 =	simm.s32 $0x3D00;
	[sflag:s21] =	ssyncadd.s32 $0xFFFFF3D0  }
0xb9: {  	[tilespmem:s26], [sflag:$0x1] =	stream.linear.gather [hbm4b:s8+s2], $0xC30, $0x38;
	[tilespmem:$0xD780] =	vst v63  }
0xba: {  	_ =	swait.ge [sflag:s21], $0xC30  }
0xbb: {  	[sflag:s21] =	ssyncset.done $0x0  }
0xbc: {  	s28 =	simm.s32 $0x4A00;
	[sflag:s21] =	ssyncadd.s32 $0xFFFFF3D0  }
0xbd: {  	[tilespmem:s28], [sflag:$0x1] =	stream.linear.gather [hbm4b:s9+s2], $0xC30, $0x38;
	[tilespmem:$0xD780] =	vst v63  }
0xbe: {  	_ =	swait.ge [sflag:s21], $0xC30  }
0xbf: {  	[sflag:s21] =	ssyncset.done $0x0  }
0xc0: {  	s29 =	simm.s32 $0x56D0;
	[sflag:s21] =	ssyncadd.s32 $0xFFFFF3D0  }
0xc1: {  	[tilespmem:s29], [sflag:$0x1] =	stream.linear.gather [hbm4b:s10+s2], $0xC30, $0x38;
	[tilespmem:$0xD780] =	vst v63  }
0xc2: {  	_ =	swait.ge [sflag:s21], $0xC30  }
0xc3: {  	[sflag:s21] =	ssyncset.done $0x0  }
0xc4: {  	s30 =	simm.s32 $0x63A0;
	[sflag:s21] =	ssyncadd.s32 $0xFFFFF3D0  }
0xc5: {  	[tilespmem:s30], [sflag:$0x1] =	stream.linear.gather [hbm4b:s11+s2], $0xC30, $0x38;
	[tilespmem:$0xD780] =	vst v63  }
0xc6: {  	_ =	swait.ge [sflag:s21], $0xC30  }
0xc7: {  	[sflag:s21] =	ssyncset.done $0x0  }
0xc8: {  	s31 =	simm.s32 $0x7070;
	[sflag:s21] =	ssyncadd.s32 $0xFFFFF3D0  }
0xc9: {  	[tilespmem:s31], [sflag:$0x1] =	stream.linear.gather [hbm4b:s12+s2], $0xC30, $0x38;
	[tilespmem:$0xD780] =	vst v63  }
0xca: {  	_ =	swait.ge [sflag:s21], $0xC30  }
0xcb: {  	[sflag:s21] =	ssyncset.done $0x0  }
0xcc: {  	s25 =	simm.s32 $0x7D40;
	[sflag:s21] =	ssyncadd.s32 $0xFFFFF3D0  }
0xcd: {  	[tilespmem:s25], [sflag:$0x1] =	stream.linear.gather [hbm4b:s13+s2], $0xC30, $0x38;
	[tilespmem:$0xD780] =	vst v63  }
0xce: {  	_ =	swait.ge [sflag:s21], $0xC30  }
0xcf: {  	[sflag:s21] =	ssyncset.done $0x0  }
0xd0: {  	s26 =	simm.s32 $0x8A10;
	[sflag:s21] =	ssyncadd.s32 $0xFFFFF3D0  }
0xd1: {  	[tilespmem:s26], [sflag:$0x1] =	stream.linear.gather [hbm4b:s14+s2], $0xC30, $0x38;
	[tilespmem:$0xD780] =	vst v63  }
0xd2: {  	_ =	swait.ge [sflag:s21], $0xC30  }
0xd3: {  	[sflag:s21] =	ssyncset.done $0x0  }
0xd4: {  	s28 =	simm.s32 $0x96E0;
	[sflag:s21] =	ssyncadd.s32 $0xFFFFF3D0  }
0xd5: {  	[tilespmem:s28], [sflag:$0x1] =	stream.linear.gather [hbm4b:s15+s2], $0xC30, $0x38;
	[tilespmem:$0xD780] =	vst v63  }
0xd6: {  	_ =	swait.ge [sflag:s21], $0xC30  }
0xd7: {  	[sflag:s21] =	ssyncset.done $0x0  }
0xd8: {  	s29 =	simm.s32 $0xA3B0;
	[sflag:s21] =	ssyncadd.s32 $0xFFFFF3D0  }
0xd9: {  	[tilespmem:s29], [sflag:$0x1] =	stream.linear.gather [hbm4b:s16+s2], $0xC30, $0x38;
	[tilespmem:$0xD780] =	vst v63  }
0xda: {  	_ =	swait.ge [sflag:s21], $0xC30  }
0xdb: {  	[sflag:s21] =	ssyncset.done $0x0  }
0xdc: {  	s30 =	simm.s32 $0xB080;
	[sflag:s21] =	ssyncadd.s32 $0xFFFFF3D0  }
0xdd: {  	[tilespmem:s30], [sflag:$0x1] =	stream.linear.gather [hbm4b:s17+s2], $0xC30, $0x38;
	[tilespmem:$0xD780] =	vst v63  }
0xde: {  	_ =	swait.ge [sflag:s21], $0xC30  }
0xdf: {  	[sflag:s21] =	ssyncset.done $0x0  }
.Ltmp3:
0xe0: {  	s31 =	simm.s32 $0xBD50;
	[sflag:s21] =	ssyncadd.s32 $0xFFFFF3D0;
	(pc) =	sbr.rel @p0 .LBB2_5-.Ltmp3, $4  }
0xe1: {  	[tilespmem:s31], [sflag:$0x1] =	stream.linear.gather [hbm4b:s18+s2], $0xC30, $0x38;
	[tilespmem:$0xD780] =	vst v63  }
0xe2: {  	_ =	swait.ge [sflag:s21], $0xC30  }
0xe3: {  	[sflag:s21] =	ssyncset.done $0x0  }
0xe4: {  	[sflag:s21] =	ssyncadd.s32 $0xFFFFF3D0  }
0xe5: {  	s1 =	rddreg [dreg:$0x6];
	s25 =	simm.s32 $0x2F30  }
0xe6: {  	[tilespmem:s25], [sflag:$0x1] =	stream.linear.gather [hbm4b:s1+s2], $0xA0, $0x38;
	[tilespmem:$0xD780] =	vst v63  }
0xe7: {  	_ =	swait.ge [sflag:s21], $0xA0  }
0xe8: {  	[sflag:s21] =	ssyncset.done $0x0  }
0xe9: {  	s26 =	simm.s32 $0x3C30;
	s25 =	rddreg [dreg:$0x7];
	[sflag:s21] =	ssyncadd.s32 $0xFFFFFF60  }
0xea: {  	[tilespmem:s26], [sflag:$0x1] =	stream.linear.gather [hbm4b:s25+s2], $0xA0, $0x38;
	[tilespmem:$0xD780] =	vst v63  }
0xeb: {  	_ =	swait.ge [sflag:s21], $0xA0  }
0xec: {  	[sflag:s21] =	ssyncset.done $0x0  }
0xed: {  	s29 =	simm.s32 $0x4930;
	s28 =	rddreg [dreg:$0x8];
	[sflag:s21] =	ssyncadd.s32 $0xFFFFFF60  }
0xee: {  	[tilespmem:s29], [sflag:$0x1] =	stream.linear.gather [hbm4b:s28+s2], $0xA0, $0x38;
	[tilespmem:$0xD780] =	vst v63  }
0xef: {  	_ =	swait.ge [sflag:s21], $0xA0  }
0xf0: {  	[sflag:s21] =	ssyncset.done $0x0  }
0xf1: {  	s31 =	simm.s32 $0x5630;
	s30 =	rddreg [dreg:$0x9];
	[sflag:s21] =	ssyncadd.s32 $0xFFFFFF60  }
0xf2: {  	[tilespmem:s31], [sflag:$0x1] =	stream.linear.gather [hbm4b:s30+s2], $0xA0, $0x38;
	[tilespmem:$0xD780] =	vst v63  }
0xf3: {  	_ =	swait.ge [sflag:s21], $0xA0  }
0xf4: {  	[sflag:s21] =	ssyncset.done $0x0  }
0xf5: {  	s26 =	simm.s32 $0x6300;
	s25 =	rddreg [dreg:$0xa];
	[sflag:s21] =	ssyncadd.s32 $0xFFFFFF60  }
0xf6: {  	[tilespmem:s26], [sflag:$0x1] =	stream.linear.gather [hbm4b:s25+s2], $0xA0, $0x38;
	[tilespmem:$0xD780] =	vst v63  }
0xf7: {  	_ =	swait.ge [sflag:s21], $0xA0  }
0xf8: {  	[sflag:s21] =	ssyncset.done $0x0  }
0xf9: {  	s29 =	simm.s32 $0x6FD0;
	s28 =	rddreg [dreg:$0xb];
	[sflag:s21] =	ssyncadd.s32 $0xFFFFFF60  }
0xfa: {  	[tilespmem:s29], [sflag:$0x1] =	stream.linear.gather [hbm4b:s28+s2], $0xA0, $0x38;
	[tilespmem:$0xD780] =	vst v63  }
0xfb: {  	_ =	swait.ge [sflag:s21], $0xA0  }
0xfc: {  	[sflag:s21] =	ssyncset.done $0x0  }
0xfd: {  	s31 =	simm.s32 $0x7CA0;
	s30 =	rddreg [dreg:$0xc];
	[sflag:s21] =	ssyncadd.s32 $0xFFFFFF60  }
0xfe: {  	[tilespmem:s31], [sflag:$0x1] =	stream.linear.gather [hbm4b:s30+s2], $0xA0, $0x38;
	[tilespmem:$0xD780] =	vst v63  }
0xff: {  	_ =	swait.ge [sflag:s21], $0xA0  }
0x100: {  	[sflag:s21] =	ssyncset.done $0x0  }
0x101: {  	s26 =	simm.s32 $0x8970;
	s25 =	rddreg [dreg:$0xd];
	[sflag:s21] =	ssyncadd.s32 $0xFFFFFF60  }
0x102: {  	[tilespmem:s26], [sflag:$0x1] =	stream.linear.gather [hbm4b:s25+s2], $0xA0, $0x38;
	[tilespmem:$0xD780] =	vst v63  }
0x103: {  	_ =	swait.ge [sflag:s21], $0xA0  }
0x104: {  	[sflag:s21] =	ssyncset.done $0x0  }
0x105: {  	s29 =	simm.s32 $0x9640;
	s28 =	rddreg [dreg:$0xe];
	[sflag:s21] =	ssyncadd.s32 $0xFFFFFF60  }
0x106: {  	[tilespmem:s29], [sflag:$0x1] =	stream.linear.gather [hbm4b:s28+s2], $0xA0, $0x38;
	[tilespmem:$0xD780] =	vst v63  }
0x107: {  	_ =	swait.ge [sflag:s21], $0xA0  }
0x108: {  	[sflag:s21] =	ssyncset.done $0x0  }
0x109: {  	s31 =	simm.s32 $0xA310;
	s30 =	rddreg [dreg:$0xf];
	[sflag:s21] =	ssyncadd.s32 $0xFFFFFF60  }
0x10a: {  	[tilespmem:s31], [sflag:$0x1] =	stream.linear.gather [hbm4b:s30+s2], $0xA0, $0x38;
	[tilespmem:$0xD780] =	vst v63  }
0x10b: {  	_ =	swait.ge [sflag:s21], $0xA0  }
0x10c: {  	[sflag:s21] =	ssyncset.done $0x0  }
0x10d: {  	s26 =	simm.s32 $0xAFE0;
	s25 =	rddreg [dreg:$0x10];
	[sflag:s21] =	ssyncadd.s32 $0xFFFFFF60  }
0x10e: {  	[tilespmem:s26], [sflag:$0x1] =	stream.linear.gather [hbm4b:s25+s2], $0xA0, $0x38;
	[tilespmem:$0xD780] =	vst v63  }
0x10f: {  	_ =	swait.ge [sflag:s21], $0xA0  }
0x110: {  	[sflag:s21] =	ssyncset.done $0x0  }
0x111: {  	s29 =	simm.s32 $0xBCB0;
	s28 =	rddreg [dreg:$0x11];
	[sflag:s21] =	ssyncadd.s32 $0xFFFFFF60  }
0x112: {  	[tilespmem:s29], [sflag:$0x1] =	stream.linear.gather [hbm4b:s28+s2], $0xA0, $0x38;
	[tilespmem:$0xD780] =	vst v63  }
0x113: {  	_ =	swait.ge [sflag:s21], $0xA0  }
0x114: {  	[sflag:s21] =	ssyncset.done $0x0  }
0x115: {  	s31 =	simm.s32 $0xC980;
	s30 =	rddreg [dreg:$0x12];
	[sflag:s21] =	ssyncadd.s32 $0xFFFFFF60  }
0x116: {  	[tilespmem:s31], [sflag:$0x1] =	stream.linear.gather [hbm4b:s30+s2], $0xA0, $0x38;
	[tilespmem:$0xD780] =	vst v63  }
0x117: {  	_ =	swait.ge [sflag:s21], $0xA0  }
0x118: {  	[sflag:s21] =	ssyncset.done $0x0  }
0x119: {  	[sflag:s21] =	ssyncadd.s32 $0xFFFFFF60  }
.LBB2_5:
0x11a: {  	s25 =	simm.s32 $0x0  }
0x11b: {  	v1 =	vld [tilespmem:s25+$0x3020]  }
0x11c: {  	v19 =	vld [tilespmem:s25+$0x2320]  }
0x11d: {  	v21 =	vld [tilespmem:s25+$0x3000];
	_ =	sdelay $0x3  }
0x11e: {  	v14 =	vshll.u32 v1, $0x4  }
0x11f: {  	v21 =	vshll.u32 v21, $0x4  }
0x120: {  	v2 =	vadd.s32 $0x20, v14  }
0x121: {  	v23 =	vld [tilespmem:s25+$0x3010];
	v3 =	vor.u32 $0x1, v14  }
0x122: {  	v5 =	vadd.s32 $0x21, v14;
	v53 =	vld.idx.msk [tilespmem:v19+s23+$0x0], $0xffff  }
0x123: {  	v6 =	vor.u32 $0x2, v14;
	v13 =	vld.idx.msk [tilespmem:v14+s22+$0x0], $0xffff  }
0x124: {  	v7 =	vadd.s32 $0x22, v14;
	v19 =	vld.idx.msk [tilespmem:v21+s22+$0x0], $0xffff  }
0x125: {  	v8 =	vor.u32 $0x3, v14;
	v31 =	vld.idx.msk [tilespmem:v2+s22+$0x0], $0xffff  }
0x126: {  	v9 =	vadd.s32 $0x23, v14;
	v29 =	vld.idx.msk [tilespmem:v3+s22+$0x0], $0xffff  }
0x127: {  	v10 =	vor.u32 $0x4, v14;
	v32 =	vld.idx.msk [tilespmem:v5+s22+$0x0], $0xffff  }
0x128: {  	v11 =	vadd.s32 $0x24, v14;
	v33 =	vld.idx.msk [tilespmem:v6+s22+$0x0], $0xffff  }
0x129: {  	v12 =	vor.u32 $0x5, v14;
	v34 =	vld.idx.msk [tilespmem:v7+s22+$0x0], $0xffff  }
0x12a: {  	v15 =	vadd.s32 $0x25, v14;
	v35 =	vld.idx.msk [tilespmem:v8+s22+$0x0], $0xffff  }
0x12b: {  	v16 =	vor.u32 $0x6, v14;
	v36 =	vld.idx.msk [tilespmem:v9+s22+$0x0], $0xffff  }
0x12c: {  	v17 =	vor.u32 $0x7, v14;
	v10 =	vld.idx.msk [tilespmem:v10+s22+$0x0], $0xffff  }
0x12d: {  	v18 =	vadd.s32 $0x27, v14;
	v37 =	vld.idx.msk [tilespmem:v11+s22+$0x0], $0xffff  }
0x12e: {  	v20 =	vor.u32 $0x8, v14;
	v38 =	vld.idx.msk [tilespmem:v12+s22+$0x0], $0xffff  }
0x12f: {  	v22 =	vadd.s32 $0x28, v14;
	v12 =	vld.idx.msk [tilespmem:v15+s22+$0x0], $0xffff  }
0x130: {  	v24 =	vor.u32 $0x9, v14;
	v16 =	vld.idx.msk [tilespmem:v16+s22+$0x0], $0xffff  }
0x131: {  	v25 =	vadd.s32 $0x29, v14;
	v15 =	vld.idx.msk [tilespmem:v17+s22+$0x0], $0xffff  }
0x132: {  	v46 =	vadd.s32 $0x20, v21;
	v11 =	vadd.s32 $0x26, v14;
	v14 =	vld.idx.msk [tilespmem:v18+s22+$0x0], $0xffff  }
0x133: {  	v47 =	vor.u32 $0x1, v21;
	v17 =	vld.idx.msk [tilespmem:v20+s22+$0x0], $0xffff  }
0x134: {  	v27 =	vadd.s32 $0x21, v21;
	v18 =	vld.idx.msk [tilespmem:v22+s22+$0x0], $0xffff  }
0x135: {  	v28 =	vor.u32 $0x2, v21;
	v63 =	vld.idx.msk [tilespmem:v24+s22+$0x0], $0xffff  }
0x136: {  	v39 =	vor.u32 $0x3, v21;
	v42 =	vld.idx.msk [tilespmem:v25+s22+$0x0], $0xffff  }
0x137: {  	v43 =	vor.u32 $0x4, v21;
	v56 =	vld.idx.msk [tilespmem:v46+s22+$0x0], $0xffff  }
0x138: {  	v60 =	vld.idx.msk [tilespmem:v47+s22+$0x0], $0xffff  }
0x139: {  	v22 =	vshll.u32 v23, $0x4;
	v59 =	vld.idx.msk [tilespmem:v27+s22+$0x0], $0xffff  }
0x13a: {  	v58 =	vld.idx.msk [tilespmem:v28+s22+$0x0], $0xffff;
	v49 =	vadd.s32 $0x21, v22  }
0x13b: {  	v46 =	vld.idx.msk [tilespmem:v39+s22+$0x0], $0xffff;
	v28 =	vor.u32 $0x3, v22  }
0x13c: {  	v43 =	vld.idx.msk [tilespmem:v43+s22+$0x0], $0xffff;
	v48 =	vadd.s32 $0x20, v22  }
0x13d: {  	v26 =	vor.u32 $0x1, v22;
	v11 =	vld.idx.msk [tilespmem:v11+s22+$0x0], $0xffff  }
0x13e: {  	v50 =	vor.u32 $0x2, v22;
	v20 =	vld.idx.msk [tilespmem:v22+s22+$0x0], $0xffff  }
0x13f: {  	v51 =	vadd.s32 $0x22, v21;
	v54 =	vld.idx.msk [tilespmem:v49+s22+$0x0], $0xffff  }
0x140: {  	v49 =	vld.idx.msk [tilespmem:v28+s22+$0x0], $0xffff;
	v28 =	vor.u32 $0x5, v21  }
0x141: {  	v62 =	vor.u32 $0x4, v22;
	v57 =	vld.idx.msk [tilespmem:v48+s22+$0x0], $0xffff  }
0x142: {  	v40 =	vadd.s32 $0x22, v22;
	v61 =	vld.idx.msk [tilespmem:v26+s22+$0x0], $0xffff  }
0x143: {  	v41 =	vadd.s32 $0x23, v21;
	v55 =	vld.idx.msk [tilespmem:v50+s22+$0x0], $0xffff  }
0x144: {  	v25 =	vadd.s32 $0x23, v22;
	v50 =	vld.idx.msk [tilespmem:v51+s22+$0x0], $0xffff  }
0x145: {  	v39 =	vadd.s32 $0x24, v21;
	v0 =	vld.idx.msk [tilespmem:v28+s22+$0x0], $0xffff  }
0x146: {  	v44 =	vld.idx.msk [tilespmem:v62+s22+$0x0], $0xffff;
	v62 =	vor.u32 $0x6, v21  }
0x147: {  	v51 =	vld.idx.msk [tilespmem:v40+s22+$0x0], $0xffff  }
0x148: {  	v48 =	vld.idx.msk [tilespmem:v41+s22+$0x0], $0xffff  }
0x149: {  	v23 =	vadd.s32 $0x24, v22;
	v52 =	vld.idx.msk [tilespmem:v25+s22+$0x0], $0xffff  }
0x14a: {  	v24 =	vor.u32 $0x5, v22;
	v41 =	vld.idx.msk [tilespmem:v39+s22+$0x0], $0xffff;
	[tilespmem:$0x1FE40] =	vst v0  }
0x14b: {  	v25 =	vadd.s32 $0x25, v21;
	v0 =	vld.idx.msk [tilespmem:v62+s22+$0x0], $0xffff  }
0x14c: {  	v28 =	vor.u32 $0x6, v22;
	_ =	sdelay $0x1  }
0x14d: {  	v47 =	vld.idx.msk [tilespmem:v23+s22+$0x0], $0xffff  }
0x14e: {  	v45 =	vld.idx.msk [tilespmem:v24+s22+$0x0], $0xffff  }
0x14f: {  	v39 =	vld.idx.msk [tilespmem:v25+s22+$0x0], $0xffff;
	[tilespmem:$0x1FE50] =	vst v0  }
0x150: {  	v27 =	vadd.s32 $0x25, v22;
	v0 =	vld.idx.msk [tilespmem:v28+s22+$0x0], $0xffff  }
0x151: {  	v23 =	vadd.s32 $0x26, v21;
	_ =	sdelay $0x3  }
0x152: {  	v40 =	vld.idx.msk [tilespmem:v27+s22+$0x0], $0xffff;
	[tilespmem:$0x1FE60] =	vst v0  }
0x153: {  	v0 =	vld.idx.msk [tilespmem:v23+s22+$0x0], $0xffff  }
0x154: {  	v24 =	vor.u32 $0x7, v21;
	_ =	sdelay $0x3  }
0x155: {  	[tilespmem:$0x1FE70] =	vst v0  }
0x156: {  	v0 =	vld.idx.msk [tilespmem:v24+s22+$0x0], $0xffff  }
0x157: {  	v62 =	vor.u32 $0x7, v22;
	_ =	sdelay $0x3  }
0x158: {  	[tilespmem:$0x1FE80] =	vst v0  }
0x159: {  	v25 =	vadd.s32 $0x26, v22;
	v0 =	vld.idx.msk [tilespmem:v62+s22+$0x0], $0xffff  }
0x15a: {  	v27 =	vadd.s32 $0x27, v21;
	_ =	sdelay $0x3  }
0x15b: {  	v28 =	vld.idx.msk [tilespmem:v25+s22+$0x0], $0xffff;
	[tilespmem:$0x1FE90] =	vst v0  }
0x15c: {  	v0 =	vld.idx.msk [tilespmem:v27+s22+$0x0], $0xffff  }
0x15d: {  	v23 =	vor.u32 $0x8, v21;
	_ =	sdelay $0x2  }
0x15e: {  	s26 =	simm.s32 $0x30  }
0x15f: {  	v62 =	vld [tilespmem:s26+$0x3020];
	[tilespmem:$0x1FEA0] =	vst v0  }
0x160: {  	v0 =	vld.idx.msk [tilespmem:v23+s22+$0x0], $0xffff  }
0x161: {  	v24 =	vadd.s32 $0x27, v22;
	_ =	sdelay $0x3  }
0x162: {  	[tilespmem:$0x1FEC0] =	vst v0  }
0x163: {  	v0 =	vld.idx.msk [tilespmem:v24+s22+$0x0], $0xffff  }
0x164: {  	v1 =	vor.u32 $0x9, v21;
	_ =	sdelay $0x3  }
0x165: {  	v25 =	vor.u32 $0x8, v22;
	[tilespmem:$0x1FEB0] =	vst v0  }
0x166: {  	v26 =	vadd.s32 $0x28, v21;
	v1 =	vld.idx.msk [tilespmem:v1+s22+$0x0], $0xffff  }
0x167: {  	v23 =	vor.u32 $0x9, v22;
	_ =	sdelay $0x2  }
0x168: {  	v24 =	vadd.s32 $0x29, v21;
	v21 =	vld.idx.msk [tilespmem:v25+s22+$0x0], $0xffff  }
0x169: {  	v25 =	vld.idx.msk [tilespmem:v26+s22+$0x0], $0xffff;
	[tilespmem:$0x1FEF0] =	vst v1  }
0x16a: {  	v27 =	vadd.s32 $0x28, v22;
	v2 =	vld.idx.msk [tilespmem:v23+s22+$0x0], $0xffff;
	_ =	sdelay $0x4  }
0x16b: {  	v26 =	vld.idx.msk [tilespmem:v27+s22+$0x0], $0xffff;
	[tilespmem:$0x1FF50] =	vst v2  }
0x16c: {  	v2 =	vld.idx.msk [tilespmem:v24+s22+$0x0], $0xffff  }
0x16d: {  	v22 =	vadd.s32 $0x29, v22;
	_ =	sdelay $0x3  }
0x16e: {  	[tilespmem:$0x1FF60] =	vst v2  }
0x16f: {  	v3 =	vld.idx.msk [tilespmem:v22+s22+$0x0], $0xffff;
	_ =	sdelay $0x3  }
0x170: {  	v0 =	vshll.u32 v62, $0x4  }
0x171: {  	[tilespmem:$0x1FFD0] =	vst v3;
	v3 =	vadd.s32 $0x22, v0  }
0x172: {  	v1 =	vadd.s32 $0x20, v0;
	_ =	sdelay $0x1  }
0x173: {  	v62 =	vor.u32 $0x1, v0  }
0x174: {  	v23 =	vadd.s32 $0x21, v0  }
0x175: {  	v2 =	vor.u32 $0x2, v0;
	v3 =	vld.idx.msk [tilespmem:v3+s22+$0x0], $0xffff  }
0x176: {  	v27 =	vld.idx.msk [tilespmem:v1+s22+$0x0], $0xffff;
	v1 =	vor.u32 $0x3, v0;
	_ =	sdelay $0x1  }
0x177: {  	v24 =	vld.idx.msk [tilespmem:v62+s22+$0x0], $0xffff  }
0x178: {  	v23 =	vld.idx.msk [tilespmem:v23+s22+$0x0], $0xffff  }
0x179: {  	v22 =	vld.idx.msk [tilespmem:v2+s22+$0x0], $0xffff;
	[tilespmem:$0x1FED0] =	vst v3  }
0x17a: {  	v1 =	vld.idx.msk [tilespmem:v1+s22+$0x0], $0xffff  }
0x17b: {  	v62 =	vadd.s32 $0x23, v0;
	_ =	sdelay $0x3  }
0x17c: {  	[tilespmem:$0x1FEE0] =	vst v1  }
0x17d: {  	v5 =	vld.idx.msk [tilespmem:v62+s22+$0x0], $0xffff  }
0x17e: {  	v4 =	vor.u32 $0x4, v0;
	_ =	sdelay $0x3  }
0x17f: {  	[tilespmem:$0x1FF00] =	vst v5  }
0x180: {  	v4 =	vld.idx.msk [tilespmem:v4+s22+$0x0], $0xffff  }
0x181: {  	v2 =	vadd.s32 $0x24, v0;
	_ =	sdelay $0x3  }
0x182: {  	[tilespmem:$0x1FF10] =	vst v4  }
0x183: {  	v2 =	vld.idx.msk [tilespmem:v2+s22+$0x0], $0xffff  }
0x184: {  	v3 =	vor.u32 $0x5, v0;
	_ =	sdelay $0x3  }
0x185: {  	[tilespmem:$0x1FF20] =	vst v2  }
0x186: {  	v3 =	vld.idx.msk [tilespmem:v3+s22+$0x0], $0xffff  }
0x187: {  	v1 =	vadd.s32 $0x25, v0;
	_ =	sdelay $0x3  }
0x188: {  	[tilespmem:$0x1FF30] =	vst v3  }
0x189: {  	v1 =	vld.idx.msk [tilespmem:v1+s22+$0x0], $0xffff  }
0x18a: {  	v62 =	vor.u32 $0x6, v0;
	_ =	sdelay $0x3  }
0x18b: {  	[tilespmem:$0x1FF40] =	vst v1  }
0x18c: {  	v3 =	vld.idx.msk [tilespmem:v62+s22+$0x0], $0xffff  }
0x18d: {  	v4 =	vadd.s32 $0x26, v0;
	_ =	sdelay $0x3  }
0x18e: {  	[tilespmem:$0x1FF70] =	vst v3  }
0x18f: {  	v4 =	vld.idx.msk [tilespmem:v4+s22+$0x0], $0xffff  }
0x190: {  	v2 =	vor.u32 $0x7, v0;
	_ =	sdelay $0x3  }
0x191: {  	[tilespmem:$0x1FF80] =	vst v4  }
0x192: {  	v2 =	vld.idx.msk [tilespmem:v2+s22+$0x0], $0xffff  }
0x193: {  	v1 =	vadd.s32 $0x27, v0;
	_ =	sdelay $0x3  }
0x194: {  	[tilespmem:$0x1FF90] =	vst v2  }
0x195: {  	v1 =	vld.idx.msk [tilespmem:v1+s22+$0x0], $0xffff  }
0x196: {  	v3 =	vor.u32 $0x8, v0;
	_ =	sdelay $0x3  }
0x197: {  	v62 =	vld.idx.msk [tilespmem:v0+s22+$0x0], $0xffff;
	[tilespmem:$0x1FFA0] =	vst v1  }
0x198: {  	v1 =	vld.idx.msk [tilespmem:v3+s22+$0x0], $0xffff  }
0x199: {  	v4 =	vadd.s32 $0x28, v0;
	_ =	sdelay $0x3  }
0x19a: {  	[tilespmem:$0x1FFB0] =	vst v1  }
0x19b: {  	v1 =	vld.idx.msk [tilespmem:v4+s22+$0x0], $0xffff  }
0x19c: {  	v2 =	vor.u32 $0x9, v0;
	_ =	sdelay $0x3  }
0x19d: {  	[tilespmem:$0x1FFC0] =	vst v1  }
0x19e: {  	v1 =	vld.idx.msk [tilespmem:v2+s22+$0x0], $0xffff  }
0x19f: {  	v0 =	vadd.s32 $0x29, v0;
	_ =	sdelay $0x3  }
0x1a0: {  	[tilespmem:$0x1FFE0] =	vst v1  }
0x1a1: {  	v0 =	vld.idx.msk [tilespmem:v0+s22+$0x0], $0xffff;
	_ =	sdelay $0x4  }
0x1a2: {  	[tilespmem:$0x1FFF0] =	vst v0  }
0x1a3: {  	v3 =	vld [tilespmem:s25+$0x4A20];
	_ =	sdelay $0x1  }
0x1a4: {  	v0 =	vld [tilespmem:s25+$0x56F0]  }
0x1a5: {  	v9 =	vld [tilespmem:s25+$0xB0A0]  }
0x1a6: {  	v1 =	vld [tilespmem:s25+$0x63C0]  }
0x1a7: {  	s28 =	simm.s32 $0x0;
	v7 =	vld [tilespmem:s25+$0xA3D0];
	v13 =	vmul.f32 v13, v3  }
0x1a8: {  	s28 =	sand.u32 $0xFF0, s28;
	v2 =	vld [tilespmem:s25+$0x7090]  }
0x1a9: {  	v6 =	vld [tilespmem:s28+$0x9700];
	v3 =	vmul.f32 v31, v3;
	v29 =	vmul.f32 v29, v0;
	v13 =	vadd.f32 $0.0e+00, v13  }
0x1aa: {  	v4 =	vld [tilespmem:s25+$0x7D60];
	v0 =	vmul.f32 v32, v0  }
0x1ab: {  	v5 =	vld [tilespmem:s25+$0x8A30];
	v3 =	vadd.f32 $0.0e+00, v3;
	v13 =	vadd.f32 v29, v13;
	v29 =	vmul.f32 v33, v1  }
0x1ac: {  	vm0 =	veq.s32 v53, $0x1;
	v8 =	vld [tilespmem:s25+$0xBD70];
	v1 =	vmul.f32 v34, v1  }
0x1ad: {  	v53 =	vld [tilespmem:s26+$0x2320];
	v0 =	vadd.f32 v0, v3;
	v3 =	vadd.f32 v29, v13;
	v13 =	vmul.f32 v35, v2  }
0x1ae: {  	v31 =	vld [tilespmem:s25+$0x3D20];
	v2 =	vmul.f32 v36, v2  }
0x1af: {  	v32 =	vld [tilespmem:s25+$0x4A00];
	v0 =	vadd.f32 v1, v0;
	v1 =	vadd.f32 v13, v3;
	v3 =	vmul.f32 v10, v4  }
0x1b0: {  	v33 =	vld [tilespmem:s25+$0x4A10];
	v4 =	vmul.f32 v37, v4  }
0x1b1: {  	v34 =	vld [tilespmem:s25+$0x56D0];
	v0 =	vadd.f32 v2, v0;
	v2 =	vmul.f32 v38, v5;
	v1 =	vadd.f32 v3, v1  }
0x1b2: {  	v29 =	vld [tilespmem:s25+$0x56E0];
	v3 =	vmul.f32 v12, v5  }
0x1b3: {  	v35 =	vld [tilespmem:s25+$0x63A0];
	v0 =	vadd.f32 v4, v0;
	v1 =	vadd.f32 v2, v1;
	v2 =	vmul.f32 v16, v6  }
0x1b4: {  	v36 =	vld [tilespmem:s25+$0x63B0];
	v4 =	vmul.f32 v11, v6  }
0x1b5: {  	v37 =	vld [tilespmem:s25+$0x7070];
	v0 =	vadd.f32 v3, v0;
	v1 =	vadd.f32 v2, v1;
	v2 =	vmul.f32 v15, v7  }
0x1b6: {  	v38 =	vld [tilespmem:s28+$0x7080];
	v3 =	vmul.f32 v14, v7  }
0x1b7: {  	v5 =	vld [tilespmem:s25+$0x7D40];
	v0 =	vadd.f32 v4, v0;
	v1 =	vadd.f32 v2, v1;
	v2 =	vmul.f32 v17, v9  }
0x1b8: {  	v12 =	vld [tilespmem:s25+$0x7D50];
	v4 =	vmul.f32 v18, v9  }
0x1b9: {  	v11 =	vld [tilespmem:s25+$0x8A10];
	v0 =	vadd.f32 v3, v0;
	v1 =	vadd.f32 v2, v1;
	v2 =	vmul.f32 v63, v8  }
0x1ba: {  	v14 =	vld [tilespmem:s25+$0x96F0];
	v16 =	vmul.f32 v56, v32;
	v56 =	vmul.f32 v50, v35  }
0x1bb: {  	v50 =	vld [tilespmem:s26+$0x3010];
	v0 =	vadd.f32 v4, v0;
	v1 =	vadd.f32 v2, v1;
	v2 =	vmul.f32 v42, v8  }
0x1bc: {  	v6 =	vmul.f32 v19, v32;
	v32 =	vld [tilespmem:s26+$0x3D20]  }
0x1bd: {  	v13 =	vmul.f32 v60, v34;
	v15 =	vld [tilespmem:s25+$0x8A20];
	v0 =	vadd.f32 v2, v0;
	v1 =	vmul.f32 v1, v31  }
0x1be: {  	v19 =	vmul.f32 v57, v33;
	v7 =	vld [tilespmem:s25+$0x96E0];
	v10 =	vadd.f32 $0.0e+00, v6;
	v18 =	vmul.f32 v61, v29  }
0x1bf: {  	v6 =	vld [tilespmem:s25+$0x3D00];
	v61 =	vmul.f32 v59, v34;
	v42 =	vadd.f32 v0, v1;
	v0 =	vmul.f32 v20, v33  }
0x1c0: {  	v16 =	vadd.f32 $0.0e+00, v16;
	v29 =	vmul.f32 v54, v29;
	v19 =	vadd.f32 $0.0e+00, v19;
	v34 =	vld [tilespmem:s26+$0x8A30]  }
0x1c1: {  	v59 =	vmul.f32 v52, v38;
	v52 =	vld [tilespmem:$0x1FE80];
	v17 =	vadd.f32 $0.0e+00, v0  }
0x1c2: {  	v9 =	vld [tilespmem:s25+$0xA3B0];
	v16 =	vadd.f32 v61, v16;
	v19 =	vadd.f32 v29, v19;
	v29 =	vmul.f32 v51, v36  }
0x1c3: {  	v55 =	vmul.f32 v55, v36;
	v3 =	vld [tilespmem:s28+$0xB080];
	v60 =	vadd.f32 v13, v10;
	v18 =	vadd.f32 v18, v17  }
0x1c4: {  	v10 =	vld [tilespmem:s26+$0xB0A0];
	v16 =	vadd.f32 v56, v16;
	v19 =	vadd.f32 v29, v19;
	v29 =	vmul.f32 v48, v37  }
0x1c5: {  	v13 =	vld [tilespmem:s26+$0xA3D0];
	v17 =	vmul.f32 v58, v35;
	v58 =	vmul.f32 v49, v38;
	v18 =	vadd.f32 v55, v18  }
0x1c6: {  	v36 =	vld [tilespmem:s26+$0x7D60]  }
0x1c7: {  	v61 =	vld [tilespmem:s26+$0x4A20];
	v16 =	vadd.f32 v29, v16;
	v29 =	vmul.f32 v44, v12;
	v18 =	vadd.f32 v58, v18  }
0x1c8: {  	v63 =	vld [tilespmem:s25+$0xA3C0]  }
0x1c9: {  	v19 =	vadd.f32 v59, v19;
	v12 =	vmul.f32 v47, v12;
	v29 =	vadd.f32 v29, v18;
	v18 =	vld [tilespmem:$0x1FE40]  }
0x1ca: {  	v57 =	vmul.f32 v46, v37;
	v4 =	vld [tilespmem:s25+$0xB090]  }
0x1cb: {  	v37 =	vld [tilespmem:s26+$0x56F0];
	v12 =	vadd.f32 v12, v19;
	v49 =	vmul.f32 v45, v15;
	v15 =	vmul.f32 v40, v15  }
0x1cc: {  	v8 =	vld [tilespmem:s25+$0xBD50];
	v20 =	vadd.f32 v17, v60;
	v60 =	vmul.f32 v43, v5;
	v5 =	vmul.f32 v41, v5  }
0x1cd: {  	v2 =	vld [tilespmem:s25+$0xBD60];
	v12 =	vadd.f32 v15, v12  }
0x1ce: {  	v15 =	vld [tilespmem:$0x1FE70];
	v5 =	vadd.f32 v5, v16;
	v48 =	vmul.f32 v18, v11;
	v11 =	vmul.f32 v39, v11  }
0x1cf: {  	v16 =	vld [tilespmem:$0x1FE60]  }
0x1d0: {  	v5 =	vadd.f32 v11, v5;
	v11 =	vld [tilespmem:$0x1FE50]  }
0x1d1: {  	v31 =	vld [tilespmem:s25+$0x2300]  }
0x1d2: {  	v19 =	vld [tilespmem:s26+$0x3000]  }
0x1d3: {  	v1 =	vld [tilespmem:s25+$0x2310]  }
0x1d4: {  	v0 =	vld [tilespmem:s25+$0x3D10];
	v51 =	vmul.f32 v16, v14  }
0x1d5: {  	v38 =	vld [tilespmem:s26+$0x7090];
	v29 =	vadd.f32 v49, v29;
	v11 =	vmul.f32 v11, v7;
	v7 =	vmul.f32 v15, v7  }
0x1d6: {  	s28 =	simm.s32 $0x30;
	v35 =	vld [tilespmem:s26+$0x63C0];
	v20 =	vadd.f32 v57, v20  }
0x1d7: {  	s29 =	sand.u32 $0xFF0, s28;
	v15 =	vadd.f32 v51, v29;
	v29 =	vadd.f32 v7, v5;
	v5 =	vld [tilespmem:$0x1FE90]  }
0x1d8: {  	v17 =	vld [tilespmem:s29+$0x9700]  }
0x1d9: {  	v20 =	vadd.f32 v60, v20;
	v16 =	vld [tilespmem:s26+$0x4A00]  }
0x1da: {  	v18 =	vld [tilespmem:s26+$0xBD70]  }
0x1db: {  	v20 =	vadd.f32 v48, v20;
	v51 =	vld [tilespmem:$0x1FEE0]  }
0x1dc: {  	v7 =	vmul.f32 v5, v63;
	v5 =	vld [tilespmem:$0x1FEA0]  }
0x1dd: {  	v14 =	vmul.f32 v28, v14;
	v11 =	vadd.f32 v11, v20;
	v20 =	vld.idx.msk [tilespmem:v53+s23+$0x0], $0xffff  }
0x1de: {  	v40 =	vadd.f32 v7, v15;
	v7 =	vld [tilespmem:$0x1FEB0]  }
0x1df: {  	v53 =	vadd.f32 v14, v12;
	v14 =	vld [tilespmem:s26+$0x4A10]  }
0x1e0: {  	v28 =	vmul.f32 v52, v9;
	v12 =	vld [tilespmem:s26+$0x63A0]  }
0x1e1: {  	v15 =	vld [tilespmem:s26+$0x56E0];
	v9 =	vmul.f32 v5, v9  }
0x1e2: {  	v28 =	vadd.f32 v28, v11;
	v5 =	vshll.u32 v19, $0x4;
	v19 =	vld [tilespmem:s26+$0x56D0]  }
0x1e3: {  	v54 =	vadd.s32 $0x20, v5;
	v11 =	vmul.f32 v7, v63;
	v29 =	vadd.f32 v9, v29;
	v9 =	vld [tilespmem:$0x1FEC0]  }
0x1e4: {  	v55 =	vor.u32 $0x1, v5;
	v7 =	vshll.u32 v50, $0x4;
	v50 =	vld [tilespmem:s29+$0x7080]  }
0x1e5: {  	v21 =	vmul.f32 v21, v4;
	v58 =	vadd.s32 $0x21, v5;
	v33 =	vadd.f32 v11, v53;
	v11 =	vld [tilespmem:s26+$0x63B0]  }
0x1e6: {  	v59 =	vor.u32 $0x2, v5;
	v53 =	vld [tilespmem:$0x1FEF0]  }
0x1e7: {  	v21 =	vadd.f32 v21, v40;
	v40 =	vld.idx.msk [tilespmem:v5+s22+$0x0], $0xffff  }
0x1e8: {  	v39 =	vld.idx.msk [tilespmem:v54+s22+$0x0], $0xffff  }
0x1e9: {  	v4 =	vmul.f32 v26, v4;
	v63 =	vor.u32 $0x3, v5;
	v43 =	vld.idx.msk [tilespmem:v55+s22+$0x0], $0xffff  }
0x1ea: {  	v27 =	vmul.f32 v27, v61;
	v44 =	vld.idx.msk [tilespmem:v58+s22+$0x0], $0xffff  }
0x1eb: {  	v56 =	vadd.s32 $0x20, v7;
	v4 =	vadd.f32 v4, v33;
	v33 =	vld.idx.msk [tilespmem:v59+s22+$0x0], $0xffff  }
0x1ec: {  	v23 =	vmul.f32 v23, v37;
	v27 =	vadd.f32 $0.0e+00, v27;
	v57 =	vor.u32 $0x1, v7;
	v54 =	vld [tilespmem:$0x1FF00]  }
0x1ed: {  	v60 =	vadd.s32 $0x21, v7;
	v45 =	vld.idx.msk [tilespmem:v7+s22+$0x0], $0xffff  }
0x1ee: {  	v23 =	vadd.f32 v23, v27;
	v27 =	vld.idx.msk [tilespmem:v63+s22+$0x0], $0xffff  }
0x1ef: {  	v63 =	vld [tilespmem:$0x1FF50]  }
0x1f0: {  	v9 =	vmul.f32 v9, v3;
	v3 =	vmul.f32 v25, v3;
	v25 =	vld.idx.msk [tilespmem:v56+s22+$0x0], $0xffff  }
0x1f1: {  	v52 =	vadd.s32 $0x22, v7;
	v26 =	vld.idx.msk [tilespmem:v57+s22+$0x0], $0xffff  }
0x1f2: {  	v41 =	vld.idx.msk [tilespmem:v60+s22+$0x0], $0xffff  }
0x1f3: {  	v56 =	vld [tilespmem:$0x1FF10]  }
0x1f4: {  	v57 =	vld [tilespmem:$0x1FF20]  }
0x1f5: {  	v55 =	vor.u32 $0x3, v7;
	v60 =	vld [tilespmem:$0x1FF30]  }
0x1f6: {  	v46 =	vld.idx.msk [tilespmem:v52+s22+$0x0], $0xffff  }
0x1f7: {  	v3 =	vadd.f32 v3, v29;
	v29 =	vmul.f32 v62, v61;
	v62 =	vld [tilespmem:$0x1FED0]  }
0x1f8: {  	v47 =	vmul.f32 v53, v8;
	v53 =	vld [tilespmem:$0x1FF60]  }
0x1f9: {  	v28 =	vadd.f32 v9, v28;
	v9 =	vld [tilespmem:s26+$0x7070]  }
0x1fa: {  	v24 =	vmul.f32 v24, v37;
	v29 =	vadd.f32 $0.0e+00, v29;
	v48 =	vld.idx.msk [tilespmem:v55+s22+$0x0], $0xffff  }
0x1fb: {  	v61 =	vor.u32 $0x2, v7;
	v55 =	vld [tilespmem:$0x1FF80]  }
0x1fc: {  	v22 =	vmul.f32 v22, v35;
	v49 =	vmul.f32 v63, v2;
	v63 =	vld [tilespmem:$0x1FFD0];
	v24 =	vadd.f32 v24, v29  }
0x1fd: {  	v29 =	vadd.s32 $0x22, v5;
	v35 =	vmul.f32 v62, v35;
	v8 =	vmul.f32 v53, v8;
	v53 =	vld [tilespmem:$0x1FFF0]  }
0x1fe: {  	v22 =	vadd.f32 v22, v24;
	v24 =	vmul.f32 v51, v38;
	v38 =	vmul.f32 v54, v38;
	v54 =	vld [tilespmem:$0x1FF70]  }
0x1ff: {  	v51 =	vld [tilespmem:s26+$0x7D40]  }
0x200: {  	v23 =	vadd.f32 v35, v23;
	v35 =	vld.idx.msk [tilespmem:v61+s22+$0x0], $0xffff  }
0x201: {  	v59 =	vor.u32 $0x4, v5;
	v28 =	vadd.f32 v47, v28;
	v61 =	vld [tilespmem:$0x1FF40]  }
0x202: {  	v62 =	vadd.s32 $0x23, v7;
	v22 =	vadd.f32 v24, v22;
	v24 =	vmul.f32 v56, v36;
	v56 =	vld [tilespmem:$0x1FF90]  }
0x203: {  	v6 =	vmul.f32 v28, v6;
	v3 =	vadd.f32 v8, v3;
	v29 =	vld.idx.msk [tilespmem:v29+s22+$0x0], $0xffff  }
0x204: {  	v52 =	vor.u32 $0x4, v7;
	v23 =	vadd.f32 v38, v23;
	v38 =	vmul.f32 v60, v34;
	v60 =	vld [tilespmem:$0x1FFB0]  }
0x205: {  	v33 =	vmul.f32 v33, v12;
	v3 =	vadd.f32 v3, v6;
	v6 =	vld [tilespmem:s26+$0x8A10]  }
0x206: {  	v21 =	vadd.f32 v49, v21;
	v2 =	vmul.f32 v63, v2;
	v22 =	vadd.f32 v24, v22;
	v24 =	vld.idx.msk [tilespmem:v59+s22+$0x0], $0xffff  }
0x207: {  	v58 =	vadd.s32 $0x23, v5;
	v26 =	vmul.f32 v26, v15;
	v36 =	vmul.f32 v57, v36;
	v47 =	vld.idx.msk [tilespmem:v62+s22+$0x0], $0xffff  }
0x208: {  	v0 =	vmul.f32 v21, v0;
	v59 =	vor.u32 $0x5, v5;
	v62 =	vld [tilespmem:$0x1FFC0];
	v2 =	vadd.f32 v2, v4  }
0x209: {  	v4 =	vor.u32 $0x6, v5;
	v23 =	vadd.f32 v36, v23;
	v36 =	vld.idx.msk [tilespmem:v52+s22+$0x0], $0xffff;
	v34 =	vmul.f32 v61, v34  }
0x20a: {  	v52 =	vld [tilespmem:$0x1FFE0];
	v22 =	vadd.f32 v38, v22;
	v38 =	vmul.f32 v54, v17;
	v37 =	vmul.f32 v56, v13  }
0x20b: {  	v61 =	vadd.s32 $0x24, v7;
	v56 =	vmul.f32 v40, v16;
	v16 =	vmul.f32 v39, v16;
	v39 =	vld [tilespmem:s26+$0x96E0]  }
0x20c: {  	v2 =	vadd.f32 v2, v0;
	v0 =	vor.u32 $0x6, v7;
	v23 =	vadd.f32 v34, v23;
	v34 =	vld.idx.msk [tilespmem:v58+s22+$0x0], $0xffff  }
0x20d: {  	vm15 =	veq.s32 v20, $0x1;
	v15 =	vmul.f32 v41, v15;
	v17 =	vmul.f32 v55, v17;
	v58 =	vld [tilespmem:$0x1FFA0]  }
0x20e: {  	v49 =	vadd.s32 $0x27, v7;
	v27 =	vmul.f32 v27, v9;
	v22 =	vadd.f32 v38, v22;
	v4 =	vld.idx.msk [tilespmem:v4+s22+$0x0], $0xffff  }
0x20f: {  	v12 =	vmul.f32 v29, v12;
	v29 =	vor.u32 $0x8, v5;
	v17 =	vadd.f32 v17, v23;
	v23 =	vld.idx.msk [tilespmem:v59+s22+$0x0], $0xffff  }
0x210: {  	v16 =	vadd.f32 $0.0e+00, v16;
	v22 =	vadd.f32 v37, v22;
	v37 =	vmul.f32 v60, v10;
	v21 =	vld.idx.msk [tilespmem:v61+s22+$0x0], $0xffff  }
0x211: {  	v59 =	vmul.f32 v43, v19;
	v19 =	vmul.f32 v44, v19;
	v0 =	vld.idx.msk [tilespmem:v0+s22+$0x0], $0xffff;
	v61 =	vor.u32 $0x7, v7  }
0x212: {  	v57 =	vadd.s32 $0x24, v5;
	v22 =	vadd.f32 v37, v22;
	v37 =	vmul.f32 v52, v18;
	v52 =	vld [tilespmem:s26+$0x7D50]  }
0x213: {  	v63 =	vadd.s32 $0x27, v5;
	v16 =	vadd.f32 v19, v16;
	v19 =	vld [tilespmem:s26+$0x96F0];
	v13 =	vmul.f32 v58, v13  }
0x214: {  	v54 =	vadd.s32 $0x25, v5;
	v55 =	vadd.s32 $0x26, v5;
	v10 =	vmul.f32 v62, v10;
	v29 =	vld.idx.msk [tilespmem:v29+s22+$0x0], $0xffff  }
0x215: {  	v18 =	vmul.f32 v53, v18;
	v12 =	vadd.f32 v12, v16;
	v16 =	vld [tilespmem:s26+$0xA3B0];
	v13 =	vadd.f32 v13, v17  }
0x216: {  	v60 =	vadd.s32 $0x26, v7;
	v58 =	vmul.f32 v45, v14;
	v14 =	vmul.f32 v25, v14;
	v25 =	vld.idx.msk [tilespmem:v61+s22+$0x0], $0xffff  }
0x217: {  	v17 =	vor.u32 $0x5, v7;
	v61 =	vld [tilespmem:s29+$0xB080];
	v8 =	vadd.f32 v10, v13;
	v13 =	vadd.f32 v37, v22  }
0x218: {  	v44 =	vmul.f32 v35, v11;
	v11 =	vmul.f32 v46, v11;
	v53 =	vor.u32 $0x8, v7;
	v10 =	vld.idx.msk [tilespmem:v57+s22+$0x0], $0xffff  }
0x219: {  	v22 =	vld.idx.msk [tilespmem:v54+s22+$0x0], $0xffff;
	v57 =	vor.u32 $0x7, v5;
	v8 =	vadd.f32 v18, v8;
	v13 =	vmul.f32 v13, v32  }
0x21a: {  	v9 =	vmul.f32 v34, v9;
	v4 =	vmul.f32 v4, v39;
	v38 =	vadd.f32 $0.0e+00, v58;
	v37 =	vld.idx.msk [tilespmem:v49+s22+$0x0], $0xffff  }
0x21b: {  	v58 =	vor.u32 $0x9, v7;
	v32 =	vadd.f32 $0.0e+00, v56;
	v56 =	vld [tilespmem:s26+$0xA3C0];
	v8 =	vadd.f32 v8, v13  }
0x21c: {  	v23 =	vmul.f32 v23, v6;
	v9 =	vadd.f32 v9, v12;
	v18 =	vadd.s32 $0x25, v7;
	v17 =	vld.idx.msk [tilespmem:v17+s22+$0x0], $0xffff  }
0x21d: {  	v26 =	vadd.f32 v26, v38;
	v13 =	vld [tilespmem:s26+$0x8A20];
	v38 =	vsel vm15, $0x0, v8;
	v8 =	vadd.f32 $0.0e+00, v14  }
0x21e: {  	v12 =	vmul.f32 v24, v51;
	v54 =	vadd.s32 $0x28, v5;
	v32 =	vadd.f32 v59, v32;
	v45 =	vld.idx.msk [tilespmem:v57+s22+$0x0], $0xffff  }
0x21f: {  	v26 =	vadd.f32 v44, v26;
	v59 =	vadd.s32 $0x29, v5;
	v14 =	vld.idx.msk [tilespmem:v55+s22+$0x0], $0xffff;
	v8 =	vadd.f32 v15, v8  }
0x220: {  	v57 =	vadd.s32 $0x28, v7;
	v62 =	vadd.f32 v33, v32;
	v55 =	vmul.f32 v48, v50;
	v32 =	vld.idx.msk [tilespmem:v63+s22+$0x0], $0xffff  }
0x221: {  	v18 =	vld.idx.msk [tilespmem:v18+s22+$0x0], $0xffff;
	v8 =	vadd.f32 v11, v8;
	v11 =	vor.u32 $0x9, v5;
	v5 =	vmul.f32 v47, v50  }
0x222: {  	v15 =	vld.idx.msk [tilespmem:v60+s22+$0x0], $0xffff;
	v20 =	vadd.f32 v27, v62;
	v26 =	vadd.f32 v55, v26;
	v60 =	vmul.f32 v36, v52  }
0x223: {  	v33 =	vld.idx.msk [tilespmem:v53+s22+$0x0], $0xffff;
	v5 =	vadd.f32 v5, v8;
	v8 =	vmul.f32 v10, v51;
	v10 =	vmul.f32 v21, v52  }
0x224: {  	v0 =	vmul.f32 v0, v19;
	v63 =	vld [tilespmem:s26+$0xB090];
	v12 =	vadd.f32 v12, v20;
	v62 =	vadd.f32 v60, v26  }
0x225: {  	v8 =	vadd.f32 v8, v9;
	v5 =	vadd.f32 v10, v5;
	v9 =	vmul.f32 v17, v13;
	v10 =	vld.idx.msk [tilespmem:v54+s22+$0x0], $0xffff  }
0x226: {  	v28 =	vsel vm0, $0x0, v42;
	v6 =	vmul.f32 v22, v6;
	v13 =	vmul.f32 v18, v13;
	v17 =	vld.idx.msk [tilespmem:v57+s22+$0x0], $0xffff  }
0x227: {  	v7 =	vadd.s32 $0x29, v7;
	v12 =	vadd.f32 v23, v12;
	v11 =	vld.idx.msk [tilespmem:v11+s22+$0x0], $0xffff;
	v9 =	vadd.f32 v9, v62  }
0x228: {  	v6 =	vadd.f32 v6, v8;
	v8 =	vadd.f32 v13, v5;
	v5 =	vmul.f32 v14, v39;
	v13 =	vld.idx.msk [tilespmem:v58+s22+$0x0], $0xffff  }
0x229: {  	v4 =	vadd.f32 v4, v12;
	v0 =	vadd.f32 v0, v9;
	v9 =	vmul.f32 v15, v19;
	v15 =	vld [tilespmem:s26+$0xBD50]  }
0x22a: {  	v14 =	vmul.f32 v25, v56;
	v12 =	vadd.f32 v5, v6;
	v6 =	vmul.f32 v45, v16;
	v5 =	vld [tilespmem:s26+$0xBD60]  }
0x22b: {  	v18 =	vld.idx.msk [tilespmem:v59+s22+$0x0], $0xffff;
	v8 =	vadd.f32 v9, v8;
	v9 =	vmul.f32 v32, v16;
	v16 =	vmul.f32 v37, v56  }
0x22c: {  	v4 =	vadd.f32 v6, v4;
	v0 =	vadd.f32 v14, v0;
	v14 =	vmul.f32 v29, v61;
	v6 =	vld.idx.msk [tilespmem:v7+s22+$0x0], $0xffff  }
0x22d: {  	v10 =	vmul.f32 v10, v61;
	v7 =	vld [tilespmem:s26+$0x2300];
	v12 =	vadd.f32 v9, v12;
	v9 =	vmul.f32 v33, v63  }
0x22e: {  	v16 =	vadd.f32 v16, v8;
	v4 =	vadd.f32 v14, v4;
	v14 =	vmul.f32 v17, v63;
	v8 =	vld [tilespmem:s26+$0x2310]  }
0x22f: {  	[tilespmem:s25+$0xCAA0] =	vst v28;
	v17 =	vmul.f32 v11, v15;
	v13 =	vmul.f32 v13, v5;
	v0 =	vadd.f32 v9, v0;
	v9 =	vld [tilespmem:s26+$0x3D00]  }
0x230: {  	[tilespmem:s26+$0xCAA0] =	vst v38;
	v10 =	vadd.f32 v10, v12;
	v11 =	vadd.f32 v14, v16;
	v12 =	vld [tilespmem:s26+$0x3D10]  }
0x231: {  	s30 =	simm.s32 $0x180;
	s29 =	simm.s32 $0x3;
	v16 =	vmul.f32 v18, v15;
	v14 =	vadd.f32 v17, v4;
	v15 =	vadd.f32 v13, v0;
	v13 =	vld.idx.msk [tilespmem:v31+s23+$0x0], $0xffff  }
.LBB2_6:
0x232: {  	s1 =	sshra.s32 s30, $0x2;
	v0 =	vmul.f32 v6, v5;
	v17 =	vld.idx.msk [tilespmem:v1+s23+$0x0], $0xffff;
	v4 =	vmov v7  }
0x233: {  	s29 =	sadd.s32 $0x3, s29;
	v5 =	vld [tilespmem:s1+$0x2320];
	v7 =	vadd.f32 v16, v10;
	v1 =	vmov v8  }
0x234: {  	p1 =	slt.u32 s29, $0xC0;
	v8 =	vld [tilespmem:s1+$0x3020];
	v9 =	vmul.f32 v14, v9;
	v0 =	vadd.f32 v0, v11  }
0x235: {  	s28 =	sadd.s32 $0x30, s28;
	v6 =	vld [tilespmem:s1+$0xB0A0];
	v10 =	vmul.f32 v15, v12  }
0x236: {  	s31 =	sand.u32 $0xFF0, s28;
	v11 =	vld [tilespmem:s1+$0xA3D0];
	v7 =	vadd.f32 v7, v9  }
0x237: {  	vm0 =	veq.s32 v13, $0x1;
	v9 =	vld [tilespmem:s31+$0x9700];
	v0 =	vadd.f32 v0, v10  }
0x238: {  	v12 =	vsel vm0, $0x0, v3;
	vm0 =	veq.s32 v17, $0x1;
	v10 =	vld [tilespmem:s1+$0x8A30];
	v3 =	vmov v7  }
0x239: {  	v7 =	vshll.u32 v8, $0x4;
	v8 =	vld [tilespmem:s1+$0x7D60];
	[tilespmem:s25+$0xCA80] =	vst v12;
	v12 =	vsel vm0, $0x0, v2;
	v2 =	vmov v0  }
0x23a: {  	v0 =	vadd.s32 $0x20, v7;
	v13 =	vld [tilespmem:s1+$0x7090];
	[tilespmem:s25+$0xCA90] =	vst v12;
	s25 =	smov.u32 s26;
	s26 =	smov.u32 s1  }
0x23b: {  	v12 =	vor.u32 $0x1, v7;
	v14 =	vld [tilespmem:s26+$0x63C0]  }
0x23c: {  	v16 =	vadd.s32 $0x21, v7;
	v15 =	vld [tilespmem:s26+$0x56F0]  }
0x23d: {  	v18 =	vor.u32 $0x2, v7;
	v17 =	vld [tilespmem:s26+$0x4A20]  }
0x23e: {  	v20 =	vadd.s32 $0x22, v7;
	v19 =	vld.idx.msk [tilespmem:v7+s22+$0x0], $0xffff  }
0x23f: {  	v21 =	vor.u32 $0x3, v7;
	v0 =	vld.idx.msk [tilespmem:v0+s22+$0x0], $0xffff  }
0x240: {  	v22 =	vadd.s32 $0x23, v7;
	v12 =	vld.idx.msk [tilespmem:v12+s22+$0x0], $0xffff  }
0x241: {  	v23 =	vor.u32 $0x4, v7;
	v16 =	vld.idx.msk [tilespmem:v16+s22+$0x0], $0xffff  }
0x242: {  	v24 =	vadd.s32 $0x24, v7;
	v18 =	vld.idx.msk [tilespmem:v18+s22+$0x0], $0xffff  }
0x243: {  	v25 =	vor.u32 $0x5, v7;
	v20 =	vld.idx.msk [tilespmem:v20+s22+$0x0], $0xffff  }
0x244: {  	v26 =	vadd.s32 $0x25, v7;
	v19 =	vmul.f32 v19, v17;
	v21 =	vld.idx.msk [tilespmem:v21+s22+$0x0], $0xffff  }
0x245: {  	v27 =	vor.u32 $0x6, v7;
	v28 =	vadd.s32 $0x26, v7;
	v22 =	vld.idx.msk [tilespmem:v22+s22+$0x0], $0xffff  }
0x246: {  	v0 =	vmul.f32 v0, v17;
	v19 =	vadd.f32 $0.0e+00, v19;
	v12 =	vmul.f32 v12, v15;
	v17 =	vld.idx.msk [tilespmem:v23+s22+$0x0], $0xffff  }
0x247: {  	v15 =	vmul.f32 v16, v15;
	v23 =	vor.u32 $0x7, v7;
	v16 =	vld.idx.msk [tilespmem:v24+s22+$0x0], $0xffff;
	v24 =	vadd.s32 $0x27, v7  }
0x248: {  	v0 =	vadd.f32 $0.0e+00, v0;
	v12 =	vadd.f32 v12, v19;
	v18 =	vmul.f32 v18, v14;
	v19 =	vld.idx.msk [tilespmem:v25+s22+$0x0], $0xffff  }
0x249: {  	v14 =	vmul.f32 v20, v14;
	v25 =	vor.u32 $0x8, v7;
	v20 =	vld.idx.msk [tilespmem:v26+s22+$0x0], $0xffff;
	v26 =	vadd.s32 $0x28, v7  }
0x24a: {  	v0 =	vadd.f32 v15, v0;
	v12 =	vadd.f32 v18, v12;
	v15 =	vmul.f32 v21, v13;
	v18 =	vld.idx.msk [tilespmem:v27+s22+$0x0], $0xffff  }
0x24b: {  	v13 =	vmul.f32 v22, v13;
	v22 =	vor.u32 $0x9, v7;
	v21 =	vld.idx.msk [tilespmem:v28+s22+$0x0], $0xffff  }
0x24c: {  	v0 =	vadd.f32 v14, v0;
	v12 =	vadd.f32 v15, v12;
	v14 =	vmul.f32 v17, v8;
	v15 =	vld.idx.msk [tilespmem:v23+s22+$0x0], $0xffff  }
0x24d: {  	v7 =	vadd.s32 $0x29, v7;
	v8 =	vmul.f32 v16, v8;
	v16 =	vld.idx.msk [tilespmem:v24+s22+$0x0], $0xffff  }
0x24e: {  	v0 =	vadd.f32 v13, v0;
	v12 =	vadd.f32 v14, v12;
	v13 =	vmul.f32 v19, v10;
	v14 =	vld.idx.msk [tilespmem:v25+s22+$0x0], $0xffff  }
0x24f: {  	v10 =	vmul.f32 v20, v10;
	v17 =	vld.idx.msk [tilespmem:v26+s22+$0x0], $0xffff  }
0x250: {  	v0 =	vadd.f32 v8, v0;
	v8 =	vadd.f32 v13, v12;
	v12 =	vmul.f32 v18, v9;
	v13 =	vld.idx.msk [tilespmem:v22+s22+$0x0], $0xffff  }
0x251: {  	v9 =	vmul.f32 v21, v9;
	v18 =	vld [tilespmem:s26+$0xBD70]  }
0x252: {  	v0 =	vadd.f32 v10, v0;
	v8 =	vadd.f32 v12, v8;
	v10 =	vmul.f32 v15, v11;
	v7 =	vld.idx.msk [tilespmem:v7+s22+$0x0], $0xffff  }
0x253: {  	v11 =	vmul.f32 v16, v11;
	v12 =	vld [tilespmem:s26+$0x3000]  }
0x254: {  	v0 =	vadd.f32 v9, v0;
	v8 =	vadd.f32 v10, v8;
	v9 =	vmul.f32 v14, v6;
	v15 =	vld [tilespmem:s26+$0x3010]  }
0x255: {  	v6 =	vmul.f32 v17, v6;
	v10 =	vld [tilespmem:s26+$0x3D20]  }
0x256: {  	v0 =	vadd.f32 v11, v0;
	v8 =	vadd.f32 v9, v8;
	v14 =	vld [tilespmem:s26+$0x4A00];
	v9 =	vmul.f32 v13, v18  }
0x257: {  	v5 =	vld.idx.msk [tilespmem:v5+s23+$0x0], $0xffff  }
0x258: {  	v0 =	vadd.f32 v6, v0;
	v7 =	vmul.f32 v7, v18;
	v11 =	vld [tilespmem:s26+$0x4A10];
	v6 =	vadd.f32 v9, v8  }
0x259: {  	v8 =	vshll.u32 v12, $0x4;
	v9 =	vld [tilespmem:s26+$0x56D0];
	v12 =	vshll.u32 v15, $0x4  }
0x25a: {  	v13 =	vadd.s32 $0x20, v8;
	v0 =	vadd.f32 v7, v0;
	v15 =	vld [tilespmem:s26+$0x56E0];
	v6 =	vmul.f32 v6, v10  }
0x25b: {  	v7 =	vor.u32 $0x1, v8;
	v16 =	vadd.s32 $0x20, v12;
	v17 =	vor.u32 $0x1, v12;
	v10 =	vld [tilespmem:s26+$0x63A0]  }
0x25c: {  	v18 =	vadd.s32 $0x21, v8;
	v19 =	vor.u32 $0x2, v8;
	v20 =	vld [tilespmem:s26+$0x63B0];
	v0 =	vadd.f32 v0, v6  }
0x25d: {  	v21 =	vadd.s32 $0x21, v12;
	v22 =	vor.u32 $0x2, v12;
	vm0 =	veq.s32 v5, $0x1;
	v6 =	vld [tilespmem:s26+$0x7070]  }
0x25e: {  	v23 =	vadd.s32 $0x22, v8;
	v24 =	vor.u32 $0x3, v8;
	v5 =	vld.idx.msk [tilespmem:v8+s22+$0x0], $0xffff;
	v0 =	vsel vm0, $0x0, v0  }
0x25f: {  	v25 =	vadd.s32 $0x23, v8;
	v27 =	vadd.s32 $0x22, v12;
	v28 =	vor.u32 $0x3, v12;
	v26 =	vld.idx.msk [tilespmem:v12+s22+$0x0], $0xffff;
	[tilespmem:s26+$0xCAA0] =	vst v0  }
0x260: {  	v29 =	vadd.s32 $0x23, v12;
	v31 =	vor.u32 $0x4, v12;
	v0 =	vld.idx.msk [tilespmem:v13+s22+$0x0], $0xffff;
	v13 =	vor.u32 $0x4, v8  }
0x261: {  	v32 =	vadd.s32 $0x24, v8;
	v33 =	vor.u32 $0x5, v8;
	v34 =	vadd.s32 $0x24, v12;
	v7 =	vld.idx.msk [tilespmem:v7+s22+$0x0], $0xffff  }
0x262: {  	v35 =	vadd.s32 $0x25, v8;
	v36 =	vor.u32 $0x6, v8;
	v37 =	vor.u32 $0x5, v12;
	v16 =	vld.idx.msk [tilespmem:v16+s22+$0x0], $0xffff  }
0x263: {  	v38 =	vadd.s32 $0x26, v8;
	v39 =	vadd.s32 $0x25, v12;
	v40 =	vor.u32 $0x6, v12;
	v17 =	vld.idx.msk [tilespmem:v17+s22+$0x0], $0xffff  }
0x264: {  	v41 =	vor.u32 $0x7, v8;
	v42 =	vadd.s32 $0x26, v12;
	v5 =	vmul.f32 v5, v14;
	v18 =	vld.idx.msk [tilespmem:v18+s22+$0x0], $0xffff  }
0x265: {  	v43 =	vadd.s32 $0x27, v8;
	v44 =	vor.u32 $0x7, v12;
	v26 =	vmul.f32 v26, v11;
	v19 =	vld.idx.msk [tilespmem:v19+s22+$0x0], $0xffff  }
0x266: {  	v5 =	vadd.f32 $0.0e+00, v5;
	v0 =	vmul.f32 v0, v14;
	v14 =	vor.u32 $0x8, v8;
	v21 =	vld.idx.msk [tilespmem:v21+s22+$0x0], $0xffff  }
0x267: {  	v45 =	vadd.s32 $0x27, v12;
	v7 =	vmul.f32 v7, v9;
	v26 =	vadd.f32 $0.0e+00, v26;
	v22 =	vld.idx.msk [tilespmem:v22+s22+$0x0], $0xffff  }
0x268: {  	v0 =	vadd.f32 $0.0e+00, v0;
	v11 =	vmul.f32 v16, v11;
	v16 =	vor.u32 $0x8, v12;
	v23 =	vld.idx.msk [tilespmem:v23+s22+$0x0], $0xffff  }
0x269: {  	v5 =	vadd.f32 v7, v5;
	v17 =	vmul.f32 v17, v15;
	v7 =	vld.idx.msk [tilespmem:v24+s22+$0x0], $0xffff;
	v24 =	vadd.s32 $0x28, v8  }
0x26a: {  	v9 =	vmul.f32 v18, v9;
	v18 =	vor.u32 $0x9, v8;
	v11 =	vadd.f32 $0.0e+00, v11;
	v27 =	vld.idx.msk [tilespmem:v27+s22+$0x0], $0xffff  }
0x26b: {  	v19 =	vmul.f32 v19, v10;
	v17 =	vadd.f32 v17, v26;
	v26 =	vld.idx.msk [tilespmem:v28+s22+$0x0], $0xffff;
	v28 =	vadd.s32 $0x28, v12  }
0x26c: {  	v0 =	vadd.f32 v9, v0;
	v9 =	vmul.f32 v21, v15;
	v21 =	vor.u32 $0x9, v12;
	v15 =	vld [tilespmem:s31+$0x7080]  }
0x26d: {  	v8 =	vadd.s32 $0x29, v8;
	v5 =	vadd.f32 v19, v5;
	v22 =	vmul.f32 v22, v20;
	v19 =	vld.idx.msk [tilespmem:v25+s22+$0x0], $0xffff  }
0x26e: {  	v10 =	vmul.f32 v23, v10;
	v9 =	vadd.f32 v9, v11;
	v11 =	vadd.s32 $0x29, v12;
	v13 =	vld.idx.msk [tilespmem:v13+s22+$0x0], $0xffff  }
0x26f: {  	v7 =	vmul.f32 v7, v6;
	v12 =	vadd.f32 v22, v17;
	v17 =	vld.idx.msk [tilespmem:v29+s22+$0x0], $0xffff  }
0x270: {  	v0 =	vadd.f32 v10, v0;
	v10 =	vmul.f32 v27, v20;
	v20 =	vld.idx.msk [tilespmem:v31+s22+$0x0], $0xffff  }
0x271: {  	v5 =	vadd.f32 v7, v5;
	v7 =	vld [tilespmem:s26+$0x7D40];
	v22 =	vmul.f32 v26, v15  }
0x272: {  	v9 =	vadd.f32 v10, v9;
	v10 =	vld [tilespmem:s26+$0x7D50]  }
0x273: {  	v6 =	vmul.f32 v19, v6;
	v19 =	vld.idx.msk [tilespmem:v32+s22+$0x0], $0xffff;
	v12 =	vadd.f32 v22, v12  }
0x274: {  	v22 =	vld.idx.msk [tilespmem:v33+s22+$0x0], $0xffff  }
0x275: {  	v0 =	vadd.f32 v6, v0;
	v6 =	vmul.f32 v17, v15;
	v15 =	vld.idx.msk [tilespmem:v34+s22+$0x0], $0xffff  }
0x276: {  	v13 =	vmul.f32 v13, v7;
	v17 =	vld.idx.msk [tilespmem:v37+s22+$0x0], $0xffff  }
0x277: {  	v6 =	vadd.f32 v6, v9;
	v23 =	vld [tilespmem:s26+$0x8A10];
	v9 =	vmul.f32 v20, v10  }
0x278: {  	v5 =	vadd.f32 v13, v5;
	v13 =	vld [tilespmem:s26+$0x8A20]  }
0x279: {  	v7 =	vmul.f32 v19, v7;
	v19 =	vld.idx.msk [tilespmem:v35+s22+$0x0], $0xffff;
	v9 =	vadd.f32 v9, v12  }
0x27a: {  	v12 =	vld.idx.msk [tilespmem:v36+s22+$0x0], $0xffff  }
0x27b: {  	v0 =	vadd.f32 v7, v0;
	v7 =	vmul.f32 v15, v10;
	v10 =	vld.idx.msk [tilespmem:v39+s22+$0x0], $0xffff  }
0x27c: {  	v15 =	vmul.f32 v22, v23;
	v20 =	vld.idx.msk [tilespmem:v40+s22+$0x0], $0xffff  }
0x27d: {  	v6 =	vadd.f32 v7, v6;
	v22 =	vld [tilespmem:s26+$0x96E0];
	v7 =	vmul.f32 v17, v13  }
0x27e: {  	v5 =	vadd.f32 v15, v5;
	v15 =	vld [tilespmem:s26+$0x96F0]  }
0x27f: {  	v17 =	vmul.f32 v19, v23;
	v19 =	vld.idx.msk [tilespmem:v38+s22+$0x0], $0xffff;
	v7 =	vadd.f32 v7, v9  }
0x280: {  	v9 =	vld.idx.msk [tilespmem:v41+s22+$0x0], $0xffff  }
0x281: {  	v0 =	vadd.f32 v17, v0;
	v10 =	vmul.f32 v10, v13;
	v13 =	vld.idx.msk [tilespmem:v42+s22+$0x0], $0xffff  }
0x282: {  	v12 =	vmul.f32 v12, v22;
	v17 =	vld.idx.msk [tilespmem:v44+s22+$0x0], $0xffff  }
0x283: {  	v6 =	vadd.f32 v10, v6;
	v23 =	vld [tilespmem:s26+$0xA3B0];
	v10 =	vmul.f32 v20, v15  }
0x284: {  	v5 =	vadd.f32 v12, v5;
	v12 =	vld [tilespmem:s26+$0xA3C0]  }
0x285: {  	v19 =	vmul.f32 v19, v22;
	v20 =	vld.idx.msk [tilespmem:v43+s22+$0x0], $0xffff;
	v7 =	vadd.f32 v10, v7  }
0x286: {  	v10 =	vld.idx.msk [tilespmem:v14+s22+$0x0], $0xffff  }
0x287: {  	v0 =	vadd.f32 v19, v0;
	v13 =	vmul.f32 v13, v15;
	v14 =	vld.idx.msk [tilespmem:v45+s22+$0x0], $0xffff  }
0x288: {  	v9 =	vmul.f32 v9, v23;
	v15 =	vld.idx.msk [tilespmem:v16+s22+$0x0], $0xffff  }
0x289: {  	v6 =	vadd.f32 v13, v6;
	v16 =	vld [tilespmem:s31+$0xB080];
	v13 =	vmul.f32 v17, v12  }
0x28a: {  	v5 =	vadd.f32 v9, v5;
	v9 =	vld [tilespmem:s26+$0xB090]  }
0x28b: {  	v17 =	vmul.f32 v20, v23;
	v19 =	vld.idx.msk [tilespmem:v24+s22+$0x0], $0xffff;
	v7 =	vadd.f32 v13, v7  }
0x28c: {  	v13 =	vld.idx.msk [tilespmem:v18+s22+$0x0], $0xffff  }
0x28d: {  	v0 =	vadd.f32 v17, v0;
	v12 =	vmul.f32 v14, v12;
	v14 =	vld.idx.msk [tilespmem:v28+s22+$0x0], $0xffff  }
0x28e: {  	v10 =	vmul.f32 v10, v16;
	v17 =	vld.idx.msk [tilespmem:v21+s22+$0x0], $0xffff  }
0x28f: {  	v12 =	vadd.f32 v12, v6;
	v18 =	vld [tilespmem:s26+$0xBD50];
	v6 =	vmul.f32 v15, v9  }
0x290: {  	v15 =	vadd.f32 v10, v5;
	v5 =	vld [tilespmem:s26+$0xBD60]  }
0x291: {  	v10 =	vmul.f32 v19, v16;
	v16 =	vld.idx.msk [tilespmem:v8+s22+$0x0], $0xffff;
	v19 =	vadd.f32 v6, v7  }
0x292: {  	v6 =	vld.idx.msk [tilespmem:v11+s22+$0x0], $0xffff  }
.Ltmp4:
0x293: {  	v10 =	vadd.f32 v10, v0;
	v0 =	vmul.f32 v14, v9;
	v7 =	vld [tilespmem:s26+$0x2300];
	(pc) =	sbr.rel @p1 .LBB2_6-.Ltmp4, $4  }
0x294: {  	v13 =	vmul.f32 v13, v18;
	v8 =	vld [tilespmem:s26+$0x2310]  }
0x295: {  	v11 =	vadd.f32 v0, v12;
	v9 =	vld [tilespmem:s26+$0x3D00];
	v0 =	vmul.f32 v17, v5  }
0x296: {  	v14 =	vadd.f32 v13, v15;
	v12 =	vld [tilespmem:s26+$0x3D10]  }
0x297: {  	s30 =	sadd.s32 $0xC0, s30;
	v16 =	vmul.f32 v16, v18;
	v15 =	vadd.f32 v0, v19;
	v13 =	vld.idx.msk [tilespmem:v4+s23+$0x0], $0xffff  }
0x298: {  	_ =	sdelay $0x3  }
0x299: {  	v0 =	vld.idx.msk [tilespmem:v1+s23+$0x0], $0xffff  }
0x29a: {  	v58 =	vld.idx.msk [tilespmem:v7+s23+$0x0], $0xffff  }
0x29b: {  	v4 =	vmul.f32 v6, v5;
	v59 =	vld.idx.msk [tilespmem:v8+s23+$0x0], $0xffff  }
0x29c: {  	v60 =	vadd.f32 v16, v10;
	v61 =	vmul.f32 v14, v9  }
0x29d: {  	v4 =	vadd.f32 v4, v11;
	v62 =	vmul.f32 v15, v12;
	vm0 =	veq.s32 v13, $0x1  }
.Ltmp5:
0x29e: {  	v6 =	vadd.f32 v60, v61;
	v3 =	vsel vm0, $0x0, v3;
	vm13 =	veq.s32 v0, $0x1;
	(pc) =	sbr.rel @p0 .LBB2_11-.Ltmp5, $4  }
0x29f: {  	v63 =	vadd.f32 v4, v62;
	vm14 =	veq.s32 v58, $0x1;
	[tilespmem:s25+$0xCA80] =	vst v3;
	v2 =	vsel vm13, $0x0, v2  }
0x2a0: {  	v1 =	vsel vm14, $0x0, v6;
	vm15 =	veq.s32 v59, $0x1;
	[tilespmem:s25+$0xCA90] =	vst v2  }
0x2a1: {  	[tilespmem:s26+$0xCA80] =	vst v1;
	v0 =	vsel vm15, $0x0, v63  }
0x2a2: {  	[tilespmem:s26+$0xCA90] =	vst v0  }
0x2a3: {  	s25 =	simm.s32 $0x0  }
0x2a4: {  	v0 =	vld [tilespmem:s25+$0x2F40]  }
0x2a5: {  	v1 =	vld [tilespmem:s25+$0x3C40]  }
0x2a6: {  	v10 =	vld [tilespmem:s25+$0xBCC0]  }
0x2a7: {  	v14 =	vld [tilespmem:s25+$0xAFF0]  }
0x2a8: {  	v21 =	vld [tilespmem:s25+$0xA320]  }
0x2a9: {  	v17 =	vld [tilespmem:s25+$0x9650]  }
0x2aa: {  	v7 =	vld [tilespmem:s25+$0x8980]  }
0x2ab: {  	v12 =	vld [tilespmem:s25+$0x6FE0]  }
0x2ac: {  	v16 =	vld [tilespmem:s25+$0x6310]  }
0x2ad: {  	v13 =	vld [tilespmem:s25+$0x5640]  }
0x2ae: {  	v45 =	vld [tilespmem:s25+$0x5630]  }
0x2af: {  	v46 =	vld [tilespmem:s25+$0x6300];
	v1 =	vshll.u32 v1, $0x4  }
0x2b0: {  	v27 =	vld [tilespmem:s25+$0x6FD0];
	v2 =	vadd.s32 $0x20, v1  }
0x2b1: {  	v24 =	vld [tilespmem:s25+$0x7CA0];
	v3 =	vor.u32 $0x1, v1  }
0x2b2: {  	v18 =	vld [tilespmem:s25+$0x8970];
	v5 =	vadd.s32 $0x21, v1  }
0x2b3: {  	v15 =	vld [tilespmem:s25+$0x9640];
	v6 =	vor.u32 $0x2, v1  }
0x2b4: {  	v8 =	vadd.s32 $0x22, v1;
	v20 =	vld.idx.msk [tilespmem:v1+s22+$0x0], $0xffff  }
0x2b5: {  	v9 =	vor.u32 $0x3, v1;
	v2 =	vld.idx.msk [tilespmem:v2+s22+$0x0], $0xffff  }
0x2b6: {  	v22 =	vld.idx.msk [tilespmem:v3+s22+$0x0], $0xffff;
	v3 =	vadd.s32 $0x23, v1  }
0x2b7: {  	v28 =	vld.idx.msk [tilespmem:v5+s22+$0x0], $0xffff;
	v5 =	vor.u32 $0x4, v1  }
0x2b8: {  	v29 =	vld.idx.msk [tilespmem:v6+s22+$0x0], $0xffff;
	v6 =	vadd.s32 $0x24, v1  }
0x2b9: {  	v31 =	vld.idx.msk [tilespmem:v8+s22+$0x0], $0xffff;
	v8 =	vor.u32 $0x5, v1  }
0x2ba: {  	v32 =	vld.idx.msk [tilespmem:v9+s22+$0x0], $0xffff;
	v9 =	vadd.s32 $0x25, v1  }
0x2bb: {  	v33 =	vld.idx.msk [tilespmem:v3+s22+$0x0], $0xffff;
	v3 =	vor.u32 $0x6, v1  }
0x2bc: {  	v34 =	vld.idx.msk [tilespmem:v5+s22+$0x0], $0xffff  }
0x2bd: {  	v11 =	vadd.s32 $0x26, v1;
	v35 =	vld.idx.msk [tilespmem:v6+s22+$0x0], $0xffff  }
0x2be: {  	v36 =	vld.idx.msk [tilespmem:v8+s22+$0x0], $0xffff  }
0x2bf: {  	s1 =	simm.s32 $0xC30;
	v5 =	vor.u32 $0x7, v1;
	v6 =	vadd.s32 $0x27, v1;
	v37 =	vld.idx.msk [tilespmem:v9+s22+$0x0], $0xffff;
	v8 =	vor.u32 $0x8, v1  }
0x2c0: {  	s26 =	sand.u32 $0xFF0, s1;
	v9 =	vadd.s32 $0x28, v1;
	v38 =	vld.idx.msk [tilespmem:v3+s22+$0x0], $0xffff;
	v3 =	vor.u32 $0x9, v1;
	v1 =	vadd.s32 $0x29, v1  }
0x2c1: {  	v4 =	vld [tilespmem:s26+$0x7080]  }
0x2c2: {  	v39 =	vld.idx.msk [tilespmem:v11+s22+$0x0], $0xffff  }
0x2c3: {  	v11 =	vld [tilespmem:s25+$0xA310];
	v2 =	vmul.f32 v2, v13  }
0x2c4: {  	v42 =	vld.idx.msk [tilespmem:v8+s22+$0x0], $0xffff  }
0x2c5: {  	v28 =	vmul.f32 v28, v16;
	v2 =	vadd.f32 $0.0e+00, v2;
	v8 =	vld.idx.msk [tilespmem:v1+s22+$0x0], $0xffff  }
0x2c6: {  	v1 =	vld [tilespmem:s25+$0x3C30]  }
0x2c7: {  	v28 =	vadd.f32 v28, v2;
	v2 =	vld [tilespmem:s25+$0x4930]  }
0x2c8: {  	v40 =	vld.idx.msk [tilespmem:v5+s22+$0x0], $0xffff  }
0x2c9: {  	v41 =	vld.idx.msk [tilespmem:v6+s22+$0x0], $0xffff  }
0x2ca: {  	v44 =	vld.idx.msk [tilespmem:v3+s22+$0x0], $0xffff  }
0x2cb: {  	v3 =	vld.idx.msk [tilespmem:v0+s23+$0x0], $0xffff;
	v0 =	vshll.u32 v1, $0x4  }
0x2cc: {  	v43 =	vld.idx.msk [tilespmem:v9+s22+$0x0], $0xffff;
	v1 =	vadd.s32 $0x20, v0  }
0x2cd: {  	v6 =	vld [tilespmem:s25+$0xC990];
	v19 =	vor.u32 $0x1, v0  }
0x2ce: {  	v5 =	vld [tilespmem:s25+$0x4940];
	v23 =	vadd.s32 $0x21, v0  }
0x2cf: {  	v9 =	vld [tilespmem:s25+$0xAFE0];
	v25 =	vor.u32 $0x2, v0  }
0x2d0: {  	v26 =	vadd.s32 $0x22, v0;
	v47 =	vld.idx.msk [tilespmem:v0+s22+$0x0], $0xffff  }
0x2d1: {  	v48 =	vor.u32 $0x3, v0;
	v49 =	vld.idx.msk [tilespmem:v1+s22+$0x0], $0xffff  }
0x2d2: {  	v60 =	vor.u32 $0x4, v0;
	v50 =	vld.idx.msk [tilespmem:v19+s22+$0x0], $0xffff  }
0x2d3: {  	v61 =	vadd.s32 $0x24, v0;
	v51 =	vld.idx.msk [tilespmem:v23+s22+$0x0], $0xffff  }
0x2d4: {  	v62 =	vor.u32 $0x5, v0;
	v52 =	vld.idx.msk [tilespmem:v25+s22+$0x0], $0xffff  }
0x2d5: {  	v1 =	vadd.s32 $0x23, v0;
	v53 =	vld.idx.msk [tilespmem:v26+s22+$0x0], $0xffff  }
0x2d6: {  	v63 =	vadd.s32 $0x25, v0;
	v48 =	vld.idx.msk [tilespmem:v48+s22+$0x0], $0xffff  }
0x2d7: {  	v54 =	vor.u32 $0x6, v0;
	v56 =	vld.idx.msk [tilespmem:v60+s22+$0x0], $0xffff  }
0x2d8: {  	v59 =	vor.u32 $0x8, v0;
	v57 =	vld.idx.msk [tilespmem:v61+s22+$0x0], $0xffff  }
0x2d9: {  	v58 =	vld.idx.msk [tilespmem:v62+s22+$0x0], $0xffff  }
0x2da: {  	v55 =	vld.idx.msk [tilespmem:v1+s22+$0x0], $0xffff;
	v1 =	vadd.s32 $0x26, v0  }
0x2db: {  	v19 =	vor.u32 $0x7, v0;
	v60 =	vld.idx.msk [tilespmem:v63+s22+$0x0], $0xffff  }
0x2dc: {  	v23 =	vadd.s32 $0x27, v0;
	v54 =	vld.idx.msk [tilespmem:v54+s22+$0x0], $0xffff  }
0x2dd: {  	v26 =	vld.idx.msk [tilespmem:v59+s22+$0x0], $0xffff  }
0x2de: {  	v61 =	vadd.s32 $0x28, v0;
	v59 =	vmul.f32 v20, v13;
	v13 =	vld [tilespmem:s25+$0xC980]  }
0x2df: {  	v62 =	vld.idx.msk [tilespmem:v1+s22+$0x0], $0xffff;
	v1 =	vor.u32 $0x9, v0  }
0x2e0: {  	v63 =	vld.idx.msk [tilespmem:v19+s22+$0x0], $0xffff;
	v0 =	vadd.s32 $0x29, v0  }
0x2e1: {  	v25 =	vld.idx.msk [tilespmem:v23+s22+$0x0], $0xffff  }
0x2e2: {  	v19 =	vld [tilespmem:s26+$0xB080]  }
0x2e3: {  	v22 =	vmul.f32 v22, v16;
	v23 =	vld.idx.msk [tilespmem:v61+s22+$0x0], $0xffff  }
0x2e4: {  	v20 =	vld.idx.msk [tilespmem:v1+s22+$0x0], $0xffff;
	v1 =	vadd.f32 $0.0e+00, v59;
	v59 =	vmul.f32 v29, v12;
	v12 =	vmul.f32 v31, v12  }
0x2e5: {  	s26 =	simm.s32 $0x20;
	v16 =	vld.idx.msk [tilespmem:v0+s22+$0x0], $0xffff  }
0x2e6: {  	v50 =	vmul.f32 v50, v46;
	v0 =	vadd.f32 v22, v1;
	v12 =	vadd.f32 v12, v28;
	v28 =	vld [tilespmem:s26+$0x3C40]  }
0x2e7: {  	v46 =	vmul.f32 v51, v46;
	v51 =	vld [tilespmem:s26+$0xAFE0];
	v31 =	vmul.f32 v33, v4  }
0x2e8: {  	v29 =	vmul.f32 v32, v4;
	v4 =	vld [tilespmem:s26+$0xBCC0];
	v0 =	vadd.f32 v59, v0  }
0x2e9: {  	v61 =	vmul.f32 v35, v7;
	v32 =	vld [tilespmem:s26+$0x8980];
	v31 =	vadd.f32 v31, v12  }
0x2ea: {  	v1 =	vld [tilespmem:s25+$0x2F30];
	v0 =	vadd.f32 v29, v0;
	v29 =	vmul.f32 v34, v7  }
0x2eb: {  	v37 =	vmul.f32 v37, v17;
	v22 =	vld [tilespmem:s26+$0x2F40];
	v31 =	vadd.f32 v61, v31;
	v28 =	vshll.u32 v28, $0x4  }
0x2ec: {  	s28 =	simm.s32 $0xC50;
	v12 =	vld [tilespmem:s26+$0xA320];
	v0 =	vadd.f32 v29, v0;
	v29 =	vmul.f32 v36, v17;
	v59 =	vor.u32 $0x2, v28  }
0x2ed: {  	s29 =	sand.u32 $0xFF0, s28;
	v7 =	vld [tilespmem:s26+$0xAFF0];
	v61 =	vadd.s32 $0x22, v28  }
0x2ee: {  	v34 =	vld [tilespmem:s29+$0x7080];
	v31 =	vadd.f32 v37, v31;
	v0 =	vadd.f32 v29, v0;
	v29 =	vmul.f32 v38, v21  }
0x2ef: {  	v17 =	vld [tilespmem:s26+$0x9650];
	v33 =	vadd.s32 $0x20, v28;
	v35 =	vor.u32 $0x1, v28;
	v21 =	vmul.f32 v39, v21  }
0x2f0: {  	v36 =	vld [tilespmem:s26+$0x6FE0];
	v37 =	vadd.s32 $0x21, v28;
	v0 =	vadd.f32 v29, v0;
	v29 =	vmul.f32 v40, v14  }
0x2f1: {  	v14 =	vmul.f32 v41, v14;
	v21 =	vadd.f32 v21, v31;
	v41 =	vor.u32 $0x3, v28;
	v39 =	vld.idx.msk [tilespmem:v59+s22+$0x0], $0xffff  }
0x2f2: {  	v40 =	vld.idx.msk [tilespmem:v61+s22+$0x0], $0xffff;
	v59 =	vor.u32 $0x5, v28;
	v61 =	vmul.f32 v52, v27;
	v27 =	vmul.f32 v53, v27  }
0x2f3: {  	v38 =	vld [tilespmem:s26+$0x5640];
	v53 =	vmul.f32 v48, v24;
	v0 =	vadd.f32 v29, v0;
	v29 =	vmul.f32 v42, v10  }
0x2f4: {  	v31 =	vld [tilespmem:s26+$0x6310];
	v24 =	vmul.f32 v55, v24;
	v10 =	vmul.f32 v43, v10;
	v14 =	vadd.f32 v14, v21  }
0x2f5: {  	v33 =	vld.idx.msk [tilespmem:v33+s22+$0x0], $0xffff;
	v55 =	vmul.f32 v56, v18;
	v0 =	vadd.f32 v29, v0;
	v29 =	vmul.f32 v44, v6  }
0x2f6: {  	v35 =	vld.idx.msk [tilespmem:v35+s22+$0x0], $0xffff;
	v56 =	vadd.s32 $0x27, v28;
	v10 =	vadd.f32 v10, v14;
	v14 =	vmul.f32 v47, v45  }
0x2f7: {  	v37 =	vld.idx.msk [tilespmem:v37+s22+$0x0], $0xffff;
	v42 =	vadd.s32 $0x23, v28;
	v0 =	vadd.f32 v29, v0;
	v29 =	vmul.f32 v49, v45  }
0x2f8: {  	v18 =	vmul.f32 v57, v18;
	v57 =	vor.u32 $0x8, v28;
	v21 =	vld.idx.msk [tilespmem:v28+s22+$0x0], $0xffff;
	v14 =	vadd.f32 $0.0e+00, v14  }
0x2f9: {  	v43 =	vor.u32 $0x4, v28;
	v41 =	vld.idx.msk [tilespmem:v41+s22+$0x0], $0xffff;
	v29 =	vadd.f32 $0.0e+00, v29  }
0x2fa: {  	v47 =	vld.idx.msk [tilespmem:v59+s22+$0x0], $0xffff;
	v14 =	vadd.f32 v50, v14  }
0x2fb: {  	v6 =	vmul.f32 v8, v6;
	v45 =	vadd.s32 $0x24, v28;
	v56 =	vld.idx.msk [tilespmem:v56+s22+$0x0], $0xffff;
	v29 =	vadd.f32 v46, v29  }
0x2fc: {  	vm0 =	veq.s32 v3, $0x1;
	v52 =	vadd.s32 $0x25, v28;
	v42 =	vld.idx.msk [tilespmem:v42+s22+$0x0], $0xffff;
	v14 =	vadd.f32 v61, v14  }
0x2fd: {  	v57 =	vld.idx.msk [tilespmem:v57+s22+$0x0], $0xffff;
	v6 =	vadd.f32 v6, v10;
	v0 =	vmul.f32 v0, v5;
	v27 =	vadd.f32 v27, v29  }
0x2fe: {  	v48 =	vadd.s32 $0x26, v28;
	v59 =	vmul.f32 v58, v15;
	v43 =	vld.idx.msk [tilespmem:v43+s22+$0x0], $0xffff;
	v14 =	vadd.f32 v53, v14  }
0x2ff: {  	v46 =	vor.u32 $0x6, v28;
	v0 =	vadd.f32 v6, v0;
	v6 =	vld [tilespmem:s26+$0xC990];
	v24 =	vadd.f32 v24, v27  }
0x300: {  	v15 =	vmul.f32 v60, v15;
	v61 =	vadd.s32 $0x28, v28;
	v29 =	vld.idx.msk [tilespmem:v45+s22+$0x0], $0xffff;
	v14 =	vadd.f32 v55, v14  }
0x301: {  	v60 =	vmul.f32 v37, v31;
	v37 =	vmul.f32 v42, v34;
	v42 =	vld [tilespmem:s26+$0x9640];
	v18 =	vadd.f32 v18, v24  }
0x302: {  	v20 =	vmul.f32 v20, v13;
	v27 =	vld.idx.msk [tilespmem:v52+s22+$0x0], $0xffff;
	v8 =	vadd.f32 v59, v14;
	v14 =	vmul.f32 v54, v11  }
0x303: {  	v13 =	vmul.f32 v16, v13;
	v52 =	vld.idx.msk [tilespmem:v48+s22+$0x0], $0xffff;
	v11 =	vmul.f32 v62, v11;
	v15 =	vadd.f32 v15, v18  }
0x304: {  	v3 =	vmul.f32 v21, v38;
	v45 =	vor.u32 $0x7, v28;
	v46 =	vld.idx.msk [tilespmem:v46+s22+$0x0], $0xffff;
	v8 =	vadd.f32 v14, v8  }
0x305: {  	v10 =	vld.idx.msk [tilespmem:v61+s22+$0x0], $0xffff;
	v14 =	vmul.f32 v63, v9;
	v9 =	vmul.f32 v25, v9;
	v5 =	vadd.f32 v11, v15  }
0x306: {  	v58 =	vmul.f32 v35, v31;
	v3 =	vadd.f32 $0.0e+00, v3;
	v53 =	vor.u32 $0x9, v28;
	v59 =	vld [tilespmem:s26+$0x3C30]  }
0x307: {  	v28 =	vadd.s32 $0x29, v28;
	v61 =	vld [tilespmem:s26+$0x5630];
	v5 =	vadd.f32 v9, v5;
	v9 =	vmul.f32 v33, v38  }
0x308: {  	v3 =	vadd.f32 v58, v3;
	v62 =	vmul.f32 v40, v36;
	v40 =	vld [tilespmem:s26+$0x8970];
	v15 =	vmul.f32 v23, v19  }
0x309: {  	v55 =	vld.idx.msk [tilespmem:v45+s22+$0x0], $0xffff;
	v8 =	vadd.f32 v14, v8;
	v11 =	vmul.f32 v26, v19;
	v9 =	vadd.f32 $0.0e+00, v9  }
0x30a: {  	v29 =	vmul.f32 v29, v32;
	v63 =	vld [tilespmem:s26+$0x6300];
	v5 =	vadd.f32 v15, v5;
	v15 =	vmul.f32 v39, v36  }
0x30b: {  	v14 =	vld.idx.msk [tilespmem:v53+s22+$0x0], $0xffff;
	v21 =	vshll.u32 v59, $0x4;
	v8 =	vadd.f32 v11, v8;
	v9 =	vadd.f32 v60, v9  }
0x30c: {  	v11 =	vld.idx.msk [tilespmem:v28+s22+$0x0], $0xffff;
	v28 =	vadd.s32 $0x20, v21;
	v3 =	vadd.f32 v15, v3;
	v15 =	vmul.f32 v41, v34  }
0x30d: {  	v19 =	vld [tilespmem:s26+$0x4940];
	v31 =	vor.u32 $0x1, v21;
	v50 =	vor.u32 $0x4, v21;
	v9 =	vadd.f32 v62, v9  }
0x30e: {  	v38 =	vld [tilespmem:s26+$0x6FD0];
	v53 =	vor.u32 $0x6, v21;
	v3 =	vadd.f32 v15, v3;
	v15 =	vmul.f32 v43, v32  }
0x30f: {  	v54 =	vor.u32 $0x7, v21;
	v59 =	vor.u32 $0x9, v21;
	v36 =	vld.idx.msk [tilespmem:v22+s23+$0x0], $0xffff;
	v9 =	vadd.f32 v37, v9  }
0x310: {  	v39 =	vld [tilespmem:s26+$0x7CA0];
	v41 =	vadd.s32 $0x21, v21;
	v3 =	vadd.f32 v15, v3;
	v15 =	vmul.f32 v47, v17  }
0x311: {  	v13 =	vadd.f32 v13, v5;
	v5 =	vmul.f32 v27, v17;
	v48 =	vld.idx.msk [tilespmem:v28+s22+$0x0], $0xffff;
	v9 =	vadd.f32 v29, v9  }
0x312: {  	v47 =	vor.u32 $0x2, v21;
	v3 =	vadd.f32 v15, v3;
	v15 =	vmul.f32 v46, v12;
	v29 =	vld.idx.msk [tilespmem:v21+s22+$0x0], $0xffff  }
0x313: {  	v31 =	vld.idx.msk [tilespmem:v31+s22+$0x0], $0xffff;
	v12 =	vmul.f32 v52, v12;
	v5 =	vadd.f32 v5, v9;
	v9 =	vadd.s32 $0x22, v21  }
0x314: {  	v28 =	vor.u32 $0x3, v21;
	v23 =	vld.idx.msk [tilespmem:v53+s22+$0x0], $0xffff;
	v3 =	vadd.f32 v15, v3;
	v15 =	vmul.f32 v55, v7  }
0x315: {  	v14 =	vmul.f32 v14, v6;
	v49 =	vld.idx.msk [tilespmem:v41+s22+$0x0], $0xffff;
	v5 =	vadd.f32 v12, v5;
	v12 =	vadd.s32 $0x23, v21  }
0x316: {  	v43 =	vld [tilespmem:s26+$0xA310];
	v7 =	vmul.f32 v56, v7;
	v3 =	vadd.f32 v15, v3;
	v15 =	vmul.f32 v57, v4  }
0x317: {  	v27 =	vld.idx.msk [tilespmem:v47+s22+$0x0], $0xffff;
	v4 =	vmul.f32 v10, v4;
	v10 =	vadd.s32 $0x24, v21;
	v29 =	vmul.f32 v29, v61  }
0x318: {  	v24 =	vmul.f32 v48, v61;
	v5 =	vadd.f32 v7, v5;
	v7 =	vor.u32 $0x5, v21;
	v9 =	vld.idx.msk [tilespmem:v9+s22+$0x0], $0xffff  }
0x319: {  	v52 =	vadd.s32 $0x25, v21;
	v28 =	vld.idx.msk [tilespmem:v28+s22+$0x0], $0xffff;
	v31 =	vmul.f32 v31, v63;
	v29 =	vadd.f32 $0.0e+00, v29  }
0x31a: {  	v24 =	vadd.f32 $0.0e+00, v24;
	v55 =	vadd.s32 $0x27, v21;
	v18 =	vmul.f32 v49, v63;
	v12 =	vld.idx.msk [tilespmem:v12+s22+$0x0], $0xffff  }
0x31b: {  	v3 =	vadd.f32 v15, v3;
	v15 =	vadd.f32 v31, v29;
	v29 =	vadd.s32 $0x26, v21;
	v31 =	vld.idx.msk [tilespmem:v50+s22+$0x0], $0xffff  }
0x31c: {  	v18 =	vadd.f32 v18, v24;
	v27 =	vmul.f32 v27, v38;
	v4 =	vadd.f32 v4, v5;
	v10 =	vld.idx.msk [tilespmem:v10+s22+$0x0], $0xffff  }
0x31d: {  	v5 =	vadd.f32 v14, v3;
	v3 =	vor.u32 $0x8, v21;
	v7 =	vld.idx.msk [tilespmem:v7+s22+$0x0], $0xffff;
	v9 =	vmul.f32 v9, v38  }
0x31e: {  	v6 =	vmul.f32 v11, v6;
	v56 =	vmul.f32 v28, v39;
	v14 =	vld.idx.msk [tilespmem:v52+s22+$0x0], $0xffff;
	v15 =	vadd.f32 v27, v15  }
0x31f: {  	v57 =	vadd.s32 $0x28, v21;
	v24 =	vld.idx.msk [tilespmem:v54+s22+$0x0], $0xffff;
	v9 =	vadd.f32 v9, v18;
	v12 =	vmul.f32 v12, v39  }
0x320: {  	v8 =	vadd.f32 v20, v8;
	v15 =	vadd.f32 v56, v15;
	v58 =	vld.idx.msk [tilespmem:v29+s22+$0x0], $0xffff;
	v60 =	vmul.f32 v31, v40  }
0x321: {  	v11 =	vld.idx.msk [tilespmem:v55+s22+$0x0], $0xffff;
	v62 =	vadd.f32 v6, v4;
	v10 =	vmul.f32 v10, v40;
	v9 =	vadd.f32 v12, v9  }
0x322: {  	v61 =	vld.idx.msk [tilespmem:v3+s22+$0x0], $0xffff;
	v12 =	vadd.s32 $0x29, v21;
	v15 =	vadd.f32 v60, v15;
	v7 =	vmul.f32 v7, v42  }
0x323: {  	v5 =	vmul.f32 v5, v19;
	v3 =	vld [tilespmem:s29+$0xB080];
	v6 =	vadd.f32 v10, v9;
	v9 =	vmul.f32 v14, v42  }
0x324: {  	v2 =	vmul.f32 v8, v2;
	v4 =	vld.idx.msk [tilespmem:v57+s22+$0x0], $0xffff;
	v7 =	vadd.f32 v7, v15;
	v10 =	vmul.f32 v23, v43  }
0x325: {  	v14 =	vadd.f32 v62, v5;
	v5 =	vld [tilespmem:s26+$0xC980];
	v8 =	vadd.f32 v9, v6;
	v9 =	vmul.f32 v58, v43  }
0x326: {  	v0 =	vsel vm0, $0x0, v0;
	v15 =	vmul.f32 v24, v51;
	v6 =	vld.idx.msk [tilespmem:v59+s22+$0x0], $0xffff;
	v10 =	vadd.f32 v10, v7  }
0x327: {  	vm15 =	veq.s32 v36, $0x1;
	v63 =	vmul.f32 v11, v51;
	v7 =	vld.idx.msk [tilespmem:v12+s22+$0x0], $0xffff;
	v9 =	vadd.f32 v9, v8  }
0x328: {  	[tilespmem:s25+$0xD6C0] =	vst v0;
	v0 =	vsel vm15, $0x0, v14;
	v12 =	vmul.f32 v61, v3;
	v8 =	vld [tilespmem:s26+$0x2F30];
	v11 =	vadd.f32 v15, v10  }
0x329: {  	s30 =	simm.s32 $0x100;
	v2 =	vadd.f32 v13, v2;
	s29 =	simm.s32 $0xC5;
	[tilespmem:s26+$0xD6C0] =	vst v0;
	v10 =	vadd.f32 v63, v9;
	v9 =	vld [tilespmem:s26+$0x4930]  }
.LBB2_9:
0x32a: {  	s1 =	sshra.s32 s30, $0x2;
	v0 =	vadd.f32 v12, v11;
	v4 =	vmul.f32 v4, v3;
	v11 =	vld.idx.msk [tilespmem:v1+s23+$0x0], $0xffff  }
0x32b: {  	s29 =	sadd.s32 $0x2, s29;
	v3 =	vld [tilespmem:s1+$0x2F40];
	v12 =	vmul.f32 v6, v5  }
0x32c: {  	p1 =	slt.u32 s29, $0xCB;
	v6 =	vld [tilespmem:s1+$0x3C40];
	v10 =	vadd.f32 v4, v10  }
0x32d: {  	v5 =	vmul.f32 v7, v5;
	v4 =	vld [tilespmem:s1+$0xBCC0];
	v0 =	vadd.f32 v12, v0;
	v1 =	vmov v8  }
0x32e: {  	v7 =	vld [tilespmem:s1+$0xAFF0]  }
0x32f: {  	v5 =	vadd.f32 v5, v10;
	v8 =	vld [tilespmem:s1+$0xA320];
	v0 =	vmul.f32 v0, v9  }
0x330: {  	s28 =	sadd.s32 $0x20, s28;
	vm0 =	veq.s32 v11, $0x1;
	v9 =	vld [tilespmem:s1+$0x9650]  }
0x331: {  	s31 =	sand.u32 $0xFF0, s28;
	v11 =	vsel vm0, $0x0, v2;
	v6 =	vshll.u32 v6, $0x4;
	v10 =	vld [tilespmem:s1+$0x8980];
	v2 =	vadd.f32 v5, v0  }
0x332: {  	v0 =	vadd.s32 $0x20, v6;
	v5 =	vld [tilespmem:s31+$0x7080];
	[tilespmem:s25+$0xD6B0] =	vst v11;
	s25 =	smov.u32 s26;
	s26 =	smov.u32 s1  }
0x333: {  	v11 =	vor.u32 $0x1, v6;
	v12 =	vld [tilespmem:s26+$0x6FE0]  }
0x334: {  	v14 =	vadd.s32 $0x21, v6;
	v13 =	vld [tilespmem:s26+$0x6310]  }
0x335: {  	v16 =	vor.u32 $0x2, v6;
	v15 =	vld [tilespmem:s26+$0x5640]  }
0x336: {  	v18 =	vadd.s32 $0x22, v6;
	v17 =	vld.idx.msk [tilespmem:v6+s22+$0x0], $0xffff  }
0x337: {  	v19 =	vor.u32 $0x3, v6;
	v0 =	vld.idx.msk [tilespmem:v0+s22+$0x0], $0xffff  }
0x338: {  	v20 =	vadd.s32 $0x23, v6;
	v11 =	vld.idx.msk [tilespmem:v11+s22+$0x0], $0xffff  }
0x339: {  	v21 =	vor.u32 $0x4, v6;
	v14 =	vld.idx.msk [tilespmem:v14+s22+$0x0], $0xffff  }
0x33a: {  	v22 =	vadd.s32 $0x24, v6;
	v16 =	vld.idx.msk [tilespmem:v16+s22+$0x0], $0xffff  }
0x33b: {  	v23 =	vor.u32 $0x5, v6;
	v18 =	vld.idx.msk [tilespmem:v18+s22+$0x0], $0xffff  }
0x33c: {  	v24 =	vadd.s32 $0x25, v6;
	v17 =	vmul.f32 v17, v15;
	v19 =	vld.idx.msk [tilespmem:v19+s22+$0x0], $0xffff  }
0x33d: {  	v25 =	vor.u32 $0x6, v6;
	v26 =	vadd.s32 $0x26, v6;
	v20 =	vld.idx.msk [tilespmem:v20+s22+$0x0], $0xffff  }
0x33e: {  	v0 =	vmul.f32 v0, v15;
	v17 =	vadd.f32 $0.0e+00, v17;
	v11 =	vmul.f32 v11, v13;
	v15 =	vld.idx.msk [tilespmem:v21+s22+$0x0], $0xffff  }
0x33f: {  	v13 =	vmul.f32 v14, v13;
	v21 =	vor.u32 $0x7, v6;
	v14 =	vld.idx.msk [tilespmem:v22+s22+$0x0], $0xffff;
	v22 =	vadd.s32 $0x27, v6  }
0x340: {  	v0 =	vadd.f32 $0.0e+00, v0;
	v11 =	vadd.f32 v11, v17;
	v16 =	vmul.f32 v16, v12;
	v17 =	vld.idx.msk [tilespmem:v23+s22+$0x0], $0xffff  }
0x341: {  	v12 =	vmul.f32 v18, v12;
	v23 =	vor.u32 $0x8, v6;
	v18 =	vld.idx.msk [tilespmem:v24+s22+$0x0], $0xffff;
	v24 =	vadd.s32 $0x28, v6  }
0x342: {  	v0 =	vadd.f32 v13, v0;
	v11 =	vadd.f32 v16, v11;
	v13 =	vmul.f32 v19, v5;
	v16 =	vld.idx.msk [tilespmem:v25+s22+$0x0], $0xffff  }
0x343: {  	v5 =	vmul.f32 v20, v5;
	v20 =	vor.u32 $0x9, v6;
	v19 =	vld.idx.msk [tilespmem:v26+s22+$0x0], $0xffff  }
0x344: {  	v0 =	vadd.f32 v12, v0;
	v11 =	vadd.f32 v13, v11;
	v12 =	vmul.f32 v15, v10;
	v13 =	vld.idx.msk [tilespmem:v21+s22+$0x0], $0xffff  }
0x345: {  	v6 =	vadd.s32 $0x29, v6;
	v10 =	vmul.f32 v14, v10;
	v14 =	vld.idx.msk [tilespmem:v22+s22+$0x0], $0xffff  }
0x346: {  	v0 =	vadd.f32 v5, v0;
	v5 =	vadd.f32 v12, v11;
	v11 =	vmul.f32 v17, v9;
	v12 =	vld.idx.msk [tilespmem:v23+s22+$0x0], $0xffff  }
0x347: {  	v9 =	vmul.f32 v18, v9;
	v15 =	vld.idx.msk [tilespmem:v24+s22+$0x0], $0xffff  }
0x348: {  	v0 =	vadd.f32 v10, v0;
	v5 =	vadd.f32 v11, v5;
	v10 =	vmul.f32 v16, v8;
	v11 =	vld.idx.msk [tilespmem:v20+s22+$0x0], $0xffff  }
0x349: {  	v8 =	vmul.f32 v19, v8;
	v16 =	vld [tilespmem:s26+$0xC990]  }
0x34a: {  	v0 =	vadd.f32 v9, v0;
	v5 =	vadd.f32 v10, v5;
	v9 =	vmul.f32 v13, v7;
	v6 =	vld.idx.msk [tilespmem:v6+s22+$0x0], $0xffff  }
0x34b: {  	v7 =	vmul.f32 v14, v7;
	v10 =	vld [tilespmem:s26+$0x3C30]  }
0x34c: {  	v0 =	vadd.f32 v8, v0;
	v5 =	vadd.f32 v9, v5;
	v8 =	vmul.f32 v12, v4;
	v13 =	vld [tilespmem:s26+$0x5630]  }
0x34d: {  	v4 =	vmul.f32 v15, v4;
	v9 =	vld [tilespmem:s26+$0x4940]  }
0x34e: {  	v0 =	vadd.f32 v7, v0;
	v5 =	vadd.f32 v8, v5;
	v12 =	vld [tilespmem:s26+$0x6300];
	v7 =	vmul.f32 v11, v16  }
0x34f: {  	v3 =	vld.idx.msk [tilespmem:v3+s23+$0x0], $0xffff  }
0x350: {  	v0 =	vadd.f32 v4, v0;
	v8 =	vld [tilespmem:s26+$0x6FD0];
	v4 =	vadd.f32 v7, v5;
	v5 =	vmul.f32 v6, v16  }
0x351: {  	v6 =	vshll.u32 v10, $0x4;
	v7 =	vld [tilespmem:s26+$0x7CA0]  }
0x352: {  	v10 =	vadd.s32 $0x20, v6;
	v11 =	vld [tilespmem:s26+$0x8970];
	v0 =	vadd.f32 v5, v0;
	v4 =	vmul.f32 v4, v9  }
0x353: {  	v14 =	vor.u32 $0x2, v6;
	v5 =	vor.u32 $0x1, v6;
	v9 =	vadd.s32 $0x21, v6;
	v15 =	vld [tilespmem:s26+$0x9640]  }
0x354: {  	v16 =	vadd.s32 $0x22, v6;
	v17 =	vor.u32 $0x3, v6;
	v18 =	vld [tilespmem:s26+$0xA310];
	v0 =	vadd.f32 v0, v4  }
0x355: {  	v19 =	vor.u32 $0x4, v6;
	v4 =	vadd.s32 $0x23, v6;
	vm0 =	veq.s32 v3, $0x1;
	v20 =	vld [tilespmem:s26+$0xAFE0]  }
0x356: {  	v21 =	vadd.s32 $0x24, v6;
	v22 =	vor.u32 $0x5, v6;
	v3 =	vld.idx.msk [tilespmem:v6+s22+$0x0], $0xffff;
	v0 =	vsel vm0, $0x0, v0  }
0x357: {  	v23 =	vadd.s32 $0x25, v6;
	v24 =	vor.u32 $0x6, v6;
	v25 =	vadd.s32 $0x26, v6;
	v10 =	vld.idx.msk [tilespmem:v10+s22+$0x0], $0xffff;
	[tilespmem:s26+$0xD6C0] =	vst v0  }
0x358: {  	v26 =	vadd.s32 $0x27, v6;
	v27 =	vor.u32 $0x8, v6;
	v0 =	vld.idx.msk [tilespmem:v5+s22+$0x0], $0xffff;
	v5 =	vor.u32 $0x7, v6  }
0x359: {  	v28 =	vadd.s32 $0x28, v6;
	v29 =	vor.u32 $0x9, v6;
	v31 =	vadd.s32 $0x29, v6;
	v9 =	vld.idx.msk [tilespmem:v9+s22+$0x0], $0xffff  }
0x35a: {  	v6 =	vld.idx.msk [tilespmem:v14+s22+$0x0], $0xffff  }
0x35b: {  	v14 =	vld.idx.msk [tilespmem:v16+s22+$0x0], $0xffff  }
0x35c: {  	v3 =	vmul.f32 v3, v13;
	v16 =	vld.idx.msk [tilespmem:v17+s22+$0x0], $0xffff  }
0x35d: {  	v10 =	vmul.f32 v10, v13;
	v4 =	vld.idx.msk [tilespmem:v4+s22+$0x0], $0xffff  }
0x35e: {  	v3 =	vadd.f32 $0.0e+00, v3;
	v0 =	vmul.f32 v0, v12;
	v13 =	vld.idx.msk [tilespmem:v19+s22+$0x0], $0xffff  }
0x35f: {  	v10 =	vadd.f32 $0.0e+00, v10;
	v9 =	vmul.f32 v9, v12;
	v12 =	vld.idx.msk [tilespmem:v21+s22+$0x0], $0xffff  }
0x360: {  	v0 =	vadd.f32 v0, v3;
	v3 =	vmul.f32 v6, v8;
	v6 =	vld.idx.msk [tilespmem:v22+s22+$0x0], $0xffff  }
0x361: {  	v9 =	vadd.f32 v9, v10;
	v8 =	vmul.f32 v14, v8;
	v10 =	vld.idx.msk [tilespmem:v23+s22+$0x0], $0xffff  }
0x362: {  	v0 =	vadd.f32 v3, v0;
	v3 =	vmul.f32 v16, v7;
	v14 =	vld.idx.msk [tilespmem:v24+s22+$0x0], $0xffff  }
0x363: {  	v8 =	vadd.f32 v8, v9;
	v4 =	vmul.f32 v4, v7;
	v7 =	vld.idx.msk [tilespmem:v25+s22+$0x0], $0xffff  }
0x364: {  	v0 =	vadd.f32 v3, v0;
	v3 =	vmul.f32 v13, v11;
	v5 =	vld.idx.msk [tilespmem:v5+s22+$0x0], $0xffff  }
0x365: {  	v4 =	vadd.f32 v4, v8;
	v8 =	vmul.f32 v12, v11;
	v9 =	vld.idx.msk [tilespmem:v26+s22+$0x0], $0xffff  }
0x366: {  	v0 =	vadd.f32 v3, v0;
	v6 =	vmul.f32 v6, v15;
	v12 =	vld.idx.msk [tilespmem:v27+s22+$0x0], $0xffff  }
0x367: {  	v8 =	vadd.f32 v8, v4;
	v10 =	vmul.f32 v10, v15;
	v3 =	vld [tilespmem:s31+$0xB080]  }
0x368: {  	v0 =	vadd.f32 v6, v0;
	v11 =	vmul.f32 v14, v18;
	v4 =	vld.idx.msk [tilespmem:v28+s22+$0x0], $0xffff  }
.Ltmp6:
0x369: {  	v8 =	vadd.f32 v10, v8;
	v7 =	vmul.f32 v7, v18;
	v6 =	vld.idx.msk [tilespmem:v29+s22+$0x0], $0xffff;
	(pc) =	sbr.rel @p1 .LBB2_9-.Ltmp6, $4  }
0x36a: {  	v0 =	vadd.f32 v11, v0;
	v10 =	vmul.f32 v5, v20;
	v5 =	vld [tilespmem:s26+$0xC980]  }
0x36b: {  	v13 =	vadd.f32 v7, v8;
	v9 =	vmul.f32 v9, v20;
	v7 =	vld.idx.msk [tilespmem:v31+s22+$0x0], $0xffff  }
0x36c: {  	v11 =	vadd.f32 v10, v0;
	v8 =	vld [tilespmem:s26+$0x2F30];
	v12 =	vmul.f32 v12, v3  }
0x36d: {  	s30 =	sadd.s32 $0x80, s30;
	v10 =	vadd.f32 v9, v13;
	v9 =	vld [tilespmem:s26+$0x4930]  }
0x36e: {  	_ =	sdelay $0x4  }
0x36f: {  	v0 =	vadd.f32 v12, v11;
	v3 =	vmul.f32 v4, v3;
	v61 =	vmul.f32 v6, v5  }
0x370: {  	v1 =	vld.idx.msk [tilespmem:v1+s23+$0x0], $0xffff  }
0x371: {  	v3 =	vadd.f32 v3, v10;
	v62 =	vmul.f32 v7, v5;
	v0 =	vadd.f32 v61, v0;
	v63 =	vld.idx.msk [tilespmem:v8+s23+$0x0], $0xffff;
	_ =	sdelay $0x1  }
0x372: {  	v3 =	vadd.f32 v62, v3;
	v0 =	vmul.f32 v0, v9;
	_ =	sdelay $0x1  }
0x373: {  	vm0 =	veq.s32 v1, $0x1;
	v0 =	vadd.f32 v3, v0  }
0x374: {  	v1 =	vsel vm0, $0x0, v2;
	vm15 =	veq.s32 v63, $0x1  }
0x375: {  	[tilespmem:s25+$0xD6B0] =	vst v1;
	v0 =	vsel vm15, $0x0, v0  }
0x376: {  	s1 =	simm.s32 $0xCA80;
	[tilespmem:s26+$0xD6B0] =	vst v0  }
0x377: {  	[hbm4b:s0+s2] =	stream.linear.scatter [tilespmem:s1], [sflag:$0x1], $0xC30, $0x38;
	[tilespmem:$0xD780] =	vst v63  }
0x378: {  	_ =	swait.ge [sflag:s21], $0xC30  }
0x379: {  	[sflag:s21] =	ssyncset.done $0x0  }
.Ltmp7:
0x37a: {  	s31 =	simm.s32 $0xD6B0;
	[sflag:s21] =	ssyncadd.s32 $0xFFFFF3D0;
	(pc) =	sbr.rel .LBB2_12-.Ltmp7, $4  }
0x37b: {  	[hbm4b:s19+s2] =	stream.linear.scatter [tilespmem:s31], [sflag:$0x1], $0xA0, $0x38;
	[tilespmem:$0xD780] =	vst v63  }
0x37c: {  	_ =	swait.ge [sflag:s21], $0xA0  }
0x37d: {  	[sflag:s21] =	ssyncset.done $0x0  }
0x37e: {  	[sflag:s21] =	ssyncadd.s32 $0xFFFFFF60  }
.LBB2_13:
0x37f: {  	_ =	sfence.sel $0x180000  }
0x380: {  	[bflag:$0x0] =	sbarrier.arrive $0xFFFF  }
0x381: {  	_ =	strace $0x9000004A  }
0x382: {  	s0 =	stileid.u32;
	[bflag:$0x2] =	sbarrier.arrive $0xFFFF  }
0x383: {  	p0 =	sne.s32 s0, $0x0;
	s0 =	rddreg [dreg:$0x5]  }
0x384: {  	s0 =	sadd.s32 @!p0 $0x100000, s0  }
0x385: {  	[sflag:s0] =	ssyncadd.tile.s32 @!p0 $0x1;
	_ =	shalt  }
.Lfunc_end2:
_tile_overlayer_lowered:
.L_overlay_start_2:
0x386: {  	(tag) =	ssettag $0x2  }
0x387: {  	s0 =	rddreg [dreg:$0x0];
	s2 =	stileid.u32  }
0x388: {  	s1 =	rddreg [dreg:$0x1];
	p0 =	sne.s32 s2, $0x0  }
0x389: {  	s3 =	rddreg [dreg:$0x2];
	[bflag:$0x3] =	sbarrier.arrive $0xFFFF;
	s2 =	simm.s32 @!p0 $0x1C01  }
0x38a: {  	[timem:s3], [sflag:s2] =	dma.local @!p0 [hbm:s0], s1  }
0x38b: {  	s0 =	simm.s32 @!p0 $0x1  }
0x38c: {  	_ =	swait.ge @!p0 [sflag:s0], s1  }
0x38d: {  	s1 =	ssub.s32 @!p0 $0x0, s1;
	[sflag:s0] =	ssyncset.done @!p0 $0x0  }
0x38e: {  	[sflag:s0] =	ssyncadd.s32 @!p0 s1  }
0x38f: {  	[bflag:$0x3] =	sbarrier.arrive $0xFFFF  }
0x390: {  	_ =	shalt  }

</sc_bundles>
